<compile_context>
chip_gen: v7x
topology: tpu7x:2x2x1
jax: 0.10.2.dev20260603
libtpu: 0.0.44.dev20260713+nightly
codegen_flags: <defaults>
</compile_context>

<pallas_src>
import functools

import jax
import jax.numpy as jnp
from jax import lax
from jax.experimental import pallas as pl
from jax.experimental.pallas import tpu as pltpu
from jax.experimental.pallas import tpu_sc as plsc

_NC = 2
_NS = 16
_NW = _NC * _NS
_L = 16

_CH = 80

_SC_PARAMS = pltpu.CompilerParams(needs_layout_passes=False,
                                  use_tc_tiling_on_sc=False)


def _mesh():
    return plsc.VectorSubcoreMesh(core_axis_name="c", subcore_axis_name="s")




def _rsqrt16(x):
    y = plsc.bitcast(x, jnp.int32)
    y = jnp.int32(0x5F3759DF) - lax.shift_right_logical(y, 1)
    r = plsc.bitcast(y, jnp.float32)
    for _ in range(3):
        r = r * (1.5 - 0.5 * x * r * r)
    return r


def _edge_loop(g_sh, acc_sh, src_all, dst_all, rows, gsem, ssem, nch):
    assert nch % 4 == 1 and nch >= 9

    def gather(c, b):
        return pltpu.async_copy(g_sh.at[src_all.at[c]], rows[b], gsem[b])

    def scat(c, b):
        return pltpu.async_copy(rows[b], acc_sh.at[dst_all.at[c]],
                                ssem[b], add=True)

    def gwait(c, b):
        pltpu.make_async_copy(g_sh.at[src_all.at[c]], rows[b],
                              gsem[b]).wait()

    def swait(c, b):
        pltpu.make_async_copy(rows[b], acc_sh.at[dst_all.at[c]],
                              ssem[b]).wait()

    for b in range(4):
        gather(b, b)

    nquad = (nch - 5) // 4

    def quad(j, carry):
        c0 = 4 * j
        for b in range(4):
            gwait(c0 + b, b)
            scat(c0 + b, b)
        for b in range(4):
            swait(c0 + b, b)
            gather(c0 + 4 + b, b)
        return carry

    lax.fori_loop(0, nquad, quad, 0)
    c0 = 4 * nquad
    for b in range(4):
        gwait(c0 + b, b)
        scat(c0 + b, b)
    swait(c0, 0)
    gather(nch - 1, 0)
    gwait(nch - 1, 0)
    pltpu.sync_copy(rows[0], acc_sh.at[dst_all.at[nch - 1]], add=True)
    for b in range(1, 4):
        swait(c0 + b, b)


def _sc_mp1(h, e4, zeros_pad, zeros_flat):
    np_, f = h.shape
    nch, ch = e4.shape[2:]
    rpt = np_ // _NS
    dpt = rpt // _L

    @functools.partial(
        pl.kernel,
        out_type=(jax.ShapeDtypeStruct((_NC, np_, f), jnp.float32),
                  jax.ShapeDtypeStruct((np_, f), jnp.float32),
                  jax.ShapeDtypeStruct((np_,), jnp.float32)),
        mesh=_mesh(),
        scratch_types=[
            pltpu.VMEM((nch, ch), jnp.int32),
            pltpu.VMEM((nch, ch), jnp.int32),
            pltpu.VMEM((nch, ch), jnp.int32),
            pltpu.VMEM((np_,), jnp.float32),
            pltpu.VMEM((_NS, rpt), jnp.float32),
            pltpu.VMEM((rpt, f), jnp.float32),
            pltpu.VMEM((rpt + _L,), jnp.float32),
            [pltpu.VMEM((ch, f), jnp.float32) for _ in range(4)],
            pltpu.VMEM_SHARED((np_, f), jnp.float32),
            pltpu.VMEM_SHARED((np_, f), jnp.float32),
            pltpu.VMEM_SHARED((_NS, np_), jnp.float32),
            [pltpu.SemaphoreType.DMA for _ in range(4)],
            [pltpu.SemaphoreType.DMA for _ in range(4)],
        ],
        compiler_params=_SC_PARAMS,
    )
    def k(h_hbm, e_hbm, z_hbm, z1_hbm, s1_hbm, g1_hbm, dinv_hbm,
          src_all, dst_all, dst_oth, hist, parts, hbuf, degv,
          rows, g_sh, acc_sh, hist_sh, gsem, ssem):
        c = lax.axis_index("c")
        s = lax.axis_index("s")
        wid = c * _NS + s
        oth = (1 - c) * _NS + s
        r0 = s * rpt

        pltpu.sync_copy(e_hbm.at[0, wid], src_all)
        pltpu.sync_copy(e_hbm.at[1, wid], dst_all)
        pltpu.sync_copy(e_hbm.at[1, oth], dst_oth)
        pltpu.sync_copy(h_hbm.at[pl.ds(r0, rpt)], hbuf)
        pltpu.sync_copy(z_hbm.at[pl.ds(r0, rpt)], acc_sh.at[pl.ds(r0, rpt)])
        pltpu.sync_copy(z1_hbm, hist)

        ones = jnp.full((_L,), 1.0, jnp.float32)
        for blk in (dst_all, dst_oth):
            def hbody(i, carry, blk=blk):
                for j in range(ch // _L):
                    idx = blk[i, pl.ds(j * _L, _L)]
                    plsc.addupdate_scatter(hist, [idx], ones)
                return carry
            lax.fori_loop(0, nch, hbody, 0)

        pltpu.sync_copy(hist, hist_sh.at[s])
        plsc.subcore_barrier()
        for t in range(_NS):
            pltpu.sync_copy(hist_sh.at[t, pl.ds(r0, rpt)], parts.at[t])

        def dbody(i, carry):
            acc = parts[0, pl.ds(i * _L, _L)]
            for t in range(1, _NS):
                acc = acc + parts[t, pl.ds(i * _L, _L)]
            degv[pl.ds(i * _L, _L)] = _rsqrt16(acc + 1.0)
            return carry
        lax.fori_loop(0, rpt // _L, dbody, 0)
        pltpu.sync_copy(degv.at[pl.ds(0, rpt)], dinv_hbm.at[pl.ds(r0, rpt)])

        def gbody(q, carry):
            for u in range(4):
                r = q * 4 + u
                dv = degv[pl.ds(r, _L)]
                hbuf[r, :] = hbuf[r, :] * dv[0]
            return carry
        lax.fori_loop(0, rpt // 4, gbody, 0)
        pltpu.sync_copy(hbuf, g_sh.at[pl.ds(r0, rpt)])
        pltpu.sync_copy(hbuf, g1_hbm.at[pl.ds(r0, rpt)])
        plsc.subcore_barrier()

        _edge_loop(g_sh, acc_sh, src_all, dst_all, rows, gsem, ssem, nch)

        plsc.subcore_barrier()
        pltpu.sync_copy(acc_sh.at[pl.ds(r0, rpt)],
                        s1_hbm.at[c, pl.ds(r0, rpt)])

    return k(h, e4, zeros_pad, zeros_flat)


def _sc_mp2(s1, g1, dinv, b1, e4, zeros_pad, n_valid):
    np_, f = g1.shape
    nch, ch = e4.shape[2:]
    rpt = np_ // _NS
    dpt = rpt // _L
    pad_rows = np_ - n_valid

    @functools.partial(
        pl.kernel,
        out_type=(jax.ShapeDtypeStruct((_NC, np_, f), jnp.float32),
                  jax.ShapeDtypeStruct((np_, f), jnp.float32)),
        mesh=_mesh(),
        scratch_types=[
            pltpu.VMEM((nch, ch), jnp.int32),
            pltpu.VMEM((nch, ch), jnp.int32),
            pltpu.VMEM((rpt, f), jnp.float32),
            pltpu.VMEM((rpt, f), jnp.float32),
            pltpu.VMEM((rpt, f), jnp.float32),
            pltpu.VMEM((rpt + _L,), jnp.float32),
            pltpu.VMEM((_L,), jnp.float32),
            [pltpu.VMEM((ch, f), jnp.float32) for _ in range(4)],
            pltpu.VMEM_SHARED((np_, f), jnp.float32),
            pltpu.VMEM_SHARED((np_, f), jnp.float32),
            [pltpu.SemaphoreType.DMA for _ in range(4)],
            [pltpu.SemaphoreType.DMA for _ in range(4)],
        ],
        compiler_params=_SC_PARAMS,
    )
    def k(s1_hbm, g1_hbm, dinv_hbm, b1_hbm, e_hbm, z_hbm, s2_hbm, g2_hbm,
          src_all, dst_all, abuf, bbuf, gbuf, degv, b1v,
          rows, g_sh, acc_sh, gsem, ssem):
        c = lax.axis_index("c")
        s = lax.axis_index("s")
        wid = c * _NS + s
        r0 = s * rpt

        pltpu.sync_copy(e_hbm.at[0, wid], src_all)
        pltpu.sync_copy(e_hbm.at[1, wid], dst_all)
        pltpu.sync_copy(s1_hbm.at[0, pl.ds(r0, rpt)], abuf)
        pltpu.sync_copy(s1_hbm.at[1, pl.ds(r0, rpt)], bbuf)
        pltpu.sync_copy(g1_hbm.at[pl.ds(r0, rpt)], gbuf)
        pltpu.sync_copy(dinv_hbm.at[pl.ds(r0, rpt)], degv.at[pl.ds(0, rpt)])
        pltpu.sync_copy(b1_hbm, b1v)
        pltpu.sync_copy(z_hbm.at[pl.ds(r0, rpt)], acc_sh.at[pl.ds(r0, rpt)])

        b1vec = b1v[...]

        def gbody(q, carry):
            for u in range(4):
                r = q * 4 + u
                dv = degv[pl.ds(r, _L)][0]
                m = (abuf[r, :] + bbuf[r, :] + gbuf[r, :]) * dv + b1vec
                abuf[r, :] = jnp.maximum(m, 0.0) * dv
            return carry
        lax.fori_loop(0, rpt // 4, gbody, 0)

        if pad_rows:
            zero16 = jnp.zeros((_L,), jnp.float32)

            @pl.when(s == _NS - 1)
            def _():
                def zbody(r, carry):
                    abuf[r, :] = zero16
                    return carry
                lax.fori_loop(rpt - pad_rows, rpt, zbody, 0)

        pltpu.sync_copy(abuf, g_sh.at[pl.ds(r0, rpt)])
        pltpu.sync_copy(abuf, g2_hbm.at[pl.ds(r0, rpt)])
        plsc.subcore_barrier()

        _edge_loop(g_sh, acc_sh, src_all, dst_all, rows, gsem, ssem, nch)

        plsc.subcore_barrier()
        pltpu.sync_copy(acc_sh.at[pl.ds(r0, rpt)],
                        s2_hbm.at[c, pl.ds(r0, rpt)])

    return k(s1, g1, dinv, b1, e4, zeros_pad)




def _tc_h(x, w1, np_):
    n = x.shape[0]
    f = w1.shape[1]

    def body(x_ref, w_ref, o_ref):
        h = jnp.dot(x_ref[...], w_ref[...],
                    preferred_element_type=jnp.float32)
        pad = jnp.zeros((np_ - n, f), jnp.float32)
        o_ref[...] = jnp.concatenate([h, pad], axis=0)

    return pl.pallas_call(
        body,
        out_shape=jax.ShapeDtypeStruct((np_, f), jnp.float32),
    )(x, w1)


def _tc_final(s2, g2, dinv_col, w2, b2, k0, k1, k2, fc_wt, fc_b, n):
    ncls = fc_wt.shape[1]

    def body(s_ref, g_ref, d_ref, w2_ref, b2_ref, k0_ref, k1_ref, k2_ref,
             fw_ref, fb_ref, o_ref):
        m = d_ref[...] * (s_ref[0, :n] + s_ref[1, :n] + g_ref[:n])
        h2 = jnp.dot(m, w2_ref[...],
                     preferred_element_type=jnp.float32) + b2_ref[...]
        a = jnp.dot(h2, k0_ref[...], preferred_element_type=jnp.float32)
        b = jnp.dot(h2, k1_ref[...], preferred_element_type=jnp.float32)
        c = jnp.dot(h2, k2_ref[...], preferred_element_type=jnp.float32)
        row = lax.broadcasted_iota(jnp.int32, a.shape, 0)
        a_dn = jnp.where(row == 0, 0.0, pltpu.roll(a, 1, 0))
        c_up = jnp.where(row == n - 1, 0.0, pltpu.roll(c, n - 1, 0))
        y = b + a_dn + c_up
        p = jnp.max(y, axis=0, keepdims=True)
        o_ref[...] = jnp.dot(p, fw_ref[...],
                             preferred_element_type=jnp.float32) + fb_ref[...]

    return pl.pallas_call(
        body,
        out_shape=jax.ShapeDtypeStruct((1, ncls), jnp.float32),
    )(s2, g2, dinv_col, w2, b2.reshape(1, -1), k0, k1, k2,
      fc_wt, fc_b.reshape(1, -1))




def kernel(x, edge_index, W1, b1, W2, b2, conv_w, conv_b, fc_w, fc_b):
    n = x.shape[0]
    f = W1.shape[1]
    e = edge_index.shape[1]
    ept = e // _NW
    nch = ept // _CH
    assert e % _NW == 0 and ept % _CH == 0
    blk = _NS * 40
    np_ = ((n + blk - 1) // blk) * blk
    e4 = edge_index.reshape(2, _NW, nch, _CH)

    zeros_pad = jnp.zeros((np_, f), jnp.float32)
    zeros_flat = jnp.zeros((np_,), jnp.float32)

    h = _tc_h(x, W1, np_)
    s1, g1, dinv_t = _sc_mp1(h, e4, zeros_pad, zeros_flat)
    s2, g2 = _sc_mp2(s1, g1, dinv_t, b1, e4, zeros_pad, n)

    dinv_col = dinv_t.reshape(np_, 1)[:n]

    k0 = conv_w[:, :, 0, 0].T
    k1 = conv_w[:, :, 0, 1].T
    k2 = conv_w[:, :, 0, 2].T
    y_bias = conv_b.reshape(1, -1)

    out = _tc_final(s2, g2, dinv_col, W2, b2, k0, k1, k2,
                    fc_w.T, fc_b + y_bias @ fc_w.T, n)
    return out

# --- scband reference (transcript-rebuilt; emitter-appended) ---
"""Pipeline reference for scband-time-series-gcn-63419487093297 (READ-ONLY COPY).

The authoritative reference and input builder live on the scoring server;
editing this copy changes nothing except your own understanding.
"""

import jax, jax.numpy as jnp
import numpy as np

N = 10000
E = 320000
D = 128
NUM_CLASSES = 10


def _gcn_conv(x, src, dst, W, b):
    n = x.shape[0]
    loop = jnp.arange(n, dtype=src.dtype)
    src_full = jnp.concatenate([src, loop])
    dst_full = jnp.concatenate([dst, loop])
    deg = jax.ops.segment_sum(jnp.ones_like(dst_full, dtype=x.dtype), dst_full, num_segments=n)
    dinv = jnp.where(deg > 0, deg ** -0.5, 0.0)
    norm = dinv[src_full] * dinv[dst_full]
    h = x @ W
    msg = h[src_full] * norm[:, None]
    out = jax.ops.segment_sum(msg, dst_full, num_segments=n)
    return out + b


def setup_inputs(seed: int = 0) -> dict:
    key = jax.random.key(seed)
    ks = jax.random.split(key, 12)
    x = jax.random.normal(ks[0], (N, D), dtype=jnp.float32)
    edge_index = jax.random.randint(ks[1], (2, E), 0, N, dtype=jnp.int32)
    W1 = jax.random.normal(ks[2], (D, 16), dtype=jnp.float32) * (1.0 / np.sqrt(D))
    b1 = jnp.zeros((16,), dtype=jnp.float32)
    W2 = jax.random.normal(ks[3], (16, 32), dtype=jnp.float32) * (1.0 / np.sqrt(16))
    b2 = jnp.zeros((32,), dtype=jnp.float32)
    conv_w = jax.random.normal(ks[4], (64, 32, 1, 3), dtype=jnp.float32) * (1.0 / np.sqrt(32 * 3))
    conv_b = jnp.zeros((64,), dtype=jnp.float32)
    fc_w = jax.random.normal(ks[5], (NUM_CLASSES, 64), dtype=jnp.float32) * (1.0 / np.sqrt(64))
    fc_b = jnp.zeros((NUM_CLASSES,), dtype=jnp.float32)
    return {"x": x, "edge_index": edge_index, "W1": W1, "b1": b1, "W2": W2, "b2": b2, "conv_w": conv_w, "conv_b": conv_b, "fc_w": fc_w, "fc_b": fc_b}


def reference(x, edge_index, W1, b1, W2, b2, conv_w, conv_b, fc_w, fc_b):
    src = edge_index[0]
    dst = edge_index[1]
    h = jax.nn.relu(_gcn_conv(x, src, dst, W1, b1))
    h = _gcn_conv(h, src, dst, W2, b2)
    # x.unsqueeze(0).transpose(1,2) -> treat as [B=1, C=32, H=1, W=N]
    h4 = h.T[None, :, None, :]
    y = jax.lax.conv_general_dilated(h4, conv_w, window_strides=(1, 1), padding=((0, 0), (1, 1)), dimension_numbers=("NCHW", "OIHW", "NCHW"))
    y = y + conv_b[None, :, None, None]
    # adaptive_max_pool2d to (1,1) -> global max over spatial dims
    p = jnp.max(y, axis=(2, 3))
    out = p @ fc_w.T + fc_b
    return out

if __name__ == "__main__":
    import jax
    _d = setup_inputs()
    print(jax.jit(kernel)(*tuple(_d.values())))

</pallas_src>

<mosaic_0001>
#map = affine_map<(d0, d1) -> (0, 0)>
#map1 = affine_map<(d0, d1) -> (0, 0, 0, 0)>
#map2 = affine_map<(d0, d1) -> (0)>
#map3 = affine_map<(d0, d1) -> (0, 0, 0)>
module attributes {stable_mosaic.version = 14 : i64} {
  func.func @k(%arg0: i32, %arg1: i32, %arg2: memref<10240x16xf32, #tpu.memory_space<hbm>>, %arg3: memref<2x32x125x80xi32, #tpu.memory_space<hbm>>, %arg4: memref<10240x16xf32, #tpu.memory_space<hbm>>, %arg5: memref<10240xf32, #tpu.memory_space<hbm>>, %arg6: memref<2x10240x16xf32, #tpu.memory_space<hbm>>, %arg7: memref<10240x16xf32, #tpu.memory_space<hbm>>, %arg8: memref<10240xf32, #tpu.memory_space<hbm>>, %arg9: memref<125x80xi32, #tpu.memory_space<vmem>>, %arg10: memref<125x80xi32, #tpu.memory_space<vmem>>, %arg11: memref<125x80xi32, #tpu.memory_space<vmem>>, %arg12: memref<10240xf32, #tpu.memory_space<vmem>>, %arg13: memref<16x640xf32, #tpu.memory_space<vmem>>, %arg14: memref<640x16xf32, #tpu.memory_space<vmem>>, %arg15: memref<656xf32, #tpu.memory_space<vmem>>, %arg16: memref<80x16xf32, #tpu.memory_space<vmem>>, %arg17: memref<80x16xf32, #tpu.memory_space<vmem>>, %arg18: memref<80x16xf32, #tpu.memory_space<vmem>>, %arg19: memref<80x16xf32, #tpu.memory_space<vmem>>, %arg20: memref<10240x16xf32, #tpu.memory_space<vmem_shared>>, %arg21: memref<10240x16xf32, #tpu.memory_space<vmem_shared>>, %arg22: memref<16x10240xf32, #tpu.memory_space<vmem_shared>>, %arg23: memref<!tpu.dma_semaphore, #tpu.memory_space<semaphore_mem>>, %arg24: memref<!tpu.dma_semaphore, #tpu.memory_space<semaphore_mem>>, %arg25: memref<!tpu.dma_semaphore, #tpu.memory_space<semaphore_mem>>, %arg26: memref<!tpu.dma_semaphore, #tpu.memory_space<semaphore_mem>>, %arg27: memref<!tpu.dma_semaphore, #tpu.memory_space<semaphore_mem>>, %arg28: memref<!tpu.dma_semaphore, #tpu.memory_space<semaphore_mem>>, %arg29: memref<!tpu.dma_semaphore, #tpu.memory_space<semaphore_mem>>, %arg30: memref<!tpu.dma_semaphore, #tpu.memory_space<semaphore_mem>>) attributes {dimension_semantics = [#tpu.dimension_semantics<core_parallel>, #tpu.dimension_semantics<subcore_parallel>], iteration_bounds = array<i64: 2, 16>, scalar_prefetch = 0 : i64, scratch_operands = 22 : i64, tpu.core_type = #tpu.core_type<sc_vector_subcore>, window_params = [{transform_indices = #map}, {transform_indices = #map1}, {transform_indices = #map}, {transform_indices = #map2}, {transform_indices = #map3}, {transform_indices = #map}, {transform_indices = #map2}]} {
    %mul3A = arith.constant 16 : i32
    %mul3A_0 = arith.muli %arg0, %mul3A : i32
    %add3A = arith.addi %mul3A_0, %arg1 : i32
    %sub3A = arith.constant 1 : i32
    %sub3A_1 = arith.subi %sub3A, %arg0 : i32
    %mul3A_2 = arith.constant 16 : i32
    %mul3A_3 = arith.muli %sub3A_1, %mul3A_2 : i32
    %add3A_4 = arith.addi %mul3A_3, %arg1 : i32
    %mul3A_5 = arith.constant 640 : i32
    %mul3A_6 = arith.muli %arg1, %mul3A_5 : i32
    %run_scoped3A = arith.constant 0 : i32
    "tpu.region"() ({
      %run_scoped3A_198 = tpu.sem_alloc : memref<!tpu.dma_semaphore, #tpu.memory_space<semaphore_mem>>
      %dma_start3A_199 = arith.constant 0 : i32
      %dma_start3A_200 = arith.constant 0 : i32
      %dma_start3A_201 = tpu.memref_slice %arg3[%run_scoped3A, %add3A, %dma_start3A_199, %dma_start3A_200] : memref<2x32x125x80xi32, #tpu.memory_space<hbm>> -> memref<1x1x125x80xi32, #tpu.memory_space<hbm>>
      %dma_start3A_202 = tpu.memref_squeeze %dma_start3A_201 : memref<1x1x125x80xi32, #tpu.memory_space<hbm>> -> memref<125x80xi32, #tpu.memory_space<hbm>>
      %dma_start3A_203 = arith.constant 0 : i32
      %dma_start3A_204 = arith.constant 0 : i32
      %dma_start3A_205 = tpu.memref_slice %arg3[%run_scoped3A, %add3A, %dma_start3A_203, %dma_start3A_204] : memref<2x32x125x80xi32, #tpu.memory_space<hbm>> -> memref<1x1x125x80xi32, #tpu.memory_space<hbm>>
      %dma_start3A_206 = tpu.memref_squeeze %dma_start3A_205 : memref<1x1x125x80xi32, #tpu.memory_space<hbm>> -> memref<125x80xi32, #tpu.memory_space<hbm>>
      tpu.enqueue_dma source(%dma_start3A_206 : memref<125x80xi32, #tpu.memory_space<hbm>>) target(%arg9 : memref<125x80xi32, #tpu.memory_space<vmem>>) target_semaphore(%run_scoped3A_198 : memref<!tpu.dma_semaphore, #tpu.memory_space<semaphore_mem>>)
      %dma_wait3A_207 = arith.constant 0 : i32
      %dma_wait3A_208 = arith.constant 0 : i32
      %dma_wait3A_209 = tpu.memref_slice %arg3[%run_scoped3A, %add3A, %dma_wait3A_207, %dma_wait3A_208] : memref<2x32x125x80xi32, #tpu.memory_space<hbm>> -> memref<1x1x125x80xi32, #tpu.memory_space<hbm>>
      %dma_wait3A_210 = tpu.memref_squeeze %dma_wait3A_209 : memref<1x1x125x80xi32, #tpu.memory_space<hbm>> -> memref<125x80xi32, #tpu.memory_space<hbm>>
      %dma_wait3A_211 = arith.constant 0 : i32
      %dma_wait3A_212 = arith.constant 0 : i32
      %dma_wait3A_213 = tpu.memref_slice %arg3[%run_scoped3A, %add3A, %dma_wait3A_211, %dma_wait3A_212] : memref<2x32x125x80xi32, #tpu.memory_space<hbm>> -> memref<1x1x125x80xi32, #tpu.memory_space<hbm>>
      %dma_wait3A_214 = tpu.memref_squeeze %dma_wait3A_213 : memref<1x1x125x80xi32, #tpu.memory_space<hbm>> -> memref<125x80xi32, #tpu.memory_space<hbm>>
      tpu.wait_dma2 semaphore(%run_scoped3A_198 : memref<!tpu.dma_semaphore, #tpu.memory_space<semaphore_mem>>) src(%dma_wait3A_214 : memref<125x80xi32, #tpu.memory_space<hbm>>) dst(%arg9 : memref<125x80xi32, #tpu.memory_space<vmem>>)
      tpu.yield
    }) : () -> ()
    %run_scoped3A_7 = arith.constant 1 : i32
    "tpu.region"() ({
      %run_scoped3A_198 = tpu.sem_alloc : memref<!tpu.dma_semaphore, #tpu.memory_space<semaphore_mem>>
      %dma_start3A_199 = arith.constant 0 : i32
      %dma_start3A_200 = arith.constant 0 : i32
      %dma_start3A_201 = tpu.memref_slice %arg3[%run_scoped3A_7, %add3A, %dma_start3A_199, %dma_start3A_200] : memref<2x32x125x80xi32, #tpu.memory_space<hbm>> -> memref<1x1x125x80xi32, #tpu.memory_space<hbm>>
      %dma_start3A_202 = tpu.memref_squeeze %dma_start3A_201 : memref<1x1x125x80xi32, #tpu.memory_space<hbm>> -> memref<125x80xi32, #tpu.memory_space<hbm>>
      %dma_start3A_203 = arith.constant 0 : i32
      %dma_start3A_204 = arith.constant 0 : i32
      %dma_start3A_205 = tpu.memref_slice %arg3[%run_scoped3A_7, %add3A, %dma_start3A_203, %dma_start3A_204] : memref<2x32x125x80xi32, #tpu.memory_space<hbm>> -> memref<1x1x125x80xi32, #tpu.memory_space<hbm>>
      %dma_start3A_206 = tpu.memref_squeeze %dma_start3A_205 : memref<1x1x125x80xi32, #tpu.memory_space<hbm>> -> memref<125x80xi32, #tpu.memory_space<hbm>>
      tpu.enqueue_dma source(%dma_start3A_206 : memref<125x80xi32, #tpu.memory_space<hbm>>) target(%arg10 : memref<125x80xi32, #tpu.memory_space<vmem>>) target_semaphore(%run_scoped3A_198 : memref<!tpu.dma_semaphore, #tpu.memory_space<semaphore_mem>>)
      %dma_wait3A_207 = arith.constant 0 : i32
      %dma_wait3A_208 = arith.constant 0 : i32
      %dma_wait3A_209 = tpu.memref_slice %arg3[%run_scoped3A_7, %add3A, %dma_wait3A_207, %dma_wait3A_208] : memref<2x32x125x80xi32, #tpu.memory_space<hbm>> -> memref<1x1x125x80xi32, #tpu.memory_space<hbm>>
      %dma_wait3A_210 = tpu.memref_squeeze %dma_wait3A_209 : memref<1x1x125x80xi32, #tpu.memory_space<hbm>> -> memref<125x80xi32, #tpu.memory_space<hbm>>
      %dma_wait3A_211 = arith.constant 0 : i32
      %dma_wait3A_212 = arith.constant 0 : i32
      %dma_wait3A_213 = tpu.memref_slice %arg3[%run_scoped3A_7, %add3A, %dma_wait3A_211, %dma_wait3A_212] : memref<2x32x125x80xi32, #tpu.memory_space<hbm>> -> memref<1x1x125x80xi32, #tpu.memory_space<hbm>>
      %dma_wait3A_214 = tpu.memref_squeeze %dma_wait3A_213 : memref<1x1x125x80xi32, #tpu.memory_space<hbm>> -> memref<125x80xi32, #tpu.memory_space<hbm>>
      tpu.wait_dma2 semaphore(%run_scoped3A_198 : memref<!tpu.dma_semaphore, #tpu.memory_space<semaphore_mem>>) src(%dma_wait3A_214 : memref<125x80xi32, #tpu.memory_space<hbm>>) dst(%arg10 : memref<125x80xi32, #tpu.memory_space<vmem>>)
      tpu.yield
    }) : () -> ()
    %run_scoped3A_8 = arith.constant 1 : i32
    "tpu.region"() ({
      %run_scoped3A_198 = tpu.sem_alloc : memref<!tpu.dma_semaphore, #tpu.memory_space<semaphore_mem>>
      %dma_start3A_199 = arith.constant 0 : i32
      %dma_start3A_200 = arith.constant 0 : i32
      %dma_start3A_201 = tpu.memref_slice %arg3[%run_scoped3A_8, %add3A_4, %dma_start3A_199, %dma_start3A_200] : memref<2x32x125x80xi32, #tpu.memory_space<hbm>> -> memref<1x1x125x80xi32, #tpu.memory_space<hbm>>
      %dma_start3A_202 = tpu.memref_squeeze %dma_start3A_201 : memref<1x1x125x80xi32, #tpu.memory_space<hbm>> -> memref<125x80xi32, #tpu.memory_space<hbm>>
      %dma_start3A_203 = arith.constant 0 : i32
      %dma_start3A_204 = arith.constant 0 : i32
      %dma_start3A_205 = tpu.memref_slice %arg3[%run_scoped3A_8, %add3A_4, %dma_start3A_203, %dma_start3A_204] : memref<2x32x125x80xi32, #tpu.memory_space<hbm>> -> memref<1x1x125x80xi32, #tpu.memory_space<hbm>>
      %dma_start3A_206 = tpu.memref_squeeze %dma_start3A_205 : memref<1x1x125x80xi32, #tpu.memory_space<hbm>> -> memref<125x80xi32, #tpu.memory_space<hbm>>
      tpu.enqueue_dma source(%dma_start3A_206 : memref<125x80xi32, #tpu.memory_space<hbm>>) target(%arg11 : memref<125x80xi32, #tpu.memory_space<vmem>>) target_semaphore(%run_scoped3A_198 : memref<!tpu.dma_semaphore, #tpu.memory_space<semaphore_mem>>)
      %dma_wait3A_207 = arith.constant 0 : i32
      %dma_wait3A_208 = arith.constant 0 : i32
      %dma_wait3A_209 = tpu.memref_slice %arg3[%run_scoped3A_8, %add3A_4, %dma_wait3A_207, %dma_wait3A_208] : memref<2x32x125x80xi32, #tpu.memory_space<hbm>> -> memref<1x1x125x80xi32, #tpu.memory_space<hbm>>
      %dma_wait3A_210 = tpu.memref_squeeze %dma_wait3A_209 : memref<1x1x125x80xi32, #tpu.memory_space<hbm>> -> memref<125x80xi32, #tpu.memory_space<hbm>>
      %dma_wait3A_211 = arith.constant 0 : i32
      %dma_wait3A_212 = arith.constant 0 : i32
      %dma_wait3A_213 = tpu.memref_slice %arg3[%run_scoped3A_8, %add3A_4, %dma_wait3A_211, %dma_wait3A_212] : memref<2x32x125x80xi32, #tpu.memory_space<hbm>> -> memref<1x1x125x80xi32, #tpu.memory_space<hbm>>
      %dma_wait3A_214 = tpu.memref_squeeze %dma_wait3A_213 : memref<1x1x125x80xi32, #tpu.memory_space<hbm>> -> memref<125x80xi32, #tpu.memory_space<hbm>>
      tpu.wait_dma2 semaphore(%run_scoped3A_198 : memref<!tpu.dma_semaphore, #tpu.memory_space<semaphore_mem>>) src(%dma_wait3A_214 : memref<125x80xi32, #tpu.memory_space<hbm>>) dst(%arg11 : memref<125x80xi32, #tpu.memory_space<vmem>>)
      tpu.yield
    }) : () -> ()
    "tpu.region"() ({
      %run_scoped3A_198 = tpu.sem_alloc : memref<!tpu.dma_semaphore, #tpu.memory_space<semaphore_mem>>
      %dma_start3A_199 = arith.constant 0 : i32
      %dma_start3A_200 = tpu.memref_slice %arg2[%mul3A_6, %dma_start3A_199] : memref<10240x16xf32, #tpu.memory_space<hbm>> -> memref<640x16xf32, #tpu.memory_space<hbm>>
      %dma_start3A_201 = arith.constant 0 : i32
      %dma_start3A_202 = tpu.memref_slice %arg2[%mul3A_6, %dma_start3A_201] : memref<10240x16xf32, #tpu.memory_space<hbm>> -> memref<640x16xf32, #tpu.memory_space<hbm>>
      tpu.enqueue_dma source(%dma_start3A_202 : memref<640x16xf32, #tpu.memory_space<hbm>>) target(%arg14 : memref<640x16xf32, #tpu.memory_space<vmem>>) target_semaphore(%run_scoped3A_198 : memref<!tpu.dma_semaphore, #tpu.memory_space<semaphore_mem>>)
      %dma_wait3A_203 = arith.constant 0 : i32
      %dma_wait3A_204 = tpu.memref_slice %arg2[%mul3A_6, %dma_wait3A_203] : memref<10240x16xf32, #tpu.memory_space<hbm>> -> memref<640x16xf32, #tpu.memory_space<hbm>>
      %dma_wait3A_205 = arith.constant 0 : i32
      %dma_wait3A_206 = tpu.memref_slice %arg2[%mul3A_6, %dma_wait3A_205] : memref<10240x16xf32, #tpu.memory_space<hbm>> -> memref<640x16xf32, #tpu.memory_space<hbm>>
      tpu.wait_dma2 semaphore(%run_scoped3A_198 : memref<!tpu.dma_semaphore, #tpu.memory_space<semaphore_mem>>) src(%dma_wait3A_206 : memref<640x16xf32, #tpu.memory_space<hbm>>) dst(%arg14 : memref<640x16xf32, #tpu.memory_space<vmem>>)
      tpu.yield
    }) : () -> ()
    "tpu.region"() ({
      %run_scoped3A_198 = tpu.sem_alloc : memref<!tpu.dma_semaphore, #tpu.memory_space<semaphore_mem>>
      %dma_start3A_199 = arith.constant 0 : i32
      %dma_start3A_200 = tpu.memref_slice %arg21[%mul3A_6, %dma_start3A_199] : memref<10240x16xf32, #tpu.memory_space<vmem_shared>> -> memref<640x16xf32, #tpu.memory_space<vmem_shared>>
      %dma_start3A_201 = arith.constant 0 : i32
      %dma_start3A_202 = tpu.memref_slice %arg4[%mul3A_6, %dma_start3A_201] : memref<10240x16xf32, #tpu.memory_space<hbm>> -> memref<640x16xf32, #tpu.memory_space<hbm>>
      tpu.enqueue_dma source(%dma_start3A_202 : memref<640x16xf32, #tpu.memory_space<hbm>>) target(%dma_start3A_200 : memref<640x16xf32, #tpu.memory_space<vmem_shared>>) target_semaphore(%run_scoped3A_198 : memref<!tpu.dma_semaphore, #tpu.memory_space<semaphore_mem>>)
      %dma_wait3A_203 = arith.constant 0 : i32
      %dma_wait3A_204 = tpu.memref_slice %arg21[%mul3A_6, %dma_wait3A_203] : memref<10240x16xf32, #tpu.memory_space<vmem_shared>> -> memref<640x16xf32, #tpu.memory_space<vmem_shared>>
      %dma_wait3A_205 = arith.constant 0 : i32
      %dma_wait3A_206 = tpu.memref_slice %arg4[%mul3A_6, %dma_wait3A_205] : memref<10240x16xf32, #tpu.memory_space<hbm>> -> memref<640x16xf32, #tpu.memory_space<hbm>>
      tpu.wait_dma2 semaphore(%run_scoped3A_198 : memref<!tpu.dma_semaphore, #tpu.memory_space<semaphore_mem>>) src(%dma_wait3A_206 : memref<640x16xf32, #tpu.memory_space<hbm>>) dst(%dma_wait3A_204 : memref<640x16xf32, #tpu.memory_space<vmem_shared>>)
      tpu.yield
    }) : () -> ()
    "tpu.region"() ({
      %run_scoped3A_198 = tpu.sem_alloc : memref<!tpu.dma_semaphore, #tpu.memory_space<semaphore_mem>>
      tpu.enqueue_dma source(%arg5 : memref<10240xf32, #tpu.memory_space<hbm>>) target(%arg12 : memref<10240xf32, #tpu.memory_space<vmem>>) target_semaphore(%run_scoped3A_198 : memref<!tpu.dma_semaphore, #tpu.memory_space<semaphore_mem>>)
      tpu.wait_dma2 semaphore(%run_scoped3A_198 : memref<!tpu.dma_semaphore, #tpu.memory_space<semaphore_mem>>) src(%arg5 : memref<10240xf32, #tpu.memory_space<hbm>>) dst(%arg12 : memref<10240xf32, #tpu.memory_space<vmem>>)
      tpu.yield
    }) : () -> ()
    %broadcast_in_dim3A = arith.constant 1.000000e+00 : f32
    %broadcast_in_dim3A_9 = vector.broadcast %broadcast_in_dim3A : f32 to vector<16xf32>
    %scan3A = arith.constant 0 : i32
    %scan3A_10 = arith.constant 0 : i32
    %scan3A_11 = arith.constant 125 : i32
    %scan3A_12 = arith.addi %scan3A_10, %scan3A_11 : i32
    %scan3A_13 = arith.constant 1 : i32
    scf.for %scan3A_198 = %scan3A_10 to %scan3A_12 step %scan3A_13  : i32 {
      %get3A = arith.index_cast %scan3A_198 : i32 to index
      %get3A_199 = arith.constant 0 : index
      %get3A_200 = tpu.vector_load %arg10[%get3A, %get3A_199] {strides = array<i32>} : memref<125x80xi32, #tpu.memory_space<vmem>>, vector<16xi32>,
      tpu.vector_store_idx %arg12[%get3A_200], %broadcast_in_dim3A_9 {add = true} : memref<10240xf32, #tpu.memory_space<vmem>>[vector<16xi32>], vector<16xf32>,
      %get3A_201 = arith.index_cast %scan3A_198 : i32 to index
      %get3A_202 = arith.constant 16 : index
      %get3A_203 = tpu.vector_load %arg10[%get3A_201, %get3A_202] {strides = array<i32>} : memref<125x80xi32, #tpu.memory_space<vmem>>, vector<16xi32>,
      tpu.vector_store_idx %arg12[%get3A_203], %broadcast_in_dim3A_9 {add = true} : memref<10240xf32, #tpu.memory_space<vmem>>[vector<16xi32>], vector<16xf32>,
      %get3A_204 = arith.index_cast %scan3A_198 : i32 to index
      %get3A_205 = arith.constant 32 : index
      %get3A_206 = tpu.vector_load %arg10[%get3A_204, %get3A_205] {strides = array<i32>} : memref<125x80xi32, #tpu.memory_space<vmem>>, vector<16xi32>,
      tpu.vector_store_idx %arg12[%get3A_206], %broadcast_in_dim3A_9 {add = true} : memref<10240xf32, #tpu.memory_space<vmem>>[vector<16xi32>], vector<16xf32>,
      %get3A_207 = arith.index_cast %scan3A_198 : i32 to index
      %get3A_208 = arith.constant 48 : index
      %get3A_209 = tpu.vector_load %arg10[%get3A_207, %get3A_208] {strides = array<i32>} : memref<125x80xi32, #tpu.memory_space<vmem>>, vector<16xi32>,
      tpu.vector_store_idx %arg12[%get3A_209], %broadcast_in_dim3A_9 {add = true} : memref<10240xf32, #tpu.memory_space<vmem>>[vector<16xi32>], vector<16xf32>,
      %get3A_210 = arith.index_cast %scan3A_198 : i32 to index
      %get3A_211 = arith.constant 64 : index
      %get3A_212 = tpu.vector_load %arg10[%get3A_210, %get3A_211] {strides = array<i32>} : memref<125x80xi32, #tpu.memory_space<vmem>>, vector<16xi32>,
      tpu.vector_store_idx %arg12[%get3A_212], %broadcast_in_dim3A_9 {add = true} : memref<10240xf32, #tpu.memory_space<vmem>>[vector<16xi32>], vector<16xf32>,
    }
    %scan3A_14 = arith.constant 125 : i32
    %scan3A_15 = arith.constant 0 : i32
    %scan3A_16 = arith.constant 0 : i32
    %scan3A_17 = arith.constant 125 : i32
    %scan3A_18 = arith.addi %scan3A_16, %scan3A_17 : i32
    %scan3A_19 = arith.constant 1 : i32
    scf.for %scan3A_198 = %scan3A_16 to %scan3A_18 step %scan3A_19  : i32 {
      %get3A = arith.index_cast %scan3A_198 : i32 to index
      %get3A_199 = arith.constant 0 : index
      %get3A_200 = tpu.vector_load %arg11[%get3A, %get3A_199] {strides = array<i32>} : memref<125x80xi32, #tpu.memory_space<vmem>>, vector<16xi32>,
      tpu.vector_store_idx %arg12[%get3A_200], %broadcast_in_dim3A_9 {add = true} : memref<10240xf32, #tpu.memory_space<vmem>>[vector<16xi32>], vector<16xf32>,
      %get3A_201 = arith.index_cast %scan3A_198 : i32 to index
      %get3A_202 = arith.constant 16 : index
      %get3A_203 = tpu.vector_load %arg11[%get3A_201, %get3A_202] {strides = array<i32>} : memref<125x80xi32, #tpu.memory_space<vmem>>, vector<16xi32>,
      tpu.vector_store_idx %arg12[%get3A_203], %broadcast_in_dim3A_9 {add = true} : memref<10240xf32, #tpu.memory_space<vmem>>[vector<16xi32>], vector<16xf32>,
      %get3A_204 = arith.index_cast %scan3A_198 : i32 to index
      %get3A_205 = arith.constant 32 : index
      %get3A_206 = tpu.vector_load %arg11[%get3A_204, %get3A_205] {strides = array<i32>} : memref<125x80xi32, #tpu.memory_space<vmem>>, vector<16xi32>,
      tpu.vector_store_idx %arg12[%get3A_206], %broadcast_in_dim3A_9 {add = true} : memref<10240xf32, #tpu.memory_space<vmem>>[vector<16xi32>], vector<16xf32>,
      %get3A_207 = arith.index_cast %scan3A_198 : i32 to index
      %get3A_208 = arith.constant 48 : index
      %get3A_209 = tpu.vector_load %arg11[%get3A_207, %get3A_208] {strides = array<i32>} : memref<125x80xi32, #tpu.memory_space<vmem>>, vector<16xi32>,
      tpu.vector_store_idx %arg12[%get3A_209], %broadcast_in_dim3A_9 {add = true} : memref<10240xf32, #tpu.memory_space<vmem>>[vector<16xi32>], vector<16xf32>,
      %get3A_210 = arith.index_cast %scan3A_198 : i32 to index
      %get3A_211 = arith.constant 64 : index
      %get3A_212 = tpu.vector_load %arg11[%get3A_210, %get3A_211] {strides = array<i32>} : memref<125x80xi32, #tpu.memory_space<vmem>>, vector<16xi32>,
      tpu.vector_store_idx %arg12[%get3A_212], %broadcast_in_dim3A_9 {add = true} : memref<10240xf32, #tpu.memory_space<vmem>>[vector<16xi32>], vector<16xf32>,
    }
    %scan3A_20 = arith.constant 125 : i32
    "tpu.region"() ({
      %run_scoped3A_198 = tpu.sem_alloc : memref<!tpu.dma_semaphore, #tpu.memory_space<semaphore_mem>>
      %dma_start3A_199 = arith.constant 0 : i32
      %dma_start3A_200 = tpu.memref_slice %arg22[%arg1, %dma_start3A_199] : memref<16x10240xf32, #tpu.memory_space<vmem_shared>> -> memref<1x10240xf32, #tpu.memory_space<vmem_shared>>
      %dma_start3A_201 = tpu.memref_squeeze %dma_start3A_200 : memref<1x10240xf32, #tpu.memory_space<vmem_shared>> -> memref<10240xf32, #tpu.memory_space<vmem_shared>>
      %dma_start3A_202 = arith.constant 0 : i32
      %dma_start3A_203 = tpu.memref_slice %arg22[%arg1, %dma_start3A_202] : memref<16x10240xf32, #tpu.memory_space<vmem_shared>> -> memref<1x10240xf32, #tpu.memory_space<vmem_shared>>
      %dma_start3A_204 = tpu.memref_squeeze %dma_start3A_203 : memref<1x10240xf32, #tpu.memory_space<vmem_shared>> -> memref<10240xf32, #tpu.memory_space<vmem_shared>>
      tpu.enqueue_dma source(%arg12 : memref<10240xf32, #tpu.memory_space<vmem>>) target(%dma_start3A_204 : memref<10240xf32, #tpu.memory_space<vmem_shared>>) target_semaphore(%run_scoped3A_198 : memref<!tpu.dma_semaphore, #tpu.memory_space<semaphore_mem>>)
      %dma_wait3A_205 = arith.constant 0 : i32
      %dma_wait3A_206 = tpu.memref_slice %arg22[%arg1, %dma_wait3A_205] : memref<16x10240xf32, #tpu.memory_space<vmem_shared>> -> memref<1x10240xf32, #tpu.memory_space<vmem_shared>>
      %dma_wait3A_207 = tpu.memref_squeeze %dma_wait3A_206 : memref<1x10240xf32, #tpu.memory_space<vmem_shared>> -> memref<10240xf32, #tpu.memory_space<vmem_shared>>
      %dma_wait3A_208 = arith.constant 0 : i32
      %dma_wait3A_209 = tpu.memref_slice %arg22[%arg1, %dma_wait3A_208] : memref<16x10240xf32, #tpu.memory_space<vmem_shared>> -> memref<1x10240xf32, #tpu.memory_space<vmem_shared>>
      %dma_wait3A_210 = tpu.memref_squeeze %dma_wait3A_209 : memref<1x10240xf32, #tpu.memory_space<vmem_shared>> -> memref<10240xf32, #tpu.memory_space<vmem_shared>>
      tpu.wait_dma2 semaphore(%run_scoped3A_198 : memref<!tpu.dma_semaphore, #tpu.memory_space<semaphore_mem>>) src(%arg12 : memref<10240xf32, #tpu.memory_space<vmem>>) dst(%dma_wait3A_210 : memref<10240xf32, #tpu.memory_space<vmem_shared>>)
      tpu.yield
    }) : () -> ()
    %barrier3A = arith.constant 0 : index
    tpu.barrier barrier_id(%barrier3A)
    %run_scoped3A_21 = arith.constant 0 : i32
    %run_scoped3A_22 = arith.constant 0 : i32
    "tpu.region"() ({
      %run_scoped3A_198 = tpu.sem_alloc : memref<!tpu.dma_semaphore, #tpu.memory_space<semaphore_mem>>
      %dma_start3A_199 = arith.constant 0 : i32
      %dma_start3A_200 = tpu.memref_slice %arg13[%run_scoped3A_22, %dma_start3A_199] : memref<16x640xf32, #tpu.memory_space<vmem>> -> memref<1x640xf32, #tpu.memory_space<vmem>>
      %dma_start3A_201 = tpu.memref_squeeze %dma_start3A_200 : memref<1x640xf32, #tpu.memory_space<vmem>> -> memref<640xf32, #tpu.memory_space<vmem>>
      %dma_start3A_202 = tpu.memref_slice %arg22[%run_scoped3A_21, %mul3A_6] : memref<16x10240xf32, #tpu.memory_space<vmem_shared>> -> memref<1x640xf32, #tpu.memory_space<vmem_shared>>
      %dma_start3A_203 = tpu.memref_squeeze %dma_start3A_202 : memref<1x640xf32, #tpu.memory_space<vmem_shared>> -> memref<640xf32, #tpu.memory_space<vmem_shared>>
      %dma_start3A_204 = arith.constant 0 : i32
      %dma_start3A_205 = tpu.memref_slice %arg13[%run_scoped3A_22, %dma_start3A_204] : memref<16x640xf32, #tpu.memory_space<vmem>> -> memref<1x640xf32, #tpu.memory_space<vmem>>
      %dma_start3A_206 = tpu.memref_squeeze %dma_start3A_205 : memref<1x640xf32, #tpu.memory_space<vmem>> -> memref<640xf32, #tpu.memory_space<vmem>>
      %dma_start3A_207 = tpu.memref_slice %arg22[%run_scoped3A_21, %mul3A_6] : memref<16x10240xf32, #tpu.memory_space<vmem_shared>> -> memref<1x640xf32, #tpu.memory_space<vmem_shared>>
      %dma_start3A_208 = tpu.memref_squeeze %dma_start3A_207 : memref<1x640xf32, #tpu.memory_space<vmem_shared>> -> memref<640xf32, #tpu.memory_space<vmem_shared>>
      tpu.enqueue_dma source(%dma_start3A_208 : memref<640xf32, #tpu.memory_space<vmem_shared>>) target(%dma_start3A_206 : memref<640xf32, #tpu.memory_space<vmem>>) target_semaphore(%run_scoped3A_198 : memref<!tpu.dma_semaphore, #tpu.memory_space<semaphore_mem>>)
      %dma_wait3A_209 = arith.constant 0 : i32
      %dma_wait3A_210 = tpu.memref_slice %arg13[%run_scoped3A_22, %dma_wait3A_209] : memref<16x640xf32, #tpu.memory_space<vmem>> -> memref<1x640xf32, #tpu.memory_space<vmem>>
      %dma_wait3A_211 = tpu.memref_squeeze %dma_wait3A_210 : memref<1x640xf32, #tpu.memory_space<vmem>> -> memref<640xf32, #tpu.memory_space<vmem>>
      %dma_wait3A_212 = tpu.memref_slice %arg22[%run_scoped3A_21, %mul3A_6] : memref<16x10240xf32, #tpu.memory_space<vmem_shared>> -> memref<1x640xf32, #tpu.memory_space<vmem_shared>>
      %dma_wait3A_213 = tpu.memref_squeeze %dma_wait3A_212 : memref<1x640xf32, #tpu.memory_space<vmem_shared>> -> memref<640xf32, #tpu.memory_space<vmem_shared>>
      %dma_wait3A_214 = arith.constant 0 : i32
      %dma_wait3A_215 = tpu.memref_slice %arg13[%run_scoped3A_22, %dma_wait3A_214] : memref<16x640xf32, #tpu.memory_space<vmem>> -> memref<1x640xf32, #tpu.memory_space<vmem>>
      %dma_wait3A_216 = tpu.memref_squeeze %dma_wait3A_215 : memref<1x640xf32, #tpu.memory_space<vmem>> -> memref<640xf32, #tpu.memory_space<vmem>>
      %dma_wait3A_217 = tpu.memref_slice %arg22[%run_scoped3A_21, %mul3A_6] : memref<16x10240xf32, #tpu.memory_space<vmem_shared>> -> memref<1x640xf32, #tpu.memory_space<vmem_shared>>
      %dma_wait3A_218 = tpu.memref_squeeze %dma_wait3A_217 : memref<1x640xf32, #tpu.memory_space<vmem_shared>> -> memref<640xf32, #tpu.memory_space<vmem_shared>>
      tpu.wait_dma2 semaphore(%run_scoped3A_198 : memref<!tpu.dma_semaphore, #tpu.memory_space<semaphore_mem>>) src(%dma_wait3A_218 : memref<640xf32, #tpu.memory_space<vmem_shared>>) dst(%dma_wait3A_216 : memref<640xf32, #tpu.memory_space<vmem>>)
      tpu.yield
    }) : () -> ()
    %run_scoped3A_23 = arith.constant 1 : i32
    %run_scoped3A_24 = arith.constant 1 : i32
    "tpu.region"() ({
      %run_scoped3A_198 = tpu.sem_alloc : memref<!tpu.dma_semaphore, #tpu.memory_space<semaphore_mem>>
      %dma_start3A_199 = arith.constant 0 : i32
      %dma_start3A_200 = tpu.memref_slice %arg13[%run_scoped3A_24, %dma_start3A_199] : memref<16x640xf32, #tpu.memory_space<vmem>> -> memref<1x640xf32, #tpu.memory_space<vmem>>
      %dma_start3A_201 = tpu.memref_squeeze %dma_start3A_200 : memref<1x640xf32, #tpu.memory_space<vmem>> -> memref<640xf32, #tpu.memory_space<vmem>>
      %dma_start3A_202 = tpu.memref_slice %arg22[%run_scoped3A_23, %mul3A_6] : memref<16x10240xf32, #tpu.memory_space<vmem_shared>> -> memref<1x640xf32, #tpu.memory_space<vmem_shared>>
      %dma_start3A_203 = tpu.memref_squeeze %dma_start3A_202 : memref<1x640xf32, #tpu.memory_space<vmem_shared>> -> memref<640xf32, #tpu.memory_space<vmem_shared>>
      %dma_start3A_204 = arith.constant 0 : i32
      %dma_start3A_205 = tpu.memref_slice %arg13[%run_scoped3A_24, %dma_start3A_204] : memref<16x640xf32, #tpu.memory_space<vmem>> -> memref<1x640xf32, #tpu.memory_space<vmem>>
      %dma_start3A_206 = tpu.memref_squeeze %dma_start3A_205 : memref<1x640xf32, #tpu.memory_space<vmem>> -> memref<640xf32, #tpu.memory_space<vmem>>
      %dma_start3A_207 = tpu.memref_slice %arg22[%run_scoped3A_23, %mul3A_6] : memref<16x10240xf32, #tpu.memory_space<vmem_shared>> -> memref<1x640xf32, #tpu.memory_space<vmem_shared>>
      %dma_start3A_208 = tpu.memref_squeeze %dma_start3A_207 : memref<1x640xf32, #tpu.memory_space<vmem_shared>> -> memref<640xf32, #tpu.memory_space<vmem_shared>>
      tpu.enqueue_dma source(%dma_start3A_208 : memref<640xf32, #tpu.memory_space<vmem_shared>>) target(%dma_start3A_206 : memref<640xf32, #tpu.memory_space<vmem>>) target_semaphore(%run_scoped3A_198 : memref<!tpu.dma_semaphore, #tpu.memory_space<semaphore_mem>>)
      %dma_wait3A_209 = arith.constant 0 : i32
      %dma_wait3A_210 = tpu.memref_slice %arg13[%run_scoped3A_24, %dma_wait3A_209] : memref<16x640xf32, #tpu.memory_space<vmem>> -> memref<1x640xf32, #tpu.memory_space<vmem>>
      %dma_wait3A_211 = tpu.memref_squeeze %dma_wait3A_210 : memref<1x640xf32, #tpu.memory_space<vmem>> -> memref<640xf32, #tpu.memory_space<vmem>>
      %dma_wait3A_212 = tpu.memref_slice %arg22[%run_scoped3A_23, %mul3A_6] : memref<16x10240xf32, #tpu.memory_space<vmem_shared>> -> memref<1x640xf32, #tpu.memory_space<vmem_shared>>
      %dma_wait3A_213 = tpu.memref_squeeze %dma_wait3A_212 : memref<1x640xf32, #tpu.memory_space<vmem_shared>> -> memref<640xf32, #tpu.memory_space<vmem_shared>>
      %dma_wait3A_214 = arith.constant 0 : i32
      %dma_wait3A_215 = tpu.memref_slice %arg13[%run_scoped3A_24, %dma_wait3A_214] : memref<16x640xf32, #tpu.memory_space<vmem>> -> memref<1x640xf32, #tpu.memory_space<vmem>>
      %dma_wait3A_216 = tpu.memref_squeeze %dma_wait3A_215 : memref<1x640xf32, #tpu.memory_space<vmem>> -> memref<640xf32, #tpu.memory_space<vmem>>
      %dma_wait3A_217 = tpu.memref_slice %arg22[%run_scoped3A_23, %mul3A_6] : memref<16x10240xf32, #tpu.memory_space<vmem_shared>> -> memref<1x640xf32, #tpu.memory_space<vmem_shared>>
      %dma_wait3A_218 = tpu.memref_squeeze %dma_wait3A_217 : memref<1x640xf32, #tpu.memory_space<vmem_shared>> -> memref<640xf32, #tpu.memory_space<vmem_shared>>
      tpu.wait_dma2 semaphore(%run_scoped3A_198 : memref<!tpu.dma_semaphore, #tpu.memory_space<semaphore_mem>>) src(%dma_wait3A_218 : memref<640xf32, #tpu.memory_space<vmem_shared>>) dst(%dma_wait3A_216 : memref<640xf32, #tpu.memory_space<vmem>>)
      tpu.yield
    }) : () -> ()
    %run_scoped3A_25 = arith.constant 2 : i32
    %run_scoped3A_26 = arith.constant 2 : i32
    "tpu.region"() ({
      %run_scoped3A_198 = tpu.sem_alloc : memref<!tpu.dma_semaphore, #tpu.memory_space<semaphore_mem>>
      %dma_start3A_199 = arith.constant 0 : i32
      %dma_start3A_200 = tpu.memref_slice %arg13[%run_scoped3A_26, %dma_start3A_199] : memref<16x640xf32, #tpu.memory_space<vmem>> -> memref<1x640xf32, #tpu.memory_space<vmem>>
      %dma_start3A_201 = tpu.memref_squeeze %dma_start3A_200 : memref<1x640xf32, #tpu.memory_space<vmem>> -> memref<640xf32, #tpu.memory_space<vmem>>
      %dma_start3A_202 = tpu.memref_slice %arg22[%run_scoped3A_25, %mul3A_6] : memref<16x10240xf32, #tpu.memory_space<vmem_shared>> -> memref<1x640xf32, #tpu.memory_space<vmem_shared>>
      %dma_start3A_203 = tpu.memref_squeeze %dma_start3A_202 : memref<1x640xf32, #tpu.memory_space<vmem_shared>> -> memref<640xf32, #tpu.memory_space<vmem_shared>>
      %dma_start3A_204 = arith.constant 0 : i32
      %dma_start3A_205 = tpu.memref_slice %arg13[%run_scoped3A_26, %dma_start3A_204] : memref<16x640xf32, #tpu.memory_space<vmem>> -> memref<1x640xf32, #tpu.memory_space<vmem>>
      %dma_start3A_206 = tpu.memref_squeeze %dma_start3A_205 : memref<1x640xf32, #tpu.memory_space<vmem>> -> memref<640xf32, #tpu.memory_space<vmem>>
      %dma_start3A_207 = tpu.memref_slice %arg22[%run_scoped3A_25, %mul3A_6] : memref<16x10240xf32, #tpu.memory_space<vmem_shared>> -> memref<1x640xf32, #tpu.memory_space<vmem_shared>>
      %dma_start3A_208 = tpu.memref_squeeze %dma_start3A_207 : memref<1x640xf32, #tpu.memory_space<vmem_shared>> -> memref<640xf32, #tpu.memory_space<vmem_shared>>
      tpu.enqueue_dma source(%dma_start3A_208 : memref<640xf32, #tpu.memory_space<vmem_shared>>) target(%dma_start3A_206 : memref<640xf32, #tpu.memory_space<vmem>>) target_semaphore(%run_scoped3A_198 : memref<!tpu.dma_semaphore, #tpu.memory_space<semaphore_mem>>)
      %dma_wait3A_209 = arith.constant 0 : i32
      %dma_wait3A_210 = tpu.memref_slice %arg13[%run_scoped3A_26, %dma_wait3A_209] : memref<16x640xf32, #tpu.memory_space<vmem>> -> memref<1x640xf32, #tpu.memory_space<vmem>>
      %dma_wait3A_211 = tpu.memref_squeeze %dma_wait3A_210 : memref<1x640xf32, #tpu.memory_space<vmem>> -> memref<640xf32, #tpu.memory_space<vmem>>
      %dma_wait3A_212 = tpu.memref_slice %arg22[%run_scoped3A_25, %mul3A_6] : memref<16x10240xf32, #tpu.memory_space<vmem_shared>> -> memref<1x640xf32, #tpu.memory_space<vmem_shared>>
      %dma_wait3A_213 = tpu.memref_squeeze %dma_wait3A_212 : memref<1x640xf32, #tpu.memory_space<vmem_shared>> -> memref<640xf32, #tpu.memory_space<vmem_shared>>
      %dma_wait3A_214 = arith.constant 0 : i32
      %dma_wait3A_215 = tpu.memref_slice %arg13[%run_scoped3A_26, %dma_wait3A_214] : memref<16x640xf32, #tpu.memory_space<vmem>> -> memref<1x640xf32, #tpu.memory_space<vmem>>
      %dma_wait3A_216 = tpu.memref_squeeze %dma_wait3A_215 : memref<1x640xf32, #tpu.memory_space<vmem>> -> memref<640xf32, #tpu.memory_space<vmem>>
      %dma_wait3A_217 = tpu.memref_slice %arg22[%run_scoped3A_25, %mul3A_6] : memref<16x10240xf32, #tpu.memory_space<vmem_shared>> -> memref<1x640xf32, #tpu.memory_space<vmem_shared>>
      %dma_wait3A_218 = tpu.memref_squeeze %dma_wait3A_217 : memref<1x640xf32, #tpu.memory_space<vmem_shared>> -> memref<640xf32, #tpu.memory_space<vmem_shared>>
      tpu.wait_dma2 semaphore(%run_scoped3A_198 : memref<!tpu.dma_semaphore, #tpu.memory_space<semaphore_mem>>) src(%dma_wait3A_218 : memref<640xf32, #tpu.memory_space<vmem_shared>>) dst(%dma_wait3A_216 : memref<640xf32, #tpu.memory_space<vmem>>)
      tpu.yield
    }) : () -> ()
    %run_scoped3A_27 = arith.constant 3 : i32
    %run_scoped3A_28 = arith.constant 3 : i32
    "tpu.region"() ({
      %run_scoped3A_198 = tpu.sem_alloc : memref<!tpu.dma_semaphore, #tpu.memory_space<semaphore_mem>>
      %dma_start3A_199 = arith.constant 0 : i32
      %dma_start3A_200 = tpu.memref_slice %arg13[%run_scoped3A_28, %dma_start3A_199] : memref<16x640xf32, #tpu.memory_space<vmem>> -> memref<1x640xf32, #tpu.memory_space<vmem>>
      %dma_start3A_201 = tpu.memref_squeeze %dma_start3A_200 : memref<1x640xf32, #tpu.memory_space<vmem>> -> memref<640xf32, #tpu.memory_space<vmem>>
      %dma_start3A_202 = tpu.memref_slice %arg22[%run_scoped3A_27, %mul3A_6] : memref<16x10240xf32, #tpu.memory_space<vmem_shared>> -> memref<1x640xf32, #tpu.memory_space<vmem_shared>>
      %dma_start3A_203 = tpu.memref_squeeze %dma_start3A_202 : memref<1x640xf32, #tpu.memory_space<vmem_shared>> -> memref<640xf32, #tpu.memory_space<vmem_shared>>
      %dma_start3A_204 = arith.constant 0 : i32
      %dma_start3A_205 = tpu.memref_slice %arg13[%run_scoped3A_28, %dma_start3A_204] : memref<16x640xf32, #tpu.memory_space<vmem>> -> memref<1x640xf32, #tpu.memory_space<vmem>>
      %dma_start3A_206 = tpu.memref_squeeze %dma_start3A_205 : memref<1x640xf32, #tpu.memory_space<vmem>> -> memref<640xf32, #tpu.memory_space<vmem>>
      %dma_start3A_207 = tpu.memref_slice %arg22[%run_scoped3A_27, %mul3A_6] : memref<16x10240xf32, #tpu.memory_space<vmem_shared>> -> memref<1x640xf32, #tpu.memory_space<vmem_shared>>
      %dma_start3A_208 = tpu.memref_squeeze %dma_start3A_207 : memref<1x640xf32, #tpu.memory_space<vmem_shared>> -> memref<640xf32, #tpu.memory_space<vmem_shared>>
      tpu.enqueue_dma source(%dma_start3A_208 : memref<640xf32, #tpu.memory_space<vmem_shared>>) target(%dma_start3A_206 : memref<640xf32, #tpu.memory_space<vmem>>) target_semaphore(%run_scoped3A_198 : memref<!tpu.dma_semaphore, #tpu.memory_space<semaphore_mem>>)
      %dma_wait3A_209 = arith.constant 0 : i32
      %dma_wait3A_210 = tpu.memref_slice %arg13[%run_scoped3A_28, %dma_wait3A_209] : memref<16x640xf32, #tpu.memory_space<vmem>> -> memref<1x640xf32, #tpu.memory_space<vmem>>
      %dma_wait3A_211 = tpu.memref_squeeze %dma_wait3A_210 : memref<1x640xf32, #tpu.memory_space<vmem>> -> memref<640xf32, #tpu.memory_space<vmem>>
      %dma_wait3A_212 = tpu.memref_slice %arg22[%run_scoped3A_27, %mul3A_6] : memref<16x10240xf32, #tpu.memory_space<vmem_shared>> -> memref<1x640xf32, #tpu.memory_space<vmem_shared>>
      %dma_wait3A_213 = tpu.memref_squeeze %dma_wait3A_212 : memref<1x640xf32, #tpu.memory_space<vmem_shared>> -> memref<640xf32, #tpu.memory_space<vmem_shared>>
      %dma_wait3A_214 = arith.constant 0 : i32
      %dma_wait3A_215 = tpu.memref_slice %arg13[%run_scoped3A_28, %dma_wait3A_214] : memref<16x640xf32, #tpu.memory_space<vmem>> -> memref<1x640xf32, #tpu.memory_space<vmem>>
      %dma_wait3A_216 = tpu.memref_squeeze %dma_wait3A_215 : memref<1x640xf32, #tpu.memory_space<vmem>> -> memref<640xf32, #tpu.memory_space<vmem>>
      %dma_wait3A_217 = tpu.memref_slice %arg22[%run_scoped3A_27, %mul3A_6] : memref<16x10240xf32, #tpu.memory_space<vmem_shared>> -> memref<1x640xf32, #tpu.memory_space<vmem_shared>>
      %dma_wait3A_218 = tpu.memref_squeeze %dma_wait3A_217 : memref<1x640xf32, #tpu.memory_space<vmem_shared>> -> memref<640xf32, #tpu.memory_space<vmem_shared>>
      tpu.wait_dma2 semaphore(%run_scoped3A_198 : memref<!tpu.dma_semaphore, #tpu.memory_space<semaphore_mem>>) src(%dma_wait3A_218 : memref<640xf32, #tpu.memory_space<vmem_shared>>) dst(%dma_wait3A_216 : memref<640xf32, #tpu.memory_space<vmem>>)
      tpu.yield
    }) : () -> ()
    %run_scoped3A_29 = arith.constant 4 : i32
    %run_scoped3A_30 = arith.constant 4 : i32
    "tpu.region"() ({
      %run_scoped3A_198 = tpu.sem_alloc : memref<!tpu.dma_semaphore, #tpu.memory_space<semaphore_mem>>
      %dma_start3A_199 = arith.constant 0 : i32
      %dma_start3A_200 = tpu.memref_slice %arg13[%run_scoped3A_30, %dma_start3A_199] : memref<16x640xf32, #tpu.memory_space<vmem>> -> memref<1x640xf32, #tpu.memory_space<vmem>>
      %dma_start3A_201 = tpu.memref_squeeze %dma_start3A_200 : memref<1x640xf32, #tpu.memory_space<vmem>> -> memref<640xf32, #tpu.memory_space<vmem>>
      %dma_start3A_202 = tpu.memref_slice %arg22[%run_scoped3A_29, %mul3A_6] : memref<16x10240xf32, #tpu.memory_space<vmem_shared>> -> memref<1x640xf32, #tpu.memory_space<vmem_shared>>
      %dma_start3A_203 = tpu.memref_squeeze %dma_start3A_202 : memref<1x640xf32, #tpu.memory_space<vmem_shared>> -> memref<640xf32, #tpu.memory_space<vmem_shared>>
      %dma_start3A_204 = arith.constant 0 : i32
      %dma_start3A_205 = tpu.memref_slice %arg13[%run_scoped3A_30, %dma_start3A_204] : memref<16x640xf32, #tpu.memory_space<vmem>> -> memref<1x640xf32, #tpu.memory_space<vmem>>
      %dma_start3A_206 = tpu.memref_squeeze %dma_start3A_205 : memref<1x640xf32, #tpu.memory_space<vmem>> -> memref<640xf32, #tpu.memory_space<vmem>>
      %dma_start3A_207 = tpu.memref_slice %arg22[%run_scoped3A_29, %mul3A_6] : memref<16x10240xf32, #tpu.memory_space<vmem_shared>> -> memref<1x640xf32, #tpu.memory_space<vmem_shared>>
      %dma_start3A_208 = tpu.memref_squeeze %dma_start3A_207 : memref<1x640xf32, #tpu.memory_space<vmem_shared>> -> memref<640xf32, #tpu.memory_space<vmem_shared>>
      tpu.enqueue_dma source(%dma_start3A_208 : memref<640xf32, #tpu.memory_space<vmem_shared>>) target(%dma_start3A_206 : memref<640xf32, #tpu.memory_space<vmem>>) target_semaphore(%run_scoped3A_198 : memref<!tpu.dma_semaphore, #tpu.memory_space<semaphore_mem>>)
      %dma_wait3A_209 = arith.constant 0 : i32
      %dma_wait3A_210 = tpu.memref_slice %arg13[%run_scoped3A_30, %dma_wait3A_209] : memref<16x640xf32, #tpu.memory_space<vmem>> -> memref<1x640xf32, #tpu.memory_space<vmem>>
      %dma_wait3A_211 = tpu.memref_squeeze %dma_wait3A_210 : memref<1x640xf32, #tpu.memory_space<vmem>> -> memref<640xf32, #tpu.memory_space<vmem>>
      %dma_wait3A_212 = tpu.memref_slice %arg22[%run_scoped3A_29, %mul3A_6] : memref<16x10240xf32, #tpu.memory_space<vmem_shared>> -> memref<1x640xf32, #tpu.memory_space<vmem_shared>>
      %dma_wait3A_213 = tpu.memref_squeeze %dma_wait3A_212 : memref<1x640xf32, #tpu.memory_space<vmem_shared>> -> memref<640xf32, #tpu.memory_space<vmem_shared>>
      %dma_wait3A_214 = arith.constant 0 : i32
      %dma_wait3A_215 = tpu.memref_slice %arg13[%run_scoped3A_30, %dma_wait3A_214] : memref<16x640xf32, #tpu.memory_space<vmem>> -> memref<1x640xf32, #tpu.memory_space<vmem>>
      %dma_wait3A_216 = tpu.memref_squeeze %dma_wait3A_215 : memref<1x640xf32, #tpu.memory_space<vmem>> -> memref<640xf32, #tpu.memory_space<vmem>>
      %dma_wait3A_217 = tpu.memref_slice %arg22[%run_scoped3A_29, %mul3A_6] : memref<16x10240xf32, #tpu.memory_space<vmem_shared>> -> memref<1x640xf32, #tpu.memory_space<vmem_shared>>
      %dma_wait3A_218 = tpu.memref_squeeze %dma_wait3A_217 : memref<1x640xf32, #tpu.memory_space<vmem_shared>> -> memref<640xf32, #tpu.memory_space<vmem_shared>>
      tpu.wait_dma2 semaphore(%run_scoped3A_198 : memref<!tpu.dma_semaphore, #tpu.memory_space<semaphore_mem>>) src(%dma_wait3A_218 : memref<640xf32, #tpu.memory_space<vmem_shared>>) dst(%dma_wait3A_216 : memref<640xf32, #tpu.memory_space<vmem>>)
      tpu.yield
    }) : () -> ()
    %run_scoped3A_31 = arith.constant 5 : i32
    %run_scoped3A_32 = arith.constant 5 : i32
    "tpu.region"() ({
      %run_scoped3A_198 = tpu.sem_alloc : memref<!tpu.dma_semaphore, #tpu.memory_space<semaphore_mem>>
      %dma_start3A_199 = arith.constant 0 : i32
      %dma_start3A_200 = tpu.memref_slice %arg13[%run_scoped3A_32, %dma_start3A_199] : memref<16x640xf32, #tpu.memory_space<vmem>> -> memref<1x640xf32, #tpu.memory_space<vmem>>
      %dma_start3A_201 = tpu.memref_squeeze %dma_start3A_200 : memref<1x640xf32, #tpu.memory_space<vmem>> -> memref<640xf32, #tpu.memory_space<vmem>>
      %dma_start3A_202 = tpu.memref_slice %arg22[%run_scoped3A_31, %mul3A_6] : memref<16x10240xf32, #tpu.memory_space<vmem_shared>> -> memref<1x640xf32, #tpu.memory_space<vmem_shared>>
      %dma_start3A_203 = tpu.memref_squeeze %dma_start3A_202 : memref<1x640xf32, #tpu.memory_space<vmem_shared>> -> memref<640xf32, #tpu.memory_space<vmem_shared>>
      %dma_start3A_204 = arith.constant 0 : i32
      %dma_start3A_205 = tpu.memref_slice %arg13[%run_scoped3A_32, %dma_start3A_204] : memref<16x640xf32, #tpu.memory_space<vmem>> -> memref<1x640xf32, #tpu.memory_space<vmem>>
      %dma_start3A_206 = tpu.memref_squeeze %dma_start3A_205 : memref<1x640xf32, #tpu.memory_space<vmem>> -> memref<640xf32, #tpu.memory_space<vmem>>
      %dma_start3A_207 = tpu.memref_slice %arg22[%run_scoped3A_31, %mul3A_6] : memref<16x10240xf32, #tpu.memory_space<vmem_shared>> -> memref<1x640xf32, #tpu.memory_space<vmem_shared>>
      %dma_start3A_208 = tpu.memref_squeeze %dma_start3A_207 : memref<1x640xf32, #tpu.memory_space<vmem_shared>> -> memref<640xf32, #tpu.memory_space<vmem_shared>>
      tpu.enqueue_dma source(%dma_start3A_208 : memref<640xf32, #tpu.memory_space<vmem_shared>>) target(%dma_start3A_206 : memref<640xf32, #tpu.memory_space<vmem>>) target_semaphore(%run_scoped3A_198 : memref<!tpu.dma_semaphore, #tpu.memory_space<semaphore_mem>>)
      %dma_wait3A_209 = arith.constant 0 : i32
      %dma_wait3A_210 = tpu.memref_slice %arg13[%run_scoped3A_32, %dma_wait3A_209] : memref<16x640xf32, #tpu.memory_space<vmem>> -> memref<1x640xf32, #tpu.memory_space<vmem>>
      %dma_wait3A_211 = tpu.memref_squeeze %dma_wait3A_210 : memref<1x640xf32, #tpu.memory_space<vmem>> -> memref<640xf32, #tpu.memory_space<vmem>>
      %dma_wait3A_212 = tpu.memref_slice %arg22[%run_scoped3A_31, %mul3A_6] : memref<16x10240xf32, #tpu.memory_space<vmem_shared>> -> memref<1x640xf32, #tpu.memory_space<vmem_shared>>
      %dma_wait3A_213 = tpu.memref_squeeze %dma_wait3A_212 : memref<1x640xf32, #tpu.memory_space<vmem_shared>> -> memref<640xf32, #tpu.memory_space<vmem_shared>>
      %dma_wait3A_214 = arith.constant 0 : i32
      %dma_wait3A_215 = tpu.memref_slice %arg13[%run_scoped3A_32, %dma_wait3A_214] : memref<16x640xf32, #tpu.memory_space<vmem>> -> memref<1x640xf32, #tpu.memory_space<vmem>>
      %dma_wait3A_216 = tpu.memref_squeeze %dma_wait3A_215 : memref<1x640xf32, #tpu.memory_space<vmem>> -> memref<640xf32, #tpu.memory_space<vmem>>
      %dma_wait3A_217 = tpu.memref_slice %arg22[%run_scoped3A_31, %mul3A_6] : memref<16x10240xf32, #tpu.memory_space<vmem_shared>> -> memref<1x640xf32, #tpu.memory_space<vmem_shared>>
      %dma_wait3A_218 = tpu.memref_squeeze %dma_wait3A_217 : memref<1x640xf32, #tpu.memory_space<vmem_shared>> -> memref<640xf32, #tpu.memory_space<vmem_shared>>
      tpu.wait_dma2 semaphore(%run_scoped3A_198 : memref<!tpu.dma_semaphore, #tpu.memory_space<semaphore_mem>>) src(%dma_wait3A_218 : memref<640xf32, #tpu.memory_space<vmem_shared>>) dst(%dma_wait3A_216 : memref<640xf32, #tpu.memory_space<vmem>>)
      tpu.yield
    }) : () -> ()
    %run_scoped3A_33 = arith.constant 6 : i32
    %run_scoped3A_34 = arith.constant 6 : i32
    "tpu.region"() ({
      %run_scoped3A_198 = tpu.sem_alloc : memref<!tpu.dma_semaphore, #tpu.memory_space<semaphore_mem>>
      %dma_start3A_199 = arith.constant 0 : i32
      %dma_start3A_200 = tpu.memref_slice %arg13[%run_scoped3A_34, %dma_start3A_199] : memref<16x640xf32, #tpu.memory_space<vmem>> -> memref<1x640xf32, #tpu.memory_space<vmem>>
      %dma_start3A_201 = tpu.memref_squeeze %dma_start3A_200 : memref<1x640xf32, #tpu.memory_space<vmem>> -> memref<640xf32, #tpu.memory_space<vmem>>
      %dma_start3A_202 = tpu.memref_slice %arg22[%run_scoped3A_33, %mul3A_6] : memref<16x10240xf32, #tpu.memory_space<vmem_shared>> -> memref<1x640xf32, #tpu.memory_space<vmem_shared>>
      %dma_start3A_203 = tpu.memref_squeeze %dma_start3A_202 : memref<1x640xf32, #tpu.memory_space<vmem_shared>> -> memref<640xf32, #tpu.memory_space<vmem_shared>>
      %dma_start3A_204 = arith.constant 0 : i32
      %dma_start3A_205 = tpu.memref_slice %arg13[%run_scoped3A_34, %dma_start3A_204] : memref<16x640xf32, #tpu.memory_space<vmem>> -> memref<1x640xf32, #tpu.memory_space<vmem>>
      %dma_start3A_206 = tpu.memref_squeeze %dma_start3A_205 : memref<1x640xf32, #tpu.memory_space<vmem>> -> memref<640xf32, #tpu.memory_space<vmem>>
      %dma_start3A_207 = tpu.memref_slice %arg22[%run_scoped3A_33, %mul3A_6] : memref<16x10240xf32, #tpu.memory_space<vmem_shared>> -> memref<1x640xf32, #tpu.memory_space<vmem_shared>>
      %dma_start3A_208 = tpu.memref_squeeze %dma_start3A_207 : memref<1x640xf32, #tpu.memory_space<vmem_shared>> -> memref<640xf32, #tpu.memory_space<vmem_shared>>
      tpu.enqueue_dma source(%dma_start3A_208 : memref<640xf32, #tpu.memory_space<vmem_shared>>) target(%dma_start3A_206 : memref<640xf32, #tpu.memory_space<vmem>>) target_semaphore(%run_scoped3A_198 : memref<!tpu.dma_semaphore, #tpu.memory_space<semaphore_mem>>)
      %dma_wait3A_209 = arith.constant 0 : i32
      %dma_wait3A_210 = tpu.memref_slice %arg13[%run_scoped3A_34, %dma_wait3A_209] : memref<16x640xf32, #tpu.memory_space<vmem>> -> memref<1x640xf32, #tpu.memory_space<vmem>>
      %dma_wait3A_211 = tpu.memref_squeeze %dma_wait3A_210 : memref<1x640xf32, #tpu.memory_space<vmem>> -> memref<640xf32, #tpu.memory_space<vmem>>
      %dma_wait3A_212 = tpu.memref_slice %arg22[%run_scoped3A_33, %mul3A_6] : memref<16x10240xf32, #tpu.memory_space<vmem_shared>> -> memref<1x640xf32, #tpu.memory_space<vmem_shared>>
      %dma_wait3A_213 = tpu.memref_squeeze %dma_wait3A_212 : memref<1x640xf32, #tpu.memory_space<vmem_shared>> -> memref<640xf32, #tpu.memory_space<vmem_shared>>
      %dma_wait3A_214 = arith.constant 0 : i32
      %dma_wait3A_215 = tpu.memref_slice %arg13[%run_scoped3A_34, %dma_wait3A_214] : memref<16x640xf32, #tpu.memory_space<vmem>> -> memref<1x640xf32, #tpu.memory_space<vmem>>
      %dma_wait3A_216 = tpu.memref_squeeze %dma_wait3A_215 : memref<1x640xf32, #tpu.memory_space<vmem>> -> memref<640xf32, #tpu.memory_space<vmem>>
      %dma_wait3A_217 = tpu.memref_slice %arg22[%run_scoped3A_33, %mul3A_6] : memref<16x10240xf32, #tpu.memory_space<vmem_shared>> -> memref<1x640xf32, #tpu.memory_space<vmem_shared>>
      %dma_wait3A_218 = tpu.memref_squeeze %dma_wait3A_217 : memref<1x640xf32, #tpu.memory_space<vmem_shared>> -> memref<640xf32, #tpu.memory_space<vmem_shared>>
      tpu.wait_dma2 semaphore(%run_scoped3A_198 : memref<!tpu.dma_semaphore, #tpu.memory_space<semaphore_mem>>) src(%dma_wait3A_218 : memref<640xf32, #tpu.memory_space<vmem_shared>>) dst(%dma_wait3A_216 : memref<640xf32, #tpu.memory_space<vmem>>)
      tpu.yield
    }) : () -> ()
    %run_scoped3A_35 = arith.constant 7 : i32
    %run_scoped3A_36 = arith.constant 7 : i32
    "tpu.region"() ({
      %run_scoped3A_198 = tpu.sem_alloc : memref<!tpu.dma_semaphore, #tpu.memory_space<semaphore_mem>>
      %dma_start3A_199 = arith.constant 0 : i32
      %dma_start3A_200 = tpu.memref_slice %arg13[%run_scoped3A_36, %dma_start3A_199] : memref<16x640xf32, #tpu.memory_space<vmem>> -> memref<1x640xf32, #tpu.memory_space<vmem>>
      %dma_start3A_201 = tpu.memref_squeeze %dma_start3A_200 : memref<1x640xf32, #tpu.memory_space<vmem>> -> memref<640xf32, #tpu.memory_space<vmem>>
      %dma_start3A_202 = tpu.memref_slice %arg22[%run_scoped3A_35, %mul3A_6] : memref<16x10240xf32, #tpu.memory_space<vmem_shared>> -> memref<1x640xf32, #tpu.memory_space<vmem_shared>>
      %dma_start3A_203 = tpu.memref_squeeze %dma_start3A_202 : memref<1x640xf32, #tpu.memory_space<vmem_shared>> -> memref<640xf32, #tpu.memory_space<vmem_shared>>
      %dma_start3A_204 = arith.constant 0 : i32
      %dma_start3A_205 = tpu.memref_slice %arg13[%run_scoped3A_36, %dma_start3A_204] : memref<16x640xf32, #tpu.memory_space<vmem>> -> memref<1x640xf32, #tpu.memory_space<vmem>>
      %dma_start3A_206 = tpu.memref_squeeze %dma_start3A_205 : memref<1x640xf32, #tpu.memory_space<vmem>> -> memref<640xf32, #tpu.memory_space<vmem>>
      %dma_start3A_207 = tpu.memref_slice %arg22[%run_scoped3A_35, %mul3A_6] : memref<16x10240xf32, #tpu.memory_space<vmem_shared>> -> memref<1x640xf32, #tpu.memory_space<vmem_shared>>
      %dma_start3A_208 = tpu.memref_squeeze %dma_start3A_207 : memref<1x640xf32, #tpu.memory_space<vmem_shared>> -> memref<640xf32, #tpu.memory_space<vmem_shared>>
      tpu.enqueue_dma source(%dma_start3A_208 : memref<640xf32, #tpu.memory_space<vmem_shared>>) target(%dma_start3A_206 : memref<640xf32, #tpu.memory_space<vmem>>) target_semaphore(%run_scoped3A_198 : memref<!tpu.dma_semaphore, #tpu.memory_space<semaphore_mem>>)
      %dma_wait3A_209 = arith.constant 0 : i32
      %dma_wait3A_210 = tpu.memref_slice %arg13[%run_scoped3A_36, %dma_wait3A_209] : memref<16x640xf32, #tpu.memory_space<vmem>> -> memref<1x640xf32, #tpu.memory_space<vmem>>
      %dma_wait3A_211 = tpu.memref_squeeze %dma_wait3A_210 : memref<1x640xf32, #tpu.memory_space<vmem>> -> memref<640xf32, #tpu.memory_space<vmem>>
      %dma_wait3A_212 = tpu.memref_slice %arg22[%run_scoped3A_35, %mul3A_6] : memref<16x10240xf32, #tpu.memory_space<vmem_shared>> -> memref<1x640xf32, #tpu.memory_space<vmem_shared>>
      %dma_wait3A_213 = tpu.memref_squeeze %dma_wait3A_212 : memref<1x640xf32, #tpu.memory_space<vmem_shared>> -> memref<640xf32, #tpu.memory_space<vmem_shared>>
      %dma_wait3A_214 = arith.constant 0 : i32
      %dma_wait3A_215 = tpu.memref_slice %arg13[%run_scoped3A_36, %dma_wait3A_214] : memref<16x640xf32, #tpu.memory_space<vmem>> -> memref<1x640xf32, #tpu.memory_space<vmem>>
      %dma_wait3A_216 = tpu.memref_squeeze %dma_wait3A_215 : memref<1x640xf32, #tpu.memory_space<vmem>> -> memref<640xf32, #tpu.memory_space<vmem>>
      %dma_wait3A_217 = tpu.memref_slice %arg22[%run_scoped3A_35, %mul3A_6] : memref<16x10240xf32, #tpu.memory_space<vmem_shared>> -> memref<1x640xf32, #tpu.memory_space<vmem_shared>>
      %dma_wait3A_218 = tpu.memref_squeeze %dma_wait3A_217 : memref<1x640xf32, #tpu.memory_space<vmem_shared>> -> memref<640xf32, #tpu.memory_space<vmem_shared>>
      tpu.wait_dma2 semaphore(%run_scoped3A_198 : memref<!tpu.dma_semaphore, #tpu.memory_space<semaphore_mem>>) src(%dma_wait3A_218 : memref<640xf32, #tpu.memory_space<vmem_shared>>) dst(%dma_wait3A_216 : memref<640xf32, #tpu.memory_space<vmem>>)
      tpu.yield
    }) : () -> ()
    %run_scoped3A_37 = arith.constant 8 : i32
    %run_scoped3A_38 = arith.constant 8 : i32
    "tpu.region"() ({
      %run_scoped3A_198 = tpu.sem_alloc : memref<!tpu.dma_semaphore, #tpu.memory_space<semaphore_mem>>
      %dma_start3A_199 = arith.constant 0 : i32
      %dma_start3A_200 = tpu.memref_slice %arg13[%run_scoped3A_38, %dma_start3A_199] : memref<16x640xf32, #tpu.memory_space<vmem>> -> memref<1x640xf32, #tpu.memory_space<vmem>>
      %dma_start3A_201 = tpu.memref_squeeze %dma_start3A_200 : memref<1x640xf32, #tpu.memory_space<vmem>> -> memref<640xf32, #tpu.memory_space<vmem>>
      %dma_start3A_202 = tpu.memref_slice %arg22[%run_scoped3A_37, %mul3A_6] : memref<16x10240xf32, #tpu.memory_space<vmem_shared>> -> memref<1x640xf32, #tpu.memory_space<vmem_shared>>
      %dma_start3A_203 = tpu.memref_squeeze %dma_start3A_202 : memref<1x640xf32, #tpu.memory_space<vmem_shared>> -> memref<640xf32, #tpu.memory_space<vmem_shared>>
      %dma_start3A_204 = arith.constant 0 : i32
      %dma_start3A_205 = tpu.memref_slice %arg13[%run_scoped3A_38, %dma_start3A_204] : memref<16x640xf32, #tpu.memory_space<vmem>> -> memref<1x640xf32, #tpu.memory_space<vmem>>
      %dma_start3A_206 = tpu.memref_squeeze %dma_start3A_205 : memref<1x640xf32, #tpu.memory_space<vmem>> -> memref<640xf32, #tpu.memory_space<vmem>>
      %dma_start3A_207 = tpu.memref_slice %arg22[%run_scoped3A_37, %mul3A_6] : memref<16x10240xf32, #tpu.memory_space<vmem_shared>> -> memref<1x640xf32, #tpu.memory_space<vmem_shared>>
      %dma_start3A_208 = tpu.memref_squeeze %dma_start3A_207 : memref<1x640xf32, #tpu.memory_space<vmem_shared>> -> memref<640xf32, #tpu.memory_space<vmem_shared>>
      tpu.enqueue_dma source(%dma_start3A_208 : memref<640xf32, #tpu.memory_space<vmem_shared>>) target(%dma_start3A_206 : memref<640xf32, #tpu.memory_space<vmem>>) target_semaphore(%run_scoped3A_198 : memref<!tpu.dma_semaphore, #tpu.memory_space<semaphore_mem>>)
      %dma_wait3A_209 = arith.constant 0 : i32
      %dma_wait3A_210 = tpu.memref_slice %arg13[%run_scoped3A_38, %dma_wait3A_209] : memref<16x640xf32, #tpu.memory_space<vmem>> -> memref<1x640xf32, #tpu.memory_space<vmem>>
      %dma_wait3A_211 = tpu.memref_squeeze %dma_wait3A_210 : memref<1x640xf32, #tpu.memory_space<vmem>> -> memref<640xf32, #tpu.memory_space<vmem>>
      %dma_wait3A_212 = tpu.memref_slice %arg22[%run_scoped3A_37, %mul3A_6] : memref<16x10240xf32, #tpu.memory_space<vmem_shared>> -> memref<1x640xf32, #tpu.memory_space<vmem_shared>>
      %dma_wait3A_213 = tpu.memref_squeeze %dma_wait3A_212 : memref<1x640xf32, #tpu.memory_space<vmem_shared>> -> memref<640xf32, #tpu.memory_space<vmem_shared>>
      %dma_wait3A_214 = arith.constant 0 : i32
      %dma_wait3A_215 = tpu.memref_slice %arg13[%run_scoped3A_38, %dma_wait3A_214] : memref<16x640xf32, #tpu.memory_space<vmem>> -> memref<1x640xf32, #tpu.memory_space<vmem>>
      %dma_wait3A_216 = tpu.memref_squeeze %dma_wait3A_215 : memref<1x640xf32, #tpu.memory_space<vmem>> -> memref<640xf32, #tpu.memory_space<vmem>>
      %dma_wait3A_217 = tpu.memref_slice %arg22[%run_scoped3A_37, %mul3A_6] : memref<16x10240xf32, #tpu.memory_space<vmem_shared>> -> memref<1x640xf32, #tpu.memory_space<vmem_shared>>
      %dma_wait3A_218 = tpu.memref_squeeze %dma_wait3A_217 : memref<1x640xf32, #tpu.memory_space<vmem_shared>> -> memref<640xf32, #tpu.memory_space<vmem_shared>>
      tpu.wait_dma2 semaphore(%run_scoped3A_198 : memref<!tpu.dma_semaphore, #tpu.memory_space<semaphore_mem>>) src(%dma_wait3A_218 : memref<640xf32, #tpu.memory_space<vmem_shared>>) dst(%dma_wait3A_216 : memref<640xf32, #tpu.memory_space<vmem>>)
      tpu.yield
    }) : () -> ()
    %run_scoped3A_39 = arith.constant 9 : i32
    %run_scoped3A_40 = arith.constant 9 : i32
    "tpu.region"() ({
      %run_scoped3A_198 = tpu.sem_alloc : memref<!tpu.dma_semaphore, #tpu.memory_space<semaphore_mem>>
      %dma_start3A_199 = arith.constant 0 : i32
      %dma_start3A_200 = tpu.memref_slice %arg13[%run_scoped3A_40, %dma_start3A_199] : memref<16x640xf32, #tpu.memory_space<vmem>> -> memref<1x640xf32, #tpu.memory_space<vmem>>
      %dma_start3A_201 = tpu.memref_squeeze %dma_start3A_200 : memref<1x640xf32, #tpu.memory_space<vmem>> -> memref<640xf32, #tpu.memory_space<vmem>>
      %dma_start3A_202 = tpu.memref_slice %arg22[%run_scoped3A_39, %mul3A_6] : memref<16x10240xf32, #tpu.memory_space<vmem_shared>> -> memref<1x640xf32, #tpu.memory_space<vmem_shared>>
      %dma_start3A_203 = tpu.memref_squeeze %dma_start3A_202 : memref<1x640xf32, #tpu.memory_space<vmem_shared>> -> memref<640xf32, #tpu.memory_space<vmem_shared>>
      %dma_start3A_204 = arith.constant 0 : i32
      %dma_start3A_205 = tpu.memref_slice %arg13[%run_scoped3A_40, %dma_start3A_204] : memref<16x640xf32, #tpu.memory_space<vmem>> -> memref<1x640xf32, #tpu.memory_space<vmem>>
      %dma_start3A_206 = tpu.memref_squeeze %dma_start3A_205 : memref<1x640xf32, #tpu.memory_space<vmem>> -> memref<640xf32, #tpu.memory_space<vmem>>
      %dma_start3A_207 = tpu.memref_slice %arg22[%run_scoped3A_39, %mul3A_6] : memref<16x10240xf32, #tpu.memory_space<vmem_shared>> -> memref<1x640xf32, #tpu.memory_space<vmem_shared>>
      %dma_start3A_208 = tpu.memref_squeeze %dma_start3A_207 : memref<1x640xf32, #tpu.memory_space<vmem_shared>> -> memref<640xf32, #tpu.memory_space<vmem_shared>>
      tpu.enqueue_dma source(%dma_start3A_208 : memref<640xf32, #tpu.memory_space<vmem_shared>>) target(%dma_start3A_206 : memref<640xf32, #tpu.memory_space<vmem>>) target_semaphore(%run_scoped3A_198 : memref<!tpu.dma_semaphore, #tpu.memory_space<semaphore_mem>>)
      %dma_wait3A_209 = arith.constant 0 : i32
      %dma_wait3A_210 = tpu.memref_slice %arg13[%run_scoped3A_40, %dma_wait3A_209] : memref<16x640xf32, #tpu.memory_space<vmem>> -> memref<1x640xf32, #tpu.memory_space<vmem>>
      %dma_wait3A_211 = tpu.memref_squeeze %dma_wait3A_210 : memref<1x640xf32, #tpu.memory_space<vmem>> -> memref<640xf32, #tpu.memory_space<vmem>>
      %dma_wait3A_212 = tpu.memref_slice %arg22[%run_scoped3A_39, %mul3A_6] : memref<16x10240xf32, #tpu.memory_space<vmem_shared>> -> memref<1x640xf32, #tpu.memory_space<vmem_shared>>
      %dma_wait3A_213 = tpu.memref_squeeze %dma_wait3A_212 : memref<1x640xf32, #tpu.memory_space<vmem_shared>> -> memref<640xf32, #tpu.memory_space<vmem_shared>>
      %dma_wait3A_214 = arith.constant 0 : i32
      %dma_wait3A_215 = tpu.memref_slice %arg13[%run_scoped3A_40, %dma_wait3A_214] : memref<16x640xf32, #tpu.memory_space<vmem>> -> memref<1x640xf32, #tpu.memory_space<vmem>>
      %dma_wait3A_216 = tpu.memref_squeeze %dma_wait3A_215 : memref<1x640xf32, #tpu.memory_space<vmem>> -> memref<640xf32, #tpu.memory_space<vmem>>
      %dma_wait3A_217 = tpu.memref_slice %arg22[%run_scoped3A_39, %mul3A_6] : memref<16x10240xf32, #tpu.memory_space<vmem_shared>> -> memref<1x640xf32, #tpu.memory_space<vmem_shared>>
      %dma_wait3A_218 = tpu.memref_squeeze %dma_wait3A_217 : memref<1x640xf32, #tpu.memory_space<vmem_shared>> -> memref<640xf32, #tpu.memory_space<vmem_shared>>
      tpu.wait_dma2 semaphore(%run_scoped3A_198 : memref<!tpu.dma_semaphore, #tpu.memory_space<semaphore_mem>>) src(%dma_wait3A_218 : memref<640xf32, #tpu.memory_space<vmem_shared>>) dst(%dma_wait3A_216 : memref<640xf32, #tpu.memory_space<vmem>>)
      tpu.yield
    }) : () -> ()
    %run_scoped3A_41 = arith.constant 10 : i32
    %run_scoped3A_42 = arith.constant 10 : i32
    "tpu.region"() ({
      %run_scoped3A_198 = tpu.sem_alloc : memref<!tpu.dma_semaphore, #tpu.memory_space<semaphore_mem>>
      %dma_start3A_199 = arith.constant 0 : i32
      %dma_start3A_200 = tpu.memref_slice %arg13[%run_scoped3A_42, %dma_start3A_199] : memref<16x640xf32, #tpu.memory_space<vmem>> -> memref<1x640xf32, #tpu.memory_space<vmem>>
      %dma_start3A_201 = tpu.memref_squeeze %dma_start3A_200 : memref<1x640xf32, #tpu.memory_space<vmem>> -> memref<640xf32, #tpu.memory_space<vmem>>
      %dma_start3A_202 = tpu.memref_slice %arg22[%run_scoped3A_41, %mul3A_6] : memref<16x10240xf32, #tpu.memory_space<vmem_shared>> -> memref<1x640xf32, #tpu.memory_space<vmem_shared>>
      %dma_start3A_203 = tpu.memref_squeeze %dma_start3A_202 : memref<1x640xf32, #tpu.memory_space<vmem_shared>> -> memref<640xf32, #tpu.memory_space<vmem_shared>>
      %dma_start3A_204 = arith.constant 0 : i32
      %dma_start3A_205 = tpu.memref_slice %arg13[%run_scoped3A_42, %dma_start3A_204] : memref<16x640xf32, #tpu.memory_space<vmem>> -> memref<1x640xf32, #tpu.memory_space<vmem>>
      %dma_start3A_206 = tpu.memref_squeeze %dma_start3A_205 : memref<1x640xf32, #tpu.memory_space<vmem>> -> memref<640xf32, #tpu.memory_space<vmem>>
      %dma_start3A_207 = tpu.memref_slice %arg22[%run_scoped3A_41, %mul3A_6] : memref<16x10240xf32, #tpu.memory_space<vmem_shared>> -> memref<1x640xf32, #tpu.memory_space<vmem_shared>>
      %dma_start3A_208 = tpu.memref_squeeze %dma_start3A_207 : memref<1x640xf32, #tpu.memory_space<vmem_shared>> -> memref<640xf32, #tpu.memory_space<vmem_shared>>
      tpu.enqueue_dma source(%dma_start3A_208 : memref<640xf32, #tpu.memory_space<vmem_shared>>) target(%dma_start3A_206 : memref<640xf32, #tpu.memory_space<vmem>>) target_semaphore(%run_scoped3A_198 : memref<!tpu.dma_semaphore, #tpu.memory_space<semaphore_mem>>)
      %dma_wait3A_209 = arith.constant 0 : i32
      %dma_wait3A_210 = tpu.memref_slice %arg13[%run_scoped3A_42, %dma_wait3A_209] : memref<16x640xf32, #tpu.memory_space<vmem>> -> memref<1x640xf32, #tpu.memory_space<vmem>>
      %dma_wait3A_211 = tpu.memref_squeeze %dma_wait3A_210 : memref<1x640xf32, #tpu.memory_space<vmem>> -> memref<640xf32, #tpu.memory_space<vmem>>
      %dma_wait3A_212 = tpu.memref_slice %arg22[%run_scoped3A_41, %mul3A_6] : memref<16x10240xf32, #tpu.memory_space<vmem_shared>> -> memref<1x640xf32, #tpu.memory_space<vmem_shared>>
      %dma_wait3A_213 = tpu.memref_squeeze %dma_wait3A_212 : memref<1x640xf32, #tpu.memory_space<vmem_shared>> -> memref<640xf32, #tpu.memory_space<vmem_shared>>
      %dma_wait3A_214 = arith.constant 0 : i32
      %dma_wait3A_215 = tpu.memref_slice %arg13[%run_scoped3A_42, %dma_wait3A_214] : memref<16x640xf32, #tpu.memory_space<vmem>> -> memref<1x640xf32, #tpu.memory_space<vmem>>
      %dma_wait3A_216 = tpu.memref_squeeze %dma_wait3A_215 : memref<1x640xf32, #tpu.memory_space<vmem>> -> memref<640xf32, #tpu.memory_space<vmem>>
      %dma_wait3A_217 = tpu.memref_slice %arg22[%run_scoped3A_41, %mul3A_6] : memref<16x10240xf32, #tpu.memory_space<vmem_shared>> -> memref<1x640xf32, #tpu.memory_space<vmem_shared>>
      %dma_wait3A_218 = tpu.memref_squeeze %dma_wait3A_217 : memref<1x640xf32, #tpu.memory_space<vmem_shared>> -> memref<640xf32, #tpu.memory_space<vmem_shared>>
      tpu.wait_dma2 semaphore(%run_scoped3A_198 : memref<!tpu.dma_semaphore, #tpu.memory_space<semaphore_mem>>) src(%dma_wait3A_218 : memref<640xf32, #tpu.memory_space<vmem_shared>>) dst(%dma_wait3A_216 : memref<640xf32, #tpu.memory_space<vmem>>)
      tpu.yield
    }) : () -> ()
    %run_scoped3A_43 = arith.constant 11 : i32
    %run_scoped3A_44 = arith.constant 11 : i32
    "tpu.region"() ({
      %run_scoped3A_198 = tpu.sem_alloc : memref<!tpu.dma_semaphore, #tpu.memory_space<semaphore_mem>>
      %dma_start3A_199 = arith.constant 0 : i32
      %dma_start3A_200 = tpu.memref_slice %arg13[%run_scoped3A_44, %dma_start3A_199] : memref<16x640xf32, #tpu.memory_space<vmem>> -> memref<1x640xf32, #tpu.memory_space<vmem>>
      %dma_start3A_201 = tpu.memref_squeeze %dma_start3A_200 : memref<1x640xf32, #tpu.memory_space<vmem>> -> memref<640xf32, #tpu.memory_space<vmem>>
      %dma_start3A_202 = tpu.memref_slice %arg22[%run_scoped3A_43, %mul3A_6] : memref<16x10240xf32, #tpu.memory_space<vmem_shared>> -> memref<1x640xf32, #tpu.memory_space<vmem_shared>>
      %dma_start3A_203 = tpu.memref_squeeze %dma_start3A_202 : memref<1x640xf32, #tpu.memory_space<vmem_shared>> -> memref<640xf32, #tpu.memory_space<vmem_shared>>
      %dma_start3A_204 = arith.constant 0 : i32
      %dma_start3A_205 = tpu.memref_slice %arg13[%run_scoped3A_44, %dma_start3A_204] : memref<16x640xf32, #tpu.memory_space<vmem>> -> memref<1x640xf32, #tpu.memory_space<vmem>>
      %dma_start3A_206 = tpu.memref_squeeze %dma_start3A_205 : memref<1x640xf32, #tpu.memory_space<vmem>> -> memref<640xf32, #tpu.memory_space<vmem>>
      %dma_start3A_207 = tpu.memref_slice %arg22[%run_scoped3A_43, %mul3A_6] : memref<16x10240xf32, #tpu.memory_space<vmem_shared>> -> memref<1x640xf32, #tpu.memory_space<vmem_shared>>
      %dma_start3A_208 = tpu.memref_squeeze %dma_start3A_207 : memref<1x640xf32, #tpu.memory_space<vmem_shared>> -> memref<640xf32, #tpu.memory_space<vmem_shared>>
      tpu.enqueue_dma source(%dma_start3A_208 : memref<640xf32, #tpu.memory_space<vmem_shared>>) target(%dma_start3A_206 : memref<640xf32, #tpu.memory_space<vmem>>) target_semaphore(%run_scoped3A_198 : memref<!tpu.dma_semaphore, #tpu.memory_space<semaphore_mem>>)
      %dma_wait3A_209 = arith.constant 0 : i32
      %dma_wait3A_210 = tpu.memref_slice %arg13[%run_scoped3A_44, %dma_wait3A_209] : memref<16x640xf32, #tpu.memory_space<vmem>> -> memref<1x640xf32, #tpu.memory_space<vmem>>
      %dma_wait3A_211 = tpu.memref_squeeze %dma_wait3A_210 : memref<1x640xf32, #tpu.memory_space<vmem>> -> memref<640xf32, #tpu.memory_space<vmem>>
      %dma_wait3A_212 = tpu.memref_slice %arg22[%run_scoped3A_43, %mul3A_6] : memref<16x10240xf32, #tpu.memory_space<vmem_shared>> -> memref<1x640xf32, #tpu.memory_space<vmem_shared>>
      %dma_wait3A_213 = tpu.memref_squeeze %dma_wait3A_212 : memref<1x640xf32, #tpu.memory_space<vmem_shared>> -> memref<640xf32, #tpu.memory_space<vmem_shared>>
      %dma_wait3A_214 = arith.constant 0 : i32
      %dma_wait3A_215 = tpu.memref_slice %arg13[%run_scoped3A_44, %dma_wait3A_214] : memref<16x640xf32, #tpu.memory_space<vmem>> -> memref<1x640xf32, #tpu.memory_space<vmem>>
      %dma_wait3A_216 = tpu.memref_squeeze %dma_wait3A_215 : memref<1x640xf32, #tpu.memory_space<vmem>> -> memref<640xf32, #tpu.memory_space<vmem>>
      %dma_wait3A_217 = tpu.memref_slice %arg22[%run_scoped3A_43, %mul3A_6] : memref<16x10240xf32, #tpu.memory_space<vmem_shared>> -> memref<1x640xf32, #tpu.memory_space<vmem_shared>>
      %dma_wait3A_218 = tpu.memref_squeeze %dma_wait3A_217 : memref<1x640xf32, #tpu.memory_space<vmem_shared>> -> memref<640xf32, #tpu.memory_space<vmem_shared>>
      tpu.wait_dma2 semaphore(%run_scoped3A_198 : memref<!tpu.dma_semaphore, #tpu.memory_space<semaphore_mem>>) src(%dma_wait3A_218 : memref<640xf32, #tpu.memory_space<vmem_shared>>) dst(%dma_wait3A_216 : memref<640xf32, #tpu.memory_space<vmem>>)
      tpu.yield
    }) : () -> ()
    %run_scoped3A_45 = arith.constant 12 : i32
    %run_scoped3A_46 = arith.constant 12 : i32
    "tpu.region"() ({
      %run_scoped3A_198 = tpu.sem_alloc : memref<!tpu.dma_semaphore, #tpu.memory_space<semaphore_mem>>
      %dma_start3A_199 = arith.constant 0 : i32
      %dma_start3A_200 = tpu.memref_slice %arg13[%run_scoped3A_46, %dma_start3A_199] : memref<16x640xf32, #tpu.memory_space<vmem>> -> memref<1x640xf32, #tpu.memory_space<vmem>>
      %dma_start3A_201 = tpu.memref_squeeze %dma_start3A_200 : memref<1x640xf32, #tpu.memory_space<vmem>> -> memref<640xf32, #tpu.memory_space<vmem>>
      %dma_start3A_202 = tpu.memref_slice %arg22[%run_scoped3A_45, %mul3A_6] : memref<16x10240xf32, #tpu.memory_space<vmem_shared>> -> memref<1x640xf32, #tpu.memory_space<vmem_shared>>
      %dma_start3A_203 = tpu.memref_squeeze %dma_start3A_202 : memref<1x640xf32, #tpu.memory_space<vmem_shared>> -> memref<640xf32, #tpu.memory_space<vmem_shared>>
      %dma_start3A_204 = arith.constant 0 : i32
      %dma_start3A_205 = tpu.memref_slice %arg13[%run_scoped3A_46, %dma_start3A_204] : memref<16x640xf32, #tpu.memory_space<vmem>> -> memref<1x640xf32, #tpu.memory_space<vmem>>
      %dma_start3A_206 = tpu.memref_squeeze %dma_start3A_205 : memref<1x640xf32, #tpu.memory_space<vmem>> -> memref<640xf32, #tpu.memory_space<vmem>>
      %dma_start3A_207 = tpu.memref_slice %arg22[%run_scoped3A_45, %mul3A_6] : memref<16x10240xf32, #tpu.memory_space<vmem_shared>> -> memref<1x640xf32, #tpu.memory_space<vmem_shared>>
      %dma_start3A_208 = tpu.memref_squeeze %dma_start3A_207 : memref<1x640xf32, #tpu.memory_space<vmem_shared>> -> memref<640xf32, #tpu.memory_space<vmem_shared>>
      tpu.enqueue_dma source(%dma_start3A_208 : memref<640xf32, #tpu.memory_space<vmem_shared>>) target(%dma_start3A_206 : memref<640xf32, #tpu.memory_space<vmem>>) target_semaphore(%run_scoped3A_198 : memref<!tpu.dma_semaphore, #tpu.memory_space<semaphore_mem>>)
      %dma_wait3A_209 = arith.constant 0 : i32
      %dma_wait3A_210 = tpu.memref_slice %arg13[%run_scoped3A_46, %dma_wait3A_209] : memref<16x640xf32, #tpu.memory_space<vmem>> -> memref<1x640xf32, #tpu.memory_space<vmem>>
      %dma_wait3A_211 = tpu.memref_squeeze %dma_wait3A_210 : memref<1x640xf32, #tpu.memory_space<vmem>> -> memref<640xf32, #tpu.memory_space<vmem>>
      %dma_wait3A_212 = tpu.memref_slice %arg22[%run_scoped3A_45, %mul3A_6] : memref<16x10240xf32, #tpu.memory_space<vmem_shared>> -> memref<1x640xf32, #tpu.memory_space<vmem_shared>>
      %dma_wait3A_213 = tpu.memref_squeeze %dma_wait3A_212 : memref<1x640xf32, #tpu.memory_space<vmem_shared>> -> memref<640xf32, #tpu.memory_space<vmem_shared>>
      %dma_wait3A_214 = arith.constant 0 : i32
      %dma_wait3A_215 = tpu.memref_slice %arg13[%run_scoped3A_46, %dma_wait3A_214] : memref<16x640xf32, #tpu.memory_space<vmem>> -> memref<1x640xf32, #tpu.memory_space<vmem>>
      %dma_wait3A_216 = tpu.memref_squeeze %dma_wait3A_215 : memref<1x640xf32, #tpu.memory_space<vmem>> -> memref<640xf32, #tpu.memory_space<vmem>>
      %dma_wait3A_217 = tpu.memref_slice %arg22[%run_scoped3A_45, %mul3A_6] : memref<16x10240xf32, #tpu.memory_space<vmem_shared>> -> memref<1x640xf32, #tpu.memory_space<vmem_shared>>
      %dma_wait3A_218 = tpu.memref_squeeze %dma_wait3A_217 : memref<1x640xf32, #tpu.memory_space<vmem_shared>> -> memref<640xf32, #tpu.memory_space<vmem_shared>>
      tpu.wait_dma2 semaphore(%run_scoped3A_198 : memref<!tpu.dma_semaphore, #tpu.memory_space<semaphore_mem>>) src(%dma_wait3A_218 : memref<640xf32, #tpu.memory_space<vmem_shared>>) dst(%dma_wait3A_216 : memref<640xf32, #tpu.memory_space<vmem>>)
      tpu.yield
    }) : () -> ()
    %run_scoped3A_47 = arith.constant 13 : i32
    %run_scoped3A_48 = arith.constant 13 : i32
    "tpu.region"() ({
      %run_scoped3A_198 = tpu.sem_alloc : memref<!tpu.dma_semaphore, #tpu.memory_space<semaphore_mem>>
      %dma_start3A_199 = arith.constant 0 : i32
      %dma_start3A_200 = tpu.memref_slice %arg13[%run_scoped3A_48, %dma_start3A_199] : memref<16x640xf32, #tpu.memory_space<vmem>> -> memref<1x640xf32, #tpu.memory_space<vmem>>
      %dma_start3A_201 = tpu.memref_squeeze %dma_start3A_200 : memref<1x640xf32, #tpu.memory_space<vmem>> -> memref<640xf32, #tpu.memory_space<vmem>>
      %dma_start3A_202 = tpu.memref_slice %arg22[%run_scoped3A_47, %mul3A_6] : memref<16x10240xf32, #tpu.memory_space<vmem_shared>> -> memref<1x640xf32, #tpu.memory_space<vmem_shared>>
      %dma_start3A_203 = tpu.memref_squeeze %dma_start3A_202 : memref<1x640xf32, #tpu.memory_space<vmem_shared>> -> memref<640xf32, #tpu.memory_space<vmem_shared>>
      %dma_start3A_204 = arith.constant 0 : i32
      %dma_start3A_205 = tpu.memref_slice %arg13[%run_scoped3A_48, %dma_start3A_204] : memref<16x640xf32, #tpu.memory_space<vmem>> -> memref<1x640xf32, #tpu.memory_space<vmem>>
      %dma_start3A_206 = tpu.memref_squeeze %dma_start3A_205 : memref<1x640xf32, #tpu.memory_space<vmem>> -> memref<640xf32, #tpu.memory_space<vmem>>
      %dma_start3A_207 = tpu.memref_slice %arg22[%run_scoped3A_47, %mul3A_6] : memref<16x10240xf32, #tpu.memory_space<vmem_shared>> -> memref<1x640xf32, #tpu.memory_space<vmem_shared>>
      %dma_start3A_208 = tpu.memref_squeeze %dma_start3A_207 : memref<1x640xf32, #tpu.memory_space<vmem_shared>> -> memref<640xf32, #tpu.memory_space<vmem_shared>>
      tpu.enqueue_dma source(%dma_start3A_208 : memref<640xf32, #tpu.memory_space<vmem_shared>>) target(%dma_start3A_206 : memref<640xf32, #tpu.memory_space<vmem>>) target_semaphore(%run_scoped3A_198 : memref<!tpu.dma_semaphore, #tpu.memory_space<semaphore_mem>>)
      %dma_wait3A_209 = arith.constant 0 : i32
      %dma_wait3A_210 = tpu.memref_slice %arg13[%run_scoped3A_48, %dma_wait3A_209] : memref<16x640xf32, #tpu.memory_space<vmem>> -> memref<1x640xf32, #tpu.memory_space<vmem>>
      %dma_wait3A_211 = tpu.memref_squeeze %dma_wait3A_210 : memref<1x640xf32, #tpu.memory_space<vmem>> -> memref<640xf32, #tpu.memory_space<vmem>>
      %dma_wait3A_212 = tpu.memref_slice %arg22[%run_scoped3A_47, %mul3A_6] : memref<16x10240xf32, #tpu.memory_space<vmem_shared>> -> memref<1x640xf32, #tpu.memory_space<vmem_shared>>
      %dma_wait3A_213 = tpu.memref_squeeze %dma_wait3A_212 : memref<1x640xf32, #tpu.memory_space<vmem_shared>> -> memref<640xf32, #tpu.memory_space<vmem_shared>>
      %dma_wait3A_214 = arith.constant 0 : i32
      %dma_wait3A_215 = tpu.memref_slice %arg13[%run_scoped3A_48, %dma_wait3A_214] : memref<16x640xf32, #tpu.memory_space<vmem>> -> memref<1x640xf32, #tpu.memory_space<vmem>>
      %dma_wait3A_216 = tpu.memref_squeeze %dma_wait3A_215 : memref<1x640xf32, #tpu.memory_space<vmem>> -> memref<640xf32, #tpu.memory_space<vmem>>
      %dma_wait3A_217 = tpu.memref_slice %arg22[%run_scoped3A_47, %mul3A_6] : memref<16x10240xf32, #tpu.memory_space<vmem_shared>> -> memref<1x640xf32, #tpu.memory_space<vmem_shared>>
      %dma_wait3A_218 = tpu.memref_squeeze %dma_wait3A_217 : memref<1x640xf32, #tpu.memory_space<vmem_shared>> -> memref<640xf32, #tpu.memory_space<vmem_shared>>
      tpu.wait_dma2 semaphore(%run_scoped3A_198 : memref<!tpu.dma_semaphore, #tpu.memory_space<semaphore_mem>>) src(%dma_wait3A_218 : memref<640xf32, #tpu.memory_space<vmem_shared>>) dst(%dma_wait3A_216 : memref<640xf32, #tpu.memory_space<vmem>>)
      tpu.yield
    }) : () -> ()
    %run_scoped3A_49 = arith.constant 14 : i32
    %run_scoped3A_50 = arith.constant 14 : i32
    "tpu.region"() ({
      %run_scoped3A_198 = tpu.sem_alloc : memref<!tpu.dma_semaphore, #tpu.memory_space<semaphore_mem>>
      %dma_start3A_199 = arith.constant 0 : i32
      %dma_start3A_200 = tpu.memref_slice %arg13[%run_scoped3A_50, %dma_start3A_199] : memref<16x640xf32, #tpu.memory_space<vmem>> -> memref<1x640xf32, #tpu.memory_space<vmem>>
      %dma_start3A_201 = tpu.memref_squeeze %dma_start3A_200 : memref<1x640xf32, #tpu.memory_space<vmem>> -> memref<640xf32, #tpu.memory_space<vmem>>
      %dma_start3A_202 = tpu.memref_slice %arg22[%run_scoped3A_49, %mul3A_6] : memref<16x10240xf32, #tpu.memory_space<vmem_shared>> -> memref<1x640xf32, #tpu.memory_space<vmem_shared>>
      %dma_start3A_203 = tpu.memref_squeeze %dma_start3A_202 : memref<1x640xf32, #tpu.memory_space<vmem_shared>> -> memref<640xf32, #tpu.memory_space<vmem_shared>>
      %dma_start3A_204 = arith.constant 0 : i32
      %dma_start3A_205 = tpu.memref_slice %arg13[%run_scoped3A_50, %dma_start3A_204] : memref<16x640xf32, #tpu.memory_space<vmem>> -> memref<1x640xf32, #tpu.memory_space<vmem>>
      %dma_start3A_206 = tpu.memref_squeeze %dma_start3A_205 : memref<1x640xf32, #tpu.memory_space<vmem>> -> memref<640xf32, #tpu.memory_space<vmem>>
      %dma_start3A_207 = tpu.memref_slice %arg22[%run_scoped3A_49, %mul3A_6] : memref<16x10240xf32, #tpu.memory_space<vmem_shared>> -> memref<1x640xf32, #tpu.memory_space<vmem_shared>>
      %dma_start3A_208 = tpu.memref_squeeze %dma_start3A_207 : memref<1x640xf32, #tpu.memory_space<vmem_shared>> -> memref<640xf32, #tpu.memory_space<vmem_shared>>
      tpu.enqueue_dma source(%dma_start3A_208 : memref<640xf32, #tpu.memory_space<vmem_shared>>) target(%dma_start3A_206 : memref<640xf32, #tpu.memory_space<vmem>>) target_semaphore(%run_scoped3A_198 : memref<!tpu.dma_semaphore, #tpu.memory_space<semaphore_mem>>)
      %dma_wait3A_209 = arith.constant 0 : i32
      %dma_wait3A_210 = tpu.memref_slice %arg13[%run_scoped3A_50, %dma_wait3A_209] : memref<16x640xf32, #tpu.memory_space<vmem>> -> memref<1x640xf32, #tpu.memory_space<vmem>>
      %dma_wait3A_211 = tpu.memref_squeeze %dma_wait3A_210 : memref<1x640xf32, #tpu.memory_space<vmem>> -> memref<640xf32, #tpu.memory_space<vmem>>
      %dma_wait3A_212 = tpu.memref_slice %arg22[%run_scoped3A_49, %mul3A_6] : memref<16x10240xf32, #tpu.memory_space<vmem_shared>> -> memref<1x640xf32, #tpu.memory_space<vmem_shared>>
      %dma_wait3A_213 = tpu.memref_squeeze %dma_wait3A_212 : memref<1x640xf32, #tpu.memory_space<vmem_shared>> -> memref<640xf32, #tpu.memory_space<vmem_shared>>
      %dma_wait3A_214 = arith.constant 0 : i32
      %dma_wait3A_215 = tpu.memref_slice %arg13[%run_scoped3A_50, %dma_wait3A_214] : memref<16x640xf32, #tpu.memory_space<vmem>> -> memref<1x640xf32, #tpu.memory_space<vmem>>
      %dma_wait3A_216 = tpu.memref_squeeze %dma_wait3A_215 : memref<1x640xf32, #tpu.memory_space<vmem>> -> memref<640xf32, #tpu.memory_space<vmem>>
      %dma_wait3A_217 = tpu.memref_slice %arg22[%run_scoped3A_49, %mul3A_6] : memref<16x10240xf32, #tpu.memory_space<vmem_shared>> -> memref<1x640xf32, #tpu.memory_space<vmem_shared>>
      %dma_wait3A_218 = tpu.memref_squeeze %dma_wait3A_217 : memref<1x640xf32, #tpu.memory_space<vmem_shared>> -> memref<640xf32, #tpu.memory_space<vmem_shared>>
      tpu.wait_dma2 semaphore(%run_scoped3A_198 : memref<!tpu.dma_semaphore, #tpu.memory_space<semaphore_mem>>) src(%dma_wait3A_218 : memref<640xf32, #tpu.memory_space<vmem_shared>>) dst(%dma_wait3A_216 : memref<640xf32, #tpu.memory_space<vmem>>)
      tpu.yield
    }) : () -> ()
    %run_scoped3A_51 = arith.constant 15 : i32
    %run_scoped3A_52 = arith.constant 15 : i32
    "tpu.region"() ({
      %run_scoped3A_198 = tpu.sem_alloc : memref<!tpu.dma_semaphore, #tpu.memory_space<semaphore_mem>>
      %dma_start3A_199 = arith.constant 0 : i32
      %dma_start3A_200 = tpu.memref_slice %arg13[%run_scoped3A_52, %dma_start3A_199] : memref<16x640xf32, #tpu.memory_space<vmem>> -> memref<1x640xf32, #tpu.memory_space<vmem>>
      %dma_start3A_201 = tpu.memref_squeeze %dma_start3A_200 : memref<1x640xf32, #tpu.memory_space<vmem>> -> memref<640xf32, #tpu.memory_space<vmem>>
      %dma_start3A_202 = tpu.memref_slice %arg22[%run_scoped3A_51, %mul3A_6] : memref<16x10240xf32, #tpu.memory_space<vmem_shared>> -> memref<1x640xf32, #tpu.memory_space<vmem_shared>>
      %dma_start3A_203 = tpu.memref_squeeze %dma_start3A_202 : memref<1x640xf32, #tpu.memory_space<vmem_shared>> -> memref<640xf32, #tpu.memory_space<vmem_shared>>
      %dma_start3A_204 = arith.constant 0 : i32
      %dma_start3A_205 = tpu.memref_slice %arg13[%run_scoped3A_52, %dma_start3A_204] : memref<16x640xf32, #tpu.memory_space<vmem>> -> memref<1x640xf32, #tpu.memory_space<vmem>>
      %dma_start3A_206 = tpu.memref_squeeze %dma_start3A_205 : memref<1x640xf32, #tpu.memory_space<vmem>> -> memref<640xf32, #tpu.memory_space<vmem>>
      %dma_start3A_207 = tpu.memref_slice %arg22[%run_scoped3A_51, %mul3A_6] : memref<16x10240xf32, #tpu.memory_space<vmem_shared>> -> memref<1x640xf32, #tpu.memory_space<vmem_shared>>
      %dma_start3A_208 = tpu.memref_squeeze %dma_start3A_207 : memref<1x640xf32, #tpu.memory_space<vmem_shared>> -> memref<640xf32, #tpu.memory_space<vmem_shared>>
      tpu.enqueue_dma source(%dma_start3A_208 : memref<640xf32, #tpu.memory_space<vmem_shared>>) target(%dma_start3A_206 : memref<640xf32, #tpu.memory_space<vmem>>) target_semaphore(%run_scoped3A_198 : memref<!tpu.dma_semaphore, #tpu.memory_space<semaphore_mem>>)
      %dma_wait3A_209 = arith.constant 0 : i32
      %dma_wait3A_210 = tpu.memref_slice %arg13[%run_scoped3A_52, %dma_wait3A_209] : memref<16x640xf32, #tpu.memory_space<vmem>> -> memref<1x640xf32, #tpu.memory_space<vmem>>
      %dma_wait3A_211 = tpu.memref_squeeze %dma_wait3A_210 : memref<1x640xf32, #tpu.memory_space<vmem>> -> memref<640xf32, #tpu.memory_space<vmem>>
      %dma_wait3A_212 = tpu.memref_slice %arg22[%run_scoped3A_51, %mul3A_6] : memref<16x10240xf32, #tpu.memory_space<vmem_shared>> -> memref<1x640xf32, #tpu.memory_space<vmem_shared>>
      %dma_wait3A_213 = tpu.memref_squeeze %dma_wait3A_212 : memref<1x640xf32, #tpu.memory_space<vmem_shared>> -> memref<640xf32, #tpu.memory_space<vmem_shared>>
      %dma_wait3A_214 = arith.constant 0 : i32
      %dma_wait3A_215 = tpu.memref_slice %arg13[%run_scoped3A_52, %dma_wait3A_214] : memref<16x640xf32, #tpu.memory_space<vmem>> -> memref<1x640xf32, #tpu.memory_space<vmem>>
      %dma_wait3A_216 = tpu.memref_squeeze %dma_wait3A_215 : memref<1x640xf32, #tpu.memory_space<vmem>> -> memref<640xf32, #tpu.memory_space<vmem>>
      %dma_wait3A_217 = tpu.memref_slice %arg22[%run_scoped3A_51, %mul3A_6] : memref<16x10240xf32, #tpu.memory_space<vmem_shared>> -> memref<1x640xf32, #tpu.memory_space<vmem_shared>>
      %dma_wait3A_218 = tpu.memref_squeeze %dma_wait3A_217 : memref<1x640xf32, #tpu.memory_space<vmem_shared>> -> memref<640xf32, #tpu.memory_space<vmem_shared>>
      tpu.wait_dma2 semaphore(%run_scoped3A_198 : memref<!tpu.dma_semaphore, #tpu.memory_space<semaphore_mem>>) src(%dma_wait3A_218 : memref<640xf32, #tpu.memory_space<vmem_shared>>) dst(%dma_wait3A_216 : memref<640xf32, #tpu.memory_space<vmem>>)
      tpu.yield
    }) : () -> ()
    %scan3A_53 = arith.constant 0 : i32
    %scan3A_54 = arith.constant 0 : i32
    %scan3A_55 = arith.constant 40 : i32
    %scan3A_56 = arith.addi %scan3A_54, %scan3A_55 : i32
    %scan3A_57 = arith.constant 1 : i32
    scf.for %scan3A_198 = %scan3A_54 to %scan3A_56 step %scan3A_57  : i32 {
      %mul3A_199 = arith.constant 16 : i32
      %mul3A_200 = arith.muli %scan3A_198, %mul3A_199 : i32
      %get3A = arith.constant 0 : i32
      %get3A_201 = arith.index_cast %get3A : i32 to index
      %get3A_202 = arith.index_cast %mul3A_200 : i32 to index
      %get3A_203 = tpu.vector_load %arg13[%get3A_201, %get3A_202] {strides = array<i32>} : memref<16x640xf32, #tpu.memory_space<vmem>>, vector<16xf32>,
      %mul3A_204 = arith.constant 16 : i32
      %mul3A_205 = arith.muli %scan3A_198, %mul3A_204 : i32
      %get3A_206 = arith.constant 1 : i32
      %get3A_207 = arith.index_cast %get3A_206 : i32 to index
      %get3A_208 = arith.index_cast %mul3A_205 : i32 to index
      %get3A_209 = tpu.vector_load %arg13[%get3A_207, %get3A_208] {strides = array<i32>} : memref<16x640xf32, #tpu.memory_space<vmem>>, vector<16xf32>,
      %add3A_210 = arith.addf %get3A_203, %get3A_209 : vector<16xf32>
      %mul3A_211 = arith.constant 16 : i32
      %mul3A_212 = arith.muli %scan3A_198, %mul3A_211 : i32
      %get3A_213 = arith.constant 2 : i32
      %get3A_214 = arith.index_cast %get3A_213 : i32 to index
      %get3A_215 = arith.index_cast %mul3A_212 : i32 to index
      %get3A_216 = tpu.vector_load %arg13[%get3A_214, %get3A_215] {strides = array<i32>} : memref<16x640xf32, #tpu.memory_space<vmem>>, vector<16xf32>,
      %add3A_217 = arith.addf %add3A_210, %get3A_216 : vector<16xf32>
      %mul3A_218 = arith.constant 16 : i32
      %mul3A_219 = arith.muli %scan3A_198, %mul3A_218 : i32
      %get3A_220 = arith.constant 3 : i32
      %get3A_221 = arith.index_cast %get3A_220 : i32 to index
      %get3A_222 = arith.index_cast %mul3A_219 : i32 to index
      %get3A_223 = tpu.vector_load %arg13[%get3A_221, %get3A_222] {strides = array<i32>} : memref<16x640xf32, #tpu.memory_space<vmem>>, vector<16xf32>,
      %add3A_224 = arith.addf %add3A_217, %get3A_223 : vector<16xf32>
      %mul3A_225 = arith.constant 16 : i32
      %mul3A_226 = arith.muli %scan3A_198, %mul3A_225 : i32
      %get3A_227 = arith.constant 4 : i32
      %get3A_228 = arith.index_cast %get3A_227 : i32 to index
      %get3A_229 = arith.index_cast %mul3A_226 : i32 to index
      %get3A_230 = tpu.vector_load %arg13[%get3A_228, %get3A_229] {strides = array<i32>} : memref<16x640xf32, #tpu.memory_space<vmem>>, vector<16xf32>,
      %add3A_231 = arith.addf %add3A_224, %get3A_230 : vector<16xf32>
      %mul3A_232 = arith.constant 16 : i32
      %mul3A_233 = arith.muli %scan3A_198, %mul3A_232 : i32
      %get3A_234 = arith.constant 5 : i32
      %get3A_235 = arith.index_cast %get3A_234 : i32 to index
      %get3A_236 = arith.index_cast %mul3A_233 : i32 to index
      %get3A_237 = tpu.vector_load %arg13[%get3A_235, %get3A_236] {strides = array<i32>} : memref<16x640xf32, #tpu.memory_space<vmem>>, vector<16xf32>,
      %add3A_238 = arith.addf %add3A_231, %get3A_237 : vector<16xf32>
      %mul3A_239 = arith.constant 16 : i32
      %mul3A_240 = arith.muli %scan3A_198, %mul3A_239 : i32
      %get3A_241 = arith.constant 6 : i32
      %get3A_242 = arith.index_cast %get3A_241 : i32 to index
      %get3A_243 = arith.index_cast %mul3A_240 : i32 to index
      %get3A_244 = tpu.vector_load %arg13[%get3A_242, %get3A_243] {strides = array<i32>} : memref<16x640xf32, #tpu.memory_space<vmem>>, vector<16xf32>,
      %add3A_245 = arith.addf %add3A_238, %get3A_244 : vector<16xf32>
      %mul3A_246 = arith.constant 16 : i32
      %mul3A_247 = arith.muli %scan3A_198, %mul3A_246 : i32
      %get3A_248 = arith.constant 7 : i32
      %get3A_249 = arith.index_cast %get3A_248 : i32 to index
      %get3A_250 = arith.index_cast %mul3A_247 : i32 to index
      %get3A_251 = tpu.vector_load %arg13[%get3A_249, %get3A_250] {strides = array<i32>} : memref<16x640xf32, #tpu.memory_space<vmem>>, vector<16xf32>,
      %add3A_252 = arith.addf %add3A_245, %get3A_251 : vector<16xf32>
      %mul3A_253 = arith.constant 16 : i32
      %mul3A_254 = arith.muli %scan3A_198, %mul3A_253 : i32
      %get3A_255 = arith.constant 8 : i32
      %get3A_256 = arith.index_cast %get3A_255 : i32 to index
      %get3A_257 = arith.index_cast %mul3A_254 : i32 to index
      %get3A_258 = tpu.vector_load %arg13[%get3A_256, %get3A_257] {strides = array<i32>} : memref<16x640xf32, #tpu.memory_space<vmem>>, vector<16xf32>,
      %add3A_259 = arith.addf %add3A_252, %get3A_258 : vector<16xf32>
      %mul3A_260 = arith.constant 16 : i32
      %mul3A_261 = arith.muli %scan3A_198, %mul3A_260 : i32
      %get3A_262 = arith.constant 9 : i32
      %get3A_263 = arith.index_cast %get3A_262 : i32 to index
      %get3A_264 = arith.index_cast %mul3A_261 : i32 to index
      %get3A_265 = tpu.vector_load %arg13[%get3A_263, %get3A_264] {strides = array<i32>} : memref<16x640xf32, #tpu.memory_space<vmem>>, vector<16xf32>,
      %add3A_266 = arith.addf %add3A_259, %get3A_265 : vector<16xf32>
      %mul3A_267 = arith.constant 16 : i32
      %mul3A_268 = arith.muli %scan3A_198, %mul3A_267 : i32
      %get3A_269 = arith.constant 10 : i32
      %get3A_270 = arith.index_cast %get3A_269 : i32 to index
      %get3A_271 = arith.index_cast %mul3A_268 : i32 to index
      %get3A_272 = tpu.vector_load %arg13[%get3A_270, %get3A_271] {strides = array<i32>} : memref<16x640xf32, #tpu.memory_space<vmem>>, vector<16xf32>,
      %add3A_273 = arith.addf %add3A_266, %get3A_272 : vector<16xf32>
      %mul3A_274 = arith.constant 16 : i32
      %mul3A_275 = arith.muli %scan3A_198, %mul3A_274 : i32
      %get3A_276 = arith.constant 11 : i32
      %get3A_277 = arith.index_cast %get3A_276 : i32 to index
      %get3A_278 = arith.index_cast %mul3A_275 : i32 to index
      %get3A_279 = tpu.vector_load %arg13[%get3A_277, %get3A_278] {strides = array<i32>} : memref<16x640xf32, #tpu.memory_space<vmem>>, vector<16xf32>,
      %add3A_280 = arith.addf %add3A_273, %get3A_279 : vector<16xf32>
      %mul3A_281 = arith.constant 16 : i32
      %mul3A_282 = arith.muli %scan3A_198, %mul3A_281 : i32
      %get3A_283 = arith.constant 12 : i32
      %get3A_284 = arith.index_cast %get3A_283 : i32 to index
      %get3A_285 = arith.index_cast %mul3A_282 : i32 to index
      %get3A_286 = tpu.vector_load %arg13[%get3A_284, %get3A_285] {strides = array<i32>} : memref<16x640xf32, #tpu.memory_space<vmem>>, vector<16xf32>,
      %add3A_287 = arith.addf %add3A_280, %get3A_286 : vector<16xf32>
      %mul3A_288 = arith.constant 16 : i32
      %mul3A_289 = arith.muli %scan3A_198, %mul3A_288 : i32
      %get3A_290 = arith.constant 13 : i32
      %get3A_291 = arith.index_cast %get3A_290 : i32 to index
      %get3A_292 = arith.index_cast %mul3A_289 : i32 to index
      %get3A_293 = tpu.vector_load %arg13[%get3A_291, %get3A_292] {strides = array<i32>} : memref<16x640xf32, #tpu.memory_space<vmem>>, vector<16xf32>,
      %add3A_294 = arith.addf %add3A_287, %get3A_293 : vector<16xf32>
      %mul3A_295 = arith.constant 16 : i32
      %mul3A_296 = arith.muli %scan3A_198, %mul3A_295 : i32
      %get3A_297 = arith.constant 14 : i32
      %get3A_298 = arith.index_cast %get3A_297 : i32 to index
      %get3A_299 = arith.index_cast %mul3A_296 : i32 to index
      %get3A_300 = tpu.vector_load %arg13[%get3A_298, %get3A_299] {strides = array<i32>} : memref<16x640xf32, #tpu.memory_space<vmem>>, vector<16xf32>,
      %add3A_301 = arith.addf %add3A_294, %get3A_300 : vector<16xf32>
      %mul3A_302 = arith.constant 16 : i32
      %mul3A_303 = arith.muli %scan3A_198, %mul3A_302 : i32
      %get3A_304 = arith.constant 15 : i32
      %get3A_305 = arith.index_cast %get3A_304 : i32 to index
      %get3A_306 = arith.index_cast %mul3A_303 : i32 to index
      %get3A_307 = tpu.vector_load %arg13[%get3A_305, %get3A_306] {strides = array<i32>} : memref<16x640xf32, #tpu.memory_space<vmem>>, vector<16xf32>,
      %add3A_308 = arith.addf %add3A_301, %get3A_307 : vector<16xf32>
      %add3A_309 = arith.constant 1.000000e+00 : f32
      %add3A_310 = vector.broadcast %add3A_309 : f32 to vector<16xf32>
      %add3A_311 = arith.addf %add3A_308, %add3A_310 : vector<16xf32>
      %bitcast3A = vector.bitcast %add3A_311 : vector<16xf32> to vector<16xi32>
      %shift_right_logical3A = arith.constant 1 : i32
      %shift_right_logical3A_312 = vector.broadcast %shift_right_logical3A : i32 to vector<16xi32>
      %shift_right_logical3A_313 = arith.shrui %bitcast3A, %shift_right_logical3A_312 : vector<16xi32>
      %sub3A_314 = arith.constant 1597463007 : i32
      %sub3A_315 = vector.broadcast %sub3A_314 : i32 to vector<16xi32>
      %sub3A_316 = arith.subi %sub3A_315, %shift_right_logical3A_313 : vector<16xi32>
      %bitcast3A_317 = vector.bitcast %sub3A_316 : vector<16xi32> to vector<16xf32>
      %mul3A_318 = arith.constant 5.000000e-01 : f32
      %mul3A_319 = vector.broadcast %mul3A_318 : f32 to vector<16xf32>
      %mul3A_320 = arith.mulf %mul3A_319, %add3A_311 : vector<16xf32>
      %mul3A_321 = arith.mulf %mul3A_320, %bitcast3A_317 : vector<16xf32>
      %mul3A_322 = arith.mulf %mul3A_321, %bitcast3A_317 : vector<16xf32>
      %sub3A_323 = arith.constant 1.500000e+00 : f32
      %sub3A_324 = vector.broadcast %sub3A_323 : f32 to vector<16xf32>
      %sub3A_325 = arith.subf %sub3A_324, %mul3A_322 : vector<16xf32>
      %mul3A_326 = arith.mulf %bitcast3A_317, %sub3A_325 : vector<16xf32>
      %mul3A_327 = arith.constant 5.000000e-01 : f32
      %mul3A_328 = vector.broadcast %mul3A_327 : f32 to vector<16xf32>
      %mul3A_329 = arith.mulf %mul3A_328, %add3A_311 : vector<16xf32>
      %mul3A_330 = arith.mulf %mul3A_329, %mul3A_326 : vector<16xf32>
      %mul3A_331 = arith.mulf %mul3A_330, %mul3A_326 : vector<16xf32>
      %sub3A_332 = arith.constant 1.500000e+00 : f32
      %sub3A_333 = vector.broadcast %sub3A_332 : f32 to vector<16xf32>
      %sub3A_334 = arith.subf %sub3A_333, %mul3A_331 : vector<16xf32>
      %mul3A_335 = arith.mulf %mul3A_326, %sub3A_334 : vector<16xf32>
      %mul3A_336 = arith.constant 5.000000e-01 : f32
      %mul3A_337 = vector.broadcast %mul3A_336 : f32 to vector<16xf32>
      %mul3A_338 = arith.mulf %mul3A_337, %add3A_311 : vector<16xf32>
      %mul3A_339 = arith.mulf %mul3A_338, %mul3A_335 : vector<16xf32>
      %mul3A_340 = arith.mulf %mul3A_339, %mul3A_335 : vector<16xf32>
      %sub3A_341 = arith.constant 1.500000e+00 : f32
      %sub3A_342 = vector.broadcast %sub3A_341 : f32 to vector<16xf32>
      %sub3A_343 = arith.subf %sub3A_342, %mul3A_340 : vector<16xf32>
      %mul3A_344 = arith.mulf %mul3A_335, %sub3A_343 : vector<16xf32>
      %mul3A_345 = arith.constant 16 : i32
      %mul3A_346 = arith.muli %scan3A_198, %mul3A_345 : i32
      %swap3A = arith.index_cast %mul3A_346 : i32 to index
      %swap3A_347 = tpu.vector_load %arg15[%swap3A] {strides = array<i32>} : memref<656xf32, #tpu.memory_space<vmem>>, vector<16xf32>,
      tpu.vector_store %arg15[%swap3A], %mul3A_344 {strides = array<i32>} : memref<656xf32, #tpu.memory_space<vmem>>, vector<16xf32>,
    }
    %scan3A_58 = arith.constant 40 : i32
    "tpu.region"() ({
      %run_scoped3A_198 = tpu.sem_alloc : memref<!tpu.dma_semaphore, #tpu.memory_space<semaphore_mem>>
      %dma_start3A_199 = arith.constant 0 : i32
      %dma_start3A_200 = tpu.memref_slice %arg15[%dma_start3A_199] : memref<656xf32, #tpu.memory_space<vmem>> -> memref<640xf32, #tpu.memory_space<vmem>>
      %dma_start3A_201 = tpu.memref_slice %arg8[%mul3A_6] : memref<10240xf32, #tpu.memory_space<hbm>> -> memref<640xf32, #tpu.memory_space<hbm>>
      %dma_start3A_202 = tpu.memref_slice %arg8[%mul3A_6] : memref<10240xf32, #tpu.memory_space<hbm>> -> memref<640xf32, #tpu.memory_space<hbm>>
      %dma_start3A_203 = arith.constant 0 : i32
      %dma_start3A_204 = tpu.memref_slice %arg15[%dma_start3A_203] : memref<656xf32, #tpu.memory_space<vmem>> -> memref<640xf32, #tpu.memory_space<vmem>>
      tpu.enqueue_dma source(%dma_start3A_204 : memref<640xf32, #tpu.memory_space<vmem>>) target(%dma_start3A_202 : memref<640xf32, #tpu.memory_space<hbm>>) target_semaphore(%run_scoped3A_198 : memref<!tpu.dma_semaphore, #tpu.memory_space<semaphore_mem>>)
      %dma_wait3A_205 = arith.constant 0 : i32
      %dma_wait3A_206 = tpu.memref_slice %arg15[%dma_wait3A_205] : memref<656xf32, #tpu.memory_space<vmem>> -> memref<640xf32, #tpu.memory_space<vmem>>
      %dma_wait3A_207 = tpu.memref_slice %arg8[%mul3A_6] : memref<10240xf32, #tpu.memory_space<hbm>> -> memref<640xf32, #tpu.memory_space<hbm>>
      %dma_wait3A_208 = tpu.memref_slice %arg8[%mul3A_6] : memref<10240xf32, #tpu.memory_space<hbm>> -> memref<640xf32, #tpu.memory_space<hbm>>
      %dma_wait3A_209 = arith.constant 0 : i32
      %dma_wait3A_210 = tpu.memref_slice %arg15[%dma_wait3A_209] : memref<656xf32, #tpu.memory_space<vmem>> -> memref<640xf32, #tpu.memory_space<vmem>>
      tpu.wait_dma2 semaphore(%run_scoped3A_198 : memref<!tpu.dma_semaphore, #tpu.memory_space<semaphore_mem>>) src(%dma_wait3A_210 : memref<640xf32, #tpu.memory_space<vmem>>) dst(%dma_wait3A_208 : memref<640xf32, #tpu.memory_space<hbm>>)
      tpu.yield
    }) : () -> ()
    %scan3A_59 = arith.constant 0 : i32
    %scan3A_60 = arith.constant 0 : i32
    %scan3A_61 = arith.constant 160 : i32
    %scan3A_62 = arith.addi %scan3A_60, %scan3A_61 : i32
    %scan3A_63 = arith.constant 1 : i32
    scf.for %scan3A_198 = %scan3A_60 to %scan3A_62 step %scan3A_63  : i32 {
      %mul3A_199 = arith.constant 4 : i32
      %mul3A_200 = arith.muli %scan3A_198, %mul3A_199 : i32
      %add3A_201 = arith.constant 0 : i32
      %add3A_202 = arith.addi %mul3A_200, %add3A_201 : i32
      %get3A = arith.index_cast %add3A_202 : i32 to index
      %get3A_203 = tpu.vector_load %arg15[%get3A] {strides = array<i32>} : memref<656xf32, #tpu.memory_space<vmem>>, vector<16xf32>,
      %get3A_204 = arith.index_cast %add3A_202 : i32 to index
      %get3A_205 = arith.constant 0 : index
      %get3A_206 = tpu.vector_load %arg14[%get3A_204, %get3A_205] {strides = array<i32>} : memref<640x16xf32, #tpu.memory_space<vmem>>, vector<16xf32>,
      %slice3A = vector.extract_strided_slice %get3A_203 {offsets = [0], sizes = [1], strides = [1]} : vector<16xf32> to vector<1xf32>
      %squeeze3A = vector.extract %slice3A[0] : f32 from vector<1xf32>
      %mul3A_207 = vector.broadcast %squeeze3A : f32 to vector<16xf32>
      %mul3A_208 = arith.mulf %get3A_206, %mul3A_207 : vector<16xf32>
      %swap3A = arith.index_cast %add3A_202 : i32 to index
      %swap3A_209 = arith.constant 0 : index
      %swap3A_210 = tpu.vector_load %arg14[%swap3A, %swap3A_209] {strides = array<i32>} : memref<640x16xf32, #tpu.memory_space<vmem>>, vector<16xf32>,
      tpu.vector_store %arg14[%swap3A, %swap3A_209], %mul3A_208 {strides = array<i32>} : memref<640x16xf32, #tpu.memory_space<vmem>>, vector<16xf32>,
      %mul3A_211 = arith.constant 4 : i32
      %mul3A_212 = arith.muli %scan3A_198, %mul3A_211 : i32
      %add3A_213 = arith.constant 1 : i32
      %add3A_214 = arith.addi %mul3A_212, %add3A_213 : i32
      %get3A_215 = arith.index_cast %add3A_214 : i32 to index
      %get3A_216 = tpu.vector_load %arg15[%get3A_215] {strides = array<i32>} : memref<656xf32, #tpu.memory_space<vmem>>, vector<16xf32>,
      %get3A_217 = arith.index_cast %add3A_214 : i32 to index
      %get3A_218 = arith.constant 0 : index
      %get3A_219 = tpu.vector_load %arg14[%get3A_217, %get3A_218] {strides = array<i32>} : memref<640x16xf32, #tpu.memory_space<vmem>>, vector<16xf32>,
      %slice3A_220 = vector.extract_strided_slice %get3A_216 {offsets = [0], sizes = [1], strides = [1]} : vector<16xf32> to vector<1xf32>
      %squeeze3A_221 = vector.extract %slice3A_220[0] : f32 from vector<1xf32>
      %mul3A_222 = vector.broadcast %squeeze3A_221 : f32 to vector<16xf32>
      %mul3A_223 = arith.mulf %get3A_219, %mul3A_222 : vector<16xf32>
      %swap3A_224 = arith.index_cast %add3A_214 : i32 to index
      %swap3A_225 = arith.constant 0 : index
      %swap3A_226 = tpu.vector_load %arg14[%swap3A_224, %swap3A_225] {strides = array<i32>} : memref<640x16xf32, #tpu.memory_space<vmem>>, vector<16xf32>,
      tpu.vector_store %arg14[%swap3A_224, %swap3A_225], %mul3A_223 {strides = array<i32>} : memref<640x16xf32, #tpu.memory_space<vmem>>, vector<16xf32>,
      %mul3A_227 = arith.constant 4 : i32
      %mul3A_228 = arith.muli %scan3A_198, %mul3A_227 : i32
      %add3A_229 = arith.constant 2 : i32
      %add3A_230 = arith.addi %mul3A_228, %add3A_229 : i32
      %get3A_231 = arith.index_cast %add3A_230 : i32 to index
      %get3A_232 = tpu.vector_load %arg15[%get3A_231] {strides = array<i32>} : memref<656xf32, #tpu.memory_space<vmem>>, vector<16xf32>,
      %get3A_233 = arith.index_cast %add3A_230 : i32 to index
      %get3A_234 = arith.constant 0 : index
      %get3A_235 = tpu.vector_load %arg14[%get3A_233, %get3A_234] {strides = array<i32>} : memref<640x16xf32, #tpu.memory_space<vmem>>, vector<16xf32>,
      %slice3A_236 = vector.extract_strided_slice %get3A_232 {offsets = [0], sizes = [1], strides = [1]} : vector<16xf32> to vector<1xf32>
      %squeeze3A_237 = vector.extract %slice3A_236[0] : f32 from vector<1xf32>
      %mul3A_238 = vector.broadcast %squeeze3A_237 : f32 to vector<16xf32>
      %mul3A_239 = arith.mulf %get3A_235, %mul3A_238 : vector<16xf32>
      %swap3A_240 = arith.index_cast %add3A_230 : i32 to index
      %swap3A_241 = arith.constant 0 : index
      %swap3A_242 = tpu.vector_load %arg14[%swap3A_240, %swap3A_241] {strides = array<i32>} : memref<640x16xf32, #tpu.memory_space<vmem>>, vector<16xf32>,
      tpu.vector_store %arg14[%swap3A_240, %swap3A_241], %mul3A_239 {strides = array<i32>} : memref<640x16xf32, #tpu.memory_space<vmem>>, vector<16xf32>,
      %mul3A_243 = arith.constant 4 : i32
      %mul3A_244 = arith.muli %scan3A_198, %mul3A_243 : i32
      %add3A_245 = arith.constant 3 : i32
      %add3A_246 = arith.addi %mul3A_244, %add3A_245 : i32
      %get3A_247 = arith.index_cast %add3A_246 : i32 to index
      %get3A_248 = tpu.vector_load %arg15[%get3A_247] {strides = array<i32>} : memref<656xf32, #tpu.memory_space<vmem>>, vector<16xf32>,
      %get3A_249 = arith.index_cast %add3A_246 : i32 to index
      %get3A_250 = arith.constant 0 : index
      %get3A_251 = tpu.vector_load %arg14[%get3A_249, %get3A_250] {strides = array<i32>} : memref<640x16xf32, #tpu.memory_space<vmem>>, vector<16xf32>,
      %slice3A_252 = vector.extract_strided_slice %get3A_248 {offsets = [0], sizes = [1], strides = [1]} : vector<16xf32> to vector<1xf32>
      %squeeze3A_253 = vector.extract %slice3A_252[0] : f32 from vector<1xf32>
      %mul3A_254 = vector.broadcast %squeeze3A_253 : f32 to vector<16xf32>
      %mul3A_255 = arith.mulf %get3A_251, %mul3A_254 : vector<16xf32>
      %swap3A_256 = arith.index_cast %add3A_246 : i32 to index
      %swap3A_257 = arith.constant 0 : index
      %swap3A_258 = tpu.vector_load %arg14[%swap3A_256, %swap3A_257] {strides = array<i32>} : memref<640x16xf32, #tpu.memory_space<vmem>>, vector<16xf32>,
      tpu.vector_store %arg14[%swap3A_256, %swap3A_257], %mul3A_255 {strides = array<i32>} : memref<640x16xf32, #tpu.memory_space<vmem>>, vector<16xf32>,
    }
    %scan3A_64 = arith.constant 160 : i32
    "tpu.region"() ({
      %run_scoped3A_198 = tpu.sem_alloc : memref<!tpu.dma_semaphore, #tpu.memory_space<semaphore_mem>>
      %dma_start3A_199 = arith.constant 0 : i32
      %dma_start3A_200 = tpu.memref_slice %arg20[%mul3A_6, %dma_start3A_199] : memref<10240x16xf32, #tpu.memory_space<vmem_shared>> -> memref<640x16xf32, #tpu.memory_space<vmem_shared>>
      %dma_start3A_201 = arith.constant 0 : i32
      %dma_start3A_202 = tpu.memref_slice %arg20[%mul3A_6, %dma_start3A_201] : memref<10240x16xf32, #tpu.memory_space<vmem_shared>> -> memref<640x16xf32, #tpu.memory_space<vmem_shared>>
      tpu.enqueue_dma source(%arg14 : memref<640x16xf32, #tpu.memory_space<vmem>>) target(%dma_start3A_202 : memref<640x16xf32, #tpu.memory_space<vmem_shared>>) target_semaphore(%run_scoped3A_198 : memref<!tpu.dma_semaphore, #tpu.memory_space<semaphore_mem>>)
      %dma_wait3A_203 = arith.constant 0 : i32
      %dma_wait3A_204 = tpu.memref_slice %arg20[%mul3A_6, %dma_wait3A_203] : memref<10240x16xf32, #tpu.memory_space<vmem_shared>> -> memref<640x16xf32, #tpu.memory_space<vmem_shared>>
      %dma_wait3A_205 = arith.constant 0 : i32
      %dma_wait3A_206 = tpu.memref_slice %arg20[%mul3A_6, %dma_wait3A_205] : memref<10240x16xf32, #tpu.memory_space<vmem_shared>> -> memref<640x16xf32, #tpu.memory_space<vmem_shared>>
      tpu.wait_dma2 semaphore(%run_scoped3A_198 : memref<!tpu.dma_semaphore, #tpu.memory_space<semaphore_mem>>) src(%arg14 : memref<640x16xf32, #tpu.memory_space<vmem>>) dst(%dma_wait3A_206 : memref<640x16xf32, #tpu.memory_space<vmem_shared>>)
      tpu.yield
    }) : () -> ()
    "tpu.region"() ({
      %run_scoped3A_198 = tpu.sem_alloc : memref<!tpu.dma_semaphore, #tpu.memory_space<semaphore_mem>>
      %dma_start3A_199 = arith.constant 0 : i32
      %dma_start3A_200 = tpu.memref_slice %arg7[%mul3A_6, %dma_start3A_199] : memref<10240x16xf32, #tpu.memory_space<hbm>> -> memref<640x16xf32, #tpu.memory_space<hbm>>
      %dma_start3A_201 = arith.constant 0 : i32
      %dma_start3A_202 = tpu.memref_slice %arg7[%mul3A_6, %dma_start3A_201] : memref<10240x16xf32, #tpu.memory_space<hbm>> -> memref<640x16xf32, #tpu.memory_space<hbm>>
      tpu.enqueue_dma source(%arg14 : memref<640x16xf32, #tpu.memory_space<vmem>>) target(%dma_start3A_202 : memref<640x16xf32, #tpu.memory_space<hbm>>) target_semaphore(%run_scoped3A_198 : memref<!tpu.dma_semaphore, #tpu.memory_space<semaphore_mem>>)
      %dma_wait3A_203 = arith.constant 0 : i32
      %dma_wait3A_204 = tpu.memref_slice %arg7[%mul3A_6, %dma_wait3A_203] : memref<10240x16xf32, #tpu.memory_space<hbm>> -> memref<640x16xf32, #tpu.memory_space<hbm>>
      %dma_wait3A_205 = arith.constant 0 : i32
      %dma_wait3A_206 = tpu.memref_slice %arg7[%mul3A_6, %dma_wait3A_205] : memref<10240x16xf32, #tpu.memory_space<hbm>> -> memref<640x16xf32, #tpu.memory_space<hbm>>
      tpu.wait_dma2 semaphore(%run_scoped3A_198 : memref<!tpu.dma_semaphore, #tpu.memory_space<semaphore_mem>>) src(%arg14 : memref<640x16xf32, #tpu.memory_space<vmem>>) dst(%dma_wait3A_206 : memref<640x16xf32, #tpu.memory_space<hbm>>)
      tpu.yield
    }) : () -> ()
    %barrier3A_65 = arith.constant 0 : index
    tpu.barrier barrier_id(%barrier3A_65)
    %dma_start3A = arith.constant 0 : i32
    %dma_start3A_66 = arith.constant 0 : i32
    %dma_start3A_67 = tpu.memref_slice %arg9[%dma_start3A, %dma_start3A_66] : memref<125x80xi32, #tpu.memory_space<vmem>> -> memref<1x80xi32, #tpu.memory_space<vmem>>
    %dma_start3A_68 = tpu.memref_squeeze %dma_start3A_67 : memref<1x80xi32, #tpu.memory_space<vmem>> -> memref<80xi32, #tpu.memory_space<vmem>>
    %dma_start3A_69 = arith.constant 0 : i32
    %dma_start3A_70 = arith.constant 0 : i32
    %dma_start3A_71 = tpu.memref_slice %arg20[%dma_start3A_69, %dma_start3A_70] : memref<10240x16xf32, #tpu.memory_space<vmem_shared>> -> memref<10240x16xf32, #tpu.memory_space<vmem_shared>>
    tpu.enqueue_indirect_dma source(%dma_start3A_71 : memref<10240x16xf32, #tpu.memory_space<vmem_shared>>) target(%arg16 : memref<80x16xf32, #tpu.memory_space<vmem>>) offsets(%dma_start3A_68 : memref<80xi32, #tpu.memory_space<vmem>>) semaphore(%arg23 : memref<!tpu.dma_semaphore, #tpu.memory_space<semaphore_mem>>)
    %dma_start3A_72 = arith.constant 1 : i32
    %dma_start3A_73 = arith.constant 0 : i32
    %dma_start3A_74 = tpu.memref_slice %arg9[%dma_start3A_72, %dma_start3A_73] : memref<125x80xi32, #tpu.memory_space<vmem>> -> memref<1x80xi32, #tpu.memory_space<vmem>>
    %dma_start3A_75 = tpu.memref_squeeze %dma_start3A_74 : memref<1x80xi32, #tpu.memory_space<vmem>> -> memref<80xi32, #tpu.memory_space<vmem>>
    %dma_start3A_76 = arith.constant 0 : i32
    %dma_start3A_77 = arith.constant 0 : i32
    %dma_start3A_78 = tpu.memref_slice %arg20[%dma_start3A_76, %dma_start3A_77] : memref<10240x16xf32, #tpu.memory_space<vmem_shared>> -> memref<10240x16xf32, #tpu.memory_space<vmem_shared>>
    tpu.enqueue_indirect_dma source(%dma_start3A_78 : memref<10240x16xf32, #tpu.memory_space<vmem_shared>>) target(%arg17 : memref<80x16xf32, #tpu.memory_space<vmem>>) offsets(%dma_start3A_75 : memref<80xi32, #tpu.memory_space<vmem>>) semaphore(%arg24 : memref<!tpu.dma_semaphore, #tpu.memory_space<semaphore_mem>>)
    %dma_start3A_79 = arith.constant 2 : i32
    %dma_start3A_80 = arith.constant 0 : i32
    %dma_start3A_81 = tpu.memref_slice %arg9[%dma_start3A_79, %dma_start3A_80] : memref<125x80xi32, #tpu.memory_space<vmem>> -> memref<1x80xi32, #tpu.memory_space<vmem>>
    %dma_start3A_82 = tpu.memref_squeeze %dma_start3A_81 : memref<1x80xi32, #tpu.memory_space<vmem>> -> memref<80xi32, #tpu.memory_space<vmem>>
    %dma_start3A_83 = arith.constant 0 : i32
    %dma_start3A_84 = arith.constant 0 : i32
    %dma_start3A_85 = tpu.memref_slice %arg20[%dma_start3A_83, %dma_start3A_84] : memref<10240x16xf32, #tpu.memory_space<vmem_shared>> -> memref<10240x16xf32, #tpu.memory_space<vmem_shared>>
    tpu.enqueue_indirect_dma source(%dma_start3A_85 : memref<10240x16xf32, #tpu.memory_space<vmem_shared>>) target(%arg18 : memref<80x16xf32, #tpu.memory_space<vmem>>) offsets(%dma_start3A_82 : memref<80xi32, #tpu.memory_space<vmem>>) semaphore(%arg25 : memref<!tpu.dma_semaphore, #tpu.memory_space<semaphore_mem>>)
    %dma_start3A_86 = arith.constant 3 : i32
    %dma_start3A_87 = arith.constant 0 : i32
    %dma_start3A_88 = tpu.memref_slice %arg9[%dma_start3A_86, %dma_start3A_87] : memref<125x80xi32, #tpu.memory_space<vmem>> -> memref<1x80xi32, #tpu.memory_space<vmem>>
    %dma_start3A_89 = tpu.memref_squeeze %dma_start3A_88 : memref<1x80xi32, #tpu.memory_space<vmem>> -> memref<80xi32, #tpu.memory_space<vmem>>
    %dma_start3A_90 = arith.constant 0 : i32
    %dma_start3A_91 = arith.constant 0 : i32
    %dma_start3A_92 = tpu.memref_slice %arg20[%dma_start3A_90, %dma_start3A_91] : memref<10240x16xf32, #tpu.memory_space<vmem_shared>> -> memref<10240x16xf32, #tpu.memory_space<vmem_shared>>
    tpu.enqueue_indirect_dma source(%dma_start3A_92 : memref<10240x16xf32, #tpu.memory_space<vmem_shared>>) target(%arg19 : memref<80x16xf32, #tpu.memory_space<vmem>>) offsets(%dma_start3A_89 : memref<80xi32, #tpu.memory_space<vmem>>) semaphore(%arg26 : memref<!tpu.dma_semaphore, #tpu.memory_space<semaphore_mem>>)
    %scan3A_93 = arith.constant 0 : i32
    %scan3A_94 = arith.constant 0 : i32
    %scan3A_95 = arith.constant 30 : i32
    %scan3A_96 = arith.addi %scan3A_94, %scan3A_95 : i32
    %scan3A_97 = arith.constant 1 : i32
    scf.for %scan3A_198 = %scan3A_94 to %scan3A_96 step %scan3A_97  : i32 {
      %mul3A_199 = arith.constant 4 : i32
      %mul3A_200 = arith.muli %mul3A_199, %scan3A_198 : i32
      %add3A_201 = arith.constant 0 : i32
      %add3A_202 = arith.addi %mul3A_200, %add3A_201 : i32
      %dma_wait3A_203 = arith.constant 0 : i32
      %dma_wait3A_204 = tpu.memref_slice %arg9[%add3A_202, %dma_wait3A_203] : memref<125x80xi32, #tpu.memory_space<vmem>> -> memref<1x80xi32, #tpu.memory_space<vmem>>
      %dma_wait3A_205 = tpu.memref_squeeze %dma_wait3A_204 : memref<1x80xi32, #tpu.memory_space<vmem>> -> memref<80xi32, #tpu.memory_space<vmem>>
      %dma_wait3A_206 = arith.constant 0 : i32
      %dma_wait3A_207 = arith.constant 0 : i32
      %dma_wait3A_208 = tpu.memref_slice %arg20[%dma_wait3A_206, %dma_wait3A_207] : memref<10240x16xf32, #tpu.memory_space<vmem_shared>> -> memref<10240x16xf32, #tpu.memory_space<vmem_shared>>
      tpu.wait_indirect_dma semaphore(%arg23 : memref<!tpu.dma_semaphore, #tpu.memory_space<semaphore_mem>>) src(%dma_wait3A_208 : memref<10240x16xf32, #tpu.memory_space<vmem_shared>>) dst(%arg16 : memref<80x16xf32, #tpu.memory_space<vmem>>)
      %add3A_209 = arith.constant 0 : i32
      %add3A_210 = arith.addi %mul3A_200, %add3A_209 : i32
      %dma_start3A_211 = arith.constant 0 : i32
      %dma_start3A_212 = tpu.memref_slice %arg10[%add3A_210, %dma_start3A_211] : memref<125x80xi32, #tpu.memory_space<vmem>> -> memref<1x80xi32, #tpu.memory_space<vmem>>
      %dma_start3A_213 = tpu.memref_squeeze %dma_start3A_212 : memref<1x80xi32, #tpu.memory_space<vmem>> -> memref<80xi32, #tpu.memory_space<vmem>>
      %dma_start3A_214 = arith.constant 0 : i32
      %dma_start3A_215 = arith.constant 0 : i32
      %dma_start3A_216 = tpu.memref_slice %arg21[%dma_start3A_214, %dma_start3A_215] : memref<10240x16xf32, #tpu.memory_space<vmem_shared>> -> memref<10240x16xf32, #tpu.memory_space<vmem_shared>>
      tpu.enqueue_indirect_dma source(%arg16 : memref<80x16xf32, #tpu.memory_space<vmem>>) target(%dma_start3A_216 : memref<10240x16xf32, #tpu.memory_space<vmem_shared>>) offsets(%dma_start3A_213 : memref<80xi32, #tpu.memory_space<vmem>>) semaphore(%arg27 : memref<!tpu.dma_semaphore, #tpu.memory_space<semaphore_mem>>) {add = true}
      %add3A_217 = arith.constant 1 : i32
      %add3A_218 = arith.addi %mul3A_200, %add3A_217 : i32
      %dma_wait3A_219 = arith.constant 0 : i32
      %dma_wait3A_220 = tpu.memref_slice %arg9[%add3A_218, %dma_wait3A_219] : memref<125x80xi32, #tpu.memory_space<vmem>> -> memref<1x80xi32, #tpu.memory_space<vmem>>
      %dma_wait3A_221 = tpu.memref_squeeze %dma_wait3A_220 : memref<1x80xi32, #tpu.memory_space<vmem>> -> memref<80xi32, #tpu.memory_space<vmem>>
      %dma_wait3A_222 = arith.constant 0 : i32
      %dma_wait3A_223 = arith.constant 0 : i32
      %dma_wait3A_224 = tpu.memref_slice %arg20[%dma_wait3A_222, %dma_wait3A_223] : memref<10240x16xf32, #tpu.memory_space<vmem_shared>> -> memref<10240x16xf32, #tpu.memory_space<vmem_shared>>
      tpu.wait_indirect_dma semaphore(%arg24 : memref<!tpu.dma_semaphore, #tpu.memory_space<semaphore_mem>>) src(%dma_wait3A_224 : memref<10240x16xf32, #tpu.memory_space<vmem_shared>>) dst(%arg17 : memref<80x16xf32, #tpu.memory_space<vmem>>)
      %add3A_225 = arith.constant 1 : i32
      %add3A_226 = arith.addi %mul3A_200, %add3A_225 : i32
      %dma_start3A_227 = arith.constant 0 : i32
      %dma_start3A_228 = tpu.memref_slice %arg10[%add3A_226, %dma_start3A_227] : memref<125x80xi32, #tpu.memory_space<vmem>> -> memref<1x80xi32, #tpu.memory_space<vmem>>
      %dma_start3A_229 = tpu.memref_squeeze %dma_start3A_228 : memref<1x80xi32, #tpu.memory_space<vmem>> -> memref<80xi32, #tpu.memory_space<vmem>>
      %dma_start3A_230 = arith.constant 0 : i32
      %dma_start3A_231 = arith.constant 0 : i32
      %dma_start3A_232 = tpu.memref_slice %arg21[%dma_start3A_230, %dma_start3A_231] : memref<10240x16xf32, #tpu.memory_space<vmem_shared>> -> memref<10240x16xf32, #tpu.memory_space<vmem_shared>>
      tpu.enqueue_indirect_dma source(%arg17 : memref<80x16xf32, #tpu.memory_space<vmem>>) target(%dma_start3A_232 : memref<10240x16xf32, #tpu.memory_space<vmem_shared>>) offsets(%dma_start3A_229 : memref<80xi32, #tpu.memory_space<vmem>>) semaphore(%arg28 : memref<!tpu.dma_semaphore, #tpu.memory_space<semaphore_mem>>) {add = true}
      %add3A_233 = arith.constant 2 : i32
      %add3A_234 = arith.addi %mul3A_200, %add3A_233 : i32
      %dma_wait3A_235 = arith.constant 0 : i32
      %dma_wait3A_236 = tpu.memref_slice %arg9[%add3A_234, %dma_wait3A_235] : memref<125x80xi32, #tpu.memory_space<vmem>> -> memref<1x80xi32, #tpu.memory_space<vmem>>
      %dma_wait3A_237 = tpu.memref_squeeze %dma_wait3A_236 : memref<1x80xi32, #tpu.memory_space<vmem>> -> memref<80xi32, #tpu.memory_space<vmem>>
      %dma_wait3A_238 = arith.constant 0 : i32
      %dma_wait3A_239 = arith.constant 0 : i32
      %dma_wait3A_240 = tpu.memref_slice %arg20[%dma_wait3A_238, %dma_wait3A_239] : memref<10240x16xf32, #tpu.memory_space<vmem_shared>> -> memref<10240x16xf32, #tpu.memory_space<vmem_shared>>
      tpu.wait_indirect_dma semaphore(%arg25 : memref<!tpu.dma_semaphore, #tpu.memory_space<semaphore_mem>>) src(%dma_wait3A_240 : memref<10240x16xf32, #tpu.memory_space<vmem_shared>>) dst(%arg18 : memref<80x16xf32, #tpu.memory_space<vmem>>)
      %add3A_241 = arith.constant 2 : i32
      %add3A_242 = arith.addi %mul3A_200, %add3A_241 : i32
      %dma_start3A_243 = arith.constant 0 : i32
      %dma_start3A_244 = tpu.memref_slice %arg10[%add3A_242, %dma_start3A_243] : memref<125x80xi32, #tpu.memory_space<vmem>> -> memref<1x80xi32, #tpu.memory_space<vmem>>
      %dma_start3A_245 = tpu.memref_squeeze %dma_start3A_244 : memref<1x80xi32, #tpu.memory_space<vmem>> -> memref<80xi32, #tpu.memory_space<vmem>>
      %dma_start3A_246 = arith.constant 0 : i32
      %dma_start3A_247 = arith.constant 0 : i32
      %dma_start3A_248 = tpu.memref_slice %arg21[%dma_start3A_246, %dma_start3A_247] : memref<10240x16xf32, #tpu.memory_space<vmem_shared>> -> memref<10240x16xf32, #tpu.memory_space<vmem_shared>>
      tpu.enqueue_indirect_dma source(%arg18 : memref<80x16xf32, #tpu.memory_space<vmem>>) target(%dma_start3A_248 : memref<10240x16xf32, #tpu.memory_space<vmem_shared>>) offsets(%dma_start3A_245 : memref<80xi32, #tpu.memory_space<vmem>>) semaphore(%arg29 : memref<!tpu.dma_semaphore, #tpu.memory_space<semaphore_mem>>) {add = true}
      %add3A_249 = arith.constant 3 : i32
      %add3A_250 = arith.addi %mul3A_200, %add3A_249 : i32
      %dma_wait3A_251 = arith.constant 0 : i32
      %dma_wait3A_252 = tpu.memref_slice %arg9[%add3A_250, %dma_wait3A_251] : memref<125x80xi32, #tpu.memory_space<vmem>> -> memref<1x80xi32, #tpu.memory_space<vmem>>
      %dma_wait3A_253 = tpu.memref_squeeze %dma_wait3A_252 : memref<1x80xi32, #tpu.memory_space<vmem>> -> memref<80xi32, #tpu.memory_space<vmem>>
      %dma_wait3A_254 = arith.constant 0 : i32
      %dma_wait3A_255 = arith.constant 0 : i32
      %dma_wait3A_256 = tpu.memref_slice %arg20[%dma_wait3A_254, %dma_wait3A_255] : memref<10240x16xf32, #tpu.memory_space<vmem_shared>> -> memref<10240x16xf32, #tpu.memory_space<vmem_shared>>
      tpu.wait_indirect_dma semaphore(%arg26 : memref<!tpu.dma_semaphore, #tpu.memory_space<semaphore_mem>>) src(%dma_wait3A_256 : memref<10240x16xf32, #tpu.memory_space<vmem_shared>>) dst(%arg19 : memref<80x16xf32, #tpu.memory_space<vmem>>)
      %add3A_257 = arith.constant 3 : i32
      %add3A_258 = arith.addi %mul3A_200, %add3A_257 : i32
      %dma_start3A_259 = arith.constant 0 : i32
      %dma_start3A_260 = tpu.memref_slice %arg10[%add3A_258, %dma_start3A_259] : memref<125x80xi32, #tpu.memory_space<vmem>> -> memref<1x80xi32, #tpu.memory_space<vmem>>
      %dma_start3A_261 = tpu.memref_squeeze %dma_start3A_260 : memref<1x80xi32, #tpu.memory_space<vmem>> -> memref<80xi32, #tpu.memory_space<vmem>>
      %dma_start3A_262 = arith.constant 0 : i32
      %dma_start3A_263 = arith.constant 0 : i32
      %dma_start3A_264 = tpu.memref_slice %arg21[%dma_start3A_262, %dma_start3A_263] : memref<10240x16xf32, #tpu.memory_space<vmem_shared>> -> memref<10240x16xf32, #tpu.memory_space<vmem_shared>>
      tpu.enqueue_indirect_dma source(%arg19 : memref<80x16xf32, #tpu.memory_space<vmem>>) target(%dma_start3A_264 : memref<10240x16xf32, #tpu.memory_space<vmem_shared>>) offsets(%dma_start3A_261 : memref<80xi32, #tpu.memory_space<vmem>>) semaphore(%arg30 : memref<!tpu.dma_semaphore, #tpu.memory_space<semaphore_mem>>) {add = true}
      %add3A_265 = arith.constant 0 : i32
      %add3A_266 = arith.addi %mul3A_200, %add3A_265 : i32
      %dma_wait3A_267 = arith.constant 0 : i32
      %dma_wait3A_268 = tpu.memref_slice %arg10[%add3A_266, %dma_wait3A_267] : memref<125x80xi32, #tpu.memory_space<vmem>> -> memref<1x80xi32, #tpu.memory_space<vmem>>
      %dma_wait3A_269 = tpu.memref_squeeze %dma_wait3A_268 : memref<1x80xi32, #tpu.memory_space<vmem>> -> memref<80xi32, #tpu.memory_space<vmem>>
      %dma_wait3A_270 = arith.constant 0 : i32
      %dma_wait3A_271 = arith.constant 0 : i32
      %dma_wait3A_272 = tpu.memref_slice %arg21[%dma_wait3A_270, %dma_wait3A_271] : memref<10240x16xf32, #tpu.memory_space<vmem_shared>> -> memref<10240x16xf32, #tpu.memory_space<vmem_shared>>
      tpu.wait_indirect_dma semaphore(%arg27 : memref<!tpu.dma_semaphore, #tpu.memory_space<semaphore_mem>>) src(%arg16 : memref<80x16xf32, #tpu.memory_space<vmem>>) dst(%dma_wait3A_272 : memref<10240x16xf32, #tpu.memory_space<vmem_shared>>)
      %add3A_273 = arith.constant 4 : i32
      %add3A_274 = arith.addi %mul3A_200, %add3A_273 : i32
      %add3A_275 = arith.constant 0 : i32
      %add3A_276 = arith.addi %add3A_274, %add3A_275 : i32
      %dma_start3A_277 = arith.constant 0 : i32
      %dma_start3A_278 = tpu.memref_slice %arg9[%add3A_276, %dma_start3A_277] : memref<125x80xi32, #tpu.memory_space<vmem>> -> memref<1x80xi32, #tpu.memory_space<vmem>>
      %dma_start3A_279 = tpu.memref_squeeze %dma_start3A_278 : memref<1x80xi32, #tpu.memory_space<vmem>> -> memref<80xi32, #tpu.memory_space<vmem>>
      %dma_start3A_280 = arith.constant 0 : i32
      %dma_start3A_281 = arith.constant 0 : i32
      %dma_start3A_282 = tpu.memref_slice %arg20[%dma_start3A_280, %dma_start3A_281] : memref<10240x16xf32, #tpu.memory_space<vmem_shared>> -> memref<10240x16xf32, #tpu.memory_space<vmem_shared>>
      tpu.enqueue_indirect_dma source(%dma_start3A_282 : memref<10240x16xf32, #tpu.memory_space<vmem_shared>>) target(%arg16 : memref<80x16xf32, #tpu.memory_space<vmem>>) offsets(%dma_start3A_279 : memref<80xi32, #tpu.memory_space<vmem>>) semaphore(%arg23 : memref<!tpu.dma_semaphore, #tpu.memory_space<semaphore_mem>>)
      %add3A_283 = arith.constant 1 : i32
      %add3A_284 = arith.addi %mul3A_200, %add3A_283 : i32
      %dma_wait3A_285 = arith.constant 0 : i32
      %dma_wait3A_286 = tpu.memref_slice %arg10[%add3A_284, %dma_wait3A_285] : memref<125x80xi32, #tpu.memory_space<vmem>> -> memref<1x80xi32, #tpu.memory_space<vmem>>
      %dma_wait3A_287 = tpu.memref_squeeze %dma_wait3A_286 : memref<1x80xi32, #tpu.memory_space<vmem>> -> memref<80xi32, #tpu.memory_space<vmem>>
      %dma_wait3A_288 = arith.constant 0 : i32
      %dma_wait3A_289 = arith.constant 0 : i32
      %dma_wait3A_290 = tpu.memref_slice %arg21[%dma_wait3A_288, %dma_wait3A_289] : memref<10240x16xf32, #tpu.memory_space<vmem_shared>> -> memref<10240x16xf32, #tpu.memory_space<vmem_shared>>
      tpu.wait_indirect_dma semaphore(%arg28 : memref<!tpu.dma_semaphore, #tpu.memory_space<semaphore_mem>>) src(%arg17 : memref<80x16xf32, #tpu.memory_space<vmem>>) dst(%dma_wait3A_290 : memref<10240x16xf32, #tpu.memory_space<vmem_shared>>)
      %add3A_291 = arith.constant 4 : i32
      %add3A_292 = arith.addi %mul3A_200, %add3A_291 : i32
      %add3A_293 = arith.constant 1 : i32
      %add3A_294 = arith.addi %add3A_292, %add3A_293 : i32
      %dma_start3A_295 = arith.constant 0 : i32
      %dma_start3A_296 = tpu.memref_slice %arg9[%add3A_294, %dma_start3A_295] : memref<125x80xi32, #tpu.memory_space<vmem>> -> memref<1x80xi32, #tpu.memory_space<vmem>>
      %dma_start3A_297 = tpu.memref_squeeze %dma_start3A_296 : memref<1x80xi32, #tpu.memory_space<vmem>> -> memref<80xi32, #tpu.memory_space<vmem>>
      %dma_start3A_298 = arith.constant 0 : i32
      %dma_start3A_299 = arith.constant 0 : i32
      %dma_start3A_300 = tpu.memref_slice %arg20[%dma_start3A_298, %dma_start3A_299] : memref<10240x16xf32, #tpu.memory_space<vmem_shared>> -> memref<10240x16xf32, #tpu.memory_space<vmem_shared>>
      tpu.enqueue_indirect_dma source(%dma_start3A_300 : memref<10240x16xf32, #tpu.memory_space<vmem_shared>>) target(%arg17 : memref<80x16xf32, #tpu.memory_space<vmem>>) offsets(%dma_start3A_297 : memref<80xi32, #tpu.memory_space<vmem>>) semaphore(%arg24 : memref<!tpu.dma_semaphore, #tpu.memory_space<semaphore_mem>>)
      %add3A_301 = arith.constant 2 : i32
      %add3A_302 = arith.addi %mul3A_200, %add3A_301 : i32
      %dma_wait3A_303 = arith.constant 0 : i32
      %dma_wait3A_304 = tpu.memref_slice %arg10[%add3A_302, %dma_wait3A_303] : memref<125x80xi32, #tpu.memory_space<vmem>> -> memref<1x80xi32, #tpu.memory_space<vmem>>
      %dma_wait3A_305 = tpu.memref_squeeze %dma_wait3A_304 : memref<1x80xi32, #tpu.memory_space<vmem>> -> memref<80xi32, #tpu.memory_space<vmem>>
      %dma_wait3A_306 = arith.constant 0 : i32
      %dma_wait3A_307 = arith.constant 0 : i32
      %dma_wait3A_308 = tpu.memref_slice %arg21[%dma_wait3A_306, %dma_wait3A_307] : memref<10240x16xf32, #tpu.memory_space<vmem_shared>> -> memref<10240x16xf32, #tpu.memory_space<vmem_shared>>
      tpu.wait_indirect_dma semaphore(%arg29 : memref<!tpu.dma_semaphore, #tpu.memory_space<semaphore_mem>>) src(%arg18 : memref<80x16xf32, #tpu.memory_space<vmem>>) dst(%dma_wait3A_308 : memref<10240x16xf32, #tpu.memory_space<vmem_shared>>)
      %add3A_309 = arith.constant 4 : i32
      %add3A_310 = arith.addi %mul3A_200, %add3A_309 : i32
      %add3A_311 = arith.constant 2 : i32
      %add3A_312 = arith.addi %add3A_310, %add3A_311 : i32
      %dma_start3A_313 = arith.constant 0 : i32
      %dma_start3A_314 = tpu.memref_slice %arg9[%add3A_312, %dma_start3A_313] : memref<125x80xi32, #tpu.memory_space<vmem>> -> memref<1x80xi32, #tpu.memory_space<vmem>>
      %dma_start3A_315 = tpu.memref_squeeze %dma_start3A_314 : memref<1x80xi32, #tpu.memory_space<vmem>> -> memref<80xi32, #tpu.memory_space<vmem>>
      %dma_start3A_316 = arith.constant 0 : i32
      %dma_start3A_317 = arith.constant 0 : i32
      %dma_start3A_318 = tpu.memref_slice %arg20[%dma_start3A_316, %dma_start3A_317] : memref<10240x16xf32, #tpu.memory_space<vmem_shared>> -> memref<10240x16xf32, #tpu.memory_space<vmem_shared>>
      tpu.enqueue_indirect_dma source(%dma_start3A_318 : memref<10240x16xf32, #tpu.memory_space<vmem_shared>>) target(%arg18 : memref<80x16xf32, #tpu.memory_space<vmem>>) offsets(%dma_start3A_315 : memref<80xi32, #tpu.memory_space<vmem>>) semaphore(%arg25 : memref<!tpu.dma_semaphore, #tpu.memory_space<semaphore_mem>>)
      %add3A_319 = arith.constant 3 : i32
      %add3A_320 = arith.addi %mul3A_200, %add3A_319 : i32
      %dma_wait3A_321 = arith.constant 0 : i32
      %dma_wait3A_322 = tpu.memref_slice %arg10[%add3A_320, %dma_wait3A_321] : memref<125x80xi32, #tpu.memory_space<vmem>> -> memref<1x80xi32, #tpu.memory_space<vmem>>
      %dma_wait3A_323 = tpu.memref_squeeze %dma_wait3A_322 : memref<1x80xi32, #tpu.memory_space<vmem>> -> memref<80xi32, #tpu.memory_space<vmem>>
      %dma_wait3A_324 = arith.constant 0 : i32
      %dma_wait3A_325 = arith.constant 0 : i32
      %dma_wait3A_326 = tpu.memref_slice %arg21[%dma_wait3A_324, %dma_wait3A_325] : memref<10240x16xf32, #tpu.memory_space<vmem_shared>> -> memref<10240x16xf32, #tpu.memory_space<vmem_shared>>
      tpu.wait_indirect_dma semaphore(%arg30 : memref<!tpu.dma_semaphore, #tpu.memory_space<semaphore_mem>>) src(%arg19 : memref<80x16xf32, #tpu.memory_space<vmem>>) dst(%dma_wait3A_326 : memref<10240x16xf32, #tpu.memory_space<vmem_shared>>)
      %add3A_327 = arith.constant 4 : i32
      %add3A_328 = arith.addi %mul3A_200, %add3A_327 : i32
      %add3A_329 = arith.constant 3 : i32
      %add3A_330 = arith.addi %add3A_328, %add3A_329 : i32
      %dma_start3A_331 = arith.constant 0 : i32
      %dma_start3A_332 = tpu.memref_slice %arg9[%add3A_330, %dma_start3A_331] : memref<125x80xi32, #tpu.memory_space<vmem>> -> memref<1x80xi32, #tpu.memory_space<vmem>>
      %dma_start3A_333 = tpu.memref_squeeze %dma_start3A_332 : memref<1x80xi32, #tpu.memory_space<vmem>> -> memref<80xi32, #tpu.memory_space<vmem>>
      %dma_start3A_334 = arith.constant 0 : i32
      %dma_start3A_335 = arith.constant 0 : i32
      %dma_start3A_336 = tpu.memref_slice %arg20[%dma_start3A_334, %dma_start3A_335] : memref<10240x16xf32, #tpu.memory_space<vmem_shared>> -> memref<10240x16xf32, #tpu.memory_space<vmem_shared>>
      tpu.enqueue_indirect_dma source(%dma_start3A_336 : memref<10240x16xf32, #tpu.memory_space<vmem_shared>>) target(%arg19 : memref<80x16xf32, #tpu.memory_space<vmem>>) offsets(%dma_start3A_333 : memref<80xi32, #tpu.memory_space<vmem>>) semaphore(%arg26 : memref<!tpu.dma_semaphore, #tpu.memory_space<semaphore_mem>>)
    }
    %scan3A_98 = arith.constant 30 : i32
    %dma_wait3A = arith.constant 120 : i32
    %dma_wait3A_99 = arith.constant 0 : i32
    %dma_wait3A_100 = tpu.memref_slice %arg9[%dma_wait3A, %dma_wait3A_99] : memref<125x80xi32, #tpu.memory_space<vmem>> -> memref<1x80xi32, #tpu.memory_space<vmem>>
    %dma_wait3A_101 = tpu.memref_squeeze %dma_wait3A_100 : memref<1x80xi32, #tpu.memory_space<vmem>> -> memref<80xi32, #tpu.memory_space<vmem>>
    %dma_wait3A_102 = arith.constant 0 : i32
    %dma_wait3A_103 = arith.constant 0 : i32
    %dma_wait3A_104 = tpu.memref_slice %arg20[%dma_wait3A_102, %dma_wait3A_103] : memref<10240x16xf32, #tpu.memory_space<vmem_shared>> -> memref<10240x16xf32, #tpu.memory_space<vmem_shared>>
    tpu.wait_indirect_dma semaphore(%arg23 : memref<!tpu.dma_semaphore, #tpu.memory_space<semaphore_mem>>) src(%dma_wait3A_104 : memref<10240x16xf32, #tpu.memory_space<vmem_shared>>) dst(%arg16 : memref<80x16xf32, #tpu.memory_space<vmem>>)
    %dma_start3A_105 = arith.constant 120 : i32
    %dma_start3A_106 = arith.constant 0 : i32
    %dma_start3A_107 = tpu.memref_slice %arg10[%dma_start3A_105, %dma_start3A_106] : memref<125x80xi32, #tpu.memory_space<vmem>> -> memref<1x80xi32, #tpu.memory_space<vmem>>
    %dma_start3A_108 = tpu.memref_squeeze %dma_start3A_107 : memref<1x80xi32, #tpu.memory_space<vmem>> -> memref<80xi32, #tpu.memory_space<vmem>>
    %dma_start3A_109 = arith.constant 0 : i32
    %dma_start3A_110 = arith.constant 0 : i32
    %dma_start3A_111 = tpu.memref_slice %arg21[%dma_start3A_109, %dma_start3A_110] : memref<10240x16xf32, #tpu.memory_space<vmem_shared>> -> memref<10240x16xf32, #tpu.memory_space<vmem_shared>>
    tpu.enqueue_indirect_dma source(%arg16 : memref<80x16xf32, #tpu.memory_space<vmem>>) target(%dma_start3A_111 : memref<10240x16xf32, #tpu.memory_space<vmem_shared>>) offsets(%dma_start3A_108 : memref<80xi32, #tpu.memory_space<vmem>>) semaphore(%arg27 : memref<!tpu.dma_semaphore, #tpu.memory_space<semaphore_mem>>) {add = true}
    %dma_wait3A_112 = arith.constant 121 : i32
    %dma_wait3A_113 = arith.constant 0 : i32
    %dma_wait3A_114 = tpu.memref_slice %arg9[%dma_wait3A_112, %dma_wait3A_113] : memref<125x80xi32, #tpu.memory_space<vmem>> -> memref<1x80xi32, #tpu.memory_space<vmem>>
    %dma_wait3A_115 = tpu.memref_squeeze %dma_wait3A_114 : memref<1x80xi32, #tpu.memory_space<vmem>> -> memref<80xi32, #tpu.memory_space<vmem>>
    %dma_wait3A_116 = arith.constant 0 : i32
    %dma_wait3A_117 = arith.constant 0 : i32
    %dma_wait3A_118 = tpu.memref_slice %arg20[%dma_wait3A_116, %dma_wait3A_117] : memref<10240x16xf32, #tpu.memory_space<vmem_shared>> -> memref<10240x16xf32, #tpu.memory_space<vmem_shared>>
    tpu.wait_indirect_dma semaphore(%arg24 : memref<!tpu.dma_semaphore, #tpu.memory_space<semaphore_mem>>) src(%dma_wait3A_118 : memref<10240x16xf32, #tpu.memory_space<vmem_shared>>) dst(%arg17 : memref<80x16xf32, #tpu.memory_space<vmem>>)
    %dma_start3A_119 = arith.constant 121 : i32
    %dma_start3A_120 = arith.constant 0 : i32
    %dma_start3A_121 = tpu.memref_slice %arg10[%dma_start3A_119, %dma_start3A_120] : memref<125x80xi32, #tpu.memory_space<vmem>> -> memref<1x80xi32, #tpu.memory_space<vmem>>
    %dma_start3A_122 = tpu.memref_squeeze %dma_start3A_121 : memref<1x80xi32, #tpu.memory_space<vmem>> -> memref<80xi32, #tpu.memory_space<vmem>>
    %dma_start3A_123 = arith.constant 0 : i32
    %dma_start3A_124 = arith.constant 0 : i32
    %dma_start3A_125 = tpu.memref_slice %arg21[%dma_start3A_123, %dma_start3A_124] : memref<10240x16xf32, #tpu.memory_space<vmem_shared>> -> memref<10240x16xf32, #tpu.memory_space<vmem_shared>>
    tpu.enqueue_indirect_dma source(%arg17 : memref<80x16xf32, #tpu.memory_space<vmem>>) target(%dma_start3A_125 : memref<10240x16xf32, #tpu.memory_space<vmem_shared>>) offsets(%dma_start3A_122 : memref<80xi32, #tpu.memory_space<vmem>>) semaphore(%arg28 : memref<!tpu.dma_semaphore, #tpu.memory_space<semaphore_mem>>) {add = true}
    %dma_wait3A_126 = arith.constant 122 : i32
    %dma_wait3A_127 = arith.constant 0 : i32
    %dma_wait3A_128 = tpu.memref_slice %arg9[%dma_wait3A_126, %dma_wait3A_127] : memref<125x80xi32, #tpu.memory_space<vmem>> -> memref<1x80xi32, #tpu.memory_space<vmem>>
    %dma_wait3A_129 = tpu.memref_squeeze %dma_wait3A_128 : memref<1x80xi32, #tpu.memory_space<vmem>> -> memref<80xi32, #tpu.memory_space<vmem>>
    %dma_wait3A_130 = arith.constant 0 : i32
    %dma_wait3A_131 = arith.constant 0 : i32
    %dma_wait3A_132 = tpu.memref_slice %arg20[%dma_wait3A_130, %dma_wait3A_131] : memref<10240x16xf32, #tpu.memory_space<vmem_shared>> -> memref<10240x16xf32, #tpu.memory_space<vmem_shared>>
    tpu.wait_indirect_dma semaphore(%arg25 : memref<!tpu.dma_semaphore, #tpu.memory_space<semaphore_mem>>) src(%dma_wait3A_132 : memref<10240x16xf32, #tpu.memory_space<vmem_shared>>) dst(%arg18 : memref<80x16xf32, #tpu.memory_space<vmem>>)
    %dma_start3A_133 = arith.constant 122 : i32
    %dma_start3A_134 = arith.constant 0 : i32
    %dma_start3A_135 = tpu.memref_slice %arg10[%dma_start3A_133, %dma_start3A_134] : memref<125x80xi32, #tpu.memory_space<vmem>> -> memref<1x80xi32, #tpu.memory_space<vmem>>
    %dma_start3A_136 = tpu.memref_squeeze %dma_start3A_135 : memref<1x80xi32, #tpu.memory_space<vmem>> -> memref<80xi32, #tpu.memory_space<vmem>>
    %dma_start3A_137 = arith.constant 0 : i32
    %dma_start3A_138 = arith.constant 0 : i32
    %dma_start3A_139 = tpu.memref_slice %arg21[%dma_start3A_137, %dma_start3A_138] : memref<10240x16xf32, #tpu.memory_space<vmem_shared>> -> memref<10240x16xf32, #tpu.memory_space<vmem_shared>>
    tpu.enqueue_indirect_dma source(%arg18 : memref<80x16xf32, #tpu.memory_space<vmem>>) target(%dma_start3A_139 : memref<10240x16xf32, #tpu.memory_space<vmem_shared>>) offsets(%dma_start3A_136 : memref<80xi32, #tpu.memory_space<vmem>>) semaphore(%arg29 : memref<!tpu.dma_semaphore, #tpu.memory_space<semaphore_mem>>) {add = true}
    %dma_wait3A_140 = arith.constant 123 : i32
    %dma_wait3A_141 = arith.constant 0 : i32
    %dma_wait3A_142 = tpu.memref_slice %arg9[%dma_wait3A_140, %dma_wait3A_141] : memref<125x80xi32, #tpu.memory_space<vmem>> -> memref<1x80xi32, #tpu.memory_space<vmem>>
    %dma_wait3A_143 = tpu.memref_squeeze %dma_wait3A_142 : memref<1x80xi32, #tpu.memory_space<vmem>> -> memref<80xi32, #tpu.memory_space<vmem>>
    %dma_wait3A_144 = arith.constant 0 : i32
    %dma_wait3A_145 = arith.constant 0 : i32
    %dma_wait3A_146 = tpu.memref_slice %arg20[%dma_wait3A_144, %dma_wait3A_145] : memref<10240x16xf32, #tpu.memory_space<vmem_shared>> -> memref<10240x16xf32, #tpu.memory_space<vmem_shared>>
    tpu.wait_indirect_dma semaphore(%arg26 : memref<!tpu.dma_semaphore, #tpu.memory_space<semaphore_mem>>) src(%dma_wait3A_146 : memref<10240x16xf32, #tpu.memory_space<vmem_shared>>) dst(%arg19 : memref<80x16xf32, #tpu.memory_space<vmem>>)
    %dma_start3A_147 = arith.constant 123 : i32
    %dma_start3A_148 = arith.constant 0 : i32
    %dma_start3A_149 = tpu.memref_slice %arg10[%dma_start3A_147, %dma_start3A_148] : memref<125x80xi32, #tpu.memory_space<vmem>> -> memref<1x80xi32, #tpu.memory_space<vmem>>
    %dma_start3A_150 = tpu.memref_squeeze %dma_start3A_149 : memref<1x80xi32, #tpu.memory_space<vmem>> -> memref<80xi32, #tpu.memory_space<vmem>>
    %dma_start3A_151 = arith.constant 0 : i32
    %dma_start3A_152 = arith.constant 0 : i32
    %dma_start3A_153 = tpu.memref_slice %arg21[%dma_start3A_151, %dma_start3A_152] : memref<10240x16xf32, #tpu.memory_space<vmem_shared>> -> memref<10240x16xf32, #tpu.memory_space<vmem_shared>>
    tpu.enqueue_indirect_dma source(%arg19 : memref<80x16xf32, #tpu.memory_space<vmem>>) target(%dma_start3A_153 : memref<10240x16xf32, #tpu.memory_space<vmem_shared>>) offsets(%dma_start3A_150 : memref<80xi32, #tpu.memory_space<vmem>>) semaphore(%arg30 : memref<!tpu.dma_semaphore, #tpu.memory_space<semaphore_mem>>) {add = true}
    %dma_wait3A_154 = arith.constant 120 : i32
    %dma_wait3A_155 = arith.constant 0 : i32
    %dma_wait3A_156 = tpu.memref_slice %arg10[%dma_wait3A_154, %dma_wait3A_155] : memref<125x80xi32, #tpu.memory_space<vmem>> -> memref<1x80xi32, #tpu.memory_space<vmem>>
    %dma_wait3A_157 = tpu.memref_squeeze %dma_wait3A_156 : memref<1x80xi32, #tpu.memory_space<vmem>> -> memref<80xi32, #tpu.memory_space<vmem>>
    %dma_wait3A_158 = arith.constant 0 : i32
    %dma_wait3A_159 = arith.constant 0 : i32
    %dma_wait3A_160 = tpu.memref_slice %arg21[%dma_wait3A_158, %dma_wait3A_159] : memref<10240x16xf32, #tpu.memory_space<vmem_shared>> -> memref<10240x16xf32, #tpu.memory_space<vmem_shared>>
    tpu.wait_indirect_dma semaphore(%arg27 : memref<!tpu.dma_semaphore, #tpu.memory_space<semaphore_mem>>) src(%arg16 : memref<80x16xf32, #tpu.memory_space<vmem>>) dst(%dma_wait3A_160 : memref<10240x16xf32, #tpu.memory_space<vmem_shared>>)
    %dma_start3A_161 = arith.constant 124 : i32
    %dma_start3A_162 = arith.constant 0 : i32
    %dma_start3A_163 = tpu.memref_slice %arg9[%dma_start3A_161, %dma_start3A_162] : memref<125x80xi32, #tpu.memory_space<vmem>> -> memref<1x80xi32, #tpu.memory_space<vmem>>
    %dma_start3A_164 = tpu.memref_squeeze %dma_start3A_163 : memref<1x80xi32, #tpu.memory_space<vmem>> -> memref<80xi32, #tpu.memory_space<vmem>>
    %dma_start3A_165 = arith.constant 0 : i32
    %dma_start3A_166 = arith.constant 0 : i32
    %dma_start3A_167 = tpu.memref_slice %arg20[%dma_start3A_165, %dma_start3A_166] : memref<10240x16xf32, #tpu.memory_space<vmem_shared>> -> memref<10240x16xf32, #tpu.memory_space<vmem_shared>>
    tpu.enqueue_indirect_dma source(%dma_start3A_167 : memref<10240x16xf32, #tpu.memory_space<vmem_shared>>) target(%arg16 : memref<80x16xf32, #tpu.memory_space<vmem>>) offsets(%dma_start3A_164 : memref<80xi32, #tpu.memory_space<vmem>>) semaphore(%arg23 : memref<!tpu.dma_semaphore, #tpu.memory_space<semaphore_mem>>)
    %dma_wait3A_168 = arith.constant 124 : i32
    %dma_wait3A_169 = arith.constant 0 : i32
    %dma_wait3A_170 = tpu.memref_slice %arg9[%dma_wait3A_168, %dma_wait3A_169] : memref<125x80xi32, #tpu.memory_space<vmem>> -> memref<1x80xi32, #tpu.memory_space<vmem>>
    %dma_wait3A_171 = tpu.memref_squeeze %dma_wait3A_170 : memref<1x80xi32, #tpu.memory_space<vmem>> -> memref<80xi32, #tpu.memory_space<vmem>>
    %dma_wait3A_172 = arith.constant 0 : i32
    %dma_wait3A_173 = arith.constant 0 : i32
    %dma_wait3A_174 = tpu.memref_slice %arg20[%dma_wait3A_172, %dma_wait3A_173] : memref<10240x16xf32, #tpu.memory_space<vmem_shared>> -> memref<10240x16xf32, #tpu.memory_space<vmem_shared>>
    tpu.wait_indirect_dma semaphore(%arg23 : memref<!tpu.dma_semaphore, #tpu.memory_space<semaphore_mem>>) src(%dma_wait3A_174 : memref<10240x16xf32, #tpu.memory_space<vmem_shared>>) dst(%arg16 : memref<80x16xf32, #tpu.memory_space<vmem>>)
    %run_scoped3A_175 = arith.constant 124 : i32
    "tpu.region"() ({
      %run_scoped3A_198 = tpu.sem_alloc : memref<!tpu.dma_semaphore, #tpu.memory_space<semaphore_mem>>
      %dma_start3A_199 = arith.constant 0 : i32
      %dma_start3A_200 = tpu.memref_slice %arg10[%run_scoped3A_175, %dma_start3A_199] : memref<125x80xi32, #tpu.memory_space<vmem>> -> memref<1x80xi32, #tpu.memory_space<vmem>>
      %dma_start3A_201 = tpu.memref_squeeze %dma_start3A_200 : memref<1x80xi32, #tpu.memory_space<vmem>> -> memref<80xi32, #tpu.memory_space<vmem>>
      %dma_start3A_202 = arith.constant 0 : i32
      %dma_start3A_203 = arith.constant 0 : i32
      %dma_start3A_204 = tpu.memref_slice %arg21[%dma_start3A_202, %dma_start3A_203] : memref<10240x16xf32, #tpu.memory_space<vmem_shared>> -> memref<10240x16xf32, #tpu.memory_space<vmem_shared>>
      tpu.enqueue_indirect_dma source(%arg16 : memref<80x16xf32, #tpu.memory_space<vmem>>) target(%dma_start3A_204 : memref<10240x16xf32, #tpu.memory_space<vmem_shared>>) offsets(%dma_start3A_201 : memref<80xi32, #tpu.memory_space<vmem>>) semaphore(%run_scoped3A_198 : memref<!tpu.dma_semaphore, #tpu.memory_space<semaphore_mem>>) {add = true}
      %dma_wait3A_205 = arith.constant 0 : i32
      %dma_wait3A_206 = tpu.memref_slice %arg10[%run_scoped3A_175, %dma_wait3A_205] : memref<125x80xi32, #tpu.memory_space<vmem>> -> memref<1x80xi32, #tpu.memory_space<vmem>>
      %dma_wait3A_207 = tpu.memref_squeeze %dma_wait3A_206 : memref<1x80xi32, #tpu.memory_space<vmem>> -> memref<80xi32, #tpu.memory_space<vmem>>
      %dma_wait3A_208 = arith.constant 0 : i32
      %dma_wait3A_209 = arith.constant 0 : i32
      %dma_wait3A_210 = tpu.memref_slice %arg21[%dma_wait3A_208, %dma_wait3A_209] : memref<10240x16xf32, #tpu.memory_space<vmem_shared>> -> memref<10240x16xf32, #tpu.memory_space<vmem_shared>>
      tpu.wait_indirect_dma semaphore(%run_scoped3A_198 : memref<!tpu.dma_semaphore, #tpu.memory_space<semaphore_mem>>) src(%arg16 : memref<80x16xf32, #tpu.memory_space<vmem>>) dst(%dma_wait3A_210 : memref<10240x16xf32, #tpu.memory_space<vmem_shared>>)
      tpu.yield
    }) : () -> ()
    %dma_wait3A_176 = arith.constant 121 : i32
    %dma_wait3A_177 = arith.constant 0 : i32
    %dma_wait3A_178 = tpu.memref_slice %arg10[%dma_wait3A_176, %dma_wait3A_177] : memref<125x80xi32, #tpu.memory_space<vmem>> -> memref<1x80xi32, #tpu.memory_space<vmem>>
    %dma_wait3A_179 = tpu.memref_squeeze %dma_wait3A_178 : memref<1x80xi32, #tpu.memory_space<vmem>> -> memref<80xi32, #tpu.memory_space<vmem>>
    %dma_wait3A_180 = arith.constant 0 : i32
    %dma_wait3A_181 = arith.constant 0 : i32
    %dma_wait3A_182 = tpu.memref_slice %arg21[%dma_wait3A_180, %dma_wait3A_181] : memref<10240x16xf32, #tpu.memory_space<vmem_shared>> -> memref<10240x16xf32, #tpu.memory_space<vmem_shared>>
    tpu.wait_indirect_dma semaphore(%arg28 : memref<!tpu.dma_semaphore, #tpu.memory_space<semaphore_mem>>) src(%arg17 : memref<80x16xf32, #tpu.memory_space<vmem>>) dst(%dma_wait3A_182 : memref<10240x16xf32, #tpu.memory_space<vmem_shared>>)
    %dma_wait3A_183 = arith.constant 122 : i32
    %dma_wait3A_184 = arith.constant 0 : i32
    %dma_wait3A_185 = tpu.memref_slice %arg10[%dma_wait3A_183, %dma_wait3A_184] : memref<125x80xi32, #tpu.memory_space<vmem>> -> memref<1x80xi32, #tpu.memory_space<vmem>>
    %dma_wait3A_186 = tpu.memref_squeeze %dma_wait3A_185 : memref<1x80xi32, #tpu.memory_space<vmem>> -> memref<80xi32, #tpu.memory_space<vmem>>
    %dma_wait3A_187 = arith.constant 0 : i32
    %dma_wait3A_188 = arith.constant 0 : i32
    %dma_wait3A_189 = tpu.memref_slice %arg21[%dma_wait3A_187, %dma_wait3A_188] : memref<10240x16xf32, #tpu.memory_space<vmem_shared>> -> memref<10240x16xf32, #tpu.memory_space<vmem_shared>>
    tpu.wait_indirect_dma semaphore(%arg29 : memref<!tpu.dma_semaphore, #tpu.memory_space<semaphore_mem>>) src(%arg18 : memref<80x16xf32, #tpu.memory_space<vmem>>) dst(%dma_wait3A_189 : memref<10240x16xf32, #tpu.memory_space<vmem_shared>>)
    %dma_wait3A_190 = arith.constant 123 : i32
    %dma_wait3A_191 = arith.constant 0 : i32
    %dma_wait3A_192 = tpu.memref_slice %arg10[%dma_wait3A_190, %dma_wait3A_191] : memref<125x80xi32, #tpu.memory_space<vmem>> -> memref<1x80xi32, #tpu.memory_space<vmem>>
    %dma_wait3A_193 = tpu.memref_squeeze %dma_wait3A_192 : memref<1x80xi32, #tpu.memory_space<vmem>> -> memref<80xi32, #tpu.memory_space<vmem>>
    %dma_wait3A_194 = arith.constant 0 : i32
    %dma_wait3A_195 = arith.constant 0 : i32
    %dma_wait3A_196 = tpu.memref_slice %arg21[%dma_wait3A_194, %dma_wait3A_195] : memref<10240x16xf32, #tpu.memory_space<vmem_shared>> -> memref<10240x16xf32, #tpu.memory_space<vmem_shared>>
    tpu.wait_indirect_dma semaphore(%arg30 : memref<!tpu.dma_semaphore, #tpu.memory_space<semaphore_mem>>) src(%arg19 : memref<80x16xf32, #tpu.memory_space<vmem>>) dst(%dma_wait3A_196 : memref<10240x16xf32, #tpu.memory_space<vmem_shared>>)
    %barrier3A_197 = arith.constant 0 : index
    tpu.barrier barrier_id(%barrier3A_197)
    "tpu.region"() ({
      %run_scoped3A_198 = tpu.sem_alloc : memref<!tpu.dma_semaphore, #tpu.memory_space<semaphore_mem>>
      %dma_start3A_199 = arith.constant 0 : i32
      %dma_start3A_200 = tpu.memref_slice %arg6[%arg0, %mul3A_6, %dma_start3A_199] : memref<2x10240x16xf32, #tpu.memory_space<hbm>> -> memref<1x640x16xf32, #tpu.memory_space<hbm>>
      %dma_start3A_201 = tpu.memref_squeeze %dma_start3A_200 : memref<1x640x16xf32, #tpu.memory_space<hbm>> -> memref<640x16xf32, #tpu.memory_space<hbm>>
      %dma_start3A_202 = arith.constant 0 : i32
      %dma_start3A_203 = tpu.memref_slice %arg21[%mul3A_6, %dma_start3A_202] : memref<10240x16xf32, #tpu.memory_space<vmem_shared>> -> memref<640x16xf32, #tpu.memory_space<vmem_shared>>
      tpu.enqueue_dma source(%dma_start3A_203 : memref<640x16xf32, #tpu.memory_space<vmem_shared>>) target(%dma_start3A_201 : memref<640x16xf32, #tpu.memory_space<hbm>>) target_semaphore(%run_scoped3A_198 : memref<!tpu.dma_semaphore, #tpu.memory_space<semaphore_mem>>)
      %dma_wait3A_204 = arith.constant 0 : i32
      %dma_wait3A_205 = tpu.memref_slice %arg6[%arg0, %mul3A_6, %dma_wait3A_204] : memref<2x10240x16xf32, #tpu.memory_space<hbm>> -> memref<1x640x16xf32, #tpu.memory_space<hbm>>
      %dma_wait3A_206 = tpu.memref_squeeze %dma_wait3A_205 : memref<1x640x16xf32, #tpu.memory_space<hbm>> -> memref<640x16xf32, #tpu.memory_space<hbm>>
      %dma_wait3A_207 = arith.constant 0 : i32
      %dma_wait3A_208 = tpu.memref_slice %arg21[%mul3A_6, %dma_wait3A_207] : memref<10240x16xf32, #tpu.memory_space<vmem_shared>> -> memref<640x16xf32, #tpu.memory_space<vmem_shared>>
      tpu.wait_dma2 semaphore(%run_scoped3A_198 : memref<!tpu.dma_semaphore, #tpu.memory_space<semaphore_mem>>) src(%dma_wait3A_208 : memref<640x16xf32, #tpu.memory_space<vmem_shared>>) dst(%dma_wait3A_206 : memref<640x16xf32, #tpu.memory_space<hbm>>)
      tpu.yield
    }) : () -> ()
    return
  }
}

#map = affine_map<(d0, d1) -> (0, 0, 0)>
#map1 = affine_map<(d0, d1) -> (0, 0)>
#map2 = affine_map<(d0, d1) -> (0)>
#map3 = affine_map<(d0, d1) -> (0, 0, 0, 0)>
module attributes {stable_mosaic.version = 14 : i64} {
  func.func @k(%arg0: i32, %arg1: i32, %arg2: memref<2x10240x16xf32, #tpu.memory_space<hbm>>, %arg3: memref<10240x16xf32, #tpu.memory_space<hbm>>, %arg4: memref<10240xf32, #tpu.memory_space<hbm>>, %arg5: memref<16xf32, #tpu.memory_space<hbm>>, %arg6: memref<2x32x125x80xi32, #tpu.memory_space<hbm>>, %arg7: memref<10240x16xf32, #tpu.memory_space<hbm>>, %arg8: memref<2x10240x16xf32, #tpu.memory_space<hbm>>, %arg9: memref<10240x16xf32, #tpu.memory_space<hbm>>, %arg10: memref<125x80xi32, #tpu.memory_space<vmem>>, %arg11: memref<125x80xi32, #tpu.memory_space<vmem>>, %arg12: memref<640x16xf32, #tpu.memory_space<vmem>>, %arg13: memref<640x16xf32, #tpu.memory_space<vmem>>, %arg14: memref<640x16xf32, #tpu.memory_space<vmem>>, %arg15: memref<656xf32, #tpu.memory_space<vmem>>, %arg16: memref<16xf32, #tpu.memory_space<vmem>>, %arg17: memref<80x16xf32, #tpu.memory_space<vmem>>, %arg18: memref<80x16xf32, #tpu.memory_space<vmem>>, %arg19: memref<80x16xf32, #tpu.memory_space<vmem>>, %arg20: memref<80x16xf32, #tpu.memory_space<vmem>>, %arg21: memref<10240x16xf32, #tpu.memory_space<vmem_shared>>, %arg22: memref<10240x16xf32, #tpu.memory_space<vmem_shared>>, %arg23: memref<!tpu.dma_semaphore, #tpu.memory_space<semaphore_mem>>, %arg24: memref<!tpu.dma_semaphore, #tpu.memory_space<semaphore_mem>>, %arg25: memref<!tpu.dma_semaphore, #tpu.memory_space<semaphore_mem>>, %arg26: memref<!tpu.dma_semaphore, #tpu.memory_space<semaphore_mem>>, %arg27: memref<!tpu.dma_semaphore, #tpu.memory_space<semaphore_mem>>, %arg28: memref<!tpu.dma_semaphore, #tpu.memory_space<semaphore_mem>>, %arg29: memref<!tpu.dma_semaphore, #tpu.memory_space<semaphore_mem>>, %arg30: memref<!tpu.dma_semaphore, #tpu.memory_space<semaphore_mem>>) attributes {dimension_semantics = [#tpu.dimension_semantics<core_parallel>, #tpu.dimension_semantics<subcore_parallel>], iteration_bounds = array<i64: 2, 16>, scalar_prefetch = 0 : i64, scratch_operands = 21 : i64, tpu.core_type = #tpu.core_type<sc_vector_subcore>, window_params = [{transform_indices = #map}, {transform_indices = #map1}, {transform_indices = #map2}, {transform_indices = #map2}, {transform_indices = #map3}, {transform_indices = #map1}, {transform_indices = #map}, {transform_indices = #map1}]} {
    %mul3A = arith.constant 16 : i32
    %mul3A_0 = arith.muli %arg0, %mul3A : i32
    %add3A = arith.addi %mul3A_0, %arg1 : i32
    %mul3A_1 = arith.constant 640 : i32
    %mul3A_2 = arith.muli %arg1, %mul3A_1 : i32
    %run_scoped3A = arith.constant 0 : i32
    "tpu.region"() ({
      %run_scoped3A_147 = tpu.sem_alloc : memref<!tpu.dma_semaphore, #tpu.memory_space<semaphore_mem>>
      %dma_start3A_148 = arith.constant 0 : i32
      %dma_start3A_149 = arith.constant 0 : i32
      %dma_start3A_150 = tpu.memref_slice %arg6[%run_scoped3A, %add3A, %dma_start3A_148, %dma_start3A_149] : memref<2x32x125x80xi32, #tpu.memory_space<hbm>> -> memref<1x1x125x80xi32, #tpu.memory_space<hbm>>
      %dma_start3A_151 = tpu.memref_squeeze %dma_start3A_150 : memref<1x1x125x80xi32, #tpu.memory_space<hbm>> -> memref<125x80xi32, #tpu.memory_space<hbm>>
      %dma_start3A_152 = arith.constant 0 : i32
      %dma_start3A_153 = arith.constant 0 : i32
      %dma_start3A_154 = tpu.memref_slice %arg6[%run_scoped3A, %add3A, %dma_start3A_152, %dma_start3A_153] : memref<2x32x125x80xi32, #tpu.memory_space<hbm>> -> memref<1x1x125x80xi32, #tpu.memory_space<hbm>>
      %dma_start3A_155 = tpu.memref_squeeze %dma_start3A_154 : memref<1x1x125x80xi32, #tpu.memory_space<hbm>> -> memref<125x80xi32, #tpu.memory_space<hbm>>
      tpu.enqueue_dma source(%dma_start3A_155 : memref<125x80xi32, #tpu.memory_space<hbm>>) target(%arg10 : memref<125x80xi32, #tpu.memory_space<vmem>>) target_semaphore(%run_scoped3A_147 : memref<!tpu.dma_semaphore, #tpu.memory_space<semaphore_mem>>)
      %dma_wait3A_156 = arith.constant 0 : i32
      %dma_wait3A_157 = arith.constant 0 : i32
      %dma_wait3A_158 = tpu.memref_slice %arg6[%run_scoped3A, %add3A, %dma_wait3A_156, %dma_wait3A_157] : memref<2x32x125x80xi32, #tpu.memory_space<hbm>> -> memref<1x1x125x80xi32, #tpu.memory_space<hbm>>
      %dma_wait3A_159 = tpu.memref_squeeze %dma_wait3A_158 : memref<1x1x125x80xi32, #tpu.memory_space<hbm>> -> memref<125x80xi32, #tpu.memory_space<hbm>>
      %dma_wait3A_160 = arith.constant 0 : i32
      %dma_wait3A_161 = arith.constant 0 : i32
      %dma_wait3A_162 = tpu.memref_slice %arg6[%run_scoped3A, %add3A, %dma_wait3A_160, %dma_wait3A_161] : memref<2x32x125x80xi32, #tpu.memory_space<hbm>> -> memref<1x1x125x80xi32, #tpu.memory_space<hbm>>
      %dma_wait3A_163 = tpu.memref_squeeze %dma_wait3A_162 : memref<1x1x125x80xi32, #tpu.memory_space<hbm>> -> memref<125x80xi32, #tpu.memory_space<hbm>>
      tpu.wait_dma2 semaphore(%run_scoped3A_147 : memref<!tpu.dma_semaphore, #tpu.memory_space<semaphore_mem>>) src(%dma_wait3A_163 : memref<125x80xi32, #tpu.memory_space<hbm>>) dst(%arg10 : memref<125x80xi32, #tpu.memory_space<vmem>>)
      tpu.yield
    }) : () -> ()
    %run_scoped3A_3 = arith.constant 1 : i32
    "tpu.region"() ({
      %run_scoped3A_147 = tpu.sem_alloc : memref<!tpu.dma_semaphore, #tpu.memory_space<semaphore_mem>>
      %dma_start3A_148 = arith.constant 0 : i32
      %dma_start3A_149 = arith.constant 0 : i32
      %dma_start3A_150 = tpu.memref_slice %arg6[%run_scoped3A_3, %add3A, %dma_start3A_148, %dma_start3A_149] : memref<2x32x125x80xi32, #tpu.memory_space<hbm>> -> memref<1x1x125x80xi32, #tpu.memory_space<hbm>>
      %dma_start3A_151 = tpu.memref_squeeze %dma_start3A_150 : memref<1x1x125x80xi32, #tpu.memory_space<hbm>> -> memref<125x80xi32, #tpu.memory_space<hbm>>
      %dma_start3A_152 = arith.constant 0 : i32
      %dma_start3A_153 = arith.constant 0 : i32
      %dma_start3A_154 = tpu.memref_slice %arg6[%run_scoped3A_3, %add3A, %dma_start3A_152, %dma_start3A_153] : memref<2x32x125x80xi32, #tpu.memory_space<hbm>> -> memref<1x1x125x80xi32, #tpu.memory_space<hbm>>
      %dma_start3A_155 = tpu.memref_squeeze %dma_start3A_154 : memref<1x1x125x80xi32, #tpu.memory_space<hbm>> -> memref<125x80xi32, #tpu.memory_space<hbm>>
      tpu.enqueue_dma source(%dma_start3A_155 : memref<125x80xi32, #tpu.memory_space<hbm>>) target(%arg11 : memref<125x80xi32, #tpu.memory_space<vmem>>) target_semaphore(%run_scoped3A_147 : memref<!tpu.dma_semaphore, #tpu.memory_space<semaphore_mem>>)
      %dma_wait3A_156 = arith.constant 0 : i32
      %dma_wait3A_157 = arith.constant 0 : i32
      %dma_wait3A_158 = tpu.memref_slice %arg6[%run_scoped3A_3, %add3A, %dma_wait3A_156, %dma_wait3A_157] : memref<2x32x125x80xi32, #tpu.memory_space<hbm>> -> memref<1x1x125x80xi32, #tpu.memory_space<hbm>>
      %dma_wait3A_159 = tpu.memref_squeeze %dma_wait3A_158 : memref<1x1x125x80xi32, #tpu.memory_space<hbm>> -> memref<125x80xi32, #tpu.memory_space<hbm>>
      %dma_wait3A_160 = arith.constant 0 : i32
      %dma_wait3A_161 = arith.constant 0 : i32
      %dma_wait3A_162 = tpu.memref_slice %arg6[%run_scoped3A_3, %add3A, %dma_wait3A_160, %dma_wait3A_161] : memref<2x32x125x80xi32, #tpu.memory_space<hbm>> -> memref<1x1x125x80xi32, #tpu.memory_space<hbm>>
      %dma_wait3A_163 = tpu.memref_squeeze %dma_wait3A_162 : memref<1x1x125x80xi32, #tpu.memory_space<hbm>> -> memref<125x80xi32, #tpu.memory_space<hbm>>
      tpu.wait_dma2 semaphore(%run_scoped3A_147 : memref<!tpu.dma_semaphore, #tpu.memory_space<semaphore_mem>>) src(%dma_wait3A_163 : memref<125x80xi32, #tpu.memory_space<hbm>>) dst(%arg11 : memref<125x80xi32, #tpu.memory_space<vmem>>)
      tpu.yield
    }) : () -> ()
    %run_scoped3A_4 = arith.constant 0 : i32
    "tpu.region"() ({
      %run_scoped3A_147 = tpu.sem_alloc : memref<!tpu.dma_semaphore, #tpu.memory_space<semaphore_mem>>
      %dma_start3A_148 = arith.constant 0 : i32
      %dma_start3A_149 = tpu.memref_slice %arg2[%run_scoped3A_4, %mul3A_2, %dma_start3A_148] : memref<2x10240x16xf32, #tpu.memory_space<hbm>> -> memref<1x640x16xf32, #tpu.memory_space<hbm>>
      %dma_start3A_150 = tpu.memref_squeeze %dma_start3A_149 : memref<1x640x16xf32, #tpu.memory_space<hbm>> -> memref<640x16xf32, #tpu.memory_space<hbm>>
      %dma_start3A_151 = arith.constant 0 : i32
      %dma_start3A_152 = tpu.memref_slice %arg2[%run_scoped3A_4, %mul3A_2, %dma_start3A_151] : memref<2x10240x16xf32, #tpu.memory_space<hbm>> -> memref<1x640x16xf32, #tpu.memory_space<hbm>>
      %dma_start3A_153 = tpu.memref_squeeze %dma_start3A_152 : memref<1x640x16xf32, #tpu.memory_space<hbm>> -> memref<640x16xf32, #tpu.memory_space<hbm>>
      tpu.enqueue_dma source(%dma_start3A_153 : memref<640x16xf32, #tpu.memory_space<hbm>>) target(%arg12 : memref<640x16xf32, #tpu.memory_space<vmem>>) target_semaphore(%run_scoped3A_147 : memref<!tpu.dma_semaphore, #tpu.memory_space<semaphore_mem>>)
      %dma_wait3A_154 = arith.constant 0 : i32
      %dma_wait3A_155 = tpu.memref_slice %arg2[%run_scoped3A_4, %mul3A_2, %dma_wait3A_154] : memref<2x10240x16xf32, #tpu.memory_space<hbm>> -> memref<1x640x16xf32, #tpu.memory_space<hbm>>
      %dma_wait3A_156 = tpu.memref_squeeze %dma_wait3A_155 : memref<1x640x16xf32, #tpu.memory_space<hbm>> -> memref<640x16xf32, #tpu.memory_space<hbm>>
      %dma_wait3A_157 = arith.constant 0 : i32
      %dma_wait3A_158 = tpu.memref_slice %arg2[%run_scoped3A_4, %mul3A_2, %dma_wait3A_157] : memref<2x10240x16xf32, #tpu.memory_space<hbm>> -> memref<1x640x16xf32, #tpu.memory_space<hbm>>
      %dma_wait3A_159 = tpu.memref_squeeze %dma_wait3A_158 : memref<1x640x16xf32, #tpu.memory_space<hbm>> -> memref<640x16xf32, #tpu.memory_space<hbm>>
      tpu.wait_dma2 semaphore(%run_scoped3A_147 : memref<!tpu.dma_semaphore, #tpu.memory_space<semaphore_mem>>) src(%dma_wait3A_159 : memref<640x16xf32, #tpu.memory_space<hbm>>) dst(%arg12 : memref<640x16xf32, #tpu.memory_space<vmem>>)
      tpu.yield
    }) : () -> ()
    %run_scoped3A_5 = arith.constant 1 : i32
    "tpu.region"() ({
      %run_scoped3A_147 = tpu.sem_alloc : memref<!tpu.dma_semaphore, #tpu.memory_space<semaphore_mem>>
      %dma_start3A_148 = arith.constant 0 : i32
      %dma_start3A_149 = tpu.memref_slice %arg2[%run_scoped3A_5, %mul3A_2, %dma_start3A_148] : memref<2x10240x16xf32, #tpu.memory_space<hbm>> -> memref<1x640x16xf32, #tpu.memory_space<hbm>>
      %dma_start3A_150 = tpu.memref_squeeze %dma_start3A_149 : memref<1x640x16xf32, #tpu.memory_space<hbm>> -> memref<640x16xf32, #tpu.memory_space<hbm>>
      %dma_start3A_151 = arith.constant 0 : i32
      %dma_start3A_152 = tpu.memref_slice %arg2[%run_scoped3A_5, %mul3A_2, %dma_start3A_151] : memref<2x10240x16xf32, #tpu.memory_space<hbm>> -> memref<1x640x16xf32, #tpu.memory_space<hbm>>
      %dma_start3A_153 = tpu.memref_squeeze %dma_start3A_152 : memref<1x640x16xf32, #tpu.memory_space<hbm>> -> memref<640x16xf32, #tpu.memory_space<hbm>>
      tpu.enqueue_dma source(%dma_start3A_153 : memref<640x16xf32, #tpu.memory_space<hbm>>) target(%arg13 : memref<640x16xf32, #tpu.memory_space<vmem>>) target_semaphore(%run_scoped3A_147 : memref<!tpu.dma_semaphore, #tpu.memory_space<semaphore_mem>>)
      %dma_wait3A_154 = arith.constant 0 : i32
      %dma_wait3A_155 = tpu.memref_slice %arg2[%run_scoped3A_5, %mul3A_2, %dma_wait3A_154] : memref<2x10240x16xf32, #tpu.memory_space<hbm>> -> memref<1x640x16xf32, #tpu.memory_space<hbm>>
      %dma_wait3A_156 = tpu.memref_squeeze %dma_wait3A_155 : memref<1x640x16xf32, #tpu.memory_space<hbm>> -> memref<640x16xf32, #tpu.memory_space<hbm>>
      %dma_wait3A_157 = arith.constant 0 : i32
      %dma_wait3A_158 = tpu.memref_slice %arg2[%run_scoped3A_5, %mul3A_2, %dma_wait3A_157] : memref<2x10240x16xf32, #tpu.memory_space<hbm>> -> memref<1x640x16xf32, #tpu.memory_space<hbm>>
      %dma_wait3A_159 = tpu.memref_squeeze %dma_wait3A_158 : memref<1x640x16xf32, #tpu.memory_space<hbm>> -> memref<640x16xf32, #tpu.memory_space<hbm>>
      tpu.wait_dma2 semaphore(%run_scoped3A_147 : memref<!tpu.dma_semaphore, #tpu.memory_space<semaphore_mem>>) src(%dma_wait3A_159 : memref<640x16xf32, #tpu.memory_space<hbm>>) dst(%arg13 : memref<640x16xf32, #tpu.memory_space<vmem>>)
      tpu.yield
    }) : () -> ()
    "tpu.region"() ({
      %run_scoped3A_147 = tpu.sem_alloc : memref<!tpu.dma_semaphore, #tpu.memory_space<semaphore_mem>>
      %dma_start3A_148 = arith.constant 0 : i32
      %dma_start3A_149 = tpu.memref_slice %arg3[%mul3A_2, %dma_start3A_148] : memref<10240x16xf32, #tpu.memory_space<hbm>> -> memref<640x16xf32, #tpu.memory_space<hbm>>
      %dma_start3A_150 = arith.constant 0 : i32
      %dma_start3A_151 = tpu.memref_slice %arg3[%mul3A_2, %dma_start3A_150] : memref<10240x16xf32, #tpu.memory_space<hbm>> -> memref<640x16xf32, #tpu.memory_space<hbm>>
      tpu.enqueue_dma source(%dma_start3A_151 : memref<640x16xf32, #tpu.memory_space<hbm>>) target(%arg14 : memref<640x16xf32, #tpu.memory_space<vmem>>) target_semaphore(%run_scoped3A_147 : memref<!tpu.dma_semaphore, #tpu.memory_space<semaphore_mem>>)
      %dma_wait3A_152 = arith.constant 0 : i32
      %dma_wait3A_153 = tpu.memref_slice %arg3[%mul3A_2, %dma_wait3A_152] : memref<10240x16xf32, #tpu.memory_space<hbm>> -> memref<640x16xf32, #tpu.memory_space<hbm>>
      %dma_wait3A_154 = arith.constant 0 : i32
      %dma_wait3A_155 = tpu.memref_slice %arg3[%mul3A_2, %dma_wait3A_154] : memref<10240x16xf32, #tpu.memory_space<hbm>> -> memref<640x16xf32, #tpu.memory_space<hbm>>
      tpu.wait_dma2 semaphore(%run_scoped3A_147 : memref<!tpu.dma_semaphore, #tpu.memory_space<semaphore_mem>>) src(%dma_wait3A_155 : memref<640x16xf32, #tpu.memory_space<hbm>>) dst(%arg14 : memref<640x16xf32, #tpu.memory_space<vmem>>)
      tpu.yield
    }) : () -> ()
    "tpu.region"() ({
      %run_scoped3A_147 = tpu.sem_alloc : memref<!tpu.dma_semaphore, #tpu.memory_space<semaphore_mem>>
      %dma_start3A_148 = arith.constant 0 : i32
      %dma_start3A_149 = tpu.memref_slice %arg15[%dma_start3A_148] : memref<656xf32, #tpu.memory_space<vmem>> -> memref<640xf32, #tpu.memory_space<vmem>>
      %dma_start3A_150 = tpu.memref_slice %arg4[%mul3A_2] : memref<10240xf32, #tpu.memory_space<hbm>> -> memref<640xf32, #tpu.memory_space<hbm>>
      %dma_start3A_151 = arith.constant 0 : i32
      %dma_start3A_152 = tpu.memref_slice %arg15[%dma_start3A_151] : memref<656xf32, #tpu.memory_space<vmem>> -> memref<640xf32, #tpu.memory_space<vmem>>
      %dma_start3A_153 = tpu.memref_slice %arg4[%mul3A_2] : memref<10240xf32, #tpu.memory_space<hbm>> -> memref<640xf32, #tpu.memory_space<hbm>>
      tpu.enqueue_dma source(%dma_start3A_153 : memref<640xf32, #tpu.memory_space<hbm>>) target(%dma_start3A_152 : memref<640xf32, #tpu.memory_space<vmem>>) target_semaphore(%run_scoped3A_147 : memref<!tpu.dma_semaphore, #tpu.memory_space<semaphore_mem>>)
      %dma_wait3A_154 = arith.constant 0 : i32
      %dma_wait3A_155 = tpu.memref_slice %arg15[%dma_wait3A_154] : memref<656xf32, #tpu.memory_space<vmem>> -> memref<640xf32, #tpu.memory_space<vmem>>
      %dma_wait3A_156 = tpu.memref_slice %arg4[%mul3A_2] : memref<10240xf32, #tpu.memory_space<hbm>> -> memref<640xf32, #tpu.memory_space<hbm>>
      %dma_wait3A_157 = arith.constant 0 : i32
      %dma_wait3A_158 = tpu.memref_slice %arg15[%dma_wait3A_157] : memref<656xf32, #tpu.memory_space<vmem>> -> memref<640xf32, #tpu.memory_space<vmem>>
      %dma_wait3A_159 = tpu.memref_slice %arg4[%mul3A_2] : memref<10240xf32, #tpu.memory_space<hbm>> -> memref<640xf32, #tpu.memory_space<hbm>>
      tpu.wait_dma2 semaphore(%run_scoped3A_147 : memref<!tpu.dma_semaphore, #tpu.memory_space<semaphore_mem>>) src(%dma_wait3A_159 : memref<640xf32, #tpu.memory_space<hbm>>) dst(%dma_wait3A_158 : memref<640xf32, #tpu.memory_space<vmem>>)
      tpu.yield
    }) : () -> ()
    "tpu.region"() ({
      %run_scoped3A_147 = tpu.sem_alloc : memref<!tpu.dma_semaphore, #tpu.memory_space<semaphore_mem>>
      tpu.enqueue_dma source(%arg5 : memref<16xf32, #tpu.memory_space<hbm>>) target(%arg16 : memref<16xf32, #tpu.memory_space<vmem>>) target_semaphore(%run_scoped3A_147 : memref<!tpu.dma_semaphore, #tpu.memory_space<semaphore_mem>>)
      tpu.wait_dma2 semaphore(%run_scoped3A_147 : memref<!tpu.dma_semaphore, #tpu.memory_space<semaphore_mem>>) src(%arg5 : memref<16xf32, #tpu.memory_space<hbm>>) dst(%arg16 : memref<16xf32, #tpu.memory_space<vmem>>)
      tpu.yield
    }) : () -> ()
    "tpu.region"() ({
      %run_scoped3A_147 = tpu.sem_alloc : memref<!tpu.dma_semaphore, #tpu.memory_space<semaphore_mem>>
      %dma_start3A_148 = arith.constant 0 : i32
      %dma_start3A_149 = tpu.memref_slice %arg22[%mul3A_2, %dma_start3A_148] : memref<10240x16xf32, #tpu.memory_space<vmem_shared>> -> memref<640x16xf32, #tpu.memory_space<vmem_shared>>
      %dma_start3A_150 = arith.constant 0 : i32
      %dma_start3A_151 = tpu.memref_slice %arg7[%mul3A_2, %dma_start3A_150] : memref<10240x16xf32, #tpu.memory_space<hbm>> -> memref<640x16xf32, #tpu.memory_space<hbm>>
      tpu.enqueue_dma source(%dma_start3A_151 : memref<640x16xf32, #tpu.memory_space<hbm>>) target(%dma_start3A_149 : memref<640x16xf32, #tpu.memory_space<vmem_shared>>) target_semaphore(%run_scoped3A_147 : memref<!tpu.dma_semaphore, #tpu.memory_space<semaphore_mem>>)
      %dma_wait3A_152 = arith.constant 0 : i32
      %dma_wait3A_153 = tpu.memref_slice %arg22[%mul3A_2, %dma_wait3A_152] : memref<10240x16xf32, #tpu.memory_space<vmem_shared>> -> memref<640x16xf32, #tpu.memory_space<vmem_shared>>
      %dma_wait3A_154 = arith.constant 0 : i32
      %dma_wait3A_155 = tpu.memref_slice %arg7[%mul3A_2, %dma_wait3A_154] : memref<10240x16xf32, #tpu.memory_space<hbm>> -> memref<640x16xf32, #tpu.memory_space<hbm>>
      tpu.wait_dma2 semaphore(%run_scoped3A_147 : memref<!tpu.dma_semaphore, #tpu.memory_space<semaphore_mem>>) src(%dma_wait3A_155 : memref<640x16xf32, #tpu.memory_space<hbm>>) dst(%dma_wait3A_153 : memref<640x16xf32, #tpu.memory_space<vmem_shared>>)
      tpu.yield
    }) : () -> ()
    %get3A = arith.constant 0 : index
    %get3A_6 = tpu.vector_load %arg16[%get3A] {strides = array<i32>} : memref<16xf32, #tpu.memory_space<vmem>>, vector<16xf32>,
    %scan3A = arith.constant 0 : i32
    %scan3A_7 = arith.constant 0 : i32
    %scan3A_8 = arith.constant 160 : i32
    %scan3A_9 = arith.addi %scan3A_7, %scan3A_8 : i32
    %scan3A_10 = arith.constant 1 : i32
    scf.for %scan3A_147 = %scan3A_7 to %scan3A_9 step %scan3A_10  : i32 {
      %mul3A_148 = arith.constant 4 : i32
      %mul3A_149 = arith.muli %scan3A_147, %mul3A_148 : i32
      %add3A_150 = arith.constant 0 : i32
      %add3A_151 = arith.addi %mul3A_149, %add3A_150 : i32
      %get3A_152 = arith.index_cast %add3A_151 : i32 to index
      %get3A_153 = tpu.vector_load %arg15[%get3A_152] {strides = array<i32>} : memref<656xf32, #tpu.memory_space<vmem>>, vector<16xf32>,
      %slice3A = vector.extract_strided_slice %get3A_153 {offsets = [0], sizes = [1], strides = [1]} : vector<16xf32> to vector<1xf32>
      %squeeze3A = vector.extract %slice3A[0] : f32 from vector<1xf32>
      %get3A_154 = arith.index_cast %add3A_151 : i32 to index
      %get3A_155 = arith.constant 0 : index
      %get3A_156 = tpu.vector_load %arg12[%get3A_154, %get3A_155] {strides = array<i32>} : memref<640x16xf32, #tpu.memory_space<vmem>>, vector<16xf32>,
      %get3A_157 = arith.index_cast %add3A_151 : i32 to index
      %get3A_158 = arith.constant 0 : index
      %get3A_159 = tpu.vector_load %arg13[%get3A_157, %get3A_158] {strides = array<i32>} : memref<640x16xf32, #tpu.memory_space<vmem>>, vector<16xf32>,
      %add3A_160 = arith.addf %get3A_156, %get3A_159 : vector<16xf32>
      %get3A_161 = arith.index_cast %add3A_151 : i32 to index
      %get3A_162 = arith.constant 0 : index
      %get3A_163 = tpu.vector_load %arg14[%get3A_161, %get3A_162] {strides = array<i32>} : memref<640x16xf32, #tpu.memory_space<vmem>>, vector<16xf32>,
      %add3A_164 = arith.addf %add3A_160, %get3A_163 : vector<16xf32>
      %mul3A_165 = vector.broadcast %squeeze3A : f32 to vector<16xf32>
      %mul3A_166 = arith.mulf %add3A_164, %mul3A_165 : vector<16xf32>
      %add3A_167 = arith.addf %mul3A_166, %get3A_6 : vector<16xf32>
      %max3A = arith.constant 0.000000e+00 : f32
      %max3A_168 = vector.broadcast %max3A : f32 to vector<16xf32>
      %max3A_169 = arith.maximumf %add3A_167, %max3A_168 : vector<16xf32>
      %mul3A_170 = vector.broadcast %squeeze3A : f32 to vector<16xf32>
      %mul3A_171 = arith.mulf %max3A_169, %mul3A_170 : vector<16xf32>
      %swap3A = arith.index_cast %add3A_151 : i32 to index
      %swap3A_172 = arith.constant 0 : index
      %swap3A_173 = tpu.vector_load %arg12[%swap3A, %swap3A_172] {strides = array<i32>} : memref<640x16xf32, #tpu.memory_space<vmem>>, vector<16xf32>,
      tpu.vector_store %arg12[%swap3A, %swap3A_172], %mul3A_171 {strides = array<i32>} : memref<640x16xf32, #tpu.memory_space<vmem>>, vector<16xf32>,
      %mul3A_174 = arith.constant 4 : i32
      %mul3A_175 = arith.muli %scan3A_147, %mul3A_174 : i32
      %add3A_176 = arith.constant 1 : i32
      %add3A_177 = arith.addi %mul3A_175, %add3A_176 : i32
      %get3A_178 = arith.index_cast %add3A_177 : i32 to index
      %get3A_179 = tpu.vector_load %arg15[%get3A_178] {strides = array<i32>} : memref<656xf32, #tpu.memory_space<vmem>>, vector<16xf32>,
      %slice3A_180 = vector.extract_strided_slice %get3A_179 {offsets = [0], sizes = [1], strides = [1]} : vector<16xf32> to vector<1xf32>
      %squeeze3A_181 = vector.extract %slice3A_180[0] : f32 from vector<1xf32>
      %get3A_182 = arith.index_cast %add3A_177 : i32 to index
      %get3A_183 = arith.constant 0 : index
      %get3A_184 = tpu.vector_load %arg12[%get3A_182, %get3A_183] {strides = array<i32>} : memref<640x16xf32, #tpu.memory_space<vmem>>, vector<16xf32>,
      %get3A_185 = arith.index_cast %add3A_177 : i32 to index
      %get3A_186 = arith.constant 0 : index
      %get3A_187 = tpu.vector_load %arg13[%get3A_185, %get3A_186] {strides = array<i32>} : memref<640x16xf32, #tpu.memory_space<vmem>>, vector<16xf32>,
      %add3A_188 = arith.addf %get3A_184, %get3A_187 : vector<16xf32>
      %get3A_189 = arith.index_cast %add3A_177 : i32 to index
      %get3A_190 = arith.constant 0 : index
      %get3A_191 = tpu.vector_load %arg14[%get3A_189, %get3A_190] {strides = array<i32>} : memref<640x16xf32, #tpu.memory_space<vmem>>, vector<16xf32>,
      %add3A_192 = arith.addf %add3A_188, %get3A_191 : vector<16xf32>
      %mul3A_193 = vector.broadcast %squeeze3A_181 : f32 to vector<16xf32>
      %mul3A_194 = arith.mulf %add3A_192, %mul3A_193 : vector<16xf32>
      %add3A_195 = arith.addf %mul3A_194, %get3A_6 : vector<16xf32>
      %max3A_196 = arith.constant 0.000000e+00 : f32
      %max3A_197 = vector.broadcast %max3A_196 : f32 to vector<16xf32>
      %max3A_198 = arith.maximumf %add3A_195, %max3A_197 : vector<16xf32>
      %mul3A_199 = vector.broadcast %squeeze3A_181 : f32 to vector<16xf32>
      %mul3A_200 = arith.mulf %max3A_198, %mul3A_199 : vector<16xf32>
      %swap3A_201 = arith.index_cast %add3A_177 : i32 to index
      %swap3A_202 = arith.constant 0 : index
      %swap3A_203 = tpu.vector_load %arg12[%swap3A_201, %swap3A_202] {strides = array<i32>} : memref<640x16xf32, #tpu.memory_space<vmem>>, vector<16xf32>,
      tpu.vector_store %arg12[%swap3A_201, %swap3A_202], %mul3A_200 {strides = array<i32>} : memref<640x16xf32, #tpu.memory_space<vmem>>, vector<16xf32>,
      %mul3A_204 = arith.constant 4 : i32
      %mul3A_205 = arith.muli %scan3A_147, %mul3A_204 : i32
      %add3A_206 = arith.constant 2 : i32
      %add3A_207 = arith.addi %mul3A_205, %add3A_206 : i32
      %get3A_208 = arith.index_cast %add3A_207 : i32 to index
      %get3A_209 = tpu.vector_load %arg15[%get3A_208] {strides = array<i32>} : memref<656xf32, #tpu.memory_space<vmem>>, vector<16xf32>,
      %slice3A_210 = vector.extract_strided_slice %get3A_209 {offsets = [0], sizes = [1], strides = [1]} : vector<16xf32> to vector<1xf32>
      %squeeze3A_211 = vector.extract %slice3A_210[0] : f32 from vector<1xf32>
      %get3A_212 = arith.index_cast %add3A_207 : i32 to index
      %get3A_213 = arith.constant 0 : index
      %get3A_214 = tpu.vector_load %arg12[%get3A_212, %get3A_213] {strides = array<i32>} : memref<640x16xf32, #tpu.memory_space<vmem>>, vector<16xf32>,
      %get3A_215 = arith.index_cast %add3A_207 : i32 to index
      %get3A_216 = arith.constant 0 : index
      %get3A_217 = tpu.vector_load %arg13[%get3A_215, %get3A_216] {strides = array<i32>} : memref<640x16xf32, #tpu.memory_space<vmem>>, vector<16xf32>,
      %add3A_218 = arith.addf %get3A_214, %get3A_217 : vector<16xf32>
      %get3A_219 = arith.index_cast %add3A_207 : i32 to index
      %get3A_220 = arith.constant 0 : index
      %get3A_221 = tpu.vector_load %arg14[%get3A_219, %get3A_220] {strides = array<i32>} : memref<640x16xf32, #tpu.memory_space<vmem>>, vector<16xf32>,
      %add3A_222 = arith.addf %add3A_218, %get3A_221 : vector<16xf32>
      %mul3A_223 = vector.broadcast %squeeze3A_211 : f32 to vector<16xf32>
      %mul3A_224 = arith.mulf %add3A_222, %mul3A_223 : vector<16xf32>
      %add3A_225 = arith.addf %mul3A_224, %get3A_6 : vector<16xf32>
      %max3A_226 = arith.constant 0.000000e+00 : f32
      %max3A_227 = vector.broadcast %max3A_226 : f32 to vector<16xf32>
      %max3A_228 = arith.maximumf %add3A_225, %max3A_227 : vector<16xf32>
      %mul3A_229 = vector.broadcast %squeeze3A_211 : f32 to vector<16xf32>
      %mul3A_230 = arith.mulf %max3A_228, %mul3A_229 : vector<16xf32>
      %swap3A_231 = arith.index_cast %add3A_207 : i32 to index
      %swap3A_232 = arith.constant 0 : index
      %swap3A_233 = tpu.vector_load %arg12[%swap3A_231, %swap3A_232] {strides = array<i32>} : memref<640x16xf32, #tpu.memory_space<vmem>>, vector<16xf32>,
      tpu.vector_store %arg12[%swap3A_231, %swap3A_232], %mul3A_230 {strides = array<i32>} : memref<640x16xf32, #tpu.memory_space<vmem>>, vector<16xf32>,
      %mul3A_234 = arith.constant 4 : i32
      %mul3A_235 = arith.muli %scan3A_147, %mul3A_234 : i32
      %add3A_236 = arith.constant 3 : i32
      %add3A_237 = arith.addi %mul3A_235, %add3A_236 : i32
      %get3A_238 = arith.index_cast %add3A_237 : i32 to index
      %get3A_239 = tpu.vector_load %arg15[%get3A_238] {strides = array<i32>} : memref<656xf32, #tpu.memory_space<vmem>>, vector<16xf32>,
      %slice3A_240 = vector.extract_strided_slice %get3A_239 {offsets = [0], sizes = [1], strides = [1]} : vector<16xf32> to vector<1xf32>
      %squeeze3A_241 = vector.extract %slice3A_240[0] : f32 from vector<1xf32>
      %get3A_242 = arith.index_cast %add3A_237 : i32 to index
      %get3A_243 = arith.constant 0 : index
      %get3A_244 = tpu.vector_load %arg12[%get3A_242, %get3A_243] {strides = array<i32>} : memref<640x16xf32, #tpu.memory_space<vmem>>, vector<16xf32>,
      %get3A_245 = arith.index_cast %add3A_237 : i32 to index
      %get3A_246 = arith.constant 0 : index
      %get3A_247 = tpu.vector_load %arg13[%get3A_245, %get3A_246] {strides = array<i32>} : memref<640x16xf32, #tpu.memory_space<vmem>>, vector<16xf32>,
      %add3A_248 = arith.addf %get3A_244, %get3A_247 : vector<16xf32>
      %get3A_249 = arith.index_cast %add3A_237 : i32 to index
      %get3A_250 = arith.constant 0 : index
      %get3A_251 = tpu.vector_load %arg14[%get3A_249, %get3A_250] {strides = array<i32>} : memref<640x16xf32, #tpu.memory_space<vmem>>, vector<16xf32>,
      %add3A_252 = arith.addf %add3A_248, %get3A_251 : vector<16xf32>
      %mul3A_253 = vector.broadcast %squeeze3A_241 : f32 to vector<16xf32>
      %mul3A_254 = arith.mulf %add3A_252, %mul3A_253 : vector<16xf32>
      %add3A_255 = arith.addf %mul3A_254, %get3A_6 : vector<16xf32>
      %max3A_256 = arith.constant 0.000000e+00 : f32
      %max3A_257 = vector.broadcast %max3A_256 : f32 to vector<16xf32>
      %max3A_258 = arith.maximumf %add3A_255, %max3A_257 : vector<16xf32>
      %mul3A_259 = vector.broadcast %squeeze3A_241 : f32 to vector<16xf32>
      %mul3A_260 = arith.mulf %max3A_258, %mul3A_259 : vector<16xf32>
      %swap3A_261 = arith.index_cast %add3A_237 : i32 to index
      %swap3A_262 = arith.constant 0 : index
      %swap3A_263 = tpu.vector_load %arg12[%swap3A_261, %swap3A_262] {strides = array<i32>} : memref<640x16xf32, #tpu.memory_space<vmem>>, vector<16xf32>,
      tpu.vector_store %arg12[%swap3A_261, %swap3A_262], %mul3A_260 {strides = array<i32>} : memref<640x16xf32, #tpu.memory_space<vmem>>, vector<16xf32>,
    }
    %scan3A_11 = arith.constant 160 : i32
    %broadcast_in_dim3A = arith.constant 0.000000e+00 : f32
    %broadcast_in_dim3A_12 = vector.broadcast %broadcast_in_dim3A : f32 to vector<16xf32>
    %eq3A = arith.constant 15 : i32
    %eq3A_13 = arith.cmpi eq, %arg1, %eq3A : i32
    %convert_element_type3A = arith.extui %eq3A_13 : i1 to i32
    %cond3A = arith.constant 0 : i32
    %cond3A_14 = arith.cmpi ne, %convert_element_type3A, %cond3A : i32
    scf.if %cond3A_14 {
      %scan3A_147 = arith.constant 0 : i32
      %scan3A_148 = arith.constant 400 : i32
      %scan3A_149 = arith.constant 240 : i32
      %scan3A_150 = arith.addi %scan3A_148, %scan3A_149 : i32
      %scan3A_151 = arith.constant 1 : i32
      scf.for %scan3A_153 = %scan3A_148 to %scan3A_150 step %scan3A_151  : i32 {
        %swap3A = arith.index_cast %scan3A_153 : i32 to index
        %swap3A_154 = arith.constant 0 : index
        %swap3A_155 = tpu.vector_load %arg12[%swap3A, %swap3A_154] {strides = array<i32>} : memref<640x16xf32, #tpu.memory_space<vmem>>, vector<16xf32>,
        tpu.vector_store %arg12[%swap3A, %swap3A_154], %broadcast_in_dim3A_12 {strides = array<i32>} : memref<640x16xf32, #tpu.memory_space<vmem>>, vector<16xf32>,
      }
      %scan3A_152 = arith.constant 240 : i32
    } else {
    }
    "tpu.region"() ({
      %run_scoped3A_147 = tpu.sem_alloc : memref<!tpu.dma_semaphore, #tpu.memory_space<semaphore_mem>>
      %dma_start3A_148 = arith.constant 0 : i32
      %dma_start3A_149 = tpu.memref_slice %arg21[%mul3A_2, %dma_start3A_148] : memref<10240x16xf32, #tpu.memory_space<vmem_shared>> -> memref<640x16xf32, #tpu.memory_space<vmem_shared>>
      %dma_start3A_150 = arith.constant 0 : i32
      %dma_start3A_151 = tpu.memref_slice %arg21[%mul3A_2, %dma_start3A_150] : memref<10240x16xf32, #tpu.memory_space<vmem_shared>> -> memref<640x16xf32, #tpu.memory_space<vmem_shared>>
      tpu.enqueue_dma source(%arg12 : memref<640x16xf32, #tpu.memory_space<vmem>>) target(%dma_start3A_151 : memref<640x16xf32, #tpu.memory_space<vmem_shared>>) target_semaphore(%run_scoped3A_147 : memref<!tpu.dma_semaphore, #tpu.memory_space<semaphore_mem>>)
      %dma_wait3A_152 = arith.constant 0 : i32
      %dma_wait3A_153 = tpu.memref_slice %arg21[%mul3A_2, %dma_wait3A_152] : memref<10240x16xf32, #tpu.memory_space<vmem_shared>> -> memref<640x16xf32, #tpu.memory_space<vmem_shared>>
      %dma_wait3A_154 = arith.constant 0 : i32
      %dma_wait3A_155 = tpu.memref_slice %arg21[%mul3A_2, %dma_wait3A_154] : memref<10240x16xf32, #tpu.memory_space<vmem_shared>> -> memref<640x16xf32, #tpu.memory_space<vmem_shared>>
      tpu.wait_dma2 semaphore(%run_scoped3A_147 : memref<!tpu.dma_semaphore, #tpu.memory_space<semaphore_mem>>) src(%arg12 : memref<640x16xf32, #tpu.memory_space<vmem>>) dst(%dma_wait3A_155 : memref<640x16xf32, #tpu.memory_space<vmem_shared>>)
      tpu.yield
    }) : () -> ()
    "tpu.region"() ({
      %run_scoped3A_147 = tpu.sem_alloc : memref<!tpu.dma_semaphore, #tpu.memory_space<semaphore_mem>>
      %dma_start3A_148 = arith.constant 0 : i32
      %dma_start3A_149 = tpu.memref_slice %arg9[%mul3A_2, %dma_start3A_148] : memref<10240x16xf32, #tpu.memory_space<hbm>> -> memref<640x16xf32, #tpu.memory_space<hbm>>
      %dma_start3A_150 = arith.constant 0 : i32
      %dma_start3A_151 = tpu.memref_slice %arg9[%mul3A_2, %dma_start3A_150] : memref<10240x16xf32, #tpu.memory_space<hbm>> -> memref<640x16xf32, #tpu.memory_space<hbm>>
      tpu.enqueue_dma source(%arg12 : memref<640x16xf32, #tpu.memory_space<vmem>>) target(%dma_start3A_151 : memref<640x16xf32, #tpu.memory_space<hbm>>) target_semaphore(%run_scoped3A_147 : memref<!tpu.dma_semaphore, #tpu.memory_space<semaphore_mem>>)
      %dma_wait3A_152 = arith.constant 0 : i32
      %dma_wait3A_153 = tpu.memref_slice %arg9[%mul3A_2, %dma_wait3A_152] : memref<10240x16xf32, #tpu.memory_space<hbm>> -> memref<640x16xf32, #tpu.memory_space<hbm>>
      %dma_wait3A_154 = arith.constant 0 : i32
      %dma_wait3A_155 = tpu.memref_slice %arg9[%mul3A_2, %dma_wait3A_154] : memref<10240x16xf32, #tpu.memory_space<hbm>> -> memref<640x16xf32, #tpu.memory_space<hbm>>
      tpu.wait_dma2 semaphore(%run_scoped3A_147 : memref<!tpu.dma_semaphore, #tpu.memory_space<semaphore_mem>>) src(%arg12 : memref<640x16xf32, #tpu.memory_space<vmem>>) dst(%dma_wait3A_155 : memref<640x16xf32, #tpu.memory_space<hbm>>)
      tpu.yield
    }) : () -> ()
    %barrier3A = arith.constant 0 : index
    tpu.barrier barrier_id(%barrier3A)
    %dma_start3A = arith.constant 0 : i32
    %dma_start3A_15 = arith.constant 0 : i32
    %dma_start3A_16 = tpu.memref_slice %arg10[%dma_start3A, %dma_start3A_15] : memref<125x80xi32, #tpu.memory_space<vmem>> -> memref<1x80xi32, #tpu.memory_space<vmem>>
    %dma_start3A_17 = tpu.memref_squeeze %dma_start3A_16 : memref<1x80xi32, #tpu.memory_space<vmem>> -> memref<80xi32, #tpu.memory_space<vmem>>
    %dma_start3A_18 = arith.constant 0 : i32
    %dma_start3A_19 = arith.constant 0 : i32
    %dma_start3A_20 = tpu.memref_slice %arg21[%dma_start3A_18, %dma_start3A_19] : memref<10240x16xf32, #tpu.memory_space<vmem_shared>> -> memref<10240x16xf32, #tpu.memory_space<vmem_shared>>
    tpu.enqueue_indirect_dma source(%dma_start3A_20 : memref<10240x16xf32, #tpu.memory_space<vmem_shared>>) target(%arg17 : memref<80x16xf32, #tpu.memory_space<vmem>>) offsets(%dma_start3A_17 : memref<80xi32, #tpu.memory_space<vmem>>) semaphore(%arg23 : memref<!tpu.dma_semaphore, #tpu.memory_space<semaphore_mem>>)
    %dma_start3A_21 = arith.constant 1 : i32
    %dma_start3A_22 = arith.constant 0 : i32
    %dma_start3A_23 = tpu.memref_slice %arg10[%dma_start3A_21, %dma_start3A_22] : memref<125x80xi32, #tpu.memory_space<vmem>> -> memref<1x80xi32, #tpu.memory_space<vmem>>
    %dma_start3A_24 = tpu.memref_squeeze %dma_start3A_23 : memref<1x80xi32, #tpu.memory_space<vmem>> -> memref<80xi32, #tpu.memory_space<vmem>>
    %dma_start3A_25 = arith.constant 0 : i32
    %dma_start3A_26 = arith.constant 0 : i32
    %dma_start3A_27 = tpu.memref_slice %arg21[%dma_start3A_25, %dma_start3A_26] : memref<10240x16xf32, #tpu.memory_space<vmem_shared>> -> memref<10240x16xf32, #tpu.memory_space<vmem_shared>>
    tpu.enqueue_indirect_dma source(%dma_start3A_27 : memref<10240x16xf32, #tpu.memory_space<vmem_shared>>) target(%arg18 : memref<80x16xf32, #tpu.memory_space<vmem>>) offsets(%dma_start3A_24 : memref<80xi32, #tpu.memory_space<vmem>>) semaphore(%arg24 : memref<!tpu.dma_semaphore, #tpu.memory_space<semaphore_mem>>)
    %dma_start3A_28 = arith.constant 2 : i32
    %dma_start3A_29 = arith.constant 0 : i32
    %dma_start3A_30 = tpu.memref_slice %arg10[%dma_start3A_28, %dma_start3A_29] : memref<125x80xi32, #tpu.memory_space<vmem>> -> memref<1x80xi32, #tpu.memory_space<vmem>>
    %dma_start3A_31 = tpu.memref_squeeze %dma_start3A_30 : memref<1x80xi32, #tpu.memory_space<vmem>> -> memref<80xi32, #tpu.memory_space<vmem>>
    %dma_start3A_32 = arith.constant 0 : i32
    %dma_start3A_33 = arith.constant 0 : i32
    %dma_start3A_34 = tpu.memref_slice %arg21[%dma_start3A_32, %dma_start3A_33] : memref<10240x16xf32, #tpu.memory_space<vmem_shared>> -> memref<10240x16xf32, #tpu.memory_space<vmem_shared>>
    tpu.enqueue_indirect_dma source(%dma_start3A_34 : memref<10240x16xf32, #tpu.memory_space<vmem_shared>>) target(%arg19 : memref<80x16xf32, #tpu.memory_space<vmem>>) offsets(%dma_start3A_31 : memref<80xi32, #tpu.memory_space<vmem>>) semaphore(%arg25 : memref<!tpu.dma_semaphore, #tpu.memory_space<semaphore_mem>>)
    %dma_start3A_35 = arith.constant 3 : i32
    %dma_start3A_36 = arith.constant 0 : i32
    %dma_start3A_37 = tpu.memref_slice %arg10[%dma_start3A_35, %dma_start3A_36] : memref<125x80xi32, #tpu.memory_space<vmem>> -> memref<1x80xi32, #tpu.memory_space<vmem>>
    %dma_start3A_38 = tpu.memref_squeeze %dma_start3A_37 : memref<1x80xi32, #tpu.memory_space<vmem>> -> memref<80xi32, #tpu.memory_space<vmem>>
    %dma_start3A_39 = arith.constant 0 : i32
    %dma_start3A_40 = arith.constant 0 : i32
    %dma_start3A_41 = tpu.memref_slice %arg21[%dma_start3A_39, %dma_start3A_40] : memref<10240x16xf32, #tpu.memory_space<vmem_shared>> -> memref<10240x16xf32, #tpu.memory_space<vmem_shared>>
    tpu.enqueue_indirect_dma source(%dma_start3A_41 : memref<10240x16xf32, #tpu.memory_space<vmem_shared>>) target(%arg20 : memref<80x16xf32, #tpu.memory_space<vmem>>) offsets(%dma_start3A_38 : memref<80xi32, #tpu.memory_space<vmem>>) semaphore(%arg26 : memref<!tpu.dma_semaphore, #tpu.memory_space<semaphore_mem>>)
    %scan3A_42 = arith.constant 0 : i32
    %scan3A_43 = arith.constant 0 : i32
    %scan3A_44 = arith.constant 30 : i32
    %scan3A_45 = arith.addi %scan3A_43, %scan3A_44 : i32
    %scan3A_46 = arith.constant 1 : i32
    scf.for %scan3A_147 = %scan3A_43 to %scan3A_45 step %scan3A_46  : i32 {
      %mul3A_148 = arith.constant 4 : i32
      %mul3A_149 = arith.muli %mul3A_148, %scan3A_147 : i32
      %add3A_150 = arith.constant 0 : i32
      %add3A_151 = arith.addi %mul3A_149, %add3A_150 : i32
      %dma_wait3A_152 = arith.constant 0 : i32
      %dma_wait3A_153 = tpu.memref_slice %arg10[%add3A_151, %dma_wait3A_152] : memref<125x80xi32, #tpu.memory_space<vmem>> -> memref<1x80xi32, #tpu.memory_space<vmem>>
      %dma_wait3A_154 = tpu.memref_squeeze %dma_wait3A_153 : memref<1x80xi32, #tpu.memory_space<vmem>> -> memref<80xi32, #tpu.memory_space<vmem>>
      %dma_wait3A_155 = arith.constant 0 : i32
      %dma_wait3A_156 = arith.constant 0 : i32
      %dma_wait3A_157 = tpu.memref_slice %arg21[%dma_wait3A_155, %dma_wait3A_156] : memref<10240x16xf32, #tpu.memory_space<vmem_shared>> -> memref<10240x16xf32, #tpu.memory_space<vmem_shared>>
      tpu.wait_indirect_dma semaphore(%arg23 : memref<!tpu.dma_semaphore, #tpu.memory_space<semaphore_mem>>) src(%dma_wait3A_157 : memref<10240x16xf32, #tpu.memory_space<vmem_shared>>) dst(%arg17 : memref<80x16xf32, #tpu.memory_space<vmem>>)
      %add3A_158 = arith.constant 0 : i32
      %add3A_159 = arith.addi %mul3A_149, %add3A_158 : i32
      %dma_start3A_160 = arith.constant 0 : i32
      %dma_start3A_161 = tpu.memref_slice %arg11[%add3A_159, %dma_start3A_160] : memref<125x80xi32, #tpu.memory_space<vmem>> -> memref<1x80xi32, #tpu.memory_space<vmem>>
      %dma_start3A_162 = tpu.memref_squeeze %dma_start3A_161 : memref<1x80xi32, #tpu.memory_space<vmem>> -> memref<80xi32, #tpu.memory_space<vmem>>
      %dma_start3A_163 = arith.constant 0 : i32
      %dma_start3A_164 = arith.constant 0 : i32
      %dma_start3A_165 = tpu.memref_slice %arg22[%dma_start3A_163, %dma_start3A_164] : memref<10240x16xf32, #tpu.memory_space<vmem_shared>> -> memref<10240x16xf32, #tpu.memory_space<vmem_shared>>
      tpu.enqueue_indirect_dma source(%arg17 : memref<80x16xf32, #tpu.memory_space<vmem>>) target(%dma_start3A_165 : memref<10240x16xf32, #tpu.memory_space<vmem_shared>>) offsets(%dma_start3A_162 : memref<80xi32, #tpu.memory_space<vmem>>) semaphore(%arg27 : memref<!tpu.dma_semaphore, #tpu.memory_space<semaphore_mem>>) {add = true}
      %add3A_166 = arith.constant 1 : i32
      %add3A_167 = arith.addi %mul3A_149, %add3A_166 : i32
      %dma_wait3A_168 = arith.constant 0 : i32
      %dma_wait3A_169 = tpu.memref_slice %arg10[%add3A_167, %dma_wait3A_168] : memref<125x80xi32, #tpu.memory_space<vmem>> -> memref<1x80xi32, #tpu.memory_space<vmem>>
      %dma_wait3A_170 = tpu.memref_squeeze %dma_wait3A_169 : memref<1x80xi32, #tpu.memory_space<vmem>> -> memref<80xi32, #tpu.memory_space<vmem>>
      %dma_wait3A_171 = arith.constant 0 : i32
      %dma_wait3A_172 = arith.constant 0 : i32
      %dma_wait3A_173 = tpu.memref_slice %arg21[%dma_wait3A_171, %dma_wait3A_172] : memref<10240x16xf32, #tpu.memory_space<vmem_shared>> -> memref<10240x16xf32, #tpu.memory_space<vmem_shared>>
      tpu.wait_indirect_dma semaphore(%arg24 : memref<!tpu.dma_semaphore, #tpu.memory_space<semaphore_mem>>) src(%dma_wait3A_173 : memref<10240x16xf32, #tpu.memory_space<vmem_shared>>) dst(%arg18 : memref<80x16xf32, #tpu.memory_space<vmem>>)
      %add3A_174 = arith.constant 1 : i32
      %add3A_175 = arith.addi %mul3A_149, %add3A_174 : i32
      %dma_start3A_176 = arith.constant 0 : i32
      %dma_start3A_177 = tpu.memref_slice %arg11[%add3A_175, %dma_start3A_176] : memref<125x80xi32, #tpu.memory_space<vmem>> -> memref<1x80xi32, #tpu.memory_space<vmem>>
      %dma_start3A_178 = tpu.memref_squeeze %dma_start3A_177 : memref<1x80xi32, #tpu.memory_space<vmem>> -> memref<80xi32, #tpu.memory_space<vmem>>
      %dma_start3A_179 = arith.constant 0 : i32
      %dma_start3A_180 = arith.constant 0 : i32
      %dma_start3A_181 = tpu.memref_slice %arg22[%dma_start3A_179, %dma_start3A_180] : memref<10240x16xf32, #tpu.memory_space<vmem_shared>> -> memref<10240x16xf32, #tpu.memory_space<vmem_shared>>
      tpu.enqueue_indirect_dma source(%arg18 : memref<80x16xf32, #tpu.memory_space<vmem>>) target(%dma_start3A_181 : memref<10240x16xf32, #tpu.memory_space<vmem_shared>>) offsets(%dma_start3A_178 : memref<80xi32, #tpu.memory_space<vmem>>) semaphore(%arg28 : memref<!tpu.dma_semaphore, #tpu.memory_space<semaphore_mem>>) {add = true}
      %add3A_182 = arith.constant 2 : i32
      %add3A_183 = arith.addi %mul3A_149, %add3A_182 : i32
      %dma_wait3A_184 = arith.constant 0 : i32
      %dma_wait3A_185 = tpu.memref_slice %arg10[%add3A_183, %dma_wait3A_184] : memref<125x80xi32, #tpu.memory_space<vmem>> -> memref<1x80xi32, #tpu.memory_space<vmem>>
      %dma_wait3A_186 = tpu.memref_squeeze %dma_wait3A_185 : memref<1x80xi32, #tpu.memory_space<vmem>> -> memref<80xi32, #tpu.memory_space<vmem>>
      %dma_wait3A_187 = arith.constant 0 : i32
      %dma_wait3A_188 = arith.constant 0 : i32
      %dma_wait3A_189 = tpu.memref_slice %arg21[%dma_wait3A_187, %dma_wait3A_188] : memref<10240x16xf32, #tpu.memory_space<vmem_shared>> -> memref<10240x16xf32, #tpu.memory_space<vmem_shared>>
      tpu.wait_indirect_dma semaphore(%arg25 : memref<!tpu.dma_semaphore, #tpu.memory_space<semaphore_mem>>) src(%dma_wait3A_189 : memref<10240x16xf32, #tpu.memory_space<vmem_shared>>) dst(%arg19 : memref<80x16xf32, #tpu.memory_space<vmem>>)
      %add3A_190 = arith.constant 2 : i32
      %add3A_191 = arith.addi %mul3A_149, %add3A_190 : i32
      %dma_start3A_192 = arith.constant 0 : i32
      %dma_start3A_193 = tpu.memref_slice %arg11[%add3A_191, %dma_start3A_192] : memref<125x80xi32, #tpu.memory_space<vmem>> -> memref<1x80xi32, #tpu.memory_space<vmem>>
      %dma_start3A_194 = tpu.memref_squeeze %dma_start3A_193 : memref<1x80xi32, #tpu.memory_space<vmem>> -> memref<80xi32, #tpu.memory_space<vmem>>
      %dma_start3A_195 = arith.constant 0 : i32
      %dma_start3A_196 = arith.constant 0 : i32
      %dma_start3A_197 = tpu.memref_slice %arg22[%dma_start3A_195, %dma_start3A_196] : memref<10240x16xf32, #tpu.memory_space<vmem_shared>> -> memref<10240x16xf32, #tpu.memory_space<vmem_shared>>
      tpu.enqueue_indirect_dma source(%arg19 : memref<80x16xf32, #tpu.memory_space<vmem>>) target(%dma_start3A_197 : memref<10240x16xf32, #tpu.memory_space<vmem_shared>>) offsets(%dma_start3A_194 : memref<80xi32, #tpu.memory_space<vmem>>) semaphore(%arg29 : memref<!tpu.dma_semaphore, #tpu.memory_space<semaphore_mem>>) {add = true}
      %add3A_198 = arith.constant 3 : i32
      %add3A_199 = arith.addi %mul3A_149, %add3A_198 : i32
      %dma_wait3A_200 = arith.constant 0 : i32
      %dma_wait3A_201 = tpu.memref_slice %arg10[%add3A_199, %dma_wait3A_200] : memref<125x80xi32, #tpu.memory_space<vmem>> -> memref<1x80xi32, #tpu.memory_space<vmem>>
      %dma_wait3A_202 = tpu.memref_squeeze %dma_wait3A_201 : memref<1x80xi32, #tpu.memory_space<vmem>> -> memref<80xi32, #tpu.memory_space<vmem>>
      %dma_wait3A_203 = arith.constant 0 : i32
      %dma_wait3A_204 = arith.constant 0 : i32
      %dma_wait3A_205 = tpu.memref_slice %arg21[%dma_wait3A_203, %dma_wait3A_204] : memref<10240x16xf32, #tpu.memory_space<vmem_shared>> -> memref<10240x16xf32, #tpu.memory_space<vmem_shared>>
      tpu.wait_indirect_dma semaphore(%arg26 : memref<!tpu.dma_semaphore, #tpu.memory_space<semaphore_mem>>) src(%dma_wait3A_205 : memref<10240x16xf32, #tpu.memory_space<vmem_shared>>) dst(%arg20 : memref<80x16xf32, #tpu.memory_space<vmem>>)
      %add3A_206 = arith.constant 3 : i32
      %add3A_207 = arith.addi %mul3A_149, %add3A_206 : i32
      %dma_start3A_208 = arith.constant 0 : i32
      %dma_start3A_209 = tpu.memref_slice %arg11[%add3A_207, %dma_start3A_208] : memref<125x80xi32, #tpu.memory_space<vmem>> -> memref<1x80xi32, #tpu.memory_space<vmem>>
      %dma_start3A_210 = tpu.memref_squeeze %dma_start3A_209 : memref<1x80xi32, #tpu.memory_space<vmem>> -> memref<80xi32, #tpu.memory_space<vmem>>
      %dma_start3A_211 = arith.constant 0 : i32
      %dma_start3A_212 = arith.constant 0 : i32
      %dma_start3A_213 = tpu.memref_slice %arg22[%dma_start3A_211, %dma_start3A_212] : memref<10240x16xf32, #tpu.memory_space<vmem_shared>> -> memref<10240x16xf32, #tpu.memory_space<vmem_shared>>
      tpu.enqueue_indirect_dma source(%arg20 : memref<80x16xf32, #tpu.memory_space<vmem>>) target(%dma_start3A_213 : memref<10240x16xf32, #tpu.memory_space<vmem_shared>>) offsets(%dma_start3A_210 : memref<80xi32, #tpu.memory_space<vmem>>) semaphore(%arg30 : memref<!tpu.dma_semaphore, #tpu.memory_space<semaphore_mem>>) {add = true}
      %add3A_214 = arith.constant 0 : i32
      %add3A_215 = arith.addi %mul3A_149, %add3A_214 : i32
      %dma_wait3A_216 = arith.constant 0 : i32
      %dma_wait3A_217 = tpu.memref_slice %arg11[%add3A_215, %dma_wait3A_216] : memref<125x80xi32, #tpu.memory_space<vmem>> -> memref<1x80xi32, #tpu.memory_space<vmem>>
      %dma_wait3A_218 = tpu.memref_squeeze %dma_wait3A_217 : memref<1x80xi32, #tpu.memory_space<vmem>> -> memref<80xi32, #tpu.memory_space<vmem>>
      %dma_wait3A_219 = arith.constant 0 : i32
      %dma_wait3A_220 = arith.constant 0 : i32
      %dma_wait3A_221 = tpu.memref_slice %arg22[%dma_wait3A_219, %dma_wait3A_220] : memref<10240x16xf32, #tpu.memory_space<vmem_shared>> -> memref<10240x16xf32, #tpu.memory_space<vmem_shared>>
      tpu.wait_indirect_dma semaphore(%arg27 : memref<!tpu.dma_semaphore, #tpu.memory_space<semaphore_mem>>) src(%arg17 : memref<80x16xf32, #tpu.memory_space<vmem>>) dst(%dma_wait3A_221 : memref<10240x16xf32, #tpu.memory_space<vmem_shared>>)
      %add3A_222 = arith.constant 4 : i32
      %add3A_223 = arith.addi %mul3A_149, %add3A_222 : i32
      %add3A_224 = arith.constant 0 : i32
      %add3A_225 = arith.addi %add3A_223, %add3A_224 : i32
      %dma_start3A_226 = arith.constant 0 : i32
      %dma_start3A_227 = tpu.memref_slice %arg10[%add3A_225, %dma_start3A_226] : memref<125x80xi32, #tpu.memory_space<vmem>> -> memref<1x80xi32, #tpu.memory_space<vmem>>
      %dma_start3A_228 = tpu.memref_squeeze %dma_start3A_227 : memref<1x80xi32, #tpu.memory_space<vmem>> -> memref<80xi32, #tpu.memory_space<vmem>>
      %dma_start3A_229 = arith.constant 0 : i32
      %dma_start3A_230 = arith.constant 0 : i32
      %dma_start3A_231 = tpu.memref_slice %arg21[%dma_start3A_229, %dma_start3A_230] : memref<10240x16xf32, #tpu.memory_space<vmem_shared>> -> memref<10240x16xf32, #tpu.memory_space<vmem_shared>>
      tpu.enqueue_indirect_dma source(%dma_start3A_231 : memref<10240x16xf32, #tpu.memory_space<vmem_shared>>) target(%arg17 : memref<80x16xf32, #tpu.memory_space<vmem>>) offsets(%dma_start3A_228 : memref<80xi32, #tpu.memory_space<vmem>>) semaphore(%arg23 : memref<!tpu.dma_semaphore, #tpu.memory_space<semaphore_mem>>)
      %add3A_232 = arith.constant 1 : i32
      %add3A_233 = arith.addi %mul3A_149, %add3A_232 : i32
      %dma_wait3A_234 = arith.constant 0 : i32
      %dma_wait3A_235 = tpu.memref_slice %arg11[%add3A_233, %dma_wait3A_234] : memref<125x80xi32, #tpu.memory_space<vmem>> -> memref<1x80xi32, #tpu.memory_space<vmem>>
      %dma_wait3A_236 = tpu.memref_squeeze %dma_wait3A_235 : memref<1x80xi32, #tpu.memory_space<vmem>> -> memref<80xi32, #tpu.memory_space<vmem>>
      %dma_wait3A_237 = arith.constant 0 : i32
      %dma_wait3A_238 = arith.constant 0 : i32
      %dma_wait3A_239 = tpu.memref_slice %arg22[%dma_wait3A_237, %dma_wait3A_238] : memref<10240x16xf32, #tpu.memory_space<vmem_shared>> -> memref<10240x16xf32, #tpu.memory_space<vmem_shared>>
      tpu.wait_indirect_dma semaphore(%arg28 : memref<!tpu.dma_semaphore, #tpu.memory_space<semaphore_mem>>) src(%arg18 : memref<80x16xf32, #tpu.memory_space<vmem>>) dst(%dma_wait3A_239 : memref<10240x16xf32, #tpu.memory_space<vmem_shared>>)
      %add3A_240 = arith.constant 4 : i32
      %add3A_241 = arith.addi %mul3A_149, %add3A_240 : i32
      %add3A_242 = arith.constant 1 : i32
      %add3A_243 = arith.addi %add3A_241, %add3A_242 : i32
      %dma_start3A_244 = arith.constant 0 : i32
      %dma_start3A_245 = tpu.memref_slice %arg10[%add3A_243, %dma_start3A_244] : memref<125x80xi32, #tpu.memory_space<vmem>> -> memref<1x80xi32, #tpu.memory_space<vmem>>
      %dma_start3A_246 = tpu.memref_squeeze %dma_start3A_245 : memref<1x80xi32, #tpu.memory_space<vmem>> -> memref<80xi32, #tpu.memory_space<vmem>>
      %dma_start3A_247 = arith.constant 0 : i32
      %dma_start3A_248 = arith.constant 0 : i32
      %dma_start3A_249 = tpu.memref_slice %arg21[%dma_start3A_247, %dma_start3A_248] : memref<10240x16xf32, #tpu.memory_space<vmem_shared>> -> memref<10240x16xf32, #tpu.memory_space<vmem_shared>>
      tpu.enqueue_indirect_dma source(%dma_start3A_249 : memref<10240x16xf32, #tpu.memory_space<vmem_shared>>) target(%arg18 : memref<80x16xf32, #tpu.memory_space<vmem>>) offsets(%dma_start3A_246 : memref<80xi32, #tpu.memory_space<vmem>>) semaphore(%arg24 : memref<!tpu.dma_semaphore, #tpu.memory_space<semaphore_mem>>)
      %add3A_250 = arith.constant 2 : i32
      %add3A_251 = arith.addi %mul3A_149, %add3A_250 : i32
      %dma_wait3A_252 = arith.constant 0 : i32
      %dma_wait3A_253 = tpu.memref_slice %arg11[%add3A_251, %dma_wait3A_252] : memref<125x80xi32, #tpu.memory_space<vmem>> -> memref<1x80xi32, #tpu.memory_space<vmem>>
      %dma_wait3A_254 = tpu.memref_squeeze %dma_wait3A_253 : memref<1x80xi32, #tpu.memory_space<vmem>> -> memref<80xi32, #tpu.memory_space<vmem>>
      %dma_wait3A_255 = arith.constant 0 : i32
      %dma_wait3A_256 = arith.constant 0 : i32
      %dma_wait3A_257 = tpu.memref_slice %arg22[%dma_wait3A_255, %dma_wait3A_256] : memref<10240x16xf32, #tpu.memory_space<vmem_shared>> -> memref<10240x16xf32, #tpu.memory_space<vmem_shared>>
      tpu.wait_indirect_dma semaphore(%arg29 : memref<!tpu.dma_semaphore, #tpu.memory_space<semaphore_mem>>) src(%arg19 : memref<80x16xf32, #tpu.memory_space<vmem>>) dst(%dma_wait3A_257 : memref<10240x16xf32, #tpu.memory_space<vmem_shared>>)
      %add3A_258 = arith.constant 4 : i32
      %add3A_259 = arith.addi %mul3A_149, %add3A_258 : i32
      %add3A_260 = arith.constant 2 : i32
      %add3A_261 = arith.addi %add3A_259, %add3A_260 : i32
      %dma_start3A_262 = arith.constant 0 : i32
      %dma_start3A_263 = tpu.memref_slice %arg10[%add3A_261, %dma_start3A_262] : memref<125x80xi32, #tpu.memory_space<vmem>> -> memref<1x80xi32, #tpu.memory_space<vmem>>
      %dma_start3A_264 = tpu.memref_squeeze %dma_start3A_263 : memref<1x80xi32, #tpu.memory_space<vmem>> -> memref<80xi32, #tpu.memory_space<vmem>>
      %dma_start3A_265 = arith.constant 0 : i32
      %dma_start3A_266 = arith.constant 0 : i32
      %dma_start3A_267 = tpu.memref_slice %arg21[%dma_start3A_265, %dma_start3A_266] : memref<10240x16xf32, #tpu.memory_space<vmem_shared>> -> memref<10240x16xf32, #tpu.memory_space<vmem_shared>>
      tpu.enqueue_indirect_dma source(%dma_start3A_267 : memref<10240x16xf32, #tpu.memory_space<vmem_shared>>) target(%arg19 : memref<80x16xf32, #tpu.memory_space<vmem>>) offsets(%dma_start3A_264 : memref<80xi32, #tpu.memory_space<vmem>>) semaphore(%arg25 : memref<!tpu.dma_semaphore, #tpu.memory_space<semaphore_mem>>)
      %add3A_268 = arith.constant 3 : i32
      %add3A_269 = arith.addi %mul3A_149, %add3A_268 : i32
      %dma_wait3A_270 = arith.constant 0 : i32
      %dma_wait3A_271 = tpu.memref_slice %arg11[%add3A_269, %dma_wait3A_270] : memref<125x80xi32, #tpu.memory_space<vmem>> -> memref<1x80xi32, #tpu.memory_space<vmem>>
      %dma_wait3A_272 = tpu.memref_squeeze %dma_wait3A_271 : memref<1x80xi32, #tpu.memory_space<vmem>> -> memref<80xi32, #tpu.memory_space<vmem>>
      %dma_wait3A_273 = arith.constant 0 : i32
      %dma_wait3A_274 = arith.constant 0 : i32
      %dma_wait3A_275 = tpu.memref_slice %arg22[%dma_wait3A_273, %dma_wait3A_274] : memref<10240x16xf32, #tpu.memory_space<vmem_shared>> -> memref<10240x16xf32, #tpu.memory_space<vmem_shared>>
      tpu.wait_indirect_dma semaphore(%arg30 : memref<!tpu.dma_semaphore, #tpu.memory_space<semaphore_mem>>) src(%arg20 : memref<80x16xf32, #tpu.memory_space<vmem>>) dst(%dma_wait3A_275 : memref<10240x16xf32, #tpu.memory_space<vmem_shared>>)
      %add3A_276 = arith.constant 4 : i32
      %add3A_277 = arith.addi %mul3A_149, %add3A_276 : i32
      %add3A_278 = arith.constant 3 : i32
      %add3A_279 = arith.addi %add3A_277, %add3A_278 : i32
      %dma_start3A_280 = arith.constant 0 : i32
      %dma_start3A_281 = tpu.memref_slice %arg10[%add3A_279, %dma_start3A_280] : memref<125x80xi32, #tpu.memory_space<vmem>> -> memref<1x80xi32, #tpu.memory_space<vmem>>
      %dma_start3A_282 = tpu.memref_squeeze %dma_start3A_281 : memref<1x80xi32, #tpu.memory_space<vmem>> -> memref<80xi32, #tpu.memory_space<vmem>>
      %dma_start3A_283 = arith.constant 0 : i32
      %dma_start3A_284 = arith.constant 0 : i32
      %dma_start3A_285 = tpu.memref_slice %arg21[%dma_start3A_283, %dma_start3A_284] : memref<10240x16xf32, #tpu.memory_space<vmem_shared>> -> memref<10240x16xf32, #tpu.memory_space<vmem_shared>>
      tpu.enqueue_indirect_dma source(%dma_start3A_285 : memref<10240x16xf32, #tpu.memory_space<vmem_shared>>) target(%arg20 : memref<80x16xf32, #tpu.memory_space<vmem>>) offsets(%dma_start3A_282 : memref<80xi32, #tpu.memory_space<vmem>>) semaphore(%arg26 : memref<!tpu.dma_semaphore, #tpu.memory_space<semaphore_mem>>)
    }
    %scan3A_47 = arith.constant 30 : i32
    %dma_wait3A = arith.constant 120 : i32
    %dma_wait3A_48 = arith.constant 0 : i32
    %dma_wait3A_49 = tpu.memref_slice %arg10[%dma_wait3A, %dma_wait3A_48] : memref<125x80xi32, #tpu.memory_space<vmem>> -> memref<1x80xi32, #tpu.memory_space<vmem>>
    %dma_wait3A_50 = tpu.memref_squeeze %dma_wait3A_49 : memref<1x80xi32, #tpu.memory_space<vmem>> -> memref<80xi32, #tpu.memory_space<vmem>>
    %dma_wait3A_51 = arith.constant 0 : i32
    %dma_wait3A_52 = arith.constant 0 : i32
    %dma_wait3A_53 = tpu.memref_slice %arg21[%dma_wait3A_51, %dma_wait3A_52] : memref<10240x16xf32, #tpu.memory_space<vmem_shared>> -> memref<10240x16xf32, #tpu.memory_space<vmem_shared>>
    tpu.wait_indirect_dma semaphore(%arg23 : memref<!tpu.dma_semaphore, #tpu.memory_space<semaphore_mem>>) src(%dma_wait3A_53 : memref<10240x16xf32, #tpu.memory_space<vmem_shared>>) dst(%arg17 : memref<80x16xf32, #tpu.memory_space<vmem>>)
    %dma_start3A_54 = arith.constant 120 : i32
    %dma_start3A_55 = arith.constant 0 : i32
    %dma_start3A_56 = tpu.memref_slice %arg11[%dma_start3A_54, %dma_start3A_55] : memref<125x80xi32, #tpu.memory_space<vmem>> -> memref<1x80xi32, #tpu.memory_space<vmem>>
    %dma_start3A_57 = tpu.memref_squeeze %dma_start3A_56 : memref<1x80xi32, #tpu.memory_space<vmem>> -> memref<80xi32, #tpu.memory_space<vmem>>
    %dma_start3A_58 = arith.constant 0 : i32
    %dma_start3A_59 = arith.constant 0 : i32
    %dma_start3A_60 = tpu.memref_slice %arg22[%dma_start3A_58, %dma_start3A_59] : memref<10240x16xf32, #tpu.memory_space<vmem_shared>> -> memref<10240x16xf32, #tpu.memory_space<vmem_shared>>
    tpu.enqueue_indirect_dma source(%arg17 : memref<80x16xf32, #tpu.memory_space<vmem>>) target(%dma_start3A_60 : memref<10240x16xf32, #tpu.memory_space<vmem_shared>>) offsets(%dma_start3A_57 : memref<80xi32, #tpu.memory_space<vmem>>) semaphore(%arg27 : memref<!tpu.dma_semaphore, #tpu.memory_space<semaphore_mem>>) {add = true}
    %dma_wait3A_61 = arith.constant 121 : i32
    %dma_wait3A_62 = arith.constant 0 : i32
    %dma_wait3A_63 = tpu.memref_slice %arg10[%dma_wait3A_61, %dma_wait3A_62] : memref<125x80xi32, #tpu.memory_space<vmem>> -> memref<1x80xi32, #tpu.memory_space<vmem>>
    %dma_wait3A_64 = tpu.memref_squeeze %dma_wait3A_63 : memref<1x80xi32, #tpu.memory_space<vmem>> -> memref<80xi32, #tpu.memory_space<vmem>>
    %dma_wait3A_65 = arith.constant 0 : i32
    %dma_wait3A_66 = arith.constant 0 : i32
    %dma_wait3A_67 = tpu.memref_slice %arg21[%dma_wait3A_65, %dma_wait3A_66] : memref<10240x16xf32, #tpu.memory_space<vmem_shared>> -> memref<10240x16xf32, #tpu.memory_space<vmem_shared>>
    tpu.wait_indirect_dma semaphore(%arg24 : memref<!tpu.dma_semaphore, #tpu.memory_space<semaphore_mem>>) src(%dma_wait3A_67 : memref<10240x16xf32, #tpu.memory_space<vmem_shared>>) dst(%arg18 : memref<80x16xf32, #tpu.memory_space<vmem>>)
    %dma_start3A_68 = arith.constant 121 : i32
    %dma_start3A_69 = arith.constant 0 : i32
    %dma_start3A_70 = tpu.memref_slice %arg11[%dma_start3A_68, %dma_start3A_69] : memref<125x80xi32, #tpu.memory_space<vmem>> -> memref<1x80xi32, #tpu.memory_space<vmem>>
    %dma_start3A_71 = tpu.memref_squeeze %dma_start3A_70 : memref<1x80xi32, #tpu.memory_space<vmem>> -> memref<80xi32, #tpu.memory_space<vmem>>
    %dma_start3A_72 = arith.constant 0 : i32
    %dma_start3A_73 = arith.constant 0 : i32
    %dma_start3A_74 = tpu.memref_slice %arg22[%dma_start3A_72, %dma_start3A_73] : memref<10240x16xf32, #tpu.memory_space<vmem_shared>> -> memref<10240x16xf32, #tpu.memory_space<vmem_shared>>
    tpu.enqueue_indirect_dma source(%arg18 : memref<80x16xf32, #tpu.memory_space<vmem>>) target(%dma_start3A_74 : memref<10240x16xf32, #tpu.memory_space<vmem_shared>>) offsets(%dma_start3A_71 : memref<80xi32, #tpu.memory_space<vmem>>) semaphore(%arg28 : memref<!tpu.dma_semaphore, #tpu.memory_space<semaphore_mem>>) {add = true}
    %dma_wait3A_75 = arith.constant 122 : i32
    %dma_wait3A_76 = arith.constant 0 : i32
    %dma_wait3A_77 = tpu.memref_slice %arg10[%dma_wait3A_75, %dma_wait3A_76] : memref<125x80xi32, #tpu.memory_space<vmem>> -> memref<1x80xi32, #tpu.memory_space<vmem>>
    %dma_wait3A_78 = tpu.memref_squeeze %dma_wait3A_77 : memref<1x80xi32, #tpu.memory_space<vmem>> -> memref<80xi32, #tpu.memory_space<vmem>>
    %dma_wait3A_79 = arith.constant 0 : i32
    %dma_wait3A_80 = arith.constant 0 : i32
    %dma_wait3A_81 = tpu.memref_slice %arg21[%dma_wait3A_79, %dma_wait3A_80] : memref<10240x16xf32, #tpu.memory_space<vmem_shared>> -> memref<10240x16xf32, #tpu.memory_space<vmem_shared>>
    tpu.wait_indirect_dma semaphore(%arg25 : memref<!tpu.dma_semaphore, #tpu.memory_space<semaphore_mem>>) src(%dma_wait3A_81 : memref<10240x16xf32, #tpu.memory_space<vmem_shared>>) dst(%arg19 : memref<80x16xf32, #tpu.memory_space<vmem>>)
    %dma_start3A_82 = arith.constant 122 : i32
    %dma_start3A_83 = arith.constant 0 : i32
    %dma_start3A_84 = tpu.memref_slice %arg11[%dma_start3A_82, %dma_start3A_83] : memref<125x80xi32, #tpu.memory_space<vmem>> -> memref<1x80xi32, #tpu.memory_space<vmem>>
    %dma_start3A_85 = tpu.memref_squeeze %dma_start3A_84 : memref<1x80xi32, #tpu.memory_space<vmem>> -> memref<80xi32, #tpu.memory_space<vmem>>
    %dma_start3A_86 = arith.constant 0 : i32
    %dma_start3A_87 = arith.constant 0 : i32
    %dma_start3A_88 = tpu.memref_slice %arg22[%dma_start3A_86, %dma_start3A_87] : memref<10240x16xf32, #tpu.memory_space<vmem_shared>> -> memref<10240x16xf32, #tpu.memory_space<vmem_shared>>
    tpu.enqueue_indirect_dma source(%arg19 : memref<80x16xf32, #tpu.memory_space<vmem>>) target(%dma_start3A_88 : memref<10240x16xf32, #tpu.memory_space<vmem_shared>>) offsets(%dma_start3A_85 : memref<80xi32, #tpu.memory_space<vmem>>) semaphore(%arg29 : memref<!tpu.dma_semaphore, #tpu.memory_space<semaphore_mem>>) {add = true}
    %dma_wait3A_89 = arith.constant 123 : i32
    %dma_wait3A_90 = arith.constant 0 : i32
    %dma_wait3A_91 = tpu.memref_slice %arg10[%dma_wait3A_89, %dma_wait3A_90] : memref<125x80xi32, #tpu.memory_space<vmem>> -> memref<1x80xi32, #tpu.memory_space<vmem>>
    %dma_wait3A_92 = tpu.memref_squeeze %dma_wait3A_91 : memref<1x80xi32, #tpu.memory_space<vmem>> -> memref<80xi32, #tpu.memory_space<vmem>>
    %dma_wait3A_93 = arith.constant 0 : i32
    %dma_wait3A_94 = arith.constant 0 : i32
    %dma_wait3A_95 = tpu.memref_slice %arg21[%dma_wait3A_93, %dma_wait3A_94] : memref<10240x16xf32, #tpu.memory_space<vmem_shared>> -> memref<10240x16xf32, #tpu.memory_space<vmem_shared>>
    tpu.wait_indirect_dma semaphore(%arg26 : memref<!tpu.dma_semaphore, #tpu.memory_space<semaphore_mem>>) src(%dma_wait3A_95 : memref<10240x16xf32, #tpu.memory_space<vmem_shared>>) dst(%arg20 : memref<80x16xf32, #tpu.memory_space<vmem>>)
    %dma_start3A_96 = arith.constant 123 : i32
    %dma_start3A_97 = arith.constant 0 : i32
    %dma_start3A_98 = tpu.memref_slice %arg11[%dma_start3A_96, %dma_start3A_97] : memref<125x80xi32, #tpu.memory_space<vmem>> -> memref<1x80xi32, #tpu.memory_space<vmem>>
    %dma_start3A_99 = tpu.memref_squeeze %dma_start3A_98 : memref<1x80xi32, #tpu.memory_space<vmem>> -> memref<80xi32, #tpu.memory_space<vmem>>
    %dma_start3A_100 = arith.constant 0 : i32
    %dma_start3A_101 = arith.constant 0 : i32
    %dma_start3A_102 = tpu.memref_slice %arg22[%dma_start3A_100, %dma_start3A_101] : memref<10240x16xf32, #tpu.memory_space<vmem_shared>> -> memref<10240x16xf32, #tpu.memory_space<vmem_shared>>
    tpu.enqueue_indirect_dma source(%arg20 : memref<80x16xf32, #tpu.memory_space<vmem>>) target(%dma_start3A_102 : memref<10240x16xf32, #tpu.memory_space<vmem_shared>>) offsets(%dma_start3A_99 : memref<80xi32, #tpu.memory_space<vmem>>) semaphore(%arg30 : memref<!tpu.dma_semaphore, #tpu.memory_space<semaphore_mem>>) {add = true}
    %dma_wait3A_103 = arith.constant 120 : i32
    %dma_wait3A_104 = arith.constant 0 : i32
    %dma_wait3A_105 = tpu.memref_slice %arg11[%dma_wait3A_103, %dma_wait3A_104] : memref<125x80xi32, #tpu.memory_space<vmem>> -> memref<1x80xi32, #tpu.memory_space<vmem>>
    %dma_wait3A_106 = tpu.memref_squeeze %dma_wait3A_105 : memref<1x80xi32, #tpu.memory_space<vmem>> -> memref<80xi32, #tpu.memory_space<vmem>>
    %dma_wait3A_107 = arith.constant 0 : i32
    %dma_wait3A_108 = arith.constant 0 : i32
    %dma_wait3A_109 = tpu.memref_slice %arg22[%dma_wait3A_107, %dma_wait3A_108] : memref<10240x16xf32, #tpu.memory_space<vmem_shared>> -> memref<10240x16xf32, #tpu.memory_space<vmem_shared>>
    tpu.wait_indirect_dma semaphore(%arg27 : memref<!tpu.dma_semaphore, #tpu.memory_space<semaphore_mem>>) src(%arg17 : memref<80x16xf32, #tpu.memory_space<vmem>>) dst(%dma_wait3A_109 : memref<10240x16xf32, #tpu.memory_space<vmem_shared>>)
    %dma_start3A_110 = arith.constant 124 : i32
    %dma_start3A_111 = arith.constant 0 : i32
    %dma_start3A_112 = tpu.memref_slice %arg10[%dma_start3A_110, %dma_start3A_111] : memref<125x80xi32, #tpu.memory_space<vmem>> -> memref<1x80xi32, #tpu.memory_space<vmem>>
    %dma_start3A_113 = tpu.memref_squeeze %dma_start3A_112 : memref<1x80xi32, #tpu.memory_space<vmem>> -> memref<80xi32, #tpu.memory_space<vmem>>
    %dma_start3A_114 = arith.constant 0 : i32
    %dma_start3A_115 = arith.constant 0 : i32
    %dma_start3A_116 = tpu.memref_slice %arg21[%dma_start3A_114, %dma_start3A_115] : memref<10240x16xf32, #tpu.memory_space<vmem_shared>> -> memref<10240x16xf32, #tpu.memory_space<vmem_shared>>
    tpu.enqueue_indirect_dma source(%dma_start3A_116 : memref<10240x16xf32, #tpu.memory_space<vmem_shared>>) target(%arg17 : memref<80x16xf32, #tpu.memory_space<vmem>>) offsets(%dma_start3A_113 : memref<80xi32, #tpu.memory_space<vmem>>) semaphore(%arg23 : memref<!tpu.dma_semaphore, #tpu.memory_space<semaphore_mem>>)
    %dma_wait3A_117 = arith.constant 124 : i32
    %dma_wait3A_118 = arith.constant 0 : i32
    %dma_wait3A_119 = tpu.memref_slice %arg10[%dma_wait3A_117, %dma_wait3A_118] : memref<125x80xi32, #tpu.memory_space<vmem>> -> memref<1x80xi32, #tpu.memory_space<vmem>>
    %dma_wait3A_120 = tpu.memref_squeeze %dma_wait3A_119 : memref<1x80xi32, #tpu.memory_space<vmem>> -> memref<80xi32, #tpu.memory_space<vmem>>
    %dma_wait3A_121 = arith.constant 0 : i32
    %dma_wait3A_122 = arith.constant 0 : i32
    %dma_wait3A_123 = tpu.memref_slice %arg21[%dma_wait3A_121, %dma_wait3A_122] : memref<10240x16xf32, #tpu.memory_space<vmem_shared>> -> memref<10240x16xf32, #tpu.memory_space<vmem_shared>>
    tpu.wait_indirect_dma semaphore(%arg23 : memref<!tpu.dma_semaphore, #tpu.memory_space<semaphore_mem>>) src(%dma_wait3A_123 : memref<10240x16xf32, #tpu.memory_space<vmem_shared>>) dst(%arg17 : memref<80x16xf32, #tpu.memory_space<vmem>>)
    %run_scoped3A_124 = arith.constant 124 : i32
    "tpu.region"() ({
      %run_scoped3A_147 = tpu.sem_alloc : memref<!tpu.dma_semaphore, #tpu.memory_space<semaphore_mem>>
      %dma_start3A_148 = arith.constant 0 : i32
      %dma_start3A_149 = tpu.memref_slice %arg11[%run_scoped3A_124, %dma_start3A_148] : memref<125x80xi32, #tpu.memory_space<vmem>> -> memref<1x80xi32, #tpu.memory_space<vmem>>
      %dma_start3A_150 = tpu.memref_squeeze %dma_start3A_149 : memref<1x80xi32, #tpu.memory_space<vmem>> -> memref<80xi32, #tpu.memory_space<vmem>>
      %dma_start3A_151 = arith.constant 0 : i32
      %dma_start3A_152 = arith.constant 0 : i32
      %dma_start3A_153 = tpu.memref_slice %arg22[%dma_start3A_151, %dma_start3A_152] : memref<10240x16xf32, #tpu.memory_space<vmem_shared>> -> memref<10240x16xf32, #tpu.memory_space<vmem_shared>>
      tpu.enqueue_indirect_dma source(%arg17 : memref<80x16xf32, #tpu.memory_space<vmem>>) target(%dma_start3A_153 : memref<10240x16xf32, #tpu.memory_space<vmem_shared>>) offsets(%dma_start3A_150 : memref<80xi32, #tpu.memory_space<vmem>>) semaphore(%run_scoped3A_147 : memref<!tpu.dma_semaphore, #tpu.memory_space<semaphore_mem>>) {add = true}
      %dma_wait3A_154 = arith.constant 0 : i32
      %dma_wait3A_155 = tpu.memref_slice %arg11[%run_scoped3A_124, %dma_wait3A_154] : memref<125x80xi32, #tpu.memory_space<vmem>> -> memref<1x80xi32, #tpu.memory_space<vmem>>
      %dma_wait3A_156 = tpu.memref_squeeze %dma_wait3A_155 : memref<1x80xi32, #tpu.memory_space<vmem>> -> memref<80xi32, #tpu.memory_space<vmem>>
      %dma_wait3A_157 = arith.constant 0 : i32
      %dma_wait3A_158 = arith.constant 0 : i32
      %dma_wait3A_159 = tpu.memref_slice %arg22[%dma_wait3A_157, %dma_wait3A_158] : memref<10240x16xf32, #tpu.memory_space<vmem_shared>> -> memref<10240x16xf32, #tpu.memory_space<vmem_shared>>
      tpu.wait_indirect_dma semaphore(%run_scoped3A_147 : memref<!tpu.dma_semaphore, #tpu.memory_space<semaphore_mem>>) src(%arg17 : memref<80x16xf32, #tpu.memory_space<vmem>>) dst(%dma_wait3A_159 : memref<10240x16xf32, #tpu.memory_space<vmem_shared>>)
      tpu.yield
    }) : () -> ()
    %dma_wait3A_125 = arith.constant 121 : i32
    %dma_wait3A_126 = arith.constant 0 : i32
    %dma_wait3A_127 = tpu.memref_slice %arg11[%dma_wait3A_125, %dma_wait3A_126] : memref<125x80xi32, #tpu.memory_space<vmem>> -> memref<1x80xi32, #tpu.memory_space<vmem>>
    %dma_wait3A_128 = tpu.memref_squeeze %dma_wait3A_127 : memref<1x80xi32, #tpu.memory_space<vmem>> -> memref<80xi32, #tpu.memory_space<vmem>>
    %dma_wait3A_129 = arith.constant 0 : i32
    %dma_wait3A_130 = arith.constant 0 : i32
    %dma_wait3A_131 = tpu.memref_slice %arg22[%dma_wait3A_129, %dma_wait3A_130] : memref<10240x16xf32, #tpu.memory_space<vmem_shared>> -> memref<10240x16xf32, #tpu.memory_space<vmem_shared>>
    tpu.wait_indirect_dma semaphore(%arg28 : memref<!tpu.dma_semaphore, #tpu.memory_space<semaphore_mem>>) src(%arg18 : memref<80x16xf32, #tpu.memory_space<vmem>>) dst(%dma_wait3A_131 : memref<10240x16xf32, #tpu.memory_space<vmem_shared>>)
    %dma_wait3A_132 = arith.constant 122 : i32
    %dma_wait3A_133 = arith.constant 0 : i32
    %dma_wait3A_134 = tpu.memref_slice %arg11[%dma_wait3A_132, %dma_wait3A_133] : memref<125x80xi32, #tpu.memory_space<vmem>> -> memref<1x80xi32, #tpu.memory_space<vmem>>
    %dma_wait3A_135 = tpu.memref_squeeze %dma_wait3A_134 : memref<1x80xi32, #tpu.memory_space<vmem>> -> memref<80xi32, #tpu.memory_space<vmem>>
    %dma_wait3A_136 = arith.constant 0 : i32
    %dma_wait3A_137 = arith.constant 0 : i32
    %dma_wait3A_138 = tpu.memref_slice %arg22[%dma_wait3A_136, %dma_wait3A_137] : memref<10240x16xf32, #tpu.memory_space<vmem_shared>> -> memref<10240x16xf32, #tpu.memory_space<vmem_shared>>
    tpu.wait_indirect_dma semaphore(%arg29 : memref<!tpu.dma_semaphore, #tpu.memory_space<semaphore_mem>>) src(%arg19 : memref<80x16xf32, #tpu.memory_space<vmem>>) dst(%dma_wait3A_138 : memref<10240x16xf32, #tpu.memory_space<vmem_shared>>)
    %dma_wait3A_139 = arith.constant 123 : i32
    %dma_wait3A_140 = arith.constant 0 : i32
    %dma_wait3A_141 = tpu.memref_slice %arg11[%dma_wait3A_139, %dma_wait3A_140] : memref<125x80xi32, #tpu.memory_space<vmem>> -> memref<1x80xi32, #tpu.memory_space<vmem>>
    %dma_wait3A_142 = tpu.memref_squeeze %dma_wait3A_141 : memref<1x80xi32, #tpu.memory_space<vmem>> -> memref<80xi32, #tpu.memory_space<vmem>>
    %dma_wait3A_143 = arith.constant 0 : i32
    %dma_wait3A_144 = arith.constant 0 : i32
    %dma_wait3A_145 = tpu.memref_slice %arg22[%dma_wait3A_143, %dma_wait3A_144] : memref<10240x16xf32, #tpu.memory_space<vmem_shared>> -> memref<10240x16xf32, #tpu.memory_space<vmem_shared>>
    tpu.wait_indirect_dma semaphore(%arg30 : memref<!tpu.dma_semaphore, #tpu.memory_space<semaphore_mem>>) src(%arg20 : memref<80x16xf32, #tpu.memory_space<vmem>>) dst(%dma_wait3A_145 : memref<10240x16xf32, #tpu.memory_space<vmem_shared>>)
    %barrier3A_146 = arith.constant 0 : index
    tpu.barrier barrier_id(%barrier3A_146)
    "tpu.region"() ({
      %run_scoped3A_147 = tpu.sem_alloc : memref<!tpu.dma_semaphore, #tpu.memory_space<semaphore_mem>>
      %dma_start3A_148 = arith.constant 0 : i32
      %dma_start3A_149 = tpu.memref_slice %arg8[%arg0, %mul3A_2, %dma_start3A_148] : memref<2x10240x16xf32, #tpu.memory_space<hbm>> -> memref<1x640x16xf32, #tpu.memory_space<hbm>>
      %dma_start3A_150 = tpu.memref_squeeze %dma_start3A_149 : memref<1x640x16xf32, #tpu.memory_space<hbm>> -> memref<640x16xf32, #tpu.memory_space<hbm>>
      %dma_start3A_151 = arith.constant 0 : i32
      %dma_start3A_152 = tpu.memref_slice %arg22[%mul3A_2, %dma_start3A_151] : memref<10240x16xf32, #tpu.memory_space<vmem_shared>> -> memref<640x16xf32, #tpu.memory_space<vmem_shared>>
      tpu.enqueue_dma source(%dma_start3A_152 : memref<640x16xf32, #tpu.memory_space<vmem_shared>>) target(%dma_start3A_150 : memref<640x16xf32, #tpu.memory_space<hbm>>) target_semaphore(%run_scoped3A_147 : memref<!tpu.dma_semaphore, #tpu.memory_space<semaphore_mem>>)
      %dma_wait3A_153 = arith.constant 0 : i32
      %dma_wait3A_154 = tpu.memref_slice %arg8[%arg0, %mul3A_2, %dma_wait3A_153] : memref<2x10240x16xf32, #tpu.memory_space<hbm>> -> memref<1x640x16xf32, #tpu.memory_space<hbm>>
      %dma_wait3A_155 = tpu.memref_squeeze %dma_wait3A_154 : memref<1x640x16xf32, #tpu.memory_space<hbm>> -> memref<640x16xf32, #tpu.memory_space<hbm>>
      %dma_wait3A_156 = arith.constant 0 : i32
      %dma_wait3A_157 = tpu.memref_slice %arg22[%mul3A_2, %dma_wait3A_156] : memref<10240x16xf32, #tpu.memory_space<vmem_shared>> -> memref<640x16xf32, #tpu.memory_space<vmem_shared>>
      tpu.wait_dma2 semaphore(%run_scoped3A_147 : memref<!tpu.dma_semaphore, #tpu.memory_space<semaphore_mem>>) src(%dma_wait3A_157 : memref<640x16xf32, #tpu.memory_space<vmem_shared>>) dst(%dma_wait3A_155 : memref<640x16xf32, #tpu.memory_space<hbm>>)
      tpu.yield
    }) : () -> ()
    return
  }
}

module attributes {stable_mosaic.version = 14 : i64} {
  func.func @body(%arg0: memref<10000x128xf32, #tpu.memory_space<vmem>>, %arg1: memref<128x16xf32, #tpu.memory_space<vmem>>, %arg2: memref<10240x16xf32, #tpu.memory_space<vmem>>) attributes {dimension_semantics = [], scalar_prefetch = 0 : i64, scratch_operands = 0 : i64, tpu.core_type = #tpu.core_type<tc>} {
    %get3A = arith.constant 0 : index
    %get3A_0 = arith.constant 0 : index
    %get3A_1 = vector.load %arg0[%get3A, %get3A_0] : memref<10000x128xf32, #tpu.memory_space<vmem>>, vector<10000x128xf32>
    %get3A_2 = arith.constant 0 : index
    %get3A_3 = arith.constant 0 : index
    %get3A_4 = vector.load %arg1[%get3A_2, %get3A_3] : memref<128x16xf32, #tpu.memory_space<vmem>>, vector<128x16xf32>
    %dot_general3A = arith.constant dense<0.000000e+00> : vector<10000x16xf32>
    %dot_general3A_5 = tpu.matmul %get3A_1, %get3A_4, %dot_general3A {dimension_numbers = #tpu.dot_dimension_numbers<[1], [0], [0], [1], [0, 0, 1, 1], [], []>, transpose_lhs_hint = false} : vector<10000x128xf32>, vector<128x16xf32>, vector<10000x16xf32> -> vector<10000x16xf32>
    %broadcast_in_dim3A = arith.constant 0.000000e+00 : f32
    %broadcast_in_dim3A_6 = vector.broadcast %broadcast_in_dim3A : f32 to vector<240x16xf32>
    %concatenate3A = tpu.concatenate %dot_general3A_5, %broadcast_in_dim3A_6 in 0 : vector<10000x16xf32>, vector<240x16xf32> -> vector<10240x16xf32>
    %swap3A = arith.constant 0 : index
    %swap3A_7 = arith.constant 0 : index
    %swap3A_8 = vector.load %arg2[%swap3A, %swap3A_7] : memref<10240x16xf32, #tpu.memory_space<vmem>>, vector<10240x16xf32>
    tpu.vector_store %arg2[%swap3A, %swap3A_7], %concatenate3A {strides = array<i32>} : memref<10240x16xf32, #tpu.memory_space<vmem>>, vector<10240x16xf32>,
    return
  }
}

module attributes {stable_mosaic.version = 14 : i64} {
  func.func @body(%arg0: memref<2x10240x16xf32, #tpu.memory_space<vmem>>, %arg1: memref<10240x16xf32, #tpu.memory_space<vmem>>, %arg2: memref<10000x1xf32, #tpu.memory_space<vmem>>, %arg3: memref<16x32xf32, #tpu.memory_space<vmem>>, %arg4: memref<1x32xf32, #tpu.memory_space<vmem>>, %arg5: memref<32x64xf32, #tpu.memory_space<vmem>>, %arg6: memref<32x64xf32, #tpu.memory_space<vmem>>, %arg7: memref<32x64xf32, #tpu.memory_space<vmem>>, %arg8: memref<64x10xf32, #tpu.memory_space<vmem>>, %arg9: memref<1x10xf32, #tpu.memory_space<vmem>>, %arg10: memref<1x10xf32, #tpu.memory_space<vmem>>) attributes {dimension_semantics = [], scalar_prefetch = 0 : i64, scratch_operands = 0 : i64, tpu.core_type = #tpu.core_type<tc>} {
    %get3A = arith.constant 0 : index
    %get3A_0 = arith.constant 0 : index
    %get3A_1 = vector.load %arg2[%get3A, %get3A_0] : memref<10000x1xf32, #tpu.memory_space<vmem>>, vector<10000x1xf32>
    %get3A_2 = arith.constant 0 : index
    %get3A_3 = arith.constant 0 : index
    %get3A_4 = arith.constant 0 : index
    %get3A_5 = vector.load %arg0[%get3A_2, %get3A_3, %get3A_4] : memref<2x10240x16xf32, #tpu.memory_space<vmem>>, vector<1x10000x16xf32>
    %get3A_6 = vector.shape_cast %get3A_5 : vector<1x10000x16xf32> to vector<10000x16xf32>
    %get3A_7 = arith.constant 1 : index
    %get3A_8 = arith.constant 0 : index
    %get3A_9 = arith.constant 0 : index
    %get3A_10 = vector.load %arg0[%get3A_7, %get3A_8, %get3A_9] : memref<2x10240x16xf32, #tpu.memory_space<vmem>>, vector<1x10000x16xf32>
    %get3A_11 = vector.shape_cast %get3A_10 : vector<1x10000x16xf32> to vector<10000x16xf32>
    %add3A = arith.addf %get3A_6, %get3A_11 : vector<10000x16xf32>
    %get3A_12 = arith.constant 0 : index
    %get3A_13 = arith.constant 0 : index
    %get3A_14 = vector.load %arg1[%get3A_12, %get3A_13] : memref<10240x16xf32, #tpu.memory_space<vmem>>, vector<10000x16xf32>
    %add3A_15 = arith.addf %add3A, %get3A_14 : vector<10000x16xf32>
    %mul3A = vector.broadcast %get3A_1 : vector<10000x1xf32> to vector<10000x16xf32>
    %mul3A_16 = arith.mulf %mul3A, %add3A_15 : vector<10000x16xf32>
    %get3A_17 = arith.constant 0 : index
    %get3A_18 = arith.constant 0 : index
    %get3A_19 = vector.load %arg3[%get3A_17, %get3A_18] : memref<16x32xf32, #tpu.memory_space<vmem>>, vector<16x32xf32>
    %dot_general3A = arith.constant dense<0.000000e+00> : vector<10000x32xf32>
    %dot_general3A_20 = tpu.matmul %mul3A_16, %get3A_19, %dot_general3A {dimension_numbers = #tpu.dot_dimension_numbers<[1], [0], [0], [1], [0, 0, 1, 1], [], []>, transpose_lhs_hint = false} : vector<10000x16xf32>, vector<16x32xf32>, vector<10000x32xf32> -> vector<10000x32xf32>
    %get3A_21 = arith.constant 0 : index
    %get3A_22 = arith.constant 0 : index
    %get3A_23 = vector.load %arg4[%get3A_21, %get3A_22] : memref<1x32xf32, #tpu.memory_space<vmem>>, vector<1x32xf32>
    %add3A_24 = vector.broadcast %get3A_23 : vector<1x32xf32> to vector<10000x32xf32>
    %add3A_25 = arith.addf %dot_general3A_20, %add3A_24 : vector<10000x32xf32>
    %get3A_26 = arith.constant 0 : index
    %get3A_27 = arith.constant 0 : index
    %get3A_28 = vector.load %arg5[%get3A_26, %get3A_27] : memref<32x64xf32, #tpu.memory_space<vmem>>, vector<32x64xf32>
    %dot_general3A_29 = arith.constant dense<0.000000e+00> : vector<10000x64xf32>
    %dot_general3A_30 = tpu.matmul %add3A_25, %get3A_28, %dot_general3A_29 {dimension_numbers = #tpu.dot_dimension_numbers<[1], [0], [0], [1], [0, 0, 1, 1], [], []>, transpose_lhs_hint = false} : vector<10000x32xf32>, vector<32x64xf32>, vector<10000x64xf32> -> vector<10000x64xf32>
    %get3A_31 = arith.constant 0 : index
    %get3A_32 = arith.constant 0 : index
    %get3A_33 = vector.load %arg6[%get3A_31, %get3A_32] : memref<32x64xf32, #tpu.memory_space<vmem>>, vector<32x64xf32>
    %dot_general3A_34 = arith.constant dense<0.000000e+00> : vector<10000x64xf32>
    %dot_general3A_35 = tpu.matmul %add3A_25, %get3A_33, %dot_general3A_34 {dimension_numbers = #tpu.dot_dimension_numbers<[1], [0], [0], [1], [0, 0, 1, 1], [], []>, transpose_lhs_hint = false} : vector<10000x32xf32>, vector<32x64xf32>, vector<10000x64xf32> -> vector<10000x64xf32>
    %get3A_36 = arith.constant 0 : index
    %get3A_37 = arith.constant 0 : index
    %get3A_38 = vector.load %arg7[%get3A_36, %get3A_37] : memref<32x64xf32, #tpu.memory_space<vmem>>, vector<32x64xf32>
    %dot_general3A_39 = arith.constant dense<0.000000e+00> : vector<10000x64xf32>
    %dot_general3A_40 = tpu.matmul %add3A_25, %get3A_38, %dot_general3A_39 {dimension_numbers = #tpu.dot_dimension_numbers<[1], [0], [0], [1], [0, 0, 1, 1], [], []>, transpose_lhs_hint = false} : vector<10000x32xf32>, vector<32x64xf32>, vector<10000x64xf32> -> vector<10000x64xf32>
    %iota3A = tpu.iota {dimensions = array<i32: 0>} : vector<10000x64xi32>
    %eq3A = arith.constant 0 : i32
    %eq3A_41 = vector.broadcast %eq3A : i32 to vector<10000x64xi32>
    %eq3A_42 = arith.cmpi eq, %iota3A, %eq3A_41 : vector<10000x64xi32>
    %roll3A = arith.constant 1 : i32
    %roll3A_43 = tpu.dynamic_rotate %dot_general3A_30 by %roll3A dim 0 : vector<10000x64xf32>, i32 -> vector<10000x64xf32>
    %jit3A = arith.constant 0.000000e+00 : f32
    %broadcast_in_dim3A = vector.broadcast %jit3A : f32 to vector<10000x64xf32>
    %select_n3A = arith.select %eq3A_42, %broadcast_in_dim3A, %roll3A_43 : vector<10000x64xi1>, vector<10000x64xf32>
    %eq3A_44 = arith.constant 9999 : i32
    %eq3A_45 = vector.broadcast %eq3A_44 : i32 to vector<10000x64xi32>
    %eq3A_46 = arith.cmpi eq, %iota3A, %eq3A_45 : vector<10000x64xi32>
    %roll3A_47 = arith.constant 9999 : i32
    %roll3A_48 = tpu.dynamic_rotate %dot_general3A_40 by %roll3A_47 dim 0 : vector<10000x64xf32>, i32 -> vector<10000x64xf32>
    %jit3A_49 = arith.constant 0.000000e+00 : f32
    %broadcast_in_dim3A_50 = vector.broadcast %jit3A_49 : f32 to vector<10000x64xf32>
    %select_n3A_51 = arith.select %eq3A_46, %broadcast_in_dim3A_50, %roll3A_48 : vector<10000x64xi1>, vector<10000x64xf32>
    %add3A_52 = arith.addf %dot_general3A_35, %select_n3A : vector<10000x64xf32>
    %add3A_53 = arith.addf %add3A_52, %select_n3A_51 : vector<10000x64xf32>
    %reduce_max3A = arith.constant dense<0xFF800000> : vector<64xf32>
    %reduce_max3A_54 = vector.multi_reduction <maximumf>, %add3A_53, %reduce_max3A [0] : vector<10000x64xf32> to vector<64xf32>
    %broadcast_in_dim3A_55 = vector.shape_cast %reduce_max3A_54 : vector<64xf32> to vector<1x64xf32>
    %get3A_56 = arith.constant 0 : index
    %get3A_57 = arith.constant 0 : index
    %get3A_58 = vector.load %arg8[%get3A_56, %get3A_57] : memref<64x10xf32, #tpu.memory_space<vmem>>, vector<64x10xf32>
    %dot_general3A_59 = arith.constant dense<0.000000e+00> : vector<1x10xf32>
    %dot_general3A_60 = tpu.matmul %broadcast_in_dim3A_55, %get3A_58, %dot_general3A_59 {dimension_numbers = #tpu.dot_dimension_numbers<[1], [0], [0], [1], [0, 0, 1, 1], [], []>, transpose_lhs_hint = false} : vector<1x64xf32>, vector<64x10xf32>, vector<1x10xf32> -> vector<1x10xf32>
    %get3A_61 = arith.constant 0 : index
    %get3A_62 = arith.constant 0 : index
    %get3A_63 = vector.load %arg9[%get3A_61, %get3A_62] : memref<1x10xf32, #tpu.memory_space<vmem>>, vector<1x10xf32>
    %add3A_64 = arith.addf %dot_general3A_60, %get3A_63 : vector<1x10xf32>
    %swap3A = arith.constant 0 : index
    %swap3A_65 = arith.constant 0 : index
    %swap3A_66 = vector.load %arg10[%swap3A, %swap3A_65] : memref<1x10xf32, #tpu.memory_space<vmem>>, vector<1x10xf32>
    tpu.vector_store %arg10[%swap3A, %swap3A_65], %add3A_64 {strides = array<i32>} : memref<1x10xf32, #tpu.memory_space<vmem>>, vector<1x10xf32>,
    return
  }
}

</mosaic_0001>

<sc_bundles>
// kernel: kernel.6.cloned.1.call-start
scs
__scs_entry_jumppad:
0x0: {  	(pc) =	sbr.rel $0x88, $3  }
0x1: {  	(tag) =	ssettag $0x0;
	lr =	simm.s32 $0x1  }
0x2: {  	[smem:$0x3F97] =	sst lr;
	_ =	strace $0xD0000000  }
0x3: {  	_ = 	snop  }
0x4: {  	_ = 	snop  }
0x5: {  	_ = 	snop  }
0x6: {  	_ = 	snop  }
0x7: {  	_ = 	snop  }
__scs_overlays_trampoline_lowered:
0x8: {  	[smem:$0x3FA6] =	sst s0  }
0x9: {  	[smem:$0x3FA7] =	sst s1  }
0xa: {  	[smem:$0x3FA8] =	sst s2  }
0xb: {  	[smem:$0x3FA9] =	sst s3  }
0xc: {  	[smem:$0x3FAA] =	sst s4  }
0xd: {  	[smem:$0x3FAB] =	sst s5  }
0xe: {  	[smem:$0x3FAC] =	sst s6  }
0xf: {  	[smem:$0x3FAD] =	sst s7  }
0x10: {  	[smem:$0x3FAE] =	sst s8  }
0x11: {  	[smem:$0x3FAF] =	sst s9;
	s0 =	simm.s32 @!p0 $0x0  }
0x12: {  	s1 =	sld [smem:$0x3F95];
	s0 =	simm.s32 @p0 $0x1  }
0x13: {  	[smem:$0x3FB0] =	sst s0;
	s0 =	simm.s32 @!p1 $0x0  }
0x14: {  	s2 =	sld [smem:$0x3F94];
	s0 =	simm.s32 @p1 $0x1  }
0x15: {  	[smem:$0x3FB1] =	sst s0;
	s0 =	simm.s32 @!p2 $0x0  }
0x16: {  	s3 =	sld [smem:$0x3FDB];
	s0 =	simm.s32 @p2 $0x1  }
0x17: {  	s4 =	simm.s32 $0x1BF5;
	[smem:$0x3FB3] =	sst s0  }
0x18: {  	s0 =	sld [smem:$0x3F96];
	_ =	swait.ge [sflag:s4], $0x0  }
0x19: {  	s7 =	sld [smem:$0x3F97]  }
0x1a: {  	s8 =	sadd.s32 $0xFFFFE003, lr  }
0x1b: {  	s9 =	sadd.s32 $0xFFFFFEF7, lr;
	s5 =	simm.s32 $0xFFFFFFFF;
	p2 =	slt.u32 s8, $0xFFFFF086  }
0x1c: {  	p1 =	slt.u32 s9, $0xF7A;
	s5 =	simm.s32 @!p2 $0x0  }
0x1d: {  	s5 =	simm.s32 @p1 $0x1;
	p0 =	seq.s32 s7, s2  }
0x1e: {  	s7 =	smul.u32 @!p0 $0xF7A, s2;
	p2 =	seq.s32 @!p0 s5, $0x0  }
0x1f: {  	s9 =	smul.u32 $0xF7A, s1;
	s8 =	simm.s32 @!p0 $0x1BF5;
	p2 =	por !p2, p0  }
0x20: {  	[sflag:s8] =	ssyncset.s32 @!p0 $0xFFFFF086;
	s6 =	sadd.s32 @!p0 s3, s7;
	s7 =	simm.s32 @!p0 $0x108  }
0x21: {  	s3 =	sadd.s32 s3, s9;
	s6 =	sadd.s32 @!p0 $0x88, s6;
	s7 =	simm.s32 @p2 $0x1082  }
0x22: {  	[simem:s7], [sflag:s8] =	dma.local @!p0 [hbm:s6], $0xF7A  }
0x23: {  	s9 =	sor.u32 $0xD0000000, s2;
	s6 =	simm.s32 $0x108;
	_ =	swait.ge @!p0 [sflag:s8], $0x0  }
0x24: {  	s3 =	sadd.s32 $0x88, s3;
	s6 =	simm.s32 @!p1 $0x1082;
	[sflag:s4] =	ssyncset.s32 $0xFFFFF086  }
0x25: {  	[simem:s6], [sflag:s4] =	dma.local [hbm:s3], $0xF7A  }
0x26: {  	[smem:$0x3F97] =	sst s1;
	(tag) =	ssettag s2;
	_ =	strace s9  }
0x27: {  	s1 =	sld [smem:$0x3FA7]  }
0x28: {  	s2 =	sld [smem:$0x3FA8]  }
0x29: {  	s4 =	sld [smem:$0x3FAA]  }
0x2a: {  	p0 =	seq.s32 s5, $0x0;
	s5 =	sld [smem:$0x3FAB]  }
0x2b: {  	s6 =	sld [smem:$0x3FAC]  }
0x2c: {  	s7 =	sld [smem:$0x3FAD]  }
0x2d: {  	s3 =	simm.s32 $0x108;
	s8 =	sld [smem:$0x3FAE]  }
0x2e: {  	s3 =	simm.s32 @!p0 $0x1082;
	s9 =	sld [smem:$0x3FAF]  }
0x2f: {  	lr =	sadd.s32 s0, s3;
	s0 =	sld [smem:$0x3FA6]  }
0x30: {  	s3 =	sld [smem:$0x3FA9]  }
0x31: {  	[smem:$0x3FB2] =	sst s10  }
0x32: {  	s10 =	sld [smem:$0x3FB0];
	_ =	sdelay $0x3  }
0x33: {  	p0 =	seq.s32 s10, $0x1;
	s10 =	sld [smem:$0x3FB2];
	_ =	sdelay $0x3  }
0x34: {  	[smem:$0x3FB2] =	sst s10  }
0x35: {  	s10 =	sld [smem:$0x3FB1];
	_ =	sdelay $0x3  }
0x36: {  	p1 =	seq.s32 s10, $0x1;
	s10 =	sld [smem:$0x3FB2];
	_ =	sdelay $0x3  }
0x37: {  	[smem:$0x3FB2] =	sst s10  }
0x38: {  	s10 =	sld [smem:$0x3FB3]  }
0x39: {  	_ = 	snop;
	(pc) =	sbr.ind lr, $3  }
0x3a: {  	_ = 	snop  }
0x3b: {  	_ = 	snop  }
0x3c: {  	p2 =	seq.s32 s10, $0x1;
	s10 =	sld [smem:$0x3FB2]  }
0x3d: {  	_ =	shalt  }
0x3e: {  	_ =	shalt  }
0x3f: {  	_ =	shalt  }
0x40: {  	_ =	shalt  }
0x41: {  	_ =	shalt  }
0x42: {  	_ =	shalt  }
0x43: {  	_ =	shalt  }
0x44: {  	_ =	shalt  }
0x45: {  	_ =	shalt  }
0x46: {  	_ =	shalt  }
0x47: {  	_ =	shalt  }
0x48: {  	_ =	shalt  }
0x49: {  	_ =	shalt  }
0x4a: {  	_ =	shalt  }
0x4b: {  	_ =	shalt  }
0x4c: {  	_ =	shalt  }
0x4d: {  	_ =	shalt  }
0x4e: {  	_ =	shalt  }
0x4f: {  	_ =	shalt  }
0x50: {  	_ =	shalt  }
0x51: {  	_ =	shalt  }
0x52: {  	_ =	shalt  }
0x53: {  	_ =	shalt  }
0x54: {  	_ =	shalt  }
0x55: {  	_ =	shalt  }
0x56: {  	_ =	shalt  }
0x57: {  	_ =	shalt  }
0x58: {  	_ =	shalt  }
0x59: {  	_ =	shalt  }
0x5a: {  	_ =	shalt  }
0x5b: {  	_ =	shalt  }
0x5c: {  	_ =	shalt  }
0x5d: {  	_ =	shalt  }
0x5e: {  	_ =	shalt  }
0x5f: {  	_ =	shalt  }
0x60: {  	_ =	shalt  }
0x61: {  	_ =	shalt  }
0x62: {  	_ =	shalt  }
0x63: {  	_ =	shalt  }
0x64: {  	_ =	shalt  }
0x65: {  	_ =	shalt  }
0x66: {  	_ =	shalt  }
0x67: {  	_ =	shalt  }
0x68: {  	_ =	shalt  }
0x69: {  	_ =	shalt  }
0x6a: {  	_ =	shalt  }
0x6b: {  	_ =	shalt  }
0x6c: {  	_ =	shalt  }
0x6d: {  	_ =	shalt  }
0x6e: {  	_ =	shalt  }
0x6f: {  	_ =	shalt  }
0x70: {  	_ =	shalt  }
0x71: {  	_ =	shalt  }
0x72: {  	_ =	shalt  }
0x73: {  	_ =	shalt  }
0x74: {  	_ =	shalt  }
0x75: {  	_ =	shalt  }
0x76: {  	_ =	shalt  }
0x77: {  	_ =	shalt  }
0x78: {  	_ =	shalt  }
0x79: {  	_ =	shalt  }
0x7a: {  	_ =	shalt  }
0x7b: {  	_ =	shalt  }
0x7c: {  	_ =	shalt  }
0x7d: {  	_ =	shalt  }
0x7e: {  	_ =	shalt  }
0x7f: {  	_ =	shalt  }
0x80: {  	_ =	shalt  }
0x81: {  	_ =	shalt  }
0x82: {  	_ =	shalt  }
0x83: {  	_ =	shalt  }
0x84: {  	_ =	shalt  }
0x85: {  	_ =	shalt  }
0x86: {  	_ =	shalt  }
0x87: {  	_ =	shalt  }
.Lfunc_end0:
.L_simem_size_0:
called_computation_lowered:
.L_overlay_start_0:
0x88: {  	s2 =	sld [smem:$0x3FD9]  }
0x89: {  	s3 =	sld [smem:$0x3FFE];
	_ =	sdelay $0x1  }
0x8a: {  	s1 =	srdreg.scid  }
0x8b: {  	s0 =	sand.u32 $0x1, s1  }
0x8c: {  	s16 =	sshll.u32 s0, $0xA;
	s2 =	sadd.s32 s3, s2  }
0x8d: {  	s2 =	sadd.s32 s2, s16  }
0x8e: {  	[smem:$0x3FBE] =	sst s2  }
0x8f: {  	_ = 	snop  }
0x90: {  	(tm) =	ssettm $0x1  }
0x91: {  	s17 =	sld [smem:$0x3FFB];
	_ =	sdelay $0x3  }
0x92: {  	_ =	strace s17  }
0x93: {  	s2 =	sld [smem:$0x3FFC];
	_ =	sdelay $0x3  }
0x94: {  	_ =	strace s2  }
0x95: {  	s2 =	sld [smem:$0x3FFD];
	_ =	sdelay $0x3  }
0x96: {  	_ =	strace s2  }
0x97: {  	_ =	strace $0x8FFFFFFF  }
0x98: {  	s18 =	sld [smem:$0x3FDB];
	_ =	sdelay $0x1  }
0x99: {  	s19 =	simm.s32 $_scs_section_size  }
0x9a: {  	s4 =	simm.s32 $_size__tile_overlayer_lowered;
	s5 =	simm.s32 $_tile_overlayer_lowered  }
0x9b: {  	s22 =	simm.s32 $0x1BFF;
	s21 =	sshll.u32 s5, $0x1;
	s2 =	sadd.s32 s19, s18  }
0x9c: {  	s6 =	simm.s32 $0x0;
	s20 =	sshll.u32 s4, $0x1;
	s4 =	sadd.s32 s21, s2  }
0x9d: {  	[timem:s6], [sflag:s22] =	dma.local [hbm:s4], s20  }
0x9e: {  	_ =	swait.ge [sflag:s22], s20  }
0x9f: {  	s3 =	ssub.s32 $0x0, s20;
	[sflag:s22] =	ssyncset.done $0x0  }
0xa0: {  	[sflag:s22] =	ssyncadd.s32 s3;
	_ =	sdelay $0x1  }
0xa1: {  	s23 =	simm.s32 $0x1B8B  }
0xa2: {  	_ =	swait.ge [sflag:s23], $0x1  }
0xa3: {  	[sflag:s23] =	ssyncset.done $0x0  }
0xa4: {  	s25 =	simm.s32 $0x1B8E;
	s24 =	sld [smem:$0x3FFE];
	[sflag:s23] =	ssyncadd.s32 $0xFFFFFFFF  }
0xa5: {  	s26 =	simm.s32 $execute0_lowered;
	[smem:$0x3FD2] =	sst s25  }
0xa6: {  	s4 =	sshll.u32 s26, $0x1;
	_ =	strace $0x80000046;
	[dreg:$0x1] =	wrdreg $0xFFFFFFFF  }
0xa7: {  	s28 =	simm.s32 $_size_execute0_lowered;
	s2 =	sadd.s32 s2, s4;
	[dreg:$0x0] =	wrdreg $0x0  }
0xa8: {  	s4 =	sshll.u32 s28, $0x1;
	[dreg:$0x2] =	wrdreg s2  }
0xa9: {  	[dreg:$0x3] =	wrdreg s4  }
0xaa: {  	[dreg:$0x4] =	wrdreg $0xC0  }
0xab: {  	_ =	task [dreg:s6], $0x5FFFF  }
0xac: {  	[dreg:$0x1] =	wrdreg $0xFFFFFFFF  }
0xad: {  	[dreg:$0x0] =	wrdreg $0x60  }
0xae: {  	[dreg:$0x2] =	wrdreg s24  }
0xaf: {  	[dreg:$0x3] =	wrdreg $0x12BC00  }
0xb0: {  	[dreg:$0x4] =	wrdreg $0x153C00  }
0xb1: {  	[dreg:$0x5] =	wrdreg $0x103C00  }
0xb2: {  	[dreg:$0x6] =	wrdreg $0x9  }
0xb3: {  	_ =	task.clear_ibuf [dreg:s6], $0x7FFFF;
	_ =	strace $0x90000046  }
0xb4: {  	s29 =	simm.s32 $0x9;
	_ =	strace $0x80000048  }
0xb5: {  	_ =	swait.ge [sflag:s29], $0x1  }
0xb6: {  	[sflag:s29] =	ssyncadd.s32 $0xFFFFFFFF  }
0xb7: {  	_ =	strace $0x90000048  }
0xb8: {  	_ =	sfence  }
0xb9: {  	s30 =	sld [smem:$0x0];
	_ =	sdelay $0x2  }
0xba: {  	s31 =	sshll.u32 s1, $0xD;
	s1 =	sshrl.u32 s1, $0x2  }
0xbb: {  	s3 =	sand.u32 $0x4000, s31;
	s1 =	sadd.s32 s1, s30  }
0xbc: {  	s0 =	sor.u32 s3, s0;
	s1 =	sshll.u32 s1, $0x11  }
0xbd: {  	s0 =	sor.u32 s1, s0  }
0xbe: {  	s0 =	sadd.s32 $0x8F2B, s0  }
0xbf: {  	[sflag:s0] =	ssyncadd.remote.s32 $0x1  }
0xc0: {  	_ =	sfence.sel $0xFFFF  }
0xc1: {  	[dreg:$0x0] =	wrdreg $0xFFFFFFFF;
	(pc) =	sbr.abs _section_cstart, $3  }
0xc2: {  	[dreg:$0x1] =	wrdreg $0xFFFFFFFF  }
0xc3: {  	_ =	task.clear_ibuf [dreg:s6], $0x2FFFF;
	_ =	strace $0x9FFFFFFF  }
0xc4: {  	(tm) =	ssettm $0x7FFFFFFF  }
0xc5: {  	_ =	shalt  }
tec
execute0_lowered:
.L_overlay_start_1:
0x0: {  	(tag) =	ssettag $0x1  }
0x1: {  	s0 =	rddreg [dreg:$0x0]  }
0x2: {  	s1 =	rddreg [dreg:$0x1]  }
0x3: {  	s2 =	rddreg [dreg:$0x2];
	s14 =	stileid.u32  }
0x4: {  	s4 =	srdreg.scid;
	s6 =	smul.u32 $0x2800, s14  }
0x5: {  	s3 =	rddreg [dreg:$0x3];
	s5 =	sand.u32 $0x1, s4;
	s10 =	smul.u32 $0x280, s14  }
0x6: {  	s4 =	simm.s32 $0x0;
	s8 =	sadd.s32 $0x2600, s0;
	s28 =	smul.u32 $0xA000, s14  }
0x7: {  	s9 =	sadd.s32 $0x20000, s0;
	s7 =	smul.u32 $0x28000, s5;
	[smem:$0x7FF] =	sst s4  }
0x8: {  	s24 =	sshll.u32 s5, $0x4;
	s5 =	ssub.s32 $0x2, s5;
	_ =	strace $0x80000047  }
0x9: {  	[dreg:$0x5] =	wrdreg s9;
	s11 =	sor.u32 s14, s24;
	s12 =	sshrl.u32 s6, $0x3  }
0xa: {  	s9 =	ssub.s32 s14, s24;
	s13 =	sshrl.u32 s10, $0x3;
	s25 =	sshrl.u32 s5, $0x1  }
0xb: {  	s30 =	sadd.s32 s6, s1;
	s31 =	sshrl.u32 s28, $0x2;
	s11 =	smul.u32 $0x2710, s11  }
0xc: {  	s21 =	sadd.s32 s6, s3;
	s7 =	sadd.s32 s6, s7;
	s9 =	smul.u32 $0x2710, s9  }
0xd: {  	s12 =	sadd.s32 s12, s0;
	s5 =	ssub.s32 s5, s25;
	[dreg:$0xa] =	wrdreg s30  }
0xe: {  	[dreg:$0x15] =	wrdreg s21;
	s7 =	sshrl.u32 s7, $0x3;
	s29 =	sadd.s32 $0x16000, s12  }
0xf: {  	s22 =	sadd.s32 $0x2A600, s12;
	s24 =	smax.u32 s5, $0x1;
	[dreg:$0x9] =	wrdreg s29  }
0x10: {  	s7 =	sadd.s32 s7, s0;
	s11 =	sshrl.u32 s11, $0x3;
	[dreg:$0x16] =	wrdreg s22  }
0x11: {  	s0 =	sadd.s32 s13, s0;
	[dreg:$0x18] =	wrdreg s24;
	s26 =	sadd.s32 s8, s11  }
0x12: {  	s11 =	sadd.s32 s10, s2;
	s2 =	sadd.s32 s31, s2;
	[dreg:$0x6] =	wrdreg s26  }
0x13: {  	s0 =	sadd.s32 $0x2F600, s0;
	[dreg:$0xc] =	wrdreg s2  }
0x14: {  	s9 =	sadd.s32 $0x75300, s9;
	s23 =	sadd.s32 $0x20600, s7;
	[dreg:$0x14] =	wrdreg s0  }
0x15: {  	s9 =	sshrl.u32 s9, $0x3;
	s13 =	sadd.s32 $0x9C40, s26;
	[dreg:$0x17] =	wrdreg s23  }
0x16: {  	s8 =	sadd.s32 s8, s9;
	[dreg:$0x7] =	wrdreg s13  }
0x17: {  	s14 =	sadd.s32 $0x2800, s11;
	[dreg:$0x8] =	wrdreg s8  }
0x18: {  	s15 =	sadd.s32 $0x5000, s11;
	[dreg:$0xd] =	wrdreg s14  }
0x19: {  	s16 =	sadd.s32 $0x7800, s11;
	[dreg:$0xe] =	wrdreg s15  }
0x1a: {  	s21 =	simm.s32 $0x6;
	s17 =	sadd.s32 $0xA000, s11;
	[dreg:$0xf] =	wrdreg s16  }
0x1b: {  	s22 =	simm.s32 $0x7;
	s18 =	sadd.s32 $0xC800, s11;
	[dreg:$0x10] =	wrdreg s17  }
0x1c: {  	s24 =	simm.s32 $0x0;
	s19 =	sadd.s32 $0xF000, s11;
	[dreg:$0x11] =	wrdreg s18  }
0x1d: {  	s7 =	simm.s32 $0x9;
	s20 =	sadd.s32 $0x11800, s11;
	[dreg:$0x12] =	wrdreg s19  }
0x1e: {  	s10 =	simm.s32 $0x50;
	s25 =	sadd.s32 $0x14000, s11;
	[dreg:$0x13] =	wrdreg s20  }
0x1f: {  	s26 =	sadd.s32 $0x16800, s11;
	s28 =	sadd.s32 $0x19000, s11;
	[dreg:$0x19] =	wrdreg s25  }
0x20: {  	s29 =	sadd.s32 $0x1B800, s11;
	s30 =	sadd.s32 $0x1E000, s11;
	[dreg:$0x1a] =	wrdreg s26  }
0x21: {  	s31 =	sadd.s32 $0x20800, s11;
	s0 =	sadd.s32 $0x23000, s11;
	[dreg:$0x1b] =	wrdreg s28  }
0x22: {  	s5 =	sadd.s32 $0x25800, s11;
	s9 =	simm.s32 $0x7530;
	[dreg:$0x1c] =	wrdreg s29  }
0x23: {  	s23 =	simm.s32 $0x8;
	s13 =	sadd.s32 $0x1B000, s12;
	[dreg:$0x1d] =	wrdreg s30  }
0x24: {  	[dreg:$0x1e] =	wrdreg s31;
	s8 =	simm.s32 $0xC530;
	s12 =	simm.s32 $0xEFC0  }
0x25: {  	s14 =	simm.s32 $0xF9C0;
	s15 =	simm.s32 $0xFEC0;
	s16 =	simm.s32 $0x1  }
0x26: {  	s17 =	simm.s32 $0x2;
	s18 =	simm.s32 $0x3;
	s19 =	simm.s32 $0x4  }
0x27: {  	v0 =	vimm.f32 $1.000000000e+00;
	s20 =	simm.s32 $0x5;
	[dreg:$0xb] =	wrdreg s13;
	s13 =	simm.s32 $0xF4C0  }
.LBB2_1:
0x28: {  	s2 =	rddreg [dreg:$0x6]  }
0x29: {  	[tilespmem:s4], [sflag:$0x9] =	stream.linear.gather [hbm4b:s2+s4], $0x2710, $0x38;
	[tilespmem:$0x17BC0] =	vst v63  }
0x2a: {  	_ =	swait.ge [sflag:s7], $0x2710  }
0x2b: {  	[sflag:s7] =	ssyncset.done $0x0  }
0x2c: {  	s6 =	simm.s32 $0x2710;
	s31 =	rddreg [dreg:$0x7];
	[sflag:s7] =	ssyncadd.s32 $0xFFFFD8F0  }
0x2d: {  	[tilespmem:s6], [sflag:$0x9] =	stream.linear.gather [hbm4b:s31+s4], $0x2710, $0x38;
	[tilespmem:$0x17BC0] =	vst v63  }
0x2e: {  	_ =	swait.ge [sflag:s7], $0x2710  }
0x2f: {  	[sflag:s7] =	ssyncset.done $0x0  }
0x30: {  	s25 =	simm.s32 $0x4E20;
	s6 =	rddreg [dreg:$0x8];
	[sflag:s7] =	ssyncadd.s32 $0xFFFFD8F0  }
0x31: {  	[tilespmem:s25], [sflag:$0x9] =	stream.linear.gather [hbm4b:s6+s4], $0x2710, $0x38;
	[tilespmem:$0x17BC0] =	vst v63  }
0x32: {  	_ =	swait.ge [sflag:s7], $0x2710  }
0x33: {  	[sflag:s7] =	ssyncset.done $0x0  }
0x34: {  	s28 =	stileid.u32;
	s26 =	rddreg [dreg:$0x9];
	[sflag:s7] =	ssyncadd.s32 $0xFFFFD8F0  }
0x35: {  	[tilespmem:s8], [sflag:$0x9] =	stream.linear.gather [hbm4b:s26+s4], $0x2800, $0x38;
	[tilespmem:$0x17BC0] =	vst v63  }
0x36: {  	s2 =	sshll.u32 s28, $0x6;
	_ =	swait.ge [sflag:s7], $0x2800  }
0x37: {  	s25 =	sor.u32 $0x1C09, s2;
	[sflag:s7] =	ssyncset.done $0x0;
	s29 =	rddreg [dreg:$0xa]  }
0x38: {  	s30 =	rddreg [dreg:$0xb];
	[sflag:s7] =	ssyncadd.s32 $0xFFFFD800;
	s26 =	sshrl.u32 s29, $0x3  }
0x39: {  	[spmem:s26], [sflag:s25] =	dma.local [hbm:s30], $0x500  }
0x3a: {  	_ =	swait.ge [sflag:s7], $0x500  }
0x3b: {  	[sflag:s7] =	ssyncset.done $0x0  }
0x3c: {  	s31 =	rddreg [dreg:$0x5];
	[sflag:s7] =	ssyncadd.s32 $0xFFFFFB00  }
0x3d: {  	[tilespmem:s9], [sflag:$0x9] =	stream.linear.gather [hbm4b:s31+s4], $0x2800, $0x38;
	[tilespmem:$0x17BC0] =	vst v63  }
0x3e: {  	_ =	swait.ge [sflag:s7], $0x2800  }
0x3f: {  	[sflag:s7] =	ssyncset.done $0x0  }
0x40: {  	s2 =	simm.s32 $0x0;
	[sflag:s7] =	ssyncadd.s32 $0xFFFFD800  }
.LBB2_2:
0x41: {  	s6 =	sshra.s32 s2, $0x2  }
0x42: {  	v1 =	vld [tilespmem:s6+$0x2710];
	_ =	sdelay $0x7  }
0x43: {  	[tilespmem:v1+s9+$0x0] =	vst.idx.add.f32.msk $0xffff, v0  }
0x44: {  	v1 =	vld [tilespmem:s6+$0x2720];
	_ =	sdelay $0x7  }
0x45: {  	[tilespmem:v1+s9+$0x0] =	vst.idx.add.f32.msk $0xffff, v0  }
0x46: {  	v1 =	vld [tilespmem:s6+$0x2730];
	_ =	sdelay $0x7  }
0x47: {  	[tilespmem:v1+s9+$0x0] =	vst.idx.add.f32.msk $0xffff, v0  }
0x48: {  	v1 =	vld [tilespmem:s6+$0x2740];
	_ =	sdelay $0x7  }
0x49: {  	[tilespmem:v1+s9+$0x0] =	vst.idx.add.f32.msk $0xffff, v0  }
0x4a: {  	v1 =	vld [tilespmem:s6+$0x2750];
	_ =	sdelay $0x2  }
0x4b: {  	p0 =	sne.s32 s2, $0x9B00  }
.Ltmp0:
0x4c: {  	_ = 	snop;
	(pc) =	sbr.rel @p0 .LBB2_2-.Ltmp0, $2  }
0x4d: {  	_ =	sdelay $0x2  }
0x4e: {  	s2 =	sadd.s32 $0x140, s2;
	[tilespmem:v1+s9+$0x0] =	vst.idx.add.f32.msk $0xffff, v0  }
0x4f: {  	s2 =	simm.s32 $0x0  }
.LBB2_4:
0x50: {  	s6 =	sshra.s32 s2, $0x2  }
0x51: {  	v1 =	vld [tilespmem:s6+$0x4E20];
	_ =	sdelay $0x7  }
0x52: {  	[tilespmem:v1+s9+$0x0] =	vst.idx.add.f32.msk $0xffff, v0  }
0x53: {  	v1 =	vld [tilespmem:s6+$0x4E30];
	_ =	sdelay $0x7  }
0x54: {  	[tilespmem:v1+s9+$0x0] =	vst.idx.add.f32.msk $0xffff, v0  }
0x55: {  	v1 =	vld [tilespmem:s6+$0x4E40];
	_ =	sdelay $0x7  }
0x56: {  	[tilespmem:v1+s9+$0x0] =	vst.idx.add.f32.msk $0xffff, v0  }
0x57: {  	v1 =	vld [tilespmem:s6+$0x4E50];
	_ =	sdelay $0x7  }
0x58: {  	[tilespmem:v1+s9+$0x0] =	vst.idx.add.f32.msk $0xffff, v0  }
0x59: {  	v1 =	vld [tilespmem:s6+$0x4E60];
	_ =	sdelay $0x2  }
0x5a: {  	p0 =	sne.s32 s2, $0x9B00  }
.Ltmp1:
0x5b: {  	_ = 	snop;
	(pc) =	sbr.rel @p0 .LBB2_4-.Ltmp1, $2  }
0x5c: {  	_ =	sdelay $0x2  }
0x5d: {  	s2 =	sadd.s32 $0x140, s2;
	[tilespmem:v1+s9+$0x0] =	vst.idx.add.f32.msk $0xffff, v0  }
0x5e: {  	s2 =	rddreg [dreg:$0xc]  }
0x5f: {  	[spmem:s2] =	stream.linear.scatter [tilespmem:s9], [sflag:$0x9], $0x2800, $0x38;
	[tilespmem:$0x17BC0] =	vst v63  }
0x60: {  	_ =	swait.ge [sflag:s7], $0x2800  }
0x61: {  	[sflag:s7] =	ssyncset.done $0x0  }
0x62: {  	[sflag:s7] =	ssyncadd.s32 $0xFFFFD800  }
0x63: {  	s6 =	simm.s32 $0x9D30;
	[bflag:$0x0] =	sbarrier.arrive $0xFFFF  }
0x64: {  	[tilespmem:s6], [sflag:$0x9] =	stream.linear.gather [spmem:s11], $0x280, $0x38;
	[tilespmem:$0x17BC0] =	vst v63  }
0x65: {  	_ =	swait.ge [sflag:s7], $0x280  }
0x66: {  	[sflag:s7] =	ssyncset.done $0x0  }
0x67: {  	s6 =	simm.s32 $0x9FB0;
	s2 =	rddreg [dreg:$0xd];
	[sflag:s7] =	ssyncadd.s32 $0xFFFFFD80  }
0x68: {  	[tilespmem:s6], [sflag:$0x9] =	stream.linear.gather [spmem:s2], $0x280, $0x38;
	[tilespmem:$0x17BC0] =	vst v63  }
0x69: {  	_ =	swait.ge [sflag:s7], $0x280  }
0x6a: {  	[sflag:s7] =	ssyncset.done $0x0  }
0x6b: {  	s6 =	simm.s32 $0xA230;
	s2 =	rddreg [dreg:$0xe];
	[sflag:s7] =	ssyncadd.s32 $0xFFFFFD80  }
0x6c: {  	[tilespmem:s6], [sflag:$0x9] =	stream.linear.gather [spmem:s2], $0x280, $0x38;
	[tilespmem:$0x17BC0] =	vst v63  }
0x6d: {  	_ =	swait.ge [sflag:s7], $0x280  }
0x6e: {  	[sflag:s7] =	ssyncset.done $0x0  }
0x6f: {  	s6 =	simm.s32 $0xA4B0;
	s2 =	rddreg [dreg:$0xf];
	[sflag:s7] =	ssyncadd.s32 $0xFFFFFD80  }
0x70: {  	[tilespmem:s6], [sflag:$0x9] =	stream.linear.gather [spmem:s2], $0x280, $0x38;
	[tilespmem:$0x17BC0] =	vst v63  }
0x71: {  	_ =	swait.ge [sflag:s7], $0x280  }
0x72: {  	[sflag:s7] =	ssyncset.done $0x0  }
0x73: {  	s6 =	simm.s32 $0xA730;
	s2 =	rddreg [dreg:$0x10];
	[sflag:s7] =	ssyncadd.s32 $0xFFFFFD80  }
0x74: {  	[tilespmem:s6], [sflag:$0x9] =	stream.linear.gather [spmem:s2], $0x280, $0x38;
	[tilespmem:$0x17BC0] =	vst v63  }
0x75: {  	_ =	swait.ge [sflag:s7], $0x280  }
0x76: {  	[sflag:s7] =	ssyncset.done $0x0  }
0x77: {  	s6 =	simm.s32 $0xA9B0;
	s2 =	rddreg [dreg:$0x11];
	[sflag:s7] =	ssyncadd.s32 $0xFFFFFD80  }
0x78: {  	[tilespmem:s6], [sflag:$0x9] =	stream.linear.gather [spmem:s2], $0x280, $0x38;
	[tilespmem:$0x17BC0] =	vst v63  }
0x79: {  	_ =	swait.ge [sflag:s7], $0x280  }
0x7a: {  	[sflag:s7] =	ssyncset.done $0x0  }
0x7b: {  	s6 =	simm.s32 $0xAC30;
	s2 =	rddreg [dreg:$0x12];
	[sflag:s7] =	ssyncadd.s32 $0xFFFFFD80  }
0x7c: {  	[tilespmem:s6], [sflag:$0x9] =	stream.linear.gather [spmem:s2], $0x280, $0x38;
	[tilespmem:$0x17BC0] =	vst v63  }
0x7d: {  	_ =	swait.ge [sflag:s7], $0x280  }
0x7e: {  	[sflag:s7] =	ssyncset.done $0x0  }
0x7f: {  	s6 =	simm.s32 $0xAEB0;
	s2 =	rddreg [dreg:$0x13];
	[sflag:s7] =	ssyncadd.s32 $0xFFFFFD80  }
0x80: {  	[tilespmem:s6], [sflag:$0x9] =	stream.linear.gather [spmem:s2], $0x280, $0x38;
	[tilespmem:$0x17BC0] =	vst v63  }
0x81: {  	_ =	swait.ge [sflag:s7], $0x280  }
0x82: {  	[sflag:s7] =	ssyncset.done $0x0  }
0x83: {  	s6 =	simm.s32 $0xB130;
	s2 =	rddreg [dreg:$0x19];
	[sflag:s7] =	ssyncadd.s32 $0xFFFFFD80  }
0x84: {  	[tilespmem:s6], [sflag:$0x9] =	stream.linear.gather [spmem:s2], $0x280, $0x38;
	[tilespmem:$0x17BC0] =	vst v63  }
0x85: {  	_ =	swait.ge [sflag:s7], $0x280  }
0x86: {  	[sflag:s7] =	ssyncset.done $0x0  }
0x87: {  	s6 =	simm.s32 $0xB3B0;
	s2 =	rddreg [dreg:$0x1a];
	[sflag:s7] =	ssyncadd.s32 $0xFFFFFD80  }
0x88: {  	[tilespmem:s6], [sflag:$0x9] =	stream.linear.gather [spmem:s2], $0x280, $0x38;
	[tilespmem:$0x17BC0] =	vst v63  }
0x89: {  	_ =	swait.ge [sflag:s7], $0x280  }
0x8a: {  	[sflag:s7] =	ssyncset.done $0x0  }
0x8b: {  	s6 =	simm.s32 $0xB630;
	s2 =	rddreg [dreg:$0x1b];
	[sflag:s7] =	ssyncadd.s32 $0xFFFFFD80  }
0x8c: {  	[tilespmem:s6], [sflag:$0x9] =	stream.linear.gather [spmem:s2], $0x280, $0x38;
	[tilespmem:$0x17BC0] =	vst v63  }
0x8d: {  	_ =	swait.ge [sflag:s7], $0x280  }
0x8e: {  	[sflag:s7] =	ssyncset.done $0x0  }
0x8f: {  	s6 =	simm.s32 $0xB8B0;
	s2 =	rddreg [dreg:$0x1c];
	[sflag:s7] =	ssyncadd.s32 $0xFFFFFD80  }
0x90: {  	[tilespmem:s6], [sflag:$0x9] =	stream.linear.gather [spmem:s2], $0x280, $0x38;
	[tilespmem:$0x17BC0] =	vst v63  }
0x91: {  	_ =	swait.ge [sflag:s7], $0x280  }
0x92: {  	[sflag:s7] =	ssyncset.done $0x0  }
0x93: {  	s6 =	simm.s32 $0xBB30;
	s2 =	rddreg [dreg:$0x1d];
	[sflag:s7] =	ssyncadd.s32 $0xFFFFFD80  }
0x94: {  	[tilespmem:s6], [sflag:$0x9] =	stream.linear.gather [spmem:s2], $0x280, $0x38;
	[tilespmem:$0x17BC0] =	vst v63  }
0x95: {  	_ =	swait.ge [sflag:s7], $0x280  }
0x96: {  	[sflag:s7] =	ssyncset.done $0x0  }
0x97: {  	s6 =	simm.s32 $0xBDB0;
	s2 =	rddreg [dreg:$0x1e];
	[sflag:s7] =	ssyncadd.s32 $0xFFFFFD80  }
0x98: {  	[tilespmem:s6], [sflag:$0x9] =	stream.linear.gather [spmem:s2], $0x280, $0x38;
	[tilespmem:$0x17BC0] =	vst v63  }
0x99: {  	_ =	swait.ge [sflag:s7], $0x280  }
0x9a: {  	[sflag:s7] =	ssyncset.done $0x0  }
0x9b: {  	s6 =	simm.s32 $0xC030;
	[sflag:s7] =	ssyncadd.s32 $0xFFFFFD80  }
0x9c: {  	[tilespmem:s6], [sflag:$0x9] =	stream.linear.gather [spmem:s0], $0x280, $0x38;
	[tilespmem:$0x17BC0] =	vst v63  }
0x9d: {  	_ =	swait.ge [sflag:s7], $0x280  }
0x9e: {  	[sflag:s7] =	ssyncset.done $0x0  }
0x9f: {  	s6 =	simm.s32 $0xC2B0;
	[sflag:s7] =	ssyncadd.s32 $0xFFFFFD80  }
0xa0: {  	[tilespmem:s6], [sflag:$0x9] =	stream.linear.gather [spmem:s5], $0x280, $0x38;
	[tilespmem:$0x17BC0] =	vst v63  }
0xa1: {  	_ =	swait.ge [sflag:s7], $0x280  }
0xa2: {  	[sflag:s7] =	ssyncset.done $0x0  }
0xa3: {  	s29 =	simm.s32 $0x0;
	[sflag:s7] =	ssyncadd.s32 $0xFFFFFD80  }
0xa4: {  	v1 =	vld [tilespmem:s29+$0x9D30]  }
0xa5: {  	v2 =	vld [tilespmem:s29+$0x9FB0];
	_ =	sdelay $0x1  }
0xa6: {  	v3 =	vld [tilespmem:s29+$0xA230];
	_ =	sdelay $0x1  }
0xa7: {  	v4 =	vld [tilespmem:s29+$0xA4B0]  }
0xa8: {  	v1 =	vadd.f32 v2, v1  }
0xa9: {  	v2 =	vld [tilespmem:s29+$0xA730]  }
0xaa: {  	v1 =	vadd.f32 v3, v1  }
0xab: {  	v3 =	vld [tilespmem:s29+$0xA9B0]  }
0xac: {  	v1 =	vadd.f32 v4, v1  }
0xad: {  	v4 =	vld [tilespmem:s29+$0xAC30]  }
0xae: {  	v5 =	vld [tilespmem:s29+$0xB3B0];
	v1 =	vadd.f32 v2, v1  }
0xaf: {  	s6 =	simm.s32 $0x10;
	v2 =	vld [tilespmem:s29+$0xAEB0]  }
0xb0: {  	v6 =	vld [tilespmem:s6+$0x9D30];
	v1 =	vadd.f32 v3, v1  }
0xb1: {  	v3 =	vld [tilespmem:s29+$0xB130]  }
0xb2: {  	v7 =	vld [tilespmem:s29+$0xB630];
	v1 =	vadd.f32 v4, v1  }
0xb3: {  	v4 =	vld [tilespmem:s6+$0x9FB0]  }
0xb4: {  	v8 =	vld [tilespmem:s29+$0xB8B0];
	v1 =	vadd.f32 v2, v1  }
0xb5: {  	v2 =	vld [tilespmem:s6+$0xA230]  }
0xb6: {  	v9 =	vld [tilespmem:s29+$0xBB30];
	v1 =	vadd.f32 v3, v1  }
0xb7: {  	s28 =	simm.s32 $0x20;
	v3 =	vld [tilespmem:s6+$0xA4B0]  }
0xb8: {  	v10 =	vld [tilespmem:s28+$0xA730];
	v4 =	vadd.f32 v4, v6;
	v1 =	vadd.f32 v5, v1  }
0xb9: {  	v5 =	vld [tilespmem:s6+$0xA730]  }
0xba: {  	v2 =	vadd.f32 v2, v4;
	v4 =	vld [tilespmem:s6+$0xA9B0];
	v1 =	vadd.f32 v7, v1  }
0xbb: {  	v7 =	vld [tilespmem:s29+$0xBDB0]  }
0xbc: {  	v2 =	vadd.f32 v3, v2;
	v3 =	vld [tilespmem:s6+$0xAC30];
	v1 =	vadd.f32 v8, v1  }
0xbd: {  	v8 =	vld [tilespmem:s29+$0xC030]  }
0xbe: {  	v6 =	vld [tilespmem:s29+$0xC2B0];
	v2 =	vadd.f32 v5, v2;
	v1 =	vadd.f32 v9, v1  }
0xbf: {  	v5 =	vld [tilespmem:s6+$0xAEB0]  }
0xc0: {  	v2 =	vadd.f32 v4, v2;
	v4 =	vld [tilespmem:s6+$0xB130];
	v1 =	vadd.f32 v7, v1  }
0xc1: {  	v7 =	vld [tilespmem:s28+$0x9D30]  }
0xc2: {  	v2 =	vadd.f32 v3, v2;
	v3 =	vld [tilespmem:s28+$0x9FB0];
	v1 =	vadd.f32 v8, v1  }
0xc3: {  	v9 =	vld [tilespmem:s6+$0xB3B0]  }
0xc4: {  	v2 =	vadd.f32 v5, v2;
	v5 =	vld [tilespmem:s28+$0xA230];
	v1 =	vadd.f32 v6, v1  }
0xc5: {  	v8 =	vld [tilespmem:s6+$0xB630]  }
0xc6: {  	v2 =	vadd.f32 v4, v2;
	v4 =	vld [tilespmem:s28+$0xA4B0];
	v1 =	vadd.f32 $1.000000000e+00, v1  }
0xc7: {  	v6 =	vld [tilespmem:s6+$0xB8B0];
	v3 =	vadd.f32 v3, v7  }
0xc8: {  	v12 =	vld [tilespmem:s6+$0xBDB0];
	v9 =	vadd.f32 v9, v2;
	v11 =	vshrl.u32 v1, $0x1;
	v2 =	vmul.f32 $5.000000000e-01, v1  }
0xc9: {  	v7 =	vld [tilespmem:s6+$0xBB30];
	v3 =	vadd.f32 v5, v3;
	v11 =	vsub.s32 $0x5F3759DF, v11  }
0xca: {  	v5 =	vadd.f32 v8, v9;
	v8 =	vld [tilespmem:s28+$0xA9B0];
	v9 =	vmul.f32 v11, v2  }
0xcb: {  	v13 =	vld [tilespmem:s6+$0xC030];
	v3 =	vadd.f32 v4, v3  }
0xcc: {  	v4 =	vadd.f32 v6, v5;
	v6 =	vld [tilespmem:s28+$0xAC30];
	v5 =	vmul.f32 v11, v9  }
0xcd: {  	v1 =	vld [tilespmem:s6+$0xC2B0];
	v9 =	vadd.f32 v10, v3  }
0xce: {  	v7 =	vadd.f32 v7, v4;
	v4 =	vld [tilespmem:s28+$0xAEB0];
	v10 =	vsub.f32 $1.500000000e+00, v5  }
0xcf: {  	v3 =	vld [tilespmem:s28+$0xB3B0];
	v8 =	vadd.f32 v8, v9  }
0xd0: {  	s30 =	simm.s32 $0x30;
	v5 =	vld [tilespmem:s28+$0xB130];
	v12 =	vadd.f32 v12, v7;
	v7 =	vmul.f32 v11, v10  }
0xd1: {  	v9 =	vld [tilespmem:s30+$0x9D30];
	v8 =	vadd.f32 v6, v8  }
0xd2: {  	s31 =	simm.s32 $0x100;
	v10 =	vld [tilespmem:s30+$0x9FB0];
	v6 =	vadd.f32 v13, v12;
	v11 =	vmul.f32 v7, v2  }
.LBB2_6:
0xd3: {  	p0 =	sne.s32 s31, $0x9C0;
	v4 =	vadd.f32 v4, v8;
	v8 =	vld [tilespmem:s28+$0xB630];
	s2 =	smov.u32 s28;
	s28 =	smov.u32 s30  }
0xd4: {  	v12 =	vld [tilespmem:s28+$0xA230];
	v1 =	vadd.f32 v1, v6;
	v6 =	vmul.f32 v11, v7  }
0xd5: {  	v4 =	vadd.f32 v5, v4;
	v5 =	vld [tilespmem:s2+$0xB8B0]  }
0xd6: {  	v11 =	vld [tilespmem:s28+$0xA4B0];
	v1 =	vadd.f32 $1.000000000e+00, v1;
	v6 =	vsub.f32 $1.500000000e+00, v6  }
0xd7: {  	v9 =	vadd.f32 v10, v9;
	v3 =	vadd.f32 v3, v4;
	v4 =	vld [tilespmem:s2+$0xBB30]  }
0xd8: {  	v10 =	vld [tilespmem:s28+$0xA730];
	v13 =	vshrl.u32 v1, $0x1;
	v14 =	vmul.f32 $5.000000000e-01, v1;
	v6 =	vmul.f32 v6, v7  }
0xd9: {  	v7 =	vadd.f32 v12, v9;
	v3 =	vadd.f32 v8, v3;
	v1 =	vld [tilespmem:s2+$0xC2B0];
	v8 =	vsub.s32 $0x5F3759DF, v13  }
0xda: {  	v9 =	vld [tilespmem:s28+$0xA9B0];
	v12 =	vmul.f32 v8, v14;
	v13 =	vmul.f32 v6, v2;
	v2 =	vmov v14  }
0xdb: {  	v7 =	vadd.f32 v11, v7;
	v3 =	vadd.f32 v5, v3;
	v11 =	vld [tilespmem:s2+$0xBDB0]  }
0xdc: {  	v14 =	vld [tilespmem:s28+$0xAC30];
	v5 =	vmul.f32 v8, v12;
	v12 =	vmul.f32 v13, v6  }
0xdd: {  	v7 =	vadd.f32 v10, v7;
	v10 =	vadd.f32 v4, v3;
	v13 =	vld [tilespmem:s2+$0xC030]  }
.Ltmp2:
0xde: {  	v4 =	vld [tilespmem:s28+$0xAEB0];
	v15 =	vsub.f32 $1.500000000e+00, v5;
	v12 =	vsub.f32 $1.500000000e+00, v12;
	(pc) =	sbr.rel @p0 .LBB2_6-.Ltmp2, $4  }
0xdf: {  	v16 =	vadd.f32 v9, v7;
	v3 =	vld [tilespmem:s28+$0xB3B0]  }
0xe0: {  	s30 =	sshra.s32 s31, $0x2;
	v5 =	vld [tilespmem:s28+$0xB130];
	v11 =	vadd.f32 v11, v10;
	v7 =	vmul.f32 v8, v15;
	v12 =	vmul.f32 v12, v6  }
0xe1: {  	v9 =	vld [tilespmem:s30+$0x9D30];
	v8 =	vadd.f32 v14, v16  }
0xe2: {  	s31 =	sadd.s32 $0x40, s31;
	v10 =	vld [tilespmem:s30+$0x9FB0];
	v6 =	vadd.f32 v13, v11;
	v11 =	vmul.f32 v7, v2;
	[tilespmem:s29+$0xED30] =	vst v12;
	s29 =	smov.u32 s6;
	s6 =	smov.u32 s2  }
0xe3: {  	_ = 	snop  }
0xe4: {  	v12 =	vld [tilespmem:s30+$0xA230]  }
0xe5: {  	v11 =	vmul.f32 v11, v7  }
0xe6: {  	v13 =	vld [tilespmem:s30+$0xA4B0]  }
0xe7: {  	v11 =	vsub.f32 $1.500000000e+00, v11;
	v9 =	vadd.f32 v10, v9  }
0xe8: {  	v37 =	vld [tilespmem:s30+$0xA730]  }
0xe9: {  	v14 =	vld [tilespmem:s28+$0xB630];
	v38 =	vmul.f32 v11, v7;
	v9 =	vadd.f32 v12, v9  }
0xea: {  	v39 =	vld [tilespmem:s30+$0xA9B0]  }
0xeb: {  	v15 =	vld [tilespmem:s28+$0xB8B0];
	v2 =	vmul.f32 v38, v2;
	v9 =	vadd.f32 v13, v9  }
0xec: {  	v41 =	vld [tilespmem:s30+$0xAC30]  }
0xed: {  	v40 =	vld [tilespmem:s28+$0xBB30];
	v2 =	vmul.f32 v2, v38;
	v9 =	vadd.f32 v37, v9  }
0xee: {  	v42 =	vld [tilespmem:s30+$0xAEB0]  }
0xef: {  	v16 =	vld [tilespmem:s28+$0xC2B0];
	v2 =	vsub.f32 $1.500000000e+00, v2;
	v9 =	vadd.f32 v39, v9  }
0xf0: {  	v43 =	vld [tilespmem:s30+$0xB130]  }
0xf1: {  	v17 =	vld [tilespmem:s28+$0xBDB0];
	v2 =	vmul.f32 v2, v38;
	v44 =	vadd.f32 v41, v9  }
0xf2: {  	v4 =	vadd.f32 v4, v8;
	v46 =	vld [tilespmem:s30+$0xB3B0]  }
0xf3: {  	v45 =	vld [tilespmem:s28+$0xC030];
	[tilespmem:s29+$0xED30] =	vst v2;
	v2 =	vadd.f32 v42, v44  }
0xf4: {  	v4 =	vadd.f32 v5, v4;
	v47 =	vld [tilespmem:s30+$0xB630]  }
0xf5: {  	v2 =	vadd.f32 v43, v2  }
0xf6: {  	v3 =	vadd.f32 v3, v4;
	v48 =	vld [tilespmem:s30+$0xB8B0]  }
0xf7: {  	v2 =	vadd.f32 v46, v2  }
0xf8: {  	v3 =	vadd.f32 v14, v3;
	v49 =	vld [tilespmem:s30+$0xBB30]  }
0xf9: {  	v2 =	vadd.f32 v47, v2  }
0xfa: {  	v3 =	vadd.f32 v15, v3;
	v50 =	vld [tilespmem:s30+$0xBDB0]  }
0xfb: {  	v2 =	vadd.f32 v48, v2  }
0xfc: {  	v3 =	vadd.f32 v40, v3;
	v51 =	vld [tilespmem:s30+$0xC030]  }
0xfd: {  	v2 =	vadd.f32 v49, v2  }
0xfe: {  	v3 =	vadd.f32 v17, v3;
	v52 =	vld [tilespmem:s30+$0xC2B0]  }
0xff: {  	v2 =	vadd.f32 v50, v2  }
0x100: {  	v1 =	vadd.f32 v1, v6;
	v3 =	vadd.f32 v45, v3  }
0x101: {  	v2 =	vadd.f32 v51, v2  }
0x102: {  	v1 =	vadd.f32 $1.000000000e+00, v1;
	v3 =	vadd.f32 v16, v3  }
0x103: {  	v2 =	vadd.f32 v52, v2  }
0x104: {  	v53 =	vshrl.u32 v1, $0x1;
	v1 =	vmul.f32 $5.000000000e-01, v1;
	v3 =	vadd.f32 $1.000000000e+00, v3  }
0x105: {  	v4 =	vsub.s32 $0x5F3759DF, v53;
	v2 =	vadd.f32 $1.000000000e+00, v2  }
0x106: {  	v54 =	vmul.f32 v4, v1;
	v55 =	vshrl.u32 v3, $0x1;
	v3 =	vmul.f32 $5.000000000e-01, v3  }
0x107: {  	v6 =	vsub.s32 $0x5F3759DF, v55;
	v56 =	vshrl.u32 v2, $0x1;
	v2 =	vmul.f32 $5.000000000e-01, v2  }
0x108: {  	v57 =	vmul.f32 v6, v3;
	v7 =	vsub.s32 $0x5F3759DF, v56  }
0x109: {  	v5 =	vmul.f32 v4, v54;
	v58 =	vmul.f32 v7, v2  }
0x10a: {  	v8 =	vmul.f32 v6, v57  }
0x10b: {  	v5 =	vsub.f32 $1.500000000e+00, v5;
	v9 =	vmul.f32 v7, v58  }
0x10c: {  	v8 =	vsub.f32 $1.500000000e+00, v8  }
0x10d: {  	v4 =	vmul.f32 v4, v5;
	v59 =	vsub.f32 $1.500000000e+00, v9  }
0x10e: {  	v6 =	vmul.f32 v6, v8  }
0x10f: {  	v60 =	vmul.f32 v4, v1;
	v5 =	vmul.f32 v7, v59  }
0x110: {  	v61 =	vmul.f32 v6, v3  }
0x111: {  	v8 =	vmul.f32 v60, v4;
	v62 =	vmul.f32 v5, v2  }
0x112: {  	v7 =	vmul.f32 v61, v6  }
0x113: {  	v8 =	vsub.f32 $1.500000000e+00, v8;
	v9 =	vmul.f32 v62, v5  }
0x114: {  	v7 =	vsub.f32 $1.500000000e+00, v7  }
0x115: {  	v4 =	vmul.f32 v8, v4;
	v63 =	vsub.f32 $1.500000000e+00, v9  }
0x116: {  	v6 =	vmul.f32 v7, v6  }
0x117: {  	v1 =	vmul.f32 v4, v1;
	v5 =	vmul.f32 v63, v5  }
0x118: {  	v3 =	vmul.f32 v6, v3  }
0x119: {  	v1 =	vmul.f32 v1, v4;
	v2 =	vmul.f32 v5, v2  }
0x11a: {  	v3 =	vmul.f32 v3, v6  }
0x11b: {  	v1 =	vsub.f32 $1.500000000e+00, v1;
	v2 =	vmul.f32 v2, v5  }
0x11c: {  	v3 =	vsub.f32 $1.500000000e+00, v3  }
0x11d: {  	v1 =	vmul.f32 v1, v4;
	v2 =	vsub.f32 $1.500000000e+00, v2  }
0x11e: {  	v3 =	vmul.f32 v3, v6  }
0x11f: {  	[tilespmem:s6+$0xED30] =	vst v1;
	v1 =	vmul.f32 v2, v5  }
0x120: {  	[tilespmem:s28+$0xED30] =	vst v3  }
0x121: {  	s2 =	simm.s32 $0x0;
	s28 =	simm.s32 $0xED30;
	[tilespmem:s30+$0xED30] =	vst v1;
	s30 =	rddreg [dreg:$0x14]  }
0x122: {  	[hbm4b:s30+s2] =	stream.linear.scatter [tilespmem:s28], [sflag:$0x9], $0x280, $0x38;
	[tilespmem:$0x17BC0] =	vst v63  }
0x123: {  	_ =	swait.ge [sflag:s7], $0x280  }
0x124: {  	[sflag:s7] =	ssyncset.done $0x0  }
0x125: {  	s31 =	simm.s32 $0x0;
	[sflag:s7] =	ssyncadd.s32 $0xFFFFFD80  }
0x126: {  	s6 =	simm.s32 $0xC550;
	v1 =	vld.msk [tilespmem:s31+$0xED30 ss:$0x0], $0xffff  }
0x127: {  	v2 =	vld [tilespmem:s6+$0xFFFFFFE0];
	_ =	sdelay $0x4  }
0x128: {  	v1 =	vmul.f32 v1, v2;
	_ =	sdelay $0x1  }
0x129: {  	v2 =	vld [tilespmem:s6+$0xFFFFFFF0];
	[tilespmem:s6+$0xFFFFFFE0] =	vst v1  }
0x12a: {  	v1 =	vld.msk [tilespmem:s31+$0xED31 ss:$0x0], $0xffff;
	_ =	sdelay $0x4  }
0x12b: {  	v1 =	vmul.f32 v1, v2;
	_ =	sdelay $0x1  }
0x12c: {  	v2 =	vld [tilespmem:s6+$0x0];
	[tilespmem:s6+$0xFFFFFFF0] =	vst v1  }
0x12d: {  	v1 =	vld.msk [tilespmem:s31+$0xED32 ss:$0x0], $0xffff;
	_ =	sdelay $0x4  }
0x12e: {  	v1 =	vmul.f32 v1, v2;
	_ =	sdelay $0x1  }
0x12f: {  	v2 =	vld [tilespmem:s6+$0x10];
	[tilespmem:s6+$0x0] =	vst v1  }
0x130: {  	v1 =	vld.msk [tilespmem:s31+$0xED33 ss:$0x0], $0xffff;
	_ =	sdelay $0x4  }
0x131: {  	v1 =	vmul.f32 v1, v2;
	_ =	sdelay $0x1  }
0x132: {  	s2 =	simm.s32 $0x4;
	s28 =	simm.s32 $0x20;
	[tilespmem:s6+$0x10] =	vst v1  }
.LBB2_8:
0x133: {  	p0 =	sne.s32 s28, $0x9F0;
	v1 =	vld.msk [tilespmem:s2+$0xED30 ss:$0x0], $0xffff;
	s6 =	sadd.s32 $0x40, s6  }
0x134: {  	v2 =	vld [tilespmem:s6+$0xFFFFFFE0];
	_ =	sdelay $0x4  }
0x135: {  	v1 =	vmul.f32 v1, v2;
	_ =	sdelay $0x1  }
0x136: {  	[tilespmem:s6+$0xFFFFFFE0] =	vst v1  }
0x137: {  	v1 =	vld.msk [tilespmem:s2+$0xED31 ss:$0x0], $0xffff  }
0x138: {  	v2 =	vld [tilespmem:s6+$0xFFFFFFF0];
	_ =	sdelay $0x4  }
0x139: {  	v1 =	vmul.f32 v1, v2;
	_ =	sdelay $0x1  }
0x13a: {  	[tilespmem:s6+$0xFFFFFFF0] =	vst v1  }
0x13b: {  	v1 =	vld.msk [tilespmem:s2+$0xED32 ss:$0x0], $0xffff  }
0x13c: {  	v2 =	vld [tilespmem:s6+$0x0];
	_ =	sdelay $0x4  }
0x13d: {  	v1 =	vmul.f32 v1, v2;
	_ =	sdelay $0x1  }
0x13e: {  	[tilespmem:s6+$0x0] =	vst v1  }
0x13f: {  	v1 =	vld.msk [tilespmem:s2+$0xED33 ss:$0x0], $0xffff  }
0x140: {  	v2 =	vld [tilespmem:s6+$0x10];
	_ =	sdelay $0x2  }
.Ltmp3:
0x141: {  	(pc) =	sbr.rel @p0 .LBB2_8-.Ltmp3, $3  }
0x142: {  	_ = 	snop  }
0x143: {  	v1 =	vmul.f32 v1, v2;
	_ =	sdelay $0x1  }
0x144: {  	s2 =	sshra.s32 s28, $0x2;
	s28 =	sadd.s32 $0x10, s28;
	[tilespmem:s6+$0x10] =	vst v1  }
0x145: {  	v1 =	vld.msk [tilespmem:s2+$0xED30 ss:$0x0], $0xffff;
	s6 =	sadd.s32 $0x40, s6  }
0x146: {  	v2 =	vld [tilespmem:s6+$0xFFFFFFE0];
	_ =	sdelay $0x4  }
0x147: {  	v1 =	vmul.f32 v1, v2;
	_ =	sdelay $0x1  }
0x148: {  	v2 =	vld [tilespmem:s6+$0xFFFFFFF0];
	[tilespmem:s6+$0xFFFFFFE0] =	vst v1  }
0x149: {  	v1 =	vld.msk [tilespmem:s2+$0xED31 ss:$0x0], $0xffff;
	_ =	sdelay $0x4  }
0x14a: {  	v1 =	vmul.f32 v1, v2;
	_ =	sdelay $0x1  }
0x14b: {  	v2 =	vld [tilespmem:s6+$0x0];
	[tilespmem:s6+$0xFFFFFFF0] =	vst v1  }
0x14c: {  	v1 =	vld.msk [tilespmem:s2+$0xED32 ss:$0x0], $0xffff;
	_ =	sdelay $0x4  }
0x14d: {  	v1 =	vmul.f32 v1, v2;
	_ =	sdelay $0x1  }
0x14e: {  	v2 =	vld [tilespmem:s6+$0x10];
	[tilespmem:s6+$0x0] =	vst v1  }
0x14f: {  	v1 =	vld.msk [tilespmem:s2+$0xED33 ss:$0x0], $0xffff;
	_ =	sdelay $0x4  }
0x150: {  	v1 =	vmul.f32 v1, v2;
	_ =	sdelay $0x1  }
0x151: {  	s29 =	rddreg [dreg:$0x15];
	[tilespmem:s6+$0x10] =	vst v1  }
0x152: {  	[spmem:s29] =	stream.linear.scatter [tilespmem:s8], [sflag:$0x9], $0x2800, $0x38;
	[tilespmem:$0x17BC0] =	vst v63  }
0x153: {  	_ =	swait.ge [sflag:s7], $0x2800  }
0x154: {  	[sflag:s7] =	ssyncset.done $0x0  }
0x155: {  	s30 =	simm.s32 $0x0;
	s31 =	rddreg [dreg:$0x16];
	[sflag:s7] =	ssyncadd.s32 $0xFFFFD800  }
0x156: {  	[hbm4b:s31+s30] =	stream.linear.scatter [tilespmem:s8], [sflag:$0x9], $0x2800, $0x38;
	[tilespmem:$0x17BC0] =	vst v63  }
0x157: {  	_ =	swait.ge [sflag:s7], $0x2800  }
0x158: {  	[sflag:s7] =	ssyncset.done $0x0  }
0x159: {  	[sflag:s7] =	ssyncadd.s32 $0xFFFFD800  }
0x15a: {  	[bflag:$0x0] =	sbarrier.arrive $0xFFFF  }
0x15b: {  	[tilespmem:s12], [sflag:$0x1] =	stream.indirect.gather [spmem:s3], $0x10, s30, s10, $0xb8;
	[tilespmem:$0x17BC0] =	vst v63  }
0x15c: {  	_ = 	snop  }
0x15d: {  	[tilespmem:s13], [sflag:$0x2] =	stream.indirect.gather [spmem:s3], $0x10, s10, s10, $0xb8;
	[tilespmem:$0x17BC0] =	vst v63  }
0x15e: {  	s28 =	simm.s32 $0xA0  }
0x15f: {  	[tilespmem:s14], [sflag:$0x3] =	stream.indirect.gather [spmem:s3], $0x10, s28, s10, $0xb8;
	[tilespmem:$0x17BC0] =	vst v63  }
0x160: {  	s29 =	simm.s32 $0xF0  }
0x161: {  	[tilespmem:s15], [sflag:$0x4] =	stream.indirect.gather [spmem:s3], $0x10, s29, s10, $0xb8;
	[tilespmem:$0x17BC0] =	vst v63  }
0x162: {  	_ =	swait.ge [sflag:s16], $0x500  }
0x163: {  	[sflag:s16] =	ssyncset.done $0x0  }
0x164: {  	s30 =	simm.s32 $0x2710;
	[sflag:s16] =	ssyncadd.s32 $0xFFFFFB00  }
0x165: {  	[spmem:s1] =	stream.indirect.scatter.add.f32 [tilespmem:s12], [sflag:$0x5], $0x10, s30, s10, $0xb8;
	[tilespmem:$0x17BC0] =	vst v63  }
0x166: {  	_ =	swait.ge [sflag:s17], $0x500  }
0x167: {  	[sflag:s17] =	ssyncset.done $0x0  }
0x168: {  	s31 =	simm.s32 $0x2760;
	[sflag:s17] =	ssyncadd.s32 $0xFFFFFB00  }
0x169: {  	[spmem:s1] =	stream.indirect.scatter.add.f32 [tilespmem:s13], [sflag:$0x6], $0x10, s31, s10, $0xb8;
	[tilespmem:$0x17BC0] =	vst v63  }
0x16a: {  	_ =	swait.ge [sflag:s18], $0x500  }
0x16b: {  	[sflag:s18] =	ssyncset.done $0x0  }
0x16c: {  	s6 =	simm.s32 $0x27B0;
	[sflag:s18] =	ssyncadd.s32 $0xFFFFFB00  }
0x16d: {  	[spmem:s1] =	stream.indirect.scatter.add.f32 [tilespmem:s14], [sflag:$0x7], $0x10, s6, s10, $0xb8;
	[tilespmem:$0x17BC0] =	vst v63  }
0x16e: {  	_ =	swait.ge [sflag:s19], $0x500  }
0x16f: {  	[sflag:s19] =	ssyncset.done $0x0  }
0x170: {  	s28 =	simm.s32 $0x2800;
	[sflag:s19] =	ssyncadd.s32 $0xFFFFFB00  }
0x171: {  	[spmem:s1] =	stream.indirect.scatter.add.f32 [tilespmem:s15], [sflag:$0x8], $0x10, s28, s10, $0xb8;
	[tilespmem:$0x17BC0] =	vst v63  }
0x172: {  	_ =	swait.ge [sflag:s20], $0x500  }
0x173: {  	[sflag:s20] =	ssyncset.done $0x0  }
0x174: {  	s29 =	simm.s32 $0x140;
	[sflag:s20] =	ssyncadd.s32 $0xFFFFFB00  }
0x175: {  	[tilespmem:s12], [sflag:$0x1] =	stream.indirect.gather [spmem:s3], $0x10, s29, s10, $0xb8;
	[tilespmem:$0x17BC0] =	vst v63  }
0x176: {  	_ =	swait.ge [sflag:s21], $0x500  }
0x177: {  	[sflag:s21] =	ssyncset.done $0x0  }
0x178: {  	s30 =	simm.s32 $0x190;
	[sflag:s21] =	ssyncadd.s32 $0xFFFFFB00  }
0x179: {  	[tilespmem:s13], [sflag:$0x2] =	stream.indirect.gather [spmem:s3], $0x10, s30, s10, $0xb8;
	[tilespmem:$0x17BC0] =	vst v63  }
0x17a: {  	_ =	swait.ge [sflag:s22], $0x500  }
0x17b: {  	[sflag:s22] =	ssyncset.done $0x0  }
0x17c: {  	s31 =	simm.s32 $0x1E0;
	[sflag:s22] =	ssyncadd.s32 $0xFFFFFB00  }
0x17d: {  	[tilespmem:s14], [sflag:$0x3] =	stream.indirect.gather [spmem:s3], $0x10, s31, s10, $0xb8;
	[tilespmem:$0x17BC0] =	vst v63  }
0x17e: {  	_ =	swait.ge [sflag:s23], $0x500  }
0x17f: {  	[sflag:s23] =	ssyncset.done $0x0  }
0x180: {  	s2 =	simm.s32 $0x230;
	s6 =	simm.s32 $0x500;
	[sflag:s23] =	ssyncadd.s32 $0xFFFFFB00  }
.LBB2_10:
0x181: {  	[tilespmem:s15], [sflag:$0x4] =	stream.indirect.gather [spmem:s3], $0x10, s2, s10, $0xb8;
	[tilespmem:$0x17BC0] =	vst v63  }
0x182: {  	s2 =	smov.u32 s6  }
0x183: {  	p0 =	sne.s32 s6, $0x9100;
	s6 =	sadd.s32 $0x500, s6;
	_ =	swait.ge [sflag:s16], $0x500  }
0x184: {  	s2 =	sshra.s32 s2, $0x2;
	[sflag:s16] =	ssyncset.done $0x0  }
0x185: {  	s28 =	sadd.s32 $0x2710, s2;
	[sflag:s16] =	ssyncadd.s32 $0xFFFFFB00  }
0x186: {  	[spmem:s1] =	stream.indirect.scatter.add.f32 [tilespmem:s12], [sflag:$0x5], $0x10, s28, s10, $0xb8;
	[tilespmem:$0x17BC0] =	vst v63  }
0x187: {  	_ =	swait.ge [sflag:s17], $0x500  }
0x188: {  	[sflag:s17] =	ssyncset.done $0x0  }
0x189: {  	s28 =	sadd.s32 $0x2760, s2;
	[sflag:s17] =	ssyncadd.s32 $0xFFFFFB00  }
0x18a: {  	[spmem:s1] =	stream.indirect.scatter.add.f32 [tilespmem:s13], [sflag:$0x6], $0x10, s28, s10, $0xb8;
	[tilespmem:$0x17BC0] =	vst v63  }
0x18b: {  	_ =	swait.ge [sflag:s18], $0x500  }
0x18c: {  	[sflag:s18] =	ssyncset.done $0x0  }
0x18d: {  	s28 =	sadd.s32 $0x27B0, s2;
	[sflag:s18] =	ssyncadd.s32 $0xFFFFFB00  }
0x18e: {  	[spmem:s1] =	stream.indirect.scatter.add.f32 [tilespmem:s14], [sflag:$0x7], $0x10, s28, s10, $0xb8;
	[tilespmem:$0x17BC0] =	vst v63  }
0x18f: {  	_ =	swait.ge [sflag:s19], $0x500  }
0x190: {  	[sflag:s19] =	ssyncset.done $0x0  }
0x191: {  	s28 =	sadd.s32 $0x2800, s2;
	[sflag:s19] =	ssyncadd.s32 $0xFFFFFB00  }
0x192: {  	[spmem:s1] =	stream.indirect.scatter.add.f32 [tilespmem:s15], [sflag:$0x8], $0x10, s28, s10, $0xb8;
	[tilespmem:$0x17BC0] =	vst v63  }
0x193: {  	_ =	swait.ge [sflag:s20], $0x500  }
0x194: {  	[sflag:s20] =	ssyncset.done $0x0  }
0x195: {  	s28 =	sadd.s32 $0x140, s2;
	[sflag:s20] =	ssyncadd.s32 $0xFFFFFB00  }
0x196: {  	[tilespmem:s12], [sflag:$0x1] =	stream.indirect.gather [spmem:s3], $0x10, s28, s10, $0xb8;
	[tilespmem:$0x17BC0] =	vst v63  }
0x197: {  	_ =	swait.ge [sflag:s21], $0x500  }
0x198: {  	[sflag:s21] =	ssyncset.done $0x0  }
0x199: {  	s28 =	sadd.s32 $0x190, s2;
	[sflag:s21] =	ssyncadd.s32 $0xFFFFFB00  }
0x19a: {  	[tilespmem:s13], [sflag:$0x2] =	stream.indirect.gather [spmem:s3], $0x10, s28, s10, $0xb8;
	[tilespmem:$0x17BC0] =	vst v63  }
0x19b: {  	_ =	swait.ge [sflag:s22], $0x500  }
0x19c: {  	[sflag:s22] =	ssyncset.done $0x0  }
.Ltmp4:
0x19d: {  	s28 =	sadd.s32 $0x1E0, s2;
	[sflag:s22] =	ssyncadd.s32 $0xFFFFFB00;
	(pc) =	sbr.rel @p0 .LBB2_10-.Ltmp4, $4  }
0x19e: {  	[tilespmem:s14], [sflag:$0x3] =	stream.indirect.gather [spmem:s3], $0x10, s28, s10, $0xb8;
	[tilespmem:$0x17BC0] =	vst v63  }
0x19f: {  	_ =	swait.ge [sflag:s23], $0x500  }
0x1a0: {  	[sflag:s23] =	ssyncset.done $0x0  }
0x1a1: {  	s2 =	sadd.s32 $0x230, s2;
	[sflag:s23] =	ssyncadd.s32 $0xFFFFFB00  }
0x1a2: {  	[tilespmem:s15], [sflag:$0x4] =	stream.indirect.gather [spmem:s3], $0x10, s2, s10, $0xb8;
	[tilespmem:$0x17BC0] =	vst v63  }
0x1a3: {  	_ =	swait.ge [sflag:s16], $0x500  }
0x1a4: {  	[sflag:s16] =	ssyncset.done $0x0  }
0x1a5: {  	s29 =	simm.s32 $0x4C90;
	[sflag:s16] =	ssyncadd.s32 $0xFFFFFB00  }
0x1a6: {  	[spmem:s1] =	stream.indirect.scatter.add.f32 [tilespmem:s12], [sflag:$0x5], $0x10, s29, s10, $0xb8;
	[tilespmem:$0x17BC0] =	vst v63  }
0x1a7: {  	_ =	swait.ge [sflag:s17], $0x500  }
0x1a8: {  	[sflag:s17] =	ssyncset.done $0x0  }
0x1a9: {  	s30 =	simm.s32 $0x4CE0;
	[sflag:s17] =	ssyncadd.s32 $0xFFFFFB00  }
0x1aa: {  	[spmem:s1] =	stream.indirect.scatter.add.f32 [tilespmem:s13], [sflag:$0x6], $0x10, s30, s10, $0xb8;
	[tilespmem:$0x17BC0] =	vst v63  }
0x1ab: {  	_ =	swait.ge [sflag:s18], $0x500  }
0x1ac: {  	[sflag:s18] =	ssyncset.done $0x0  }
0x1ad: {  	s31 =	simm.s32 $0x4D30;
	[sflag:s18] =	ssyncadd.s32 $0xFFFFFB00  }
0x1ae: {  	[spmem:s1] =	stream.indirect.scatter.add.f32 [tilespmem:s14], [sflag:$0x7], $0x10, s31, s10, $0xb8;
	[tilespmem:$0x17BC0] =	vst v63  }
0x1af: {  	_ =	swait.ge [sflag:s19], $0x500  }
0x1b0: {  	[sflag:s19] =	ssyncset.done $0x0  }
0x1b1: {  	s6 =	simm.s32 $0x4D80;
	[sflag:s19] =	ssyncadd.s32 $0xFFFFFB00  }
0x1b2: {  	[spmem:s1] =	stream.indirect.scatter.add.f32 [tilespmem:s15], [sflag:$0x8], $0x10, s6, s10, $0xb8;
	[tilespmem:$0x17BC0] =	vst v63  }
0x1b3: {  	_ =	swait.ge [sflag:s20], $0x500  }
0x1b4: {  	[sflag:s20] =	ssyncset.done $0x0  }
0x1b5: {  	s28 =	simm.s32 $0x26C0;
	[sflag:s20] =	ssyncadd.s32 $0xFFFFFB00  }
0x1b6: {  	[tilespmem:s12], [sflag:$0x1] =	stream.indirect.gather [spmem:s3], $0x10, s28, s10, $0xb8;
	[tilespmem:$0x17BC0] =	vst v63  }
0x1b7: {  	_ =	swait.ge [sflag:s16], $0x500  }
0x1b8: {  	[sflag:s16] =	ssyncset.done $0x0  }
0x1b9: {  	s29 =	simm.s32 $0x4DD0;
	[sflag:s16] =	ssyncadd.s32 $0xFFFFFB00  }
0x1ba: {  	[spmem:s1] =	stream.indirect.scatter.add.f32 [tilespmem:s12], [sflag:$0x9], $0x10, s29, s10, $0xb8;
	[tilespmem:$0x17BC0] =	vst v63  }
0x1bb: {  	_ =	swait.ge [sflag:s7], $0x500  }
0x1bc: {  	[sflag:s7] =	ssyncset.done $0x0  }
0x1bd: {  	[sflag:s7] =	ssyncadd.s32 $0xFFFFFB00  }
0x1be: {  	_ =	swait.ge [sflag:s21], $0x500  }
0x1bf: {  	[sflag:s21] =	ssyncset.done $0x0  }
0x1c0: {  	[sflag:s21] =	ssyncadd.s32 $0xFFFFFB00  }
0x1c1: {  	_ =	swait.ge [sflag:s22], $0x500  }
0x1c2: {  	[sflag:s22] =	ssyncset.done $0x0  }
0x1c3: {  	[sflag:s22] =	ssyncadd.s32 $0xFFFFFB00  }
0x1c4: {  	_ =	swait.ge [sflag:s23], $0x500  }
0x1c5: {  	[sflag:s23] =	ssyncset.done $0x0  }
0x1c6: {  	[sflag:s23] =	ssyncadd.s32 $0xFFFFFB00  }
0x1c7: {  	[bflag:$0x0] =	sbarrier.arrive $0xFFFF  }
0x1c8: {  	s30 =	rddreg [dreg:$0x17]  }
0x1c9: {  	[hbm:s30], [sflag:s25] =	dma.local [spmem:s26], $0x500  }
0x1ca: {  	_ =	swait.ge [sflag:s7], $0x500  }
0x1cb: {  	s24 =	sadd.s32 $0x1, s24;
	s31 =	rddreg [dreg:$0x18]  }
0x1cc: {  	p0 =	sne.s32 s24, s31  }
.Ltmp5:
0x1cd: {  	_ = 	snop;
	(pc) =	sbr.rel @p0 .LBB2_1-.Ltmp5, $3  }
0x1ce: {  	_ =	sdelay $0x1  }
0x1cf: {  	[sflag:s7] =	ssyncset.done $0x0  }
0x1d0: {  	[sflag:s7] =	ssyncadd.s32 $0xFFFFFB00  }
0x1d1: {  	_ =	sfence.sel $0x180000  }
0x1d2: {  	[bflag:$0x0] =	sbarrier.arrive $0xFFFF  }
0x1d3: {  	_ =	strace $0x90000047  }
0x1d4: {  	s0 =	stileid.u32;
	[bflag:$0x2] =	sbarrier.arrive $0xFFFF  }
0x1d5: {  	p0 =	sne.s32 s0, $0x0;
	s0 =	rddreg [dreg:$0x4]  }
0x1d6: {  	s0 =	sadd.s32 @!p0 $0x100000, s0  }
0x1d7: {  	[sflag:s0] =	ssyncadd.tile.s32 @!p0 $0x1;
	_ =	shalt  }
.Lfunc_end2:
_tile_overlayer_lowered:
.L_overlay_start_2:
0x1d8: {  	(tag) =	ssettag $0x2  }
0x1d9: {  	s0 =	rddreg [dreg:$0x0];
	s2 =	stileid.u32  }
0x1da: {  	s1 =	rddreg [dreg:$0x1];
	p0 =	sne.s32 s2, $0x0  }
0x1db: {  	s3 =	rddreg [dreg:$0x2];
	[bflag:$0x3] =	sbarrier.arrive $0xFFFF;
	s2 =	simm.s32 @!p0 $0x1C09  }
0x1dc: {  	[timem:s3], [sflag:s2] =	dma.local @!p0 [hbm:s0], s1  }
0x1dd: {  	s0 =	simm.s32 @!p0 $0x9  }
0x1de: {  	_ =	swait.ge @!p0 [sflag:s0], s1  }
0x1df: {  	s1 =	ssub.s32 @!p0 $0x0, s1;
	[sflag:s0] =	ssyncset.done @!p0 $0x0  }
0x1e0: {  	[sflag:s0] =	ssyncadd.s32 @!p0 s1  }
0x1e1: {  	[bflag:$0x3] =	sbarrier.arrive $0xFFFF  }
0x1e2: {  	_ =	shalt  }

// kernel: kernel.9.cloned.1.call-start
scs
__scs_entry_jumppad:
0x0: {  	(pc) =	sbr.rel $0x88, $3  }
0x1: {  	(tag) =	ssettag $0x0;
	lr =	simm.s32 $0x1  }
0x2: {  	[smem:$0x3F97] =	sst lr;
	_ =	strace $0xD0000000  }
0x3: {  	_ = 	snop  }
0x4: {  	_ = 	snop  }
0x5: {  	_ = 	snop  }
0x6: {  	_ = 	snop  }
0x7: {  	_ = 	snop  }
__scs_overlays_trampoline_lowered:
0x8: {  	[smem:$0x3FA6] =	sst s0  }
0x9: {  	[smem:$0x3FA7] =	sst s1  }
0xa: {  	[smem:$0x3FA8] =	sst s2  }
0xb: {  	[smem:$0x3FA9] =	sst s3  }
0xc: {  	[smem:$0x3FAA] =	sst s4  }
0xd: {  	[smem:$0x3FAB] =	sst s5  }
0xe: {  	[smem:$0x3FAC] =	sst s6  }
0xf: {  	[smem:$0x3FAD] =	sst s7  }
0x10: {  	[smem:$0x3FAE] =	sst s8  }
0x11: {  	[smem:$0x3FAF] =	sst s9;
	s0 =	simm.s32 @!p0 $0x0  }
0x12: {  	s1 =	sld [smem:$0x3F95];
	s0 =	simm.s32 @p0 $0x1  }
0x13: {  	[smem:$0x3FB0] =	sst s0;
	s0 =	simm.s32 @!p1 $0x0  }
0x14: {  	s2 =	sld [smem:$0x3F94];
	s0 =	simm.s32 @p1 $0x1  }
0x15: {  	[smem:$0x3FB1] =	sst s0;
	s0 =	simm.s32 @!p2 $0x0  }
0x16: {  	s3 =	sld [smem:$0x3FDB];
	s0 =	simm.s32 @p2 $0x1  }
0x17: {  	s4 =	simm.s32 $0x1BF5;
	[smem:$0x3FB3] =	sst s0  }
0x18: {  	s0 =	sld [smem:$0x3F96];
	_ =	swait.ge [sflag:s4], $0x0  }
0x19: {  	s7 =	sld [smem:$0x3F97]  }
0x1a: {  	s8 =	sadd.s32 $0xFFFFE003, lr  }
0x1b: {  	s9 =	sadd.s32 $0xFFFFFEF7, lr;
	s5 =	simm.s32 $0xFFFFFFFF;
	p2 =	slt.u32 s8, $0xFFFFF086  }
0x1c: {  	p1 =	slt.u32 s9, $0xF7A;
	s5 =	simm.s32 @!p2 $0x0  }
0x1d: {  	s5 =	simm.s32 @p1 $0x1;
	p0 =	seq.s32 s7, s2  }
0x1e: {  	s7 =	smul.u32 @!p0 $0xF7A, s2;
	p2 =	seq.s32 @!p0 s5, $0x0  }
0x1f: {  	s9 =	smul.u32 $0xF7A, s1;
	s8 =	simm.s32 @!p0 $0x1BF5;
	p2 =	por !p2, p0  }
0x20: {  	[sflag:s8] =	ssyncset.s32 @!p0 $0xFFFFF086;
	s6 =	sadd.s32 @!p0 s3, s7;
	s7 =	simm.s32 @!p0 $0x108  }
0x21: {  	s3 =	sadd.s32 s3, s9;
	s6 =	sadd.s32 @!p0 $0x88, s6;
	s7 =	simm.s32 @p2 $0x1082  }
0x22: {  	[simem:s7], [sflag:s8] =	dma.local @!p0 [hbm:s6], $0xF7A  }
0x23: {  	s9 =	sor.u32 $0xD0000000, s2;
	s6 =	simm.s32 $0x108;
	_ =	swait.ge @!p0 [sflag:s8], $0x0  }
0x24: {  	s3 =	sadd.s32 $0x88, s3;
	s6 =	simm.s32 @!p1 $0x1082;
	[sflag:s4] =	ssyncset.s32 $0xFFFFF086  }
0x25: {  	[simem:s6], [sflag:s4] =	dma.local [hbm:s3], $0xF7A  }
0x26: {  	[smem:$0x3F97] =	sst s1;
	(tag) =	ssettag s2;
	_ =	strace s9  }
0x27: {  	s1 =	sld [smem:$0x3FA7]  }
0x28: {  	s2 =	sld [smem:$0x3FA8]  }
0x29: {  	s4 =	sld [smem:$0x3FAA]  }
0x2a: {  	p0 =	seq.s32 s5, $0x0;
	s5 =	sld [smem:$0x3FAB]  }
0x2b: {  	s6 =	sld [smem:$0x3FAC]  }
0x2c: {  	s7 =	sld [smem:$0x3FAD]  }
0x2d: {  	s3 =	simm.s32 $0x108;
	s8 =	sld [smem:$0x3FAE]  }
0x2e: {  	s3 =	simm.s32 @!p0 $0x1082;
	s9 =	sld [smem:$0x3FAF]  }
0x2f: {  	lr =	sadd.s32 s0, s3;
	s0 =	sld [smem:$0x3FA6]  }
0x30: {  	s3 =	sld [smem:$0x3FA9]  }
0x31: {  	[smem:$0x3FB2] =	sst s10  }
0x32: {  	s10 =	sld [smem:$0x3FB0];
	_ =	sdelay $0x3  }
0x33: {  	p0 =	seq.s32 s10, $0x1;
	s10 =	sld [smem:$0x3FB2];
	_ =	sdelay $0x3  }
0x34: {  	[smem:$0x3FB2] =	sst s10  }
0x35: {  	s10 =	sld [smem:$0x3FB1];
	_ =	sdelay $0x3  }
0x36: {  	p1 =	seq.s32 s10, $0x1;
	s10 =	sld [smem:$0x3FB2];
	_ =	sdelay $0x3  }
0x37: {  	[smem:$0x3FB2] =	sst s10  }
0x38: {  	s10 =	sld [smem:$0x3FB3]  }
0x39: {  	_ = 	snop;
	(pc) =	sbr.ind lr, $3  }
0x3a: {  	_ = 	snop  }
0x3b: {  	_ = 	snop  }
0x3c: {  	p2 =	seq.s32 s10, $0x1;
	s10 =	sld [smem:$0x3FB2]  }
0x3d: {  	_ =	shalt  }
0x3e: {  	_ =	shalt  }
0x3f: {  	_ =	shalt  }
0x40: {  	_ =	shalt  }
0x41: {  	_ =	shalt  }
0x42: {  	_ =	shalt  }
0x43: {  	_ =	shalt  }
0x44: {  	_ =	shalt  }
0x45: {  	_ =	shalt  }
0x46: {  	_ =	shalt  }
0x47: {  	_ =	shalt  }
0x48: {  	_ =	shalt  }
0x49: {  	_ =	shalt  }
0x4a: {  	_ =	shalt  }
0x4b: {  	_ =	shalt  }
0x4c: {  	_ =	shalt  }
0x4d: {  	_ =	shalt  }
0x4e: {  	_ =	shalt  }
0x4f: {  	_ =	shalt  }
0x50: {  	_ =	shalt  }
0x51: {  	_ =	shalt  }
0x52: {  	_ =	shalt  }
0x53: {  	_ =	shalt  }
0x54: {  	_ =	shalt  }
0x55: {  	_ =	shalt  }
0x56: {  	_ =	shalt  }
0x57: {  	_ =	shalt  }
0x58: {  	_ =	shalt  }
0x59: {  	_ =	shalt  }
0x5a: {  	_ =	shalt  }
0x5b: {  	_ =	shalt  }
0x5c: {  	_ =	shalt  }
0x5d: {  	_ =	shalt  }
0x5e: {  	_ =	shalt  }
0x5f: {  	_ =	shalt  }
0x60: {  	_ =	shalt  }
0x61: {  	_ =	shalt  }
0x62: {  	_ =	shalt  }
0x63: {  	_ =	shalt  }
0x64: {  	_ =	shalt  }
0x65: {  	_ =	shalt  }
0x66: {  	_ =	shalt  }
0x67: {  	_ =	shalt  }
0x68: {  	_ =	shalt  }
0x69: {  	_ =	shalt  }
0x6a: {  	_ =	shalt  }
0x6b: {  	_ =	shalt  }
0x6c: {  	_ =	shalt  }
0x6d: {  	_ =	shalt  }
0x6e: {  	_ =	shalt  }
0x6f: {  	_ =	shalt  }
0x70: {  	_ =	shalt  }
0x71: {  	_ =	shalt  }
0x72: {  	_ =	shalt  }
0x73: {  	_ =	shalt  }
0x74: {  	_ =	shalt  }
0x75: {  	_ =	shalt  }
0x76: {  	_ =	shalt  }
0x77: {  	_ =	shalt  }
0x78: {  	_ =	shalt  }
0x79: {  	_ =	shalt  }
0x7a: {  	_ =	shalt  }
0x7b: {  	_ =	shalt  }
0x7c: {  	_ =	shalt  }
0x7d: {  	_ =	shalt  }
0x7e: {  	_ =	shalt  }
0x7f: {  	_ =	shalt  }
0x80: {  	_ =	shalt  }
0x81: {  	_ =	shalt  }
0x82: {  	_ =	shalt  }
0x83: {  	_ =	shalt  }
0x84: {  	_ =	shalt  }
0x85: {  	_ =	shalt  }
0x86: {  	_ =	shalt  }
0x87: {  	_ =	shalt  }
.Lfunc_end0:
.L_simem_size_0:
called_computation.1_lowered:
.L_overlay_start_0:
0x88: {  	s2 =	sld [smem:$0x3FD9]  }
0x89: {  	s3 =	sld [smem:$0x3FFE];
	_ =	sdelay $0x1  }
0x8a: {  	s1 =	srdreg.scid  }
0x8b: {  	s0 =	sand.u32 $0x1, s1  }
0x8c: {  	s17 =	sshll.u32 s0, $0xA;
	s2 =	sadd.s32 s3, s2  }
0x8d: {  	s2 =	sadd.s32 s2, s17  }
0x8e: {  	[smem:$0x3FBE] =	sst s2  }
0x8f: {  	_ = 	snop  }
0x90: {  	s2 =	sld [smem:$0x3FC6];
	(tm) =	ssettm $0x1  }
0x91: {  	s18 =	sld [smem:$0x3FFB];
	_ =	sdelay $0x3  }
0x92: {  	_ =	strace s18  }
0x93: {  	s3 =	sld [smem:$0x3FFC];
	_ =	sdelay $0x3  }
0x94: {  	_ =	strace s3  }
0x95: {  	s3 =	sld [smem:$0x3FFD];
	_ =	sdelay $0x3  }
0x96: {  	_ =	strace s3  }
0x97: {  	_ =	strace $0x8FFFFFFF  }
0x98: {  	s19 =	sld [smem:$0x3FDB];
	_ =	sdelay $0x1  }
0x99: {  	s4 =	simm.s32 $_scs_section_size  }
0x9a: {  	s5 =	simm.s32 $_size__tile_overlayer_lowered;
	s6 =	simm.s32 $_tile_overlayer_lowered  }
0x9b: {  	s22 =	simm.s32 $0x1BFF;
	s21 =	sshll.u32 s6, $0x1;
	s3 =	sadd.s32 s4, s19  }
0x9c: {  	s7 =	simm.s32 $0x0;
	s20 =	sshll.u32 s5, $0x1;
	s5 =	sadd.s32 s21, s3  }
0x9d: {  	[timem:s7], [sflag:s22] =	dma.local [hbm:s5], s20  }
0x9e: {  	_ =	swait.ge [sflag:s22], s20  }
0x9f: {  	s4 =	ssub.s32 $0x0, s20;
	[sflag:s22] =	ssyncset.done $0x0  }
0xa0: {  	[sflag:s22] =	ssyncadd.s32 s4;
	_ =	sdelay $0x1  }
0xa1: {  	s23 =	simm.s32 $0x1B8B  }
0xa2: {  	_ =	swait.ge [sflag:s23], $0x1  }
0xa3: {  	[sflag:s23] =	ssyncset.done $0x0  }
0xa4: {  	s25 =	simm.s32 $0x1B8E;
	s24 =	sld [smem:$0x3FFE];
	[sflag:s23] =	ssyncadd.s32 $0xFFFFFFFF  }
0xa5: {  	s26 =	simm.s32 $execute0_lowered;
	[smem:$0x3FD2] =	sst s25  }
0xa6: {  	s5 =	sshll.u32 s26, $0x1;
	_ =	strace $0x80000049;
	[dreg:$0x1] =	wrdreg $0xFFFFFFFF  }
0xa7: {  	s28 =	simm.s32 $_size_execute0_lowered;
	s3 =	sadd.s32 s3, s5;
	[dreg:$0x0] =	wrdreg $0x0  }
0xa8: {  	s5 =	sshll.u32 s28, $0x1;
	[dreg:$0x2] =	wrdreg s3  }
0xa9: {  	[dreg:$0x3] =	wrdreg s5  }
0xaa: {  	[dreg:$0x4] =	wrdreg $0xC0  }
0xab: {  	_ =	task [dreg:s7], $0x5FFFF  }
0xac: {  	[dreg:$0x1] =	wrdreg $0xFFFFFFFF  }
0xad: {  	[dreg:$0x0] =	wrdreg $0x60  }
0xae: {  	[dreg:$0x2] =	wrdreg s24  }
0xaf: {  	[dreg:$0x3] =	wrdreg s2  }
0xb0: {  	[dreg:$0x4] =	wrdreg $0x104C00  }
0xb1: {  	[dreg:$0x5] =	wrdreg $0xDCC00  }
0xb2: {  	[dreg:$0x6] =	wrdreg $0x9  }
0xb3: {  	_ =	task.clear_ibuf [dreg:s7], $0x7FFFF;
	_ =	strace $0x90000049  }
0xb4: {  	s29 =	simm.s32 $0x9;
	_ =	strace $0x8000004B  }
0xb5: {  	_ =	swait.ge [sflag:s29], $0x1  }
0xb6: {  	[sflag:s29] =	ssyncadd.s32 $0xFFFFFFFF  }
0xb7: {  	_ =	strace $0x9000004B  }
0xb8: {  	_ =	sfence  }
0xb9: {  	s30 =	sld [smem:$0x0];
	_ =	sdelay $0x2  }
0xba: {  	s31 =	sshll.u32 s1, $0xD;
	s1 =	sshrl.u32 s1, $0x2  }
0xbb: {  	s3 =	sand.u32 $0x4000, s31;
	s1 =	sadd.s32 s1, s30  }
0xbc: {  	s0 =	sor.u32 s3, s0;
	s1 =	sshll.u32 s1, $0x11  }
0xbd: {  	s0 =	sor.u32 s1, s0  }
0xbe: {  	s0 =	sadd.s32 $0x8F2B, s0  }
0xbf: {  	[sflag:s0] =	ssyncadd.remote.s32 $0x1  }
0xc0: {  	_ =	sfence.sel $0xFFFF  }
0xc1: {  	[dreg:$0x0] =	wrdreg $0xFFFFFFFF;
	(pc) =	sbr.abs _section_cstart, $3  }
0xc2: {  	[dreg:$0x1] =	wrdreg $0xFFFFFFFF  }
0xc3: {  	_ =	task.clear_ibuf [dreg:s7], $0x2FFFF;
	_ =	strace $0x9FFFFFFF  }
0xc4: {  	(tm) =	ssettm $0x7FFFFFFF  }
0xc5: {  	_ =	shalt  }
tec
execute0_lowered:
.L_overlay_start_1:
0x0: {  	(tag) =	ssettag $0x1  }
0x1: {  	s0 =	srdreg.scid;
	s1 =	rddreg [dreg:$0x0]  }
0x2: {  	s11 =	stileid.u32;
	s3 =	rddreg [dreg:$0x2]  }
0x3: {  	s4 =	rddreg [dreg:$0x3];
	s5 =	simm.s32 $0x0;
	s18 =	simm.s32 $0x9  }
0x4: {  	s20 =	simm.s32 $0x4E20;
	s28 =	simm.s32 $0xCDC0;
	s30 =	simm.s32 $0xD2C0  }
0x5: {  	s19 =	simm.s32 $0x2;
	s21 =	simm.s32 $0x3;
	s29 =	simm.s32 $0x7  }
0x6: {  	s31 =	simm.s32 $0x8;
	s0 =	sand.u32 $0x1, s0;
	s6 =	smul.u32 $0x50, s11  }
0x7: {  	s7 =	smul.u32 $0x2800, s11;
	[smem:$0x7FF] =	sst s5;
	p0 =	sne.s32 s11, $0xF  }
0x8: {  	s2 =	sshll.u32 s0, $0x4;
	s8 =	smul.u32 $0x28000, s0;
	_ =	strace $0x8000004A  }
0x9: {  	s0 =	ssub.s32 $0x2, s0;
	s2 =	sor.u32 s11, s2;
	s6 =	sadd.s32 s6, s1  }
0xa: {  	s9 =	sshrl.u32 s7, $0x3;
	s10 =	sshrl.u32 s0, $0x1;
	s12 =	sadd.s32 s7, s3  }
0xb: {  	s14 =	sadd.s32 s7, s4;
	s2 =	smul.u32 $0x2710, s2;
	s8 =	sadd.s32 s7, s8  }
0xc: {  	s0 =	ssub.s32 s0, s10;
	s26 =	sadd.s32 $0x2F600, s6;
	s8 =	sshrl.u32 s8, $0x3  }
0xd: {  	[dreg:$0xa] =	wrdreg s26;
	s17 =	smax.u32 s0, $0x1;
	s2 =	sshrl.u32 s2, $0x3  }
0xe: {  	s26 =	simm.s32 $0xC8C0;
	s0 =	simm.s32 $0x0;
	s2 =	sadd.s32 s2, s1  }
0xf: {  	s8 =	sadd.s32 s8, s1;
	s1 =	sadd.s32 s9, s1;
	s22 =	sadd.s32 $0x2600, s2  }
0x10: {  	s16 =	sadd.s32 $0x2FC00, s8;
	s2 =	sadd.s32 $0xC240, s2;
	[dreg:$0x5] =	wrdreg s22  }
0x11: {  	s23 =	sadd.s32 $0x20600, s1;
	s24 =	sadd.s32 $0x25600, s1;
	[dreg:$0x6] =	wrdreg s2  }
0x12: {  	s25 =	sadd.s32 $0x2A600, s1;
	s13 =	sadd.s32 $0x1B000, s1;
	[dreg:$0x7] =	wrdreg s23  }
0x13: {  	s15 =	sadd.s32 $0x16000, s1;
	s1 =	simm.s32 $0x1;
	[dreg:$0x8] =	wrdreg s24  }
0x14: {  	[dreg:$0x9] =	wrdreg s25;
	s25 =	simm.s32 $0x50;
	s2 =	simm.s32 $0xD7C0  }
0x15: {  	v0 =	vimm.f32 $0.0e+00;
	s22 =	simm.s32 $0x4;
	s23 =	simm.s32 $0x5;
	s24 =	simm.s32 $0x6  }
.LBB2_1:
0x16: {  	s6 =	rddreg [dreg:$0x5]  }
0x17: {  	[tilespmem:s5], [sflag:$0x9] =	stream.linear.gather [hbm4b:s6+s5], $0x2710, $0x38;
	[tilespmem:$0x12CC0] =	vst v63  }
0x18: {  	_ =	swait.ge [sflag:s18], $0x2710  }
0x19: {  	[sflag:s18] =	ssyncset.done $0x0  }
0x1a: {  	s7 =	simm.s32 $0x2710;
	s11 =	rddreg [dreg:$0x6];
	[sflag:s18] =	ssyncadd.s32 $0xFFFFD8F0  }
0x1b: {  	[tilespmem:s7], [sflag:$0x9] =	stream.linear.gather [hbm4b:s11+s5], $0x2710, $0x38;
	[tilespmem:$0x12CC0] =	vst v63  }
0x1c: {  	_ =	swait.ge [sflag:s18], $0x2710  }
0x1d: {  	[sflag:s18] =	ssyncset.done $0x0  }
0x1e: {  	s7 =	rddreg [dreg:$0x7];
	[sflag:s18] =	ssyncadd.s32 $0xFFFFD8F0  }
0x1f: {  	[tilespmem:s20], [sflag:$0x9] =	stream.linear.gather [hbm4b:s7+s5], $0x2800, $0x38;
	[tilespmem:$0x12CC0] =	vst v63  }
0x20: {  	_ =	swait.ge [sflag:s18], $0x2800  }
0x21: {  	[sflag:s18] =	ssyncset.done $0x0  }
0x22: {  	s9 =	simm.s32 $0x7620;
	s8 =	rddreg [dreg:$0x8];
	[sflag:s18] =	ssyncadd.s32 $0xFFFFD800  }
0x23: {  	[tilespmem:s9], [sflag:$0x9] =	stream.linear.gather [hbm4b:s8+s5], $0x2800, $0x38;
	[tilespmem:$0x12CC0] =	vst v63  }
0x24: {  	_ =	swait.ge [sflag:s18], $0x2800  }
0x25: {  	[sflag:s18] =	ssyncset.done $0x0  }
0x26: {  	s11 =	simm.s32 $0x9E20;
	s10 =	rddreg [dreg:$0x9];
	[sflag:s18] =	ssyncadd.s32 $0xFFFFD800  }
0x27: {  	[tilespmem:s11], [sflag:$0x9] =	stream.linear.gather [hbm4b:s10+s5], $0x2800, $0x38;
	[tilespmem:$0x12CC0] =	vst v63  }
0x28: {  	_ =	swait.ge [sflag:s18], $0x2800  }
0x29: {  	[sflag:s18] =	ssyncset.done $0x0  }
0x2a: {  	s8 =	simm.s32 $0xC620;
	s7 =	rddreg [dreg:$0xa];
	[sflag:s18] =	ssyncadd.s32 $0xFFFFD800  }
0x2b: {  	[tilespmem:s8], [sflag:$0x9] =	stream.linear.gather [hbm4b:s7+s5], $0x280, $0x38;
	[tilespmem:$0x12CC0] =	vst v63  }
0x2c: {  	_ =	swait.ge [sflag:s18], $0x280  }
0x2d: {  	[sflag:s18] =	ssyncset.done $0x0  }
0x2e: {  	[sflag:s18] =	ssyncadd.s32 $0xFFFFFD80  }
0x2f: {  	s10 =	simm.s32 $0xC8B0;
	s9 =	rddreg [dreg:$0x1]  }
0x30: {  	[tilespmem:s10], [sflag:$0x9] =	stream.linear.gather [hbm4b:s9+s5], $0x10, $0x38;
	[tilespmem:$0x12CC0] =	vst v63  }
0x31: {  	s11 =	stileid.u32;
	_ =	swait.ge [sflag:s18], $0x10  }
0x32: {  	s6 =	sshll.u32 s11, $0x6;
	[sflag:s18] =	ssyncset.done $0x0  }
0x33: {  	s6 =	sor.u32 $0x1C09, s6;
	s7 =	sshrl.u32 s12, $0x3;
	[sflag:s18] =	ssyncadd.s32 $0xFFFFFFF0  }
0x34: {  	[spmem:s7], [sflag:s6] =	dma.local [hbm:s13], $0x500  }
0x35: {  	_ =	swait.ge [sflag:s18], $0x500  }
0x36: {  	[sflag:s18] =	ssyncset.done $0x0  }
0x37: {  	s8 =	simm.s32 $0x0;
	[sflag:s18] =	ssyncadd.s32 $0xFFFFFB00  }
0x38: {  	v1 =	vld [tilespmem:s8+$0x7620]  }
0x39: {  	v2 =	vld [tilespmem:s8+$0x4E20];
	_ =	sdelay $0x1  }
0x3a: {  	v3 =	vld [tilespmem:s8+$0x9E20]  }
0x3b: {  	s9 =	simm.s32 $0xC622  }
0x3c: {  	v4 =	vld.msk [tilespmem:s9+$0xFFFFFFFE ss:$0x0], $0xffff  }
0x3d: {  	v2 =	vadd.f32 v1, v2  }
0x3e: {  	v1 =	vld [tilespmem:$0xC8B0]  }
0x3f: {  	v2 =	vadd.f32 v3, v2;
	_ =	sdelay $0x1  }
0x40: {  	v2 =	vmul.f32 v2, v4;
	_ =	sdelay $0x1  }
0x41: {  	v2 =	vadd.f32 v2, v1;
	_ =	sdelay $0x1  }
0x42: {  	v3 =	vld [tilespmem:s8+$0x7630];
	v2 =	vmax.f32 v2, $0.0e+00  }
0x43: {  	v2 =	vmul.f32 v2, v4;
	v4 =	vld [tilespmem:s8+$0x4E30];
	_ =	sdelay $0x1  }
0x44: {  	[tilespmem:s8+$0x4E20] =	vst v2;
	v2 =	vld [tilespmem:s8+$0x9E30];
	_ =	sdelay $0x1  }
0x45: {  	v5 =	vld.msk [tilespmem:s9+$0xFFFFFFFF ss:$0x0], $0xffff  }
0x46: {  	v3 =	vadd.f32 v3, v4;
	_ =	sdelay $0x1  }
0x47: {  	v2 =	vadd.f32 v2, v3;
	_ =	sdelay $0x1  }
0x48: {  	v2 =	vmul.f32 v2, v5;
	_ =	sdelay $0x1  }
0x49: {  	v2 =	vadd.f32 v2, v1;
	_ =	sdelay $0x1  }
0x4a: {  	v4 =	vld [tilespmem:s8+$0x4E40];
	v2 =	vmax.f32 v2, $0.0e+00  }
0x4b: {  	v3 =	vld [tilespmem:s8+$0x7640];
	v2 =	vmul.f32 v2, v5;
	_ =	sdelay $0x1  }
0x4c: {  	[tilespmem:s8+$0x4E30] =	vst v2;
	v2 =	vld [tilespmem:s8+$0x9E40];
	_ =	sdelay $0x1  }
0x4d: {  	v5 =	vld.msk [tilespmem:s9+$0x0 ss:$0x0], $0xffff  }
0x4e: {  	v3 =	vadd.f32 v3, v4;
	_ =	sdelay $0x1  }
0x4f: {  	v2 =	vadd.f32 v2, v3;
	_ =	sdelay $0x1  }
0x50: {  	v2 =	vmul.f32 v2, v5;
	_ =	sdelay $0x1  }
0x51: {  	v2 =	vadd.f32 v2, v1  }
0x52: {  	v4 =	vld [tilespmem:s8+$0x4E50]  }
0x53: {  	v3 =	vld [tilespmem:s8+$0x7650];
	v2 =	vmax.f32 v2, $0.0e+00  }
0x54: {  	v2 =	vmul.f32 v2, v5  }
0x55: {  	v5 =	vld [tilespmem:s8+$0x9E50]  }
0x56: {  	[tilespmem:s8+$0x4E40] =	vst v2  }
0x57: {  	v2 =	vld.msk [tilespmem:s9+$0x1 ss:$0x0], $0xffff  }
0x58: {  	v3 =	vadd.f32 v3, v4;
	_ =	sdelay $0x1  }
0x59: {  	v3 =	vadd.f32 v5, v3;
	_ =	sdelay $0x1  }
0x5a: {  	v3 =	vmul.f32 v3, v2;
	_ =	sdelay $0x1  }
0x5b: {  	v4 =	vadd.f32 v3, v1  }
0x5c: {  	s11 =	simm.s32 $0x40  }
0x5d: {  	s10 =	simm.s32 $0x200;
	v3 =	vld [tilespmem:s11+$0x7620];
	v4 =	vmax.f32 v4, $0.0e+00  }
.LBB2_2:
0x5e: {  	p1 =	sne.s32 s10, $0x9F00;
	v5 =	vld [tilespmem:s11+$0x4E20];
	v2 =	vmul.f32 v4, v2;
	_ =	sdelay $0x1  }
0x5f: {  	s9 =	sadd.s32 $0x4, s9;
	v4 =	vld [tilespmem:s11+$0x9E20];
	[tilespmem:s8+$0x4E50] =	vst v2;
	s8 =	smov.u32 s11  }
0x60: {  	v2 =	vld.msk [tilespmem:s9+$0xFFFFFFFE ss:$0x0], $0xffff;
	_ =	sdelay $0x1  }
0x61: {  	v3 =	vadd.f32 v3, v5;
	_ =	sdelay $0x1  }
0x62: {  	v3 =	vadd.f32 v4, v3;
	_ =	sdelay $0x1  }
0x63: {  	v3 =	vmul.f32 v3, v2;
	_ =	sdelay $0x1  }
0x64: {  	v3 =	vadd.f32 v3, v1;
	_ =	sdelay $0x1  }
0x65: {  	v3 =	vmax.f32 v3, $0.0e+00;
	v4 =	vld [tilespmem:s8+$0x7630]  }
0x66: {  	v2 =	vmul.f32 v3, v2;
	v3 =	vld [tilespmem:s8+$0x4E30];
	_ =	sdelay $0x1  }
0x67: {  	[tilespmem:s8+$0x4E20] =	vst v2;
	v2 =	vld [tilespmem:s8+$0x9E30]  }
0x68: {  	v5 =	vld.msk [tilespmem:s9+$0xFFFFFFFF ss:$0x0], $0xffff;
	_ =	sdelay $0x1  }
0x69: {  	v3 =	vadd.f32 v4, v3;
	_ =	sdelay $0x1  }
0x6a: {  	v2 =	vadd.f32 v2, v3;
	_ =	sdelay $0x1  }
0x6b: {  	v2 =	vmul.f32 v2, v5;
	_ =	sdelay $0x1  }
0x6c: {  	v2 =	vadd.f32 v2, v1;
	_ =	sdelay $0x1  }
0x6d: {  	v2 =	vmax.f32 v2, $0.0e+00;
	v3 =	vld [tilespmem:s8+$0x7640]  }
0x6e: {  	v2 =	vmul.f32 v2, v5;
	v4 =	vld [tilespmem:s8+$0x4E40];
	_ =	sdelay $0x1  }
0x6f: {  	[tilespmem:s8+$0x4E30] =	vst v2;
	v2 =	vld [tilespmem:s8+$0x9E40]  }
0x70: {  	v5 =	vld.msk [tilespmem:s9+$0x0 ss:$0x0], $0xffff;
	_ =	sdelay $0x1  }
0x71: {  	v3 =	vadd.f32 v3, v4;
	_ =	sdelay $0x1  }
0x72: {  	v2 =	vadd.f32 v2, v3;
	_ =	sdelay $0x1  }
0x73: {  	v2 =	vmul.f32 v2, v5;
	_ =	sdelay $0x1  }
0x74: {  	v2 =	vadd.f32 v2, v1;
	_ =	sdelay $0x1  }
0x75: {  	v2 =	vmax.f32 v2, $0.0e+00;
	v3 =	vld [tilespmem:s8+$0x7650]  }
0x76: {  	v2 =	vmul.f32 v2, v5;
	v4 =	vld [tilespmem:s8+$0x4E50];
	_ =	sdelay $0x1  }
0x77: {  	[tilespmem:s8+$0x4E40] =	vst v2;
	v5 =	vld [tilespmem:s8+$0x9E50]  }
0x78: {  	v2 =	vld.msk [tilespmem:s9+$0x1 ss:$0x0], $0xffff;
	_ =	sdelay $0x1  }
0x79: {  	v3 =	vadd.f32 v3, v4;
	_ =	sdelay $0x1  }
0x7a: {  	v3 =	vadd.f32 v5, v3;
	_ =	sdelay $0x1  }
.Ltmp0:
0x7b: {  	v3 =	vmul.f32 v3, v2;
	(pc) =	sbr.rel @p1 .LBB2_2-.Ltmp0, $4  }
0x7c: {  	_ = 	snop  }
0x7d: {  	v4 =	vadd.f32 v3, v1  }
0x7e: {  	s11 =	sshra.s32 s10, $0x2  }
0x7f: {  	s10 =	sadd.s32 $0x100, s10;
	v3 =	vld [tilespmem:s11+$0x7620];
	v4 =	vmax.f32 v4, $0.0e+00  }
0x80: {  	v5 =	vld [tilespmem:s11+$0x4E20]  }
0x81: {  	v2 =	vmul.f32 v4, v2  }
0x82: {  	v57 =	vld [tilespmem:s11+$0x9E20]  }
0x83: {  	s10 =	sadd.s32 $0x4, s9;
	[tilespmem:s8+$0x4E50] =	vst v2  }
0x84: {  	v2 =	vld.msk [tilespmem:s10+$0xFFFFFFFE ss:$0x0], $0xffff  }
0x85: {  	v3 =	vadd.f32 v3, v5;
	_ =	sdelay $0x1  }
0x86: {  	v3 =	vadd.f32 v57, v3;
	_ =	sdelay $0x1  }
0x87: {  	v3 =	vmul.f32 v3, v2;
	_ =	sdelay $0x1  }
0x88: {  	v3 =	vadd.f32 v3, v1;
	_ =	sdelay $0x1  }
0x89: {  	v58 =	vld [tilespmem:s11+$0x7630];
	v3 =	vmax.f32 v3, $0.0e+00  }
0x8a: {  	v2 =	vmul.f32 v3, v2;
	v3 =	vld [tilespmem:s11+$0x4E30];
	_ =	sdelay $0x1  }
0x8b: {  	[tilespmem:s11+$0x4E20] =	vst v2;
	v2 =	vld [tilespmem:s11+$0x9E30];
	_ =	sdelay $0x1  }
0x8c: {  	v59 =	vld.msk [tilespmem:s10+$0xFFFFFFFF ss:$0x0], $0xffff  }
0x8d: {  	v3 =	vadd.f32 v58, v3;
	_ =	sdelay $0x1  }
0x8e: {  	v2 =	vadd.f32 v2, v3;
	_ =	sdelay $0x1  }
0x8f: {  	v2 =	vmul.f32 v2, v59;
	_ =	sdelay $0x1  }
0x90: {  	v2 =	vadd.f32 v2, v1;
	_ =	sdelay $0x1  }
0x91: {  	v60 =	vld [tilespmem:s11+$0x4E40];
	v2 =	vmax.f32 v2, $0.0e+00  }
0x92: {  	v3 =	vld [tilespmem:s11+$0x7640];
	v2 =	vmul.f32 v2, v59;
	_ =	sdelay $0x1  }
0x93: {  	[tilespmem:s11+$0x4E30] =	vst v2;
	v2 =	vld [tilespmem:s11+$0x9E40];
	_ =	sdelay $0x1  }
0x94: {  	v61 =	vld.msk [tilespmem:s10+$0x0 ss:$0x0], $0xffff  }
0x95: {  	v3 =	vadd.f32 v3, v60;
	_ =	sdelay $0x1  }
0x96: {  	v2 =	vadd.f32 v2, v3;
	_ =	sdelay $0x1  }
0x97: {  	v2 =	vmul.f32 v2, v61;
	_ =	sdelay $0x1  }
0x98: {  	v2 =	vadd.f32 v2, v1;
	_ =	sdelay $0x1  }
0x99: {  	v62 =	vld [tilespmem:s11+$0x4E50];
	v2 =	vmax.f32 v2, $0.0e+00  }
0x9a: {  	v3 =	vld [tilespmem:s11+$0x7650];
	v2 =	vmul.f32 v2, v61;
	_ =	sdelay $0x1  }
0x9b: {  	[tilespmem:s11+$0x4E40] =	vst v2;
	v2 =	vld [tilespmem:s11+$0x9E50];
	_ =	sdelay $0x1  }
0x9c: {  	v63 =	vld.msk [tilespmem:s10+$0x1 ss:$0x0], $0xffff  }
0x9d: {  	v3 =	vadd.f32 v3, v62;
	_ =	sdelay $0x1  }
0x9e: {  	v2 =	vadd.f32 v2, v3;
	_ =	sdelay $0x1  }
0x9f: {  	v2 =	vmul.f32 v2, v63;
	_ =	sdelay $0x1  }
0xa0: {  	v1 =	vadd.f32 v2, v1  }
.Ltmp1:
0xa1: {  	_ = 	snop;
	(pc) =	sbr.rel @p0 .LBB2_7-.Ltmp1, $3  }
0xa2: {  	v1 =	vmax.f32 v1, $0.0e+00  }
0xa3: {  	v1 =	vmul.f32 v1, v63;
	_ =	sdelay $0x1  }
0xa4: {  	s8 =	simm.s32 $0x0;
	[tilespmem:s11+$0x4E50] =	vst v1  }
0xa5: {  	s9 =	simm.s32 $0x40;
	s10 =	simm.s32 $0x0  }
.LBB2_5:
0xa6: {  	p1 =	sne.s32 s9, $0x3BC0;
	[tilespmem:s10+$0x6720] =	vst v0;
	s10 =	smov.u32 s9;
	s9 =	sadd.s32 $0x40, s9  }
.Ltmp2:
0xa7: {  	(pc) =	sbr.rel @p1 .LBB2_5-.Ltmp2, $2  }
0xa8: {  	_ =	sdelay $0x2  }
0xa9: {  	s10 =	sshra.s32 s10, $0x2  }
0xaa: {  	[tilespmem:s10+$0x6720] =	vst v0  }
.LBB2_7:
0xab: {  	[spmem:s14] =	stream.linear.scatter [tilespmem:s20], [sflag:$0x9], $0x2800, $0x38;
	[tilespmem:$0x12CC0] =	vst v63  }
0xac: {  	_ =	swait.ge [sflag:s18], $0x2800  }
0xad: {  	[sflag:s18] =	ssyncset.done $0x0  }
0xae: {  	[sflag:s18] =	ssyncadd.s32 $0xFFFFD800  }
0xaf: {  	[hbm4b:s15+s8] =	stream.linear.scatter [tilespmem:s20], [sflag:$0x9], $0x2800, $0x38;
	[tilespmem:$0x12CC0] =	vst v63  }
0xb0: {  	_ =	swait.ge [sflag:s18], $0x2800  }
0xb1: {  	[sflag:s18] =	ssyncset.done $0x0  }
0xb2: {  	[sflag:s18] =	ssyncadd.s32 $0xFFFFD800  }
0xb3: {  	[bflag:$0x0] =	sbarrier.arrive $0xFFFF  }
0xb4: {  	[tilespmem:s26], [sflag:$0x1] =	stream.indirect.gather [spmem:s4], $0x10, s8, s25, $0xb8;
	[tilespmem:$0x12CC0] =	vst v63  }
0xb5: {  	_ = 	snop  }
0xb6: {  	[tilespmem:s28], [sflag:$0x2] =	stream.indirect.gather [spmem:s4], $0x10, s25, s25, $0xb8;
	[tilespmem:$0x12CC0] =	vst v63  }
0xb7: {  	s9 =	simm.s32 $0xA0  }
0xb8: {  	[tilespmem:s30], [sflag:$0x3] =	stream.indirect.gather [spmem:s4], $0x10, s9, s25, $0xb8;
	[tilespmem:$0x12CC0] =	vst v63  }
0xb9: {  	s10 =	simm.s32 $0xF0  }
0xba: {  	[tilespmem:s2], [sflag:$0x4] =	stream.indirect.gather [spmem:s4], $0x10, s10, s25, $0xb8;
	[tilespmem:$0x12CC0] =	vst v63  }
0xbb: {  	_ =	swait.ge [sflag:s1], $0x500  }
0xbc: {  	[sflag:s1] =	ssyncset.done $0x0  }
0xbd: {  	s11 =	simm.s32 $0x2710;
	[sflag:s1] =	ssyncadd.s32 $0xFFFFFB00  }
0xbe: {  	[spmem:s3] =	stream.indirect.scatter.add.f32 [tilespmem:s26], [sflag:$0x5], $0x10, s11, s25, $0xb8;
	[tilespmem:$0x12CC0] =	vst v63  }
0xbf: {  	_ =	swait.ge [sflag:s19], $0x500  }
0xc0: {  	[sflag:s19] =	ssyncset.done $0x0  }
0xc1: {  	s9 =	simm.s32 $0x2760;
	[sflag:s19] =	ssyncadd.s32 $0xFFFFFB00  }
0xc2: {  	[spmem:s3] =	stream.indirect.scatter.add.f32 [tilespmem:s28], [sflag:$0x6], $0x10, s9, s25, $0xb8;
	[tilespmem:$0x12CC0] =	vst v63  }
0xc3: {  	_ =	swait.ge [sflag:s21], $0x500  }
0xc4: {  	[sflag:s21] =	ssyncset.done $0x0  }
0xc5: {  	s10 =	simm.s32 $0x27B0;
	[sflag:s21] =	ssyncadd.s32 $0xFFFFFB00  }
0xc6: {  	[spmem:s3] =	stream.indirect.scatter.add.f32 [tilespmem:s30], [sflag:$0x7], $0x10, s10, s25, $0xb8;
	[tilespmem:$0x12CC0] =	vst v63  }
0xc7: {  	_ =	swait.ge [sflag:s22], $0x500  }
0xc8: {  	[sflag:s22] =	ssyncset.done $0x0  }
0xc9: {  	s11 =	simm.s32 $0x2800;
	[sflag:s22] =	ssyncadd.s32 $0xFFFFFB00  }
0xca: {  	[spmem:s3] =	stream.indirect.scatter.add.f32 [tilespmem:s2], [sflag:$0x8], $0x10, s11, s25, $0xb8;
	[tilespmem:$0x12CC0] =	vst v63  }
0xcb: {  	_ =	swait.ge [sflag:s23], $0x500  }
0xcc: {  	[sflag:s23] =	ssyncset.done $0x0  }
0xcd: {  	s9 =	simm.s32 $0x140;
	[sflag:s23] =	ssyncadd.s32 $0xFFFFFB00  }
0xce: {  	[tilespmem:s26], [sflag:$0x1] =	stream.indirect.gather [spmem:s4], $0x10, s9, s25, $0xb8;
	[tilespmem:$0x12CC0] =	vst v63  }
0xcf: {  	_ =	swait.ge [sflag:s24], $0x500  }
0xd0: {  	[sflag:s24] =	ssyncset.done $0x0  }
0xd1: {  	s10 =	simm.s32 $0x190;
	[sflag:s24] =	ssyncadd.s32 $0xFFFFFB00  }
0xd2: {  	[tilespmem:s28], [sflag:$0x2] =	stream.indirect.gather [spmem:s4], $0x10, s10, s25, $0xb8;
	[tilespmem:$0x12CC0] =	vst v63  }
0xd3: {  	_ =	swait.ge [sflag:s29], $0x500  }
0xd4: {  	[sflag:s29] =	ssyncset.done $0x0  }
0xd5: {  	s11 =	simm.s32 $0x1E0;
	[sflag:s29] =	ssyncadd.s32 $0xFFFFFB00  }
0xd6: {  	[tilespmem:s30], [sflag:$0x3] =	stream.indirect.gather [spmem:s4], $0x10, s11, s25, $0xb8;
	[tilespmem:$0x12CC0] =	vst v63  }
0xd7: {  	_ =	swait.ge [sflag:s31], $0x500  }
0xd8: {  	[sflag:s31] =	ssyncset.done $0x0  }
0xd9: {  	s8 =	simm.s32 $0x500;
	s9 =	simm.s32 $0x230;
	[sflag:s31] =	ssyncadd.s32 $0xFFFFFB00  }
.LBB2_8:
0xda: {  	[tilespmem:s2], [sflag:$0x4] =	stream.indirect.gather [spmem:s4], $0x10, s9, s25, $0xb8;
	[tilespmem:$0x12CC0] =	vst v63  }
0xdb: {  	s9 =	smov.u32 s8  }
0xdc: {  	p1 =	sne.s32 s8, $0x9100;
	s8 =	sadd.s32 $0x500, s8;
	_ =	swait.ge [sflag:s1], $0x500  }
0xdd: {  	s9 =	sshra.s32 s9, $0x2;
	[sflag:s1] =	ssyncset.done $0x0  }
0xde: {  	s10 =	sadd.s32 $0x2710, s9;
	[sflag:s1] =	ssyncadd.s32 $0xFFFFFB00  }
0xdf: {  	[spmem:s3] =	stream.indirect.scatter.add.f32 [tilespmem:s26], [sflag:$0x5], $0x10, s10, s25, $0xb8;
	[tilespmem:$0x12CC0] =	vst v63  }
0xe0: {  	_ =	swait.ge [sflag:s19], $0x500  }
0xe1: {  	[sflag:s19] =	ssyncset.done $0x0  }
0xe2: {  	s10 =	sadd.s32 $0x2760, s9;
	[sflag:s19] =	ssyncadd.s32 $0xFFFFFB00  }
0xe3: {  	[spmem:s3] =	stream.indirect.scatter.add.f32 [tilespmem:s28], [sflag:$0x6], $0x10, s10, s25, $0xb8;
	[tilespmem:$0x12CC0] =	vst v63  }
0xe4: {  	_ =	swait.ge [sflag:s21], $0x500  }
0xe5: {  	[sflag:s21] =	ssyncset.done $0x0  }
0xe6: {  	s10 =	sadd.s32 $0x27B0, s9;
	[sflag:s21] =	ssyncadd.s32 $0xFFFFFB00  }
0xe7: {  	[spmem:s3] =	stream.indirect.scatter.add.f32 [tilespmem:s30], [sflag:$0x7], $0x10, s10, s25, $0xb8;
	[tilespmem:$0x12CC0] =	vst v63  }
0xe8: {  	_ =	swait.ge [sflag:s22], $0x500  }
0xe9: {  	[sflag:s22] =	ssyncset.done $0x0  }
0xea: {  	s10 =	sadd.s32 $0x2800, s9;
	[sflag:s22] =	ssyncadd.s32 $0xFFFFFB00  }
0xeb: {  	[spmem:s3] =	stream.indirect.scatter.add.f32 [tilespmem:s2], [sflag:$0x8], $0x10, s10, s25, $0xb8;
	[tilespmem:$0x12CC0] =	vst v63  }
0xec: {  	_ =	swait.ge [sflag:s23], $0x500  }
0xed: {  	[sflag:s23] =	ssyncset.done $0x0  }
0xee: {  	s10 =	sadd.s32 $0x140, s9;
	[sflag:s23] =	ssyncadd.s32 $0xFFFFFB00  }
0xef: {  	[tilespmem:s26], [sflag:$0x1] =	stream.indirect.gather [spmem:s4], $0x10, s10, s25, $0xb8;
	[tilespmem:$0x12CC0] =	vst v63  }
0xf0: {  	_ =	swait.ge [sflag:s24], $0x500  }
0xf1: {  	[sflag:s24] =	ssyncset.done $0x0  }
0xf2: {  	s10 =	sadd.s32 $0x190, s9;
	[sflag:s24] =	ssyncadd.s32 $0xFFFFFB00  }
0xf3: {  	[tilespmem:s28], [sflag:$0x2] =	stream.indirect.gather [spmem:s4], $0x10, s10, s25, $0xb8;
	[tilespmem:$0x12CC0] =	vst v63  }
0xf4: {  	_ =	swait.ge [sflag:s29], $0x500  }
0xf5: {  	[sflag:s29] =	ssyncset.done $0x0  }
.Ltmp3:
0xf6: {  	s10 =	sadd.s32 $0x1E0, s9;
	[sflag:s29] =	ssyncadd.s32 $0xFFFFFB00;
	(pc) =	sbr.rel @p1 .LBB2_8-.Ltmp3, $4  }
0xf7: {  	[tilespmem:s30], [sflag:$0x3] =	stream.indirect.gather [spmem:s4], $0x10, s10, s25, $0xb8;
	[tilespmem:$0x12CC0] =	vst v63  }
0xf8: {  	_ =	swait.ge [sflag:s31], $0x500  }
0xf9: {  	[sflag:s31] =	ssyncset.done $0x0  }
0xfa: {  	s9 =	sadd.s32 $0x230, s9;
	[sflag:s31] =	ssyncadd.s32 $0xFFFFFB00  }
0xfb: {  	[tilespmem:s2], [sflag:$0x4] =	stream.indirect.gather [spmem:s4], $0x10, s9, s25, $0xb8;
	[tilespmem:$0x12CC0] =	vst v63  }
0xfc: {  	_ =	swait.ge [sflag:s1], $0x500  }
0xfd: {  	[sflag:s1] =	ssyncset.done $0x0  }
0xfe: {  	s8 =	simm.s32 $0x4C90;
	[sflag:s1] =	ssyncadd.s32 $0xFFFFFB00  }
0xff: {  	[spmem:s3] =	stream.indirect.scatter.add.f32 [tilespmem:s26], [sflag:$0x5], $0x10, s8, s25, $0xb8;
	[tilespmem:$0x12CC0] =	vst v63  }
0x100: {  	_ =	swait.ge [sflag:s19], $0x500  }
0x101: {  	[sflag:s19] =	ssyncset.done $0x0  }
0x102: {  	s10 =	simm.s32 $0x4CE0;
	[sflag:s19] =	ssyncadd.s32 $0xFFFFFB00  }
0x103: {  	[spmem:s3] =	stream.indirect.scatter.add.f32 [tilespmem:s28], [sflag:$0x6], $0x10, s10, s25, $0xb8;
	[tilespmem:$0x12CC0] =	vst v63  }
0x104: {  	_ =	swait.ge [sflag:s21], $0x500  }
0x105: {  	[sflag:s21] =	ssyncset.done $0x0  }
0x106: {  	s11 =	simm.s32 $0x4D30;
	[sflag:s21] =	ssyncadd.s32 $0xFFFFFB00  }
0x107: {  	[spmem:s3] =	stream.indirect.scatter.add.f32 [tilespmem:s30], [sflag:$0x7], $0x10, s11, s25, $0xb8;
	[tilespmem:$0x12CC0] =	vst v63  }
0x108: {  	_ =	swait.ge [sflag:s22], $0x500  }
0x109: {  	[sflag:s22] =	ssyncset.done $0x0  }
0x10a: {  	s9 =	simm.s32 $0x4D80;
	[sflag:s22] =	ssyncadd.s32 $0xFFFFFB00  }
0x10b: {  	[spmem:s3] =	stream.indirect.scatter.add.f32 [tilespmem:s2], [sflag:$0x8], $0x10, s9, s25, $0xb8;
	[tilespmem:$0x12CC0] =	vst v63  }
0x10c: {  	_ =	swait.ge [sflag:s23], $0x500  }
0x10d: {  	[sflag:s23] =	ssyncset.done $0x0  }
0x10e: {  	s10 =	simm.s32 $0x26C0;
	[sflag:s23] =	ssyncadd.s32 $0xFFFFFB00  }
0x10f: {  	[tilespmem:s26], [sflag:$0x1] =	stream.indirect.gather [spmem:s4], $0x10, s10, s25, $0xb8;
	[tilespmem:$0x12CC0] =	vst v63  }
0x110: {  	_ =	swait.ge [sflag:s1], $0x500  }
0x111: {  	[sflag:s1] =	ssyncset.done $0x0  }
0x112: {  	s11 =	simm.s32 $0x4DD0;
	[sflag:s1] =	ssyncadd.s32 $0xFFFFFB00  }
0x113: {  	[spmem:s3] =	stream.indirect.scatter.add.f32 [tilespmem:s26], [sflag:$0x9], $0x10, s11, s25, $0xb8;
	[tilespmem:$0x12CC0] =	vst v63  }
0x114: {  	_ =	swait.ge [sflag:s18], $0x500  }
0x115: {  	[sflag:s18] =	ssyncset.done $0x0  }
0x116: {  	[sflag:s18] =	ssyncadd.s32 $0xFFFFFB00  }
0x117: {  	_ =	swait.ge [sflag:s24], $0x500  }
0x118: {  	[sflag:s24] =	ssyncset.done $0x0  }
0x119: {  	[sflag:s24] =	ssyncadd.s32 $0xFFFFFB00  }
0x11a: {  	_ =	swait.ge [sflag:s29], $0x500  }
0x11b: {  	[sflag:s29] =	ssyncset.done $0x0  }
0x11c: {  	[sflag:s29] =	ssyncadd.s32 $0xFFFFFB00  }
0x11d: {  	_ =	swait.ge [sflag:s31], $0x500  }
0x11e: {  	s0 =	sadd.s32 $0x1, s0;
	[sflag:s31] =	ssyncset.done $0x0  }
0x11f: {  	p1 =	sne.s32 s0, s17;
	[sflag:s31] =	ssyncadd.s32 $0xFFFFFB00  }
.Ltmp4:
0x120: {  	[bflag:$0x0] =	sbarrier.arrive $0xFFFF;
	(pc) =	sbr.rel @p1 .LBB2_1-.Ltmp4, $4  }
0x121: {  	[hbm:s16], [sflag:s6] =	dma.local [spmem:s7], $0x500  }
0x122: {  	_ =	swait.ge [sflag:s18], $0x500  }
0x123: {  	[sflag:s18] =	ssyncset.done $0x0  }
0x124: {  	[sflag:s18] =	ssyncadd.s32 $0xFFFFFB00  }
0x125: {  	_ =	sfence.sel $0x180000  }
0x126: {  	[bflag:$0x0] =	sbarrier.arrive $0xFFFF  }
0x127: {  	_ =	strace $0x9000004A  }
0x128: {  	s0 =	stileid.u32;
	[bflag:$0x2] =	sbarrier.arrive $0xFFFF  }
0x129: {  	p0 =	sne.s32 s0, $0x0;
	s0 =	rddreg [dreg:$0x4]  }
0x12a: {  	s0 =	sadd.s32 @!p0 $0x100000, s0  }
0x12b: {  	[sflag:s0] =	ssyncadd.tile.s32 @!p0 $0x1;
	_ =	shalt  }
.Lfunc_end2:
_tile_overlayer_lowered:
.L_overlay_start_2:
0x12c: {  	(tag) =	ssettag $0x2  }
0x12d: {  	s0 =	rddreg [dreg:$0x0];
	s2 =	stileid.u32  }
0x12e: {  	s1 =	rddreg [dreg:$0x1];
	p0 =	sne.s32 s2, $0x0  }
0x12f: {  	s3 =	rddreg [dreg:$0x2];
	[bflag:$0x3] =	sbarrier.arrive $0xFFFF;
	s2 =	simm.s32 @!p0 $0x1C09  }
0x130: {  	[timem:s3], [sflag:s2] =	dma.local @!p0 [hbm:s0], s1  }
0x131: {  	s0 =	simm.s32 @!p0 $0x9  }
0x132: {  	_ =	swait.ge @!p0 [sflag:s0], s1  }
0x133: {  	s1 =	ssub.s32 @!p0 $0x0, s1;
	[sflag:s0] =	ssyncset.done @!p0 $0x0  }
0x134: {  	[sflag:s0] =	ssyncadd.s32 @!p0 s1  }
0x135: {  	[bflag:$0x3] =	sbarrier.arrive $0xFFFF  }
0x136: {  	_ =	shalt  }

</sc_bundles>
